<compile_context>
chip_gen: v7x
topology: tpu7x:2x2x1
jax: 0.10.2.dev20260603
libtpu: 0.0.44.dev20260713+nightly
codegen_flags: <defaults>
</compile_context>

<pallas_src>
import jax
import jax.numpy as jnp
import numpy as np
from jax import lax
from jax.experimental import pallas as pl
from jax.experimental.pallas import tpu as pltpu
from jax.experimental.pallas import tpu_sc as plsc

_INTERPRET = False

FEATURE_STRIDE = 16
PRE_NMS_TOP_N = 6000
POST_NMS_TOP_N = 300
NMS_THRESH = 0.7
MIN_SIZE = 16.0
BBOX_XFORM_CLIP = float(np.log(1000.0 / 16.0))
H = W = 64
A = 9
N = H * W * A
ROWS = N // 128
OUT_ROWS = 304

NSUB = 16
RPS = ROWS // NSUB
CAP = 6144
CROWS = CAP // 128
DUMP = 6016


def _anchor_tables():
    base_size = float(FEATURE_STRIDE)
    x_ctr = (base_size - 1.0) * 0.5
    y_ctr = (base_size - 1.0) * 0.5
    size = base_size * base_size
    scales = np.array([8.0, 16.0, 32.0])
    ratios = np.array([0.5, 1.0, 2.0])
    size_ratios = size / ratios
    ws = np.round(np.sqrt(size_ratios))
    hs = np.round(ws * ratios)
    anchors = []
    for wr, hr in zip(ws, hs):
        for s in scales:
            aw = wr * s
            ah = hr * s
            anchors.append([x_ctr - 0.5 * (aw - 1.0), y_ctr - 0.5 * (ah - 1.0),
                            x_ctr + 0.5 * (aw - 1.0), y_ctr + 0.5 * (ah - 1.0)])
    base = np.asarray(anchors, dtype=np.float64)
    sx = np.arange(W, dtype=np.float64) * FEATURE_STRIDE
    sy = np.arange(H, dtype=np.float64) * FEATURE_STRIDE
    ys, xs = np.meshgrid(sy, sx, indexing="ij")
    shifts = np.stack([xs.ravel(), ys.ravel(), xs.ravel(), ys.ravel()], axis=1)
    anc = (base[None, :, :] + shifts[:, None, :]).reshape(-1, 4)
    wa = anc[:, 2] - anc[:, 0] + 1.0
    ha = anc[:, 3] - anc[:, 1] + 1.0
    cxa = anc[:, 0] + 0.5 * wa
    cya = anc[:, 1] + 0.5 * ha
    shape = (ROWS, 128)
    return (wa.astype(np.float32).reshape(shape), ha.astype(np.float32).reshape(shape),
            cxa.astype(np.float32).reshape(shape), cya.astype(np.float32).reshape(shape))


_WA, _HA, _CXA, _CYA = _anchor_tables()


def _decode_body(img_ref, s_ref, dx_ref, dy_ref, dw_ref, dh_ref,
                 wa_ref, ha_ref, cxa_ref, cya_ref,
                 ocs_ref, ox1_ref, oy1_ref, ox2_ref, oy2_ref, opos_ref, ometa_ref):
    im_h = img_ref[0, 0, 0]
    im_w = img_ref[0, 0, 1]
    wa = wa_ref[...]
    ha = ha_ref[...]
    dw = jnp.clip(dw_ref[...], -BBOX_XFORM_CLIP, BBOX_XFORM_CLIP)
    dh = jnp.clip(dh_ref[...], -BBOX_XFORM_CLIP, BBOX_XFORM_CLIP)
    pw = jnp.exp(dw) * wa
    ph = jnp.exp(dh) * ha
    pcx = dx_ref[...] * wa + cxa_ref[...]
    pcy = dy_ref[...] * ha + cya_ref[...]
    x1 = jnp.clip(pcx - 0.5 * pw, 0.0, im_w - 1.0)
    y1 = jnp.clip(pcy - 0.5 * ph, 0.0, im_h - 1.0)
    x2 = jnp.clip(pcx + 0.5 * pw, 0.0, im_w - 1.0)
    y2 = jnp.clip(pcy + 0.5 * ph, 0.0, im_h - 1.0)
    ws = x2 - x1 + 1.0
    hs = y2 - y1 + 1.0
    s = jnp.where((ws >= MIN_SIZE) & (hs >= MIN_SIZE), s_ref[...], -1e10)

    y = lax.bitcast_convert_type(s, jnp.int32)
    key = y ^ ((y >> 31) & jnp.int32(0x7FFFFFFF))

    def tstep(i, p):
        cand = p + (jnp.int32(1) << (jnp.int32(31) - i))
        cnt = jnp.sum((key >= cand).astype(jnp.int32))
        return jnp.where(cnt >= PRE_NMS_TOP_N, cand, p)

    tau = lax.fori_loop(0, 32, tstep, jnp.int32(-(2 ** 31)))

    gt = key > tau
    eq = key == tau
    need = (PRE_NMS_TOP_N - jnp.sum(gt.astype(jnp.int32))).astype(jnp.float32)
    mlane = (lax.broadcasted_iota(jnp.int32, (128, 128), 0)
             < lax.broadcasted_iota(jnp.int32, (128, 128), 1)).astype(jnp.float32)
    lrow = (lax.broadcasted_iota(jnp.int32, (ROWS, ROWS), 1)
            < lax.broadcasted_iota(jnp.int32, (ROWS, ROWS), 0)).astype(jnp.float32)

    def prefix(maskf):
        in_row = jnp.dot(maskf, mlane, preferred_element_type=jnp.float32)
        rowtot = jnp.broadcast_to(jnp.sum(maskf, axis=1, keepdims=True), (ROWS, 128))
        rows_before = jnp.dot(lrow, rowtot, preferred_element_type=jnp.float32)
        return rows_before + in_row

    sel = gt | (eq & (prefix(eq.astype(jnp.float32)) < need))
    sel2 = sel & (s > -1e9)
    sel2f = sel2.astype(jnp.float32)
    rank2 = prefix(sel2f)
    total2 = jnp.sum(sel2f)

    lanei = lax.broadcasted_iota(jnp.int32, (ROWS, 128), 1)
    dump = DUMP + (lanei & 63).astype(jnp.float32)
    opos_ref[...] = jnp.where(sel2, rank2, dump).astype(jnp.int32)
    ometa_ref[...] = jnp.broadcast_to(total2, (8, 128))
    ocs_ref[...] = s
    ox1_ref[...] = x1
    oy1_ref[...] = y1
    ox2_ref[...] = x2
    oy2_ref[...] = y2


def _compact_body(cs_hbm, x1_hbm, y1_hbm, x2_hbm, y2_hbm, pos_hbm,
                  ocs, ox1, oy1, ox2, oy2,
                  csv, x1v, y1v, x2v, y2v, posv,
                  sh0, sh1, sh2, sh3, sh4, sem):
    c = lax.axis_index("c")
    s = lax.axis_index("s")
    pltpu.sync_copy(cs_hbm.at[c, s], csv)
    pltpu.sync_copy(x1_hbm.at[c, s], x1v)
    pltpu.sync_copy(y1_hbm.at[c, s], y1v)
    pltpu.sync_copy(x2_hbm.at[c, s], x2v)
    pltpu.sync_copy(y2_hbm.at[c, s], y2v)
    pltpu.sync_copy(pos_hbm.at[c, s], posv)
    vals = [csv, x1v, y1v, x2v, y2v]
    shs = [sh0, sh1, sh2, sh3, sh4]
    copies = []
    for r in range(RPS):
        idx = posv.at[r]
        for v, sh in zip(vals, shs):
            copies.append(pltpu.async_copy(v.at[r], sh.at[idx], sem))
    for cp in copies:
        cp.wait()
    plsc.subcore_barrier()

    @pl.when(s == 0)
    def _():
        for sh, o in zip(shs, [ocs, ox1, oy1, ox2, oy2]):
            pltpu.sync_copy(sh, o.at[pl.ds(c * CAP, CAP)])


CROWS_N = 24


def _nms_body(meta_ref, cs_ref, x1_ref, y1_ref, x2_ref, y2_ref, out_ref,
              areas, css):
    t0 = meta_ref[0, 0].astype(jnp.int32)
    t1 = meta_ref[8, 0].astype(jnp.int32)
    rowi = lax.broadcasted_iota(jnp.int32, (CROWS_N, 128), 0)
    lanei = lax.broadcasted_iota(jnp.int32, (CROWS_N, 128), 1)
    flat = rowi * 128 + lanei
    css[0:CROWS_N, :] = jnp.where(flat < t0, cs_ref[0:CROWS_N, :], -jnp.inf)
    css[CROWS_N:2 * CROWS_N, :] = jnp.where(flat < t1, cs_ref[CROWS_N:2 * CROWS_N, :], -jnp.inf)
    x1 = x1_ref[...]
    y1 = y1_ref[...]
    x2 = x2_ref[...]
    y2 = y2_ref[...]
    areas[...] = (x2 - x1 + 1.0) * (y2 - y1 + 1.0)

    ri8 = lax.broadcasted_iota(jnp.int32, (2 * OUT_ROWS, 8), 0)
    li8 = lax.broadcasted_iota(jnp.int32, (2 * OUT_ROWS, 8), 1)
    out_ref[...] = jnp.where(li8 == 0, jnp.where(ri8 >= OUT_ROWS, 1.0, 0.0), 0.0)
    lrow1 = lax.broadcasted_iota(jnp.int32, (1, 128), 1)
    li1 = lax.broadcasted_iota(jnp.int32, (1, 8), 1)
    big = jnp.int32(2 ** 30)

    def half(base, cs, alive_f, bf):
        m = jnp.max(cs)
        alive = m > -1e9
        j = jnp.min(jnp.where(cs == m, flat, big))
        sl = pl.ds(base, CROWS_N)
        x1a = x1_ref[sl, :]
        y1a = y1_ref[sl, :]
        x2a = x2_ref[sl, :]
        y2a = y2_ref[sl, :]
        picked = flat == j
        x1j = m + 1.0
        y1j = m + 2.0
        x2j = m + 500.0
        y2j = m + 400.0
        aj = (x2j - x1j + 1.0) * (y2j - y1j + 1.0)
        xx1 = jnp.maximum(x1j, x1a)
        yy1 = jnp.maximum(y1j, y1a)
        xx2 = jnp.minimum(x2j, x2a)
        yy2 = jnp.minimum(y2j, y2a)
        inter = jnp.maximum(xx2 - xx1 + 1.0, 0.0) * jnp.maximum(yy2 - yy1 + 1.0, 0.0)
        iou = inter / (aj + areas[sl, :] - inter)
        newcs = jnp.where((iou > NMS_THRESH) | picked, -jnp.inf, cs)
        del alive_f
        coords = (jnp.where(li1 == 1, x1j, 0.0) + jnp.where(li1 == 2, y1j, 0.0)
                  + jnp.where(li1 == 3, x2j, 0.0) + jnp.where(li1 == 4, y2j, 0.0))
        row8 = jnp.where(li1 == 0, bf, jnp.where(alive, coords, 0.0))
        return alive, newcs, row8

    def cond(carry):
        step, alive0, alive1, cs0, cs1, acc = carry
        return (step < POST_NMS_TOP_N) & (alive0 | alive1)

    def body(carry):
        step, a0, a1, cs0, cs1, acc = carry
        alive0, new0, row0 = half(0, cs0, jnp.where(a0, 1.0, 0.0), 0.0)
        alive1, new1, row1 = half(CROWS_N, cs1, jnp.where(a1, 1.0, 0.0), 1.0)
        return step + 1, alive0, alive1, new0, new1, acc + row0 + row1

    fin = lax.while_loop(cond, body, (jnp.int32(0), jnp.bool_(True), jnp.bool_(True),
                                      css[0:CROWS_N, :], css[CROWS_N:2 * CROWS_N, :],
                                      jnp.zeros((1, 8), jnp.float32)))
    out_ref[pl.ds(0, 1), :] = fin[5]


def _run(rpn_cls_scores, rpn_bbox_adjusts, img_shapes):
    B = rpn_cls_scores.shape[0]
    s = jnp.transpose(rpn_cls_scores[:, A:, :, :], (0, 2, 3, 1)).reshape(B * ROWS, 128)
    dxp = jnp.transpose(rpn_bbox_adjusts[:, 0::4], (0, 2, 3, 1)).reshape(B * ROWS, 128)
    dyp = jnp.transpose(rpn_bbox_adjusts[:, 1::4], (0, 2, 3, 1)).reshape(B * ROWS, 128)
    dwp = jnp.transpose(rpn_bbox_adjusts[:, 2::4], (0, 2, 3, 1)).reshape(B * ROWS, 128)
    dhp = jnp.transpose(rpn_bbox_adjusts[:, 3::4], (0, 2, 3, 1)).reshape(B * ROWS, 128)
    img = img_shapes.astype(jnp.float32).reshape(B, 1, 2)
    plane = lambda b: (b, 0)
    fixed = lambda b: (0, 0)
    pspec = pl.BlockSpec((ROWS, 128), plane)
    fspec = pl.BlockSpec((ROWS, 128), fixed)
    planes = pl.pallas_call(
        _decode_body,
        grid=(B,),
        in_specs=[pl.BlockSpec((1, 1, 2), lambda b: (b, 0, 0), memory_space=pltpu.SMEM),
                  pspec, pspec, pspec, pspec, pspec, fspec, fspec, fspec, fspec],
        out_specs=[pspec] * 6 + [pl.BlockSpec((8, 128), plane)],
        out_shape=[jax.ShapeDtypeStruct((B * ROWS, 128), jnp.float32)] * 5
        + [jax.ShapeDtypeStruct((B * ROWS, 128), jnp.int32),
           jax.ShapeDtypeStruct((B * 8, 128), jnp.float32)],
        interpret=_INTERPRET,
    )(img, s, dxp, dyp, dwp, dhp,
      jnp.asarray(_WA), jnp.asarray(_HA), jnp.asarray(_CXA), jnp.asarray(_CYA))
    blocked = [p.reshape(B, NSUB, RPS, 128) for p in planes[:6]]

    mesh = plsc.VectorSubcoreMesh(core_axis_name="c", subcore_axis_name="s",
                                  num_cores=2, num_subcores=NSUB)
    compacted = pl.kernel(
        _compact_body,
        out_type=[jax.ShapeDtypeStruct((B * CAP,), jnp.float32)] * 5,
        mesh=mesh,
        scratch_types=[pltpu.VMEM((RPS, 128), jnp.float32)] * 5
        + [pltpu.VMEM((RPS, 128), jnp.int32)]
        + [pltpu.VMEM_SHARED((CAP,), jnp.float32)] * 5
        + [pltpu.SemaphoreType.DMA],
    )(*blocked)
    cplanes = [p.reshape(B, CROWS, 128)[:, :24].reshape(B * 24, 128) for p in compacted]

    cspec = pl.BlockSpec((B * 24, 128), fixed)
    out = pl.pallas_call(
        _nms_body,
        grid=(1,),
        in_specs=[pl.BlockSpec((B * 8, 128), fixed),
                  cspec, cspec, cspec, cspec, cspec],
        out_specs=pl.BlockSpec((B * OUT_ROWS, 8), fixed),
        out_shape=jax.ShapeDtypeStruct((B * OUT_ROWS, 8), jnp.float32),
        scratch_shapes=[pltpu.VMEM((B * 24, 128), jnp.float32)] * 2,
        interpret=_INTERPRET,
    )(planes[6], *cplanes)
    return out.reshape(B, OUT_ROWS, 8)[:, :POST_NMS_TOP_N, :5]


def kernel(rpn_cls_scores, rpn_bbox_adjusts, img_shapes, train):
    del train
    return _run(rpn_cls_scores, rpn_bbox_adjusts, img_shapes)

# --- scband reference (transcript-rebuilt; emitter-appended) ---
"""Pipeline reference for scband-proposal-layer-55611236548941 (READ-ONLY COPY).

The authoritative reference and input builder live on the scoring server;
editing this copy changes nothing except your own understanding.
"""

import jax, jax.numpy as jnp
import numpy as np
from jax import lax

FEATURE_STRIDE = 16
SCALES = np.array([8.0, 16.0, 32.0])
RATIOS = np.array([0.5, 1.0, 2.0])
PRE_NMS_TOP_N = 6000
POST_NMS_TOP_N = 300
NMS_THRESH = 0.7
MIN_SIZE = 16.0
BBOX_XFORM_CLIP = float(np.log(1000.0 / 16.0))

def _generate_base_anchors():
    base_size = float(FEATURE_STRIDE)
    x_ctr = (base_size - 1.0) * 0.5
    y_ctr = (base_size - 1.0) * 0.5
    size = base_size * base_size
    size_ratios = size / RATIOS
    ws = np.round(np.sqrt(size_ratios))
    hs = np.round(ws * RATIOS)
    anchors = []
    for wr, hr in zip(ws, hs):
        for s in SCALES:
            aw = wr * s
            ah = hr * s
            anchors.append([x_ctr - 0.5 * (aw - 1.0), y_ctr - 0.5 * (ah - 1.0), x_ctr + 0.5 * (aw - 1.0), y_ctr + 0.5 * (ah - 1.0)])
    return np.asarray(anchors, dtype=np.float32)

BASE_ANCHORS = _generate_base_anchors()
NUM_ANCHORS = BASE_ANCHORS.shape[0]

def _all_anchors(H, W):
    shift_x = jnp.arange(W, dtype=jnp.float32) * FEATURE_STRIDE
    shift_y = jnp.arange(H, dtype=jnp.float32) * FEATURE_STRIDE
    ys, xs = jnp.meshgrid(shift_y, shift_x, indexing='ij')
    shifts = jnp.stack([xs.ravel(), ys.ravel(), xs.ravel(), ys.ravel()], axis=1)
    anchors = jnp.asarray(BASE_ANCHORS)[None, :, :] + shifts[:, None, :]
    return anchors.reshape(-1, 4)

def _bbox_transform_inv(anchors, deltas):
    widths = anchors[:, 2] - anchors[:, 0] + 1.0
    heights = anchors[:, 3] - anchors[:, 1] + 1.0
    ctr_x = anchors[:, 0] + 0.5 * widths
    ctr_y = anchors[:, 1] + 0.5 * heights
    dx = deltas[..., 0]
    dy = deltas[..., 1]
    dw = jnp.clip(deltas[..., 2], -BBOX_XFORM_CLIP, BBOX_XFORM_CLIP)
    dh = jnp.clip(deltas[..., 3], -BBOX_XFORM_CLIP, BBOX_XFORM_CLIP)
    pred_ctr_x = dx * widths + ctr_x
    pred_ctr_y = dy * heights + ctr_y
    pred_w = jnp.exp(dw) * widths
    pred_h = jnp.exp(dh) * heights
    return jnp.stack([pred_ctr_x - 0.5 * pred_w, pred_ctr_y - 0.5 * pred_h, pred_ctr_x + 0.5 * pred_w, pred_ctr_y + 0.5 * pred_h], axis=-1)

def _nms_single(boxes, scores):
    n = boxes.shape[0]
    x1 = boxes[:, 0]; y1 = boxes[:, 1]; x2 = boxes[:, 2]; y2 = boxes[:, 3]
    areas = (x2 - x1 + 1.0) * (y2 - y1 + 1.0)
    idxs = jnp.arange(n)
    def step(suppressed, _):
        masked = jnp.where(suppressed, -jnp.inf, scores)
        j = jnp.argmax(masked)
        valid = masked[j] > -1e9
        xx1 = jnp.maximum(x1[j], x1)
        yy1 = jnp.maximum(y1[j], y1)
        xx2 = jnp.minimum(x2[j], x2)
        yy2 = jnp.minimum(y2[j], y2)
        inter = jnp.maximum(xx2 - xx1 + 1.0, 0.0) * jnp.maximum(yy2 - yy1 + 1.0, 0.0)
        iou = inter / (areas[j] + areas - inter)
        new_sup = suppressed | (iou > NMS_THRESH) | (idxs == j)
        return new_sup, (j.astype(jnp.int32), valid)
    suppressed0 = scores < -1e9
    _, (keep, keep_mask) = lax.scan(step, suppressed0, jnp.arange(POST_NMS_TOP_N))
    out = boxes[keep] * keep_mask.astype(boxes.dtype)[:, None]
    return out, keep_mask

def _forward(rpn_cls_scores, rpn_bbox_adjusts, img_shapes, train):
    B = rpn_cls_scores.shape[0]
    H = rpn_cls_scores.shape[2]
    W = rpn_cls_scores.shape[3]
    A = NUM_ANCHORS
    fg = rpn_cls_scores[:, A:, :, :]
    scores = jnp.transpose(fg, (0, 2, 3, 1)).reshape(B, -1)
    deltas = jnp.transpose(rpn_bbox_adjusts, (0, 2, 3, 1)).reshape(B, -1, 4)
    anchors = _all_anchors(H, W)
    boxes = _bbox_transform_inv(anchors, deltas)
    im_h = img_shapes[:, 0][:, None]
    im_w = img_shapes[:, 1][:, None]
    x1 = jnp.clip(boxes[..., 0], 0.0, im_w - 1.0)
    y1 = jnp.clip(boxes[..., 1], 0.0, im_h - 1.0)
    x2 = jnp.clip(boxes[..., 2], 0.0, im_w - 1.0)
    y2 = jnp.clip(boxes[..., 3], 0.0, im_h - 1.0)
    boxes = jnp.stack([x1, y1, x2, y2], axis=-1)
    ws = x2 - x1 + 1.0
    hs = y2 - y1 + 1.0
    keep = (ws >= MIN_SIZE) & (hs >= MIN_SIZE)
    scores = jnp.where(keep, scores, -1e10)
    pre = min(PRE_NMS_TOP_N, scores.shape[1])
    top_scores, top_idx = lax.top_k(scores, pre)
    top_boxes = jnp.take_along_axis(boxes, top_idx[:, :, None], axis=1)
    nms_boxes, keep_mask = jax.vmap(_nms_single)(top_boxes, top_scores)
    batch_inds = jnp.broadcast_to(jnp.arange(B, dtype=boxes.dtype)[:, None, None], (B, POST_NMS_TOP_N, 1))
    rois = jnp.concatenate([batch_inds, nms_boxes], axis=-1)
    return rois

def setup_inputs(seed: int = 0):
    key = jax.random.key(seed)
    k1, k2 = jax.random.split(key)
    B, H, W = 2, 64, 64
    rpn_cls_scores = jax.random.normal(k1, (B, 2 * NUM_ANCHORS, H, W), dtype=jnp.float32)
    rpn_bbox_adjusts = jax.random.normal(k2, (B, 4 * NUM_ANCHORS, H, W), dtype=jnp.float32)
    img_shapes = jnp.ones((B, 2), dtype=jnp.float32) * 1024.0
    return {"rpn_cls_scores": rpn_cls_scores, "rpn_bbox_adjusts": rpn_bbox_adjusts, "img_shapes": img_shapes, "train": 0}

def reference(rpn_cls_scores, rpn_bbox_adjusts, img_shapes, train):
    return _forward(rpn_cls_scores, rpn_bbox_adjusts, img_shapes, train)

if __name__ == "__main__":
    import jax
    _d = setup_inputs()
    print(jax.jit(kernel)(*tuple(_d.values())))

</pallas_src>

<mosaic_0001>
#map = affine_map<(d0, d1) -> (0, 0, 0, 0)>
#map1 = affine_map<(d0, d1) -> (0)>
module attributes {stable_mosaic.version = 14 : i64} {
  func.func @_compact_body(%arg0: i32, %arg1: i32, %arg2: memref<2x16x18x128xf32, #tpu.memory_space<hbm>>, %arg3: memref<2x16x18x128xf32, #tpu.memory_space<hbm>>, %arg4: memref<2x16x18x128xf32, #tpu.memory_space<hbm>>, %arg5: memref<2x16x18x128xf32, #tpu.memory_space<hbm>>, %arg6: memref<2x16x18x128xf32, #tpu.memory_space<hbm>>, %arg7: memref<2x16x18x128xi32, #tpu.memory_space<hbm>>, %arg8: memref<12288xf32, #tpu.memory_space<hbm>>, %arg9: memref<12288xf32, #tpu.memory_space<hbm>>, %arg10: memref<12288xf32, #tpu.memory_space<hbm>>, %arg11: memref<12288xf32, #tpu.memory_space<hbm>>, %arg12: memref<12288xf32, #tpu.memory_space<hbm>>, %arg13: memref<18x128xf32, #tpu.memory_space<vmem>>, %arg14: memref<18x128xf32, #tpu.memory_space<vmem>>, %arg15: memref<18x128xf32, #tpu.memory_space<vmem>>, %arg16: memref<18x128xf32, #tpu.memory_space<vmem>>, %arg17: memref<18x128xf32, #tpu.memory_space<vmem>>, %arg18: memref<18x128xi32, #tpu.memory_space<vmem>>, %arg19: memref<6144xf32, #tpu.memory_space<vmem_shared>>, %arg20: memref<6144xf32, #tpu.memory_space<vmem_shared>>, %arg21: memref<6144xf32, #tpu.memory_space<vmem_shared>>, %arg22: memref<6144xf32, #tpu.memory_space<vmem_shared>>, %arg23: memref<6144xf32, #tpu.memory_space<vmem_shared>>, %arg24: memref<!tpu.dma_semaphore, #tpu.memory_space<semaphore_mem>>) attributes {dimension_semantics = [#tpu.dimension_semantics<core_parallel>, #tpu.dimension_semantics<subcore_parallel>], iteration_bounds = array<i64: 2, 16>, scalar_prefetch = 0 : i64, scratch_operands = 12 : i64, tpu.core_type = #tpu.core_type<sc_vector_subcore>, window_params = [{transform_indices = #map}, {transform_indices = #map}, {transform_indices = #map}, {transform_indices = #map}, {transform_indices = #map}, {transform_indices = #map}, {transform_indices = #map1}, {transform_indices = #map1}, {transform_indices = #map1}, {transform_indices = #map1}, {transform_indices = #map1}]} {
    "tpu.region"() ({
      %run_scoped3A = tpu.sem_alloc : memref<!tpu.dma_semaphore, #tpu.memory_space<semaphore_mem>>
      %dma_start3A_1800 = arith.constant 0 : i32
      %dma_start3A_1801 = arith.constant 0 : i32
      %dma_start3A_1802 = tpu.memref_slice %arg2[%arg0, %arg1, %dma_start3A_1800, %dma_start3A_1801] : memref<2x16x18x128xf32, #tpu.memory_space<hbm>> -> memref<1x1x18x128xf32, #tpu.memory_space<hbm>>
      %dma_start3A_1803 = tpu.memref_squeeze %dma_start3A_1802 : memref<1x1x18x128xf32, #tpu.memory_space<hbm>> -> memref<18x128xf32, #tpu.memory_space<hbm>>
      %dma_start3A_1804 = arith.constant 0 : i32
      %dma_start3A_1805 = arith.constant 0 : i32
      %dma_start3A_1806 = tpu.memref_slice %arg2[%arg0, %arg1, %dma_start3A_1804, %dma_start3A_1805] : memref<2x16x18x128xf32, #tpu.memory_space<hbm>> -> memref<1x1x18x128xf32, #tpu.memory_space<hbm>>
      %dma_start3A_1807 = tpu.memref_squeeze %dma_start3A_1806 : memref<1x1x18x128xf32, #tpu.memory_space<hbm>> -> memref<18x128xf32, #tpu.memory_space<hbm>>
      tpu.enqueue_dma source(%dma_start3A_1807 : memref<18x128xf32, #tpu.memory_space<hbm>>) target(%arg13 : memref<18x128xf32, #tpu.memory_space<vmem>>) target_semaphore(%run_scoped3A : memref<!tpu.dma_semaphore, #tpu.memory_space<semaphore_mem>>)
      %dma_wait3A_1808 = arith.constant 0 : i32
      %dma_wait3A_1809 = arith.constant 0 : i32
      %dma_wait3A_1810 = tpu.memref_slice %arg2[%arg0, %arg1, %dma_wait3A_1808, %dma_wait3A_1809] : memref<2x16x18x128xf32, #tpu.memory_space<hbm>> -> memref<1x1x18x128xf32, #tpu.memory_space<hbm>>
      %dma_wait3A_1811 = tpu.memref_squeeze %dma_wait3A_1810 : memref<1x1x18x128xf32, #tpu.memory_space<hbm>> -> memref<18x128xf32, #tpu.memory_space<hbm>>
      %dma_wait3A_1812 = arith.constant 0 : i32
      %dma_wait3A_1813 = arith.constant 0 : i32
      %dma_wait3A_1814 = tpu.memref_slice %arg2[%arg0, %arg1, %dma_wait3A_1812, %dma_wait3A_1813] : memref<2x16x18x128xf32, #tpu.memory_space<hbm>> -> memref<1x1x18x128xf32, #tpu.memory_space<hbm>>
      %dma_wait3A_1815 = tpu.memref_squeeze %dma_wait3A_1814 : memref<1x1x18x128xf32, #tpu.memory_space<hbm>> -> memref<18x128xf32, #tpu.memory_space<hbm>>
      tpu.wait_dma2 semaphore(%run_scoped3A : memref<!tpu.dma_semaphore, #tpu.memory_space<semaphore_mem>>) src(%dma_wait3A_1815 : memref<18x128xf32, #tpu.memory_space<hbm>>) dst(%arg13 : memref<18x128xf32, #tpu.memory_space<vmem>>)
      tpu.yield
    }) : () -> ()
    "tpu.region"() ({
      %run_scoped3A = tpu.sem_alloc : memref<!tpu.dma_semaphore, #tpu.memory_space<semaphore_mem>>
      %dma_start3A_1800 = arith.constant 0 : i32
      %dma_start3A_1801 = arith.constant 0 : i32
      %dma_start3A_1802 = tpu.memref_slice %arg3[%arg0, %arg1, %dma_start3A_1800, %dma_start3A_1801] : memref<2x16x18x128xf32, #tpu.memory_space<hbm>> -> memref<1x1x18x128xf32, #tpu.memory_space<hbm>>
      %dma_start3A_1803 = tpu.memref_squeeze %dma_start3A_1802 : memref<1x1x18x128xf32, #tpu.memory_space<hbm>> -> memref<18x128xf32, #tpu.memory_space<hbm>>
      %dma_start3A_1804 = arith.constant 0 : i32
      %dma_start3A_1805 = arith.constant 0 : i32
      %dma_start3A_1806 = tpu.memref_slice %arg3[%arg0, %arg1, %dma_start3A_1804, %dma_start3A_1805] : memref<2x16x18x128xf32, #tpu.memory_space<hbm>> -> memref<1x1x18x128xf32, #tpu.memory_space<hbm>>
      %dma_start3A_1807 = tpu.memref_squeeze %dma_start3A_1806 : memref<1x1x18x128xf32, #tpu.memory_space<hbm>> -> memref<18x128xf32, #tpu.memory_space<hbm>>
      tpu.enqueue_dma source(%dma_start3A_1807 : memref<18x128xf32, #tpu.memory_space<hbm>>) target(%arg14 : memref<18x128xf32, #tpu.memory_space<vmem>>) target_semaphore(%run_scoped3A : memref<!tpu.dma_semaphore, #tpu.memory_space<semaphore_mem>>)
      %dma_wait3A_1808 = arith.constant 0 : i32
      %dma_wait3A_1809 = arith.constant 0 : i32
      %dma_wait3A_1810 = tpu.memref_slice %arg3[%arg0, %arg1, %dma_wait3A_1808, %dma_wait3A_1809] : memref<2x16x18x128xf32, #tpu.memory_space<hbm>> -> memref<1x1x18x128xf32, #tpu.memory_space<hbm>>
      %dma_wait3A_1811 = tpu.memref_squeeze %dma_wait3A_1810 : memref<1x1x18x128xf32, #tpu.memory_space<hbm>> -> memref<18x128xf32, #tpu.memory_space<hbm>>
      %dma_wait3A_1812 = arith.constant 0 : i32
      %dma_wait3A_1813 = arith.constant 0 : i32
      %dma_wait3A_1814 = tpu.memref_slice %arg3[%arg0, %arg1, %dma_wait3A_1812, %dma_wait3A_1813] : memref<2x16x18x128xf32, #tpu.memory_space<hbm>> -> memref<1x1x18x128xf32, #tpu.memory_space<hbm>>
      %dma_wait3A_1815 = tpu.memref_squeeze %dma_wait3A_1814 : memref<1x1x18x128xf32, #tpu.memory_space<hbm>> -> memref<18x128xf32, #tpu.memory_space<hbm>>
      tpu.wait_dma2 semaphore(%run_scoped3A : memref<!tpu.dma_semaphore, #tpu.memory_space<semaphore_mem>>) src(%dma_wait3A_1815 : memref<18x128xf32, #tpu.memory_space<hbm>>) dst(%arg14 : memref<18x128xf32, #tpu.memory_space<vmem>>)
      tpu.yield
    }) : () -> ()
    "tpu.region"() ({
      %run_scoped3A = tpu.sem_alloc : memref<!tpu.dma_semaphore, #tpu.memory_space<semaphore_mem>>
      %dma_start3A_1800 = arith.constant 0 : i32
      %dma_start3A_1801 = arith.constant 0 : i32
      %dma_start3A_1802 = tpu.memref_slice %arg4[%arg0, %arg1, %dma_start3A_1800, %dma_start3A_1801] : memref<2x16x18x128xf32, #tpu.memory_space<hbm>> -> memref<1x1x18x128xf32, #tpu.memory_space<hbm>>
      %dma_start3A_1803 = tpu.memref_squeeze %dma_start3A_1802 : memref<1x1x18x128xf32, #tpu.memory_space<hbm>> -> memref<18x128xf32, #tpu.memory_space<hbm>>
      %dma_start3A_1804 = arith.constant 0 : i32
      %dma_start3A_1805 = arith.constant 0 : i32
      %dma_start3A_1806 = tpu.memref_slice %arg4[%arg0, %arg1, %dma_start3A_1804, %dma_start3A_1805] : memref<2x16x18x128xf32, #tpu.memory_space<hbm>> -> memref<1x1x18x128xf32, #tpu.memory_space<hbm>>
      %dma_start3A_1807 = tpu.memref_squeeze %dma_start3A_1806 : memref<1x1x18x128xf32, #tpu.memory_space<hbm>> -> memref<18x128xf32, #tpu.memory_space<hbm>>
      tpu.enqueue_dma source(%dma_start3A_1807 : memref<18x128xf32, #tpu.memory_space<hbm>>) target(%arg15 : memref<18x128xf32, #tpu.memory_space<vmem>>) target_semaphore(%run_scoped3A : memref<!tpu.dma_semaphore, #tpu.memory_space<semaphore_mem>>)
      %dma_wait3A_1808 = arith.constant 0 : i32
      %dma_wait3A_1809 = arith.constant 0 : i32
      %dma_wait3A_1810 = tpu.memref_slice %arg4[%arg0, %arg1, %dma_wait3A_1808, %dma_wait3A_1809] : memref<2x16x18x128xf32, #tpu.memory_space<hbm>> -> memref<1x1x18x128xf32, #tpu.memory_space<hbm>>
      %dma_wait3A_1811 = tpu.memref_squeeze %dma_wait3A_1810 : memref<1x1x18x128xf32, #tpu.memory_space<hbm>> -> memref<18x128xf32, #tpu.memory_space<hbm>>
      %dma_wait3A_1812 = arith.constant 0 : i32
      %dma_wait3A_1813 = arith.constant 0 : i32
      %dma_wait3A_1814 = tpu.memref_slice %arg4[%arg0, %arg1, %dma_wait3A_1812, %dma_wait3A_1813] : memref<2x16x18x128xf32, #tpu.memory_space<hbm>> -> memref<1x1x18x128xf32, #tpu.memory_space<hbm>>
      %dma_wait3A_1815 = tpu.memref_squeeze %dma_wait3A_1814 : memref<1x1x18x128xf32, #tpu.memory_space<hbm>> -> memref<18x128xf32, #tpu.memory_space<hbm>>
      tpu.wait_dma2 semaphore(%run_scoped3A : memref<!tpu.dma_semaphore, #tpu.memory_space<semaphore_mem>>) src(%dma_wait3A_1815 : memref<18x128xf32, #tpu.memory_space<hbm>>) dst(%arg15 : memref<18x128xf32, #tpu.memory_space<vmem>>)
      tpu.yield
    }) : () -> ()
    "tpu.region"() ({
      %run_scoped3A = tpu.sem_alloc : memref<!tpu.dma_semaphore, #tpu.memory_space<semaphore_mem>>
      %dma_start3A_1800 = arith.constant 0 : i32
      %dma_start3A_1801 = arith.constant 0 : i32
      %dma_start3A_1802 = tpu.memref_slice %arg5[%arg0, %arg1, %dma_start3A_1800, %dma_start3A_1801] : memref<2x16x18x128xf32, #tpu.memory_space<hbm>> -> memref<1x1x18x128xf32, #tpu.memory_space<hbm>>
      %dma_start3A_1803 = tpu.memref_squeeze %dma_start3A_1802 : memref<1x1x18x128xf32, #tpu.memory_space<hbm>> -> memref<18x128xf32, #tpu.memory_space<hbm>>
      %dma_start3A_1804 = arith.constant 0 : i32
      %dma_start3A_1805 = arith.constant 0 : i32
      %dma_start3A_1806 = tpu.memref_slice %arg5[%arg0, %arg1, %dma_start3A_1804, %dma_start3A_1805] : memref<2x16x18x128xf32, #tpu.memory_space<hbm>> -> memref<1x1x18x128xf32, #tpu.memory_space<hbm>>
      %dma_start3A_1807 = tpu.memref_squeeze %dma_start3A_1806 : memref<1x1x18x128xf32, #tpu.memory_space<hbm>> -> memref<18x128xf32, #tpu.memory_space<hbm>>
      tpu.enqueue_dma source(%dma_start3A_1807 : memref<18x128xf32, #tpu.memory_space<hbm>>) target(%arg16 : memref<18x128xf32, #tpu.memory_space<vmem>>) target_semaphore(%run_scoped3A : memref<!tpu.dma_semaphore, #tpu.memory_space<semaphore_mem>>)
      %dma_wait3A_1808 = arith.constant 0 : i32
      %dma_wait3A_1809 = arith.constant 0 : i32
      %dma_wait3A_1810 = tpu.memref_slice %arg5[%arg0, %arg1, %dma_wait3A_1808, %dma_wait3A_1809] : memref<2x16x18x128xf32, #tpu.memory_space<hbm>> -> memref<1x1x18x128xf32, #tpu.memory_space<hbm>>
      %dma_wait3A_1811 = tpu.memref_squeeze %dma_wait3A_1810 : memref<1x1x18x128xf32, #tpu.memory_space<hbm>> -> memref<18x128xf32, #tpu.memory_space<hbm>>
      %dma_wait3A_1812 = arith.constant 0 : i32
      %dma_wait3A_1813 = arith.constant 0 : i32
      %dma_wait3A_1814 = tpu.memref_slice %arg5[%arg0, %arg1, %dma_wait3A_1812, %dma_wait3A_1813] : memref<2x16x18x128xf32, #tpu.memory_space<hbm>> -> memref<1x1x18x128xf32, #tpu.memory_space<hbm>>
      %dma_wait3A_1815 = tpu.memref_squeeze %dma_wait3A_1814 : memref<1x1x18x128xf32, #tpu.memory_space<hbm>> -> memref<18x128xf32, #tpu.memory_space<hbm>>
      tpu.wait_dma2 semaphore(%run_scoped3A : memref<!tpu.dma_semaphore, #tpu.memory_space<semaphore_mem>>) src(%dma_wait3A_1815 : memref<18x128xf32, #tpu.memory_space<hbm>>) dst(%arg16 : memref<18x128xf32, #tpu.memory_space<vmem>>)
      tpu.yield
    }) : () -> ()
    "tpu.region"() ({
      %run_scoped3A = tpu.sem_alloc : memref<!tpu.dma_semaphore, #tpu.memory_space<semaphore_mem>>
      %dma_start3A_1800 = arith.constant 0 : i32
      %dma_start3A_1801 = arith.constant 0 : i32
      %dma_start3A_1802 = tpu.memref_slice %arg6[%arg0, %arg1, %dma_start3A_1800, %dma_start3A_1801] : memref<2x16x18x128xf32, #tpu.memory_space<hbm>> -> memref<1x1x18x128xf32, #tpu.memory_space<hbm>>
      %dma_start3A_1803 = tpu.memref_squeeze %dma_start3A_1802 : memref<1x1x18x128xf32, #tpu.memory_space<hbm>> -> memref<18x128xf32, #tpu.memory_space<hbm>>
      %dma_start3A_1804 = arith.constant 0 : i32
      %dma_start3A_1805 = arith.constant 0 : i32
      %dma_start3A_1806 = tpu.memref_slice %arg6[%arg0, %arg1, %dma_start3A_1804, %dma_start3A_1805] : memref<2x16x18x128xf32, #tpu.memory_space<hbm>> -> memref<1x1x18x128xf32, #tpu.memory_space<hbm>>
      %dma_start3A_1807 = tpu.memref_squeeze %dma_start3A_1806 : memref<1x1x18x128xf32, #tpu.memory_space<hbm>> -> memref<18x128xf32, #tpu.memory_space<hbm>>
      tpu.enqueue_dma source(%dma_start3A_1807 : memref<18x128xf32, #tpu.memory_space<hbm>>) target(%arg17 : memref<18x128xf32, #tpu.memory_space<vmem>>) target_semaphore(%run_scoped3A : memref<!tpu.dma_semaphore, #tpu.memory_space<semaphore_mem>>)
      %dma_wait3A_1808 = arith.constant 0 : i32
      %dma_wait3A_1809 = arith.constant 0 : i32
      %dma_wait3A_1810 = tpu.memref_slice %arg6[%arg0, %arg1, %dma_wait3A_1808, %dma_wait3A_1809] : memref<2x16x18x128xf32, #tpu.memory_space<hbm>> -> memref<1x1x18x128xf32, #tpu.memory_space<hbm>>
      %dma_wait3A_1811 = tpu.memref_squeeze %dma_wait3A_1810 : memref<1x1x18x128xf32, #tpu.memory_space<hbm>> -> memref<18x128xf32, #tpu.memory_space<hbm>>
      %dma_wait3A_1812 = arith.constant 0 : i32
      %dma_wait3A_1813 = arith.constant 0 : i32
      %dma_wait3A_1814 = tpu.memref_slice %arg6[%arg0, %arg1, %dma_wait3A_1812, %dma_wait3A_1813] : memref<2x16x18x128xf32, #tpu.memory_space<hbm>> -> memref<1x1x18x128xf32, #tpu.memory_space<hbm>>
      %dma_wait3A_1815 = tpu.memref_squeeze %dma_wait3A_1814 : memref<1x1x18x128xf32, #tpu.memory_space<hbm>> -> memref<18x128xf32, #tpu.memory_space<hbm>>
      tpu.wait_dma2 semaphore(%run_scoped3A : memref<!tpu.dma_semaphore, #tpu.memory_space<semaphore_mem>>) src(%dma_wait3A_1815 : memref<18x128xf32, #tpu.memory_space<hbm>>) dst(%arg17 : memref<18x128xf32, #tpu.memory_space<vmem>>)
      tpu.yield
    }) : () -> ()
    "tpu.region"() ({
      %run_scoped3A = tpu.sem_alloc : memref<!tpu.dma_semaphore, #tpu.memory_space<semaphore_mem>>
      %dma_start3A_1800 = arith.constant 0 : i32
      %dma_start3A_1801 = arith.constant 0 : i32
      %dma_start3A_1802 = tpu.memref_slice %arg7[%arg0, %arg1, %dma_start3A_1800, %dma_start3A_1801] : memref<2x16x18x128xi32, #tpu.memory_space<hbm>> -> memref<1x1x18x128xi32, #tpu.memory_space<hbm>>
      %dma_start3A_1803 = tpu.memref_squeeze %dma_start3A_1802 : memref<1x1x18x128xi32, #tpu.memory_space<hbm>> -> memref<18x128xi32, #tpu.memory_space<hbm>>
      %dma_start3A_1804 = arith.constant 0 : i32
      %dma_start3A_1805 = arith.constant 0 : i32
      %dma_start3A_1806 = tpu.memref_slice %arg7[%arg0, %arg1, %dma_start3A_1804, %dma_start3A_1805] : memref<2x16x18x128xi32, #tpu.memory_space<hbm>> -> memref<1x1x18x128xi32, #tpu.memory_space<hbm>>
      %dma_start3A_1807 = tpu.memref_squeeze %dma_start3A_1806 : memref<1x1x18x128xi32, #tpu.memory_space<hbm>> -> memref<18x128xi32, #tpu.memory_space<hbm>>
      tpu.enqueue_dma source(%dma_start3A_1807 : memref<18x128xi32, #tpu.memory_space<hbm>>) target(%arg18 : memref<18x128xi32, #tpu.memory_space<vmem>>) target_semaphore(%run_scoped3A : memref<!tpu.dma_semaphore, #tpu.memory_space<semaphore_mem>>)
      %dma_wait3A_1808 = arith.constant 0 : i32
      %dma_wait3A_1809 = arith.constant 0 : i32
      %dma_wait3A_1810 = tpu.memref_slice %arg7[%arg0, %arg1, %dma_wait3A_1808, %dma_wait3A_1809] : memref<2x16x18x128xi32, #tpu.memory_space<hbm>> -> memref<1x1x18x128xi32, #tpu.memory_space<hbm>>
      %dma_wait3A_1811 = tpu.memref_squeeze %dma_wait3A_1810 : memref<1x1x18x128xi32, #tpu.memory_space<hbm>> -> memref<18x128xi32, #tpu.memory_space<hbm>>
      %dma_wait3A_1812 = arith.constant 0 : i32
      %dma_wait3A_1813 = arith.constant 0 : i32
      %dma_wait3A_1814 = tpu.memref_slice %arg7[%arg0, %arg1, %dma_wait3A_1812, %dma_wait3A_1813] : memref<2x16x18x128xi32, #tpu.memory_space<hbm>> -> memref<1x1x18x128xi32, #tpu.memory_space<hbm>>
      %dma_wait3A_1815 = tpu.memref_squeeze %dma_wait3A_1814 : memref<1x1x18x128xi32, #tpu.memory_space<hbm>> -> memref<18x128xi32, #tpu.memory_space<hbm>>
      tpu.wait_dma2 semaphore(%run_scoped3A : memref<!tpu.dma_semaphore, #tpu.memory_space<semaphore_mem>>) src(%dma_wait3A_1815 : memref<18x128xi32, #tpu.memory_space<hbm>>) dst(%arg18 : memref<18x128xi32, #tpu.memory_space<vmem>>)
      tpu.yield
    }) : () -> ()
    %dma_start3A = arith.constant 0 : i32
    %dma_start3A_0 = arith.constant 0 : i32
    %dma_start3A_1 = arith.constant 0 : i32
    %dma_start3A_2 = tpu.memref_slice %arg13[%dma_start3A, %dma_start3A_1] : memref<18x128xf32, #tpu.memory_space<vmem>> -> memref<1x128xf32, #tpu.memory_space<vmem>>
    %dma_start3A_3 = tpu.memref_squeeze %dma_start3A_2 : memref<1x128xf32, #tpu.memory_space<vmem>> -> memref<128xf32, #tpu.memory_space<vmem>>
    %dma_start3A_4 = arith.constant 0 : i32
    %dma_start3A_5 = tpu.memref_slice %arg18[%dma_start3A_0, %dma_start3A_4] : memref<18x128xi32, #tpu.memory_space<vmem>> -> memref<1x128xi32, #tpu.memory_space<vmem>>
    %dma_start3A_6 = tpu.memref_squeeze %dma_start3A_5 : memref<1x128xi32, #tpu.memory_space<vmem>> -> memref<128xi32, #tpu.memory_space<vmem>>
    %dma_start3A_7 = arith.constant 0 : i32
    %dma_start3A_8 = tpu.memref_slice %arg19[%dma_start3A_7] : memref<6144xf32, #tpu.memory_space<vmem_shared>> -> memref<6144xf32, #tpu.memory_space<vmem_shared>>
    tpu.enqueue_indirect_dma source(%dma_start3A_3 : memref<128xf32, #tpu.memory_space<vmem>>) target(%dma_start3A_8 : memref<6144xf32, #tpu.memory_space<vmem_shared>>) offsets(%dma_start3A_6 : memref<128xi32, #tpu.memory_space<vmem>>) semaphore(%arg24 : memref<!tpu.dma_semaphore, #tpu.memory_space<semaphore_mem>>)
    %dma_start3A_9 = arith.constant 0 : i32
    %dma_start3A_10 = arith.constant 0 : i32
    %dma_start3A_11 = arith.constant 0 : i32
    %dma_start3A_12 = tpu.memref_slice %arg14[%dma_start3A_9, %dma_start3A_11] : memref<18x128xf32, #tpu.memory_space<vmem>> -> memref<1x128xf32, #tpu.memory_space<vmem>>
    %dma_start3A_13 = tpu.memref_squeeze %dma_start3A_12 : memref<1x128xf32, #tpu.memory_space<vmem>> -> memref<128xf32, #tpu.memory_space<vmem>>
    %dma_start3A_14 = arith.constant 0 : i32
    %dma_start3A_15 = tpu.memref_slice %arg18[%dma_start3A_10, %dma_start3A_14] : memref<18x128xi32, #tpu.memory_space<vmem>> -> memref<1x128xi32, #tpu.memory_space<vmem>>
    %dma_start3A_16 = tpu.memref_squeeze %dma_start3A_15 : memref<1x128xi32, #tpu.memory_space<vmem>> -> memref<128xi32, #tpu.memory_space<vmem>>
    %dma_start3A_17 = arith.constant 0 : i32
    %dma_start3A_18 = tpu.memref_slice %arg20[%dma_start3A_17] : memref<6144xf32, #tpu.memory_space<vmem_shared>> -> memref<6144xf32, #tpu.memory_space<vmem_shared>>
    tpu.enqueue_indirect_dma source(%dma_start3A_13 : memref<128xf32, #tpu.memory_space<vmem>>) target(%dma_start3A_18 : memref<6144xf32, #tpu.memory_space<vmem_shared>>) offsets(%dma_start3A_16 : memref<128xi32, #tpu.memory_space<vmem>>) semaphore(%arg24 : memref<!tpu.dma_semaphore, #tpu.memory_space<semaphore_mem>>)
    %dma_start3A_19 = arith.constant 0 : i32
    %dma_start3A_20 = arith.constant 0 : i32
    %dma_start3A_21 = arith.constant 0 : i32
    %dma_start3A_22 = tpu.memref_slice %arg15[%dma_start3A_19, %dma_start3A_21] : memref<18x128xf32, #tpu.memory_space<vmem>> -> memref<1x128xf32, #tpu.memory_space<vmem>>
    %dma_start3A_23 = tpu.memref_squeeze %dma_start3A_22 : memref<1x128xf32, #tpu.memory_space<vmem>> -> memref<128xf32, #tpu.memory_space<vmem>>
    %dma_start3A_24 = arith.constant 0 : i32
    %dma_start3A_25 = tpu.memref_slice %arg18[%dma_start3A_20, %dma_start3A_24] : memref<18x128xi32, #tpu.memory_space<vmem>> -> memref<1x128xi32, #tpu.memory_space<vmem>>
    %dma_start3A_26 = tpu.memref_squeeze %dma_start3A_25 : memref<1x128xi32, #tpu.memory_space<vmem>> -> memref<128xi32, #tpu.memory_space<vmem>>
    %dma_start3A_27 = arith.constant 0 : i32
    %dma_start3A_28 = tpu.memref_slice %arg21[%dma_start3A_27] : memref<6144xf32, #tpu.memory_space<vmem_shared>> -> memref<6144xf32, #tpu.memory_space<vmem_shared>>
    tpu.enqueue_indirect_dma source(%dma_start3A_23 : memref<128xf32, #tpu.memory_space<vmem>>) target(%dma_start3A_28 : memref<6144xf32, #tpu.memory_space<vmem_shared>>) offsets(%dma_start3A_26 : memref<128xi32, #tpu.memory_space<vmem>>) semaphore(%arg24 : memref<!tpu.dma_semaphore, #tpu.memory_space<semaphore_mem>>)
    %dma_start3A_29 = arith.constant 0 : i32
    %dma_start3A_30 = arith.constant 0 : i32
    %dma_start3A_31 = arith.constant 0 : i32
    %dma_start3A_32 = tpu.memref_slice %arg16[%dma_start3A_29, %dma_start3A_31] : memref<18x128xf32, #tpu.memory_space<vmem>> -> memref<1x128xf32, #tpu.memory_space<vmem>>
    %dma_start3A_33 = tpu.memref_squeeze %dma_start3A_32 : memref<1x128xf32, #tpu.memory_space<vmem>> -> memref<128xf32, #tpu.memory_space<vmem>>
    %dma_start3A_34 = arith.constant 0 : i32
    %dma_start3A_35 = tpu.memref_slice %arg18[%dma_start3A_30, %dma_start3A_34] : memref<18x128xi32, #tpu.memory_space<vmem>> -> memref<1x128xi32, #tpu.memory_space<vmem>>
    %dma_start3A_36 = tpu.memref_squeeze %dma_start3A_35 : memref<1x128xi32, #tpu.memory_space<vmem>> -> memref<128xi32, #tpu.memory_space<vmem>>
    %dma_start3A_37 = arith.constant 0 : i32
    %dma_start3A_38 = tpu.memref_slice %arg22[%dma_start3A_37] : memref<6144xf32, #tpu.memory_space<vmem_shared>> -> memref<6144xf32, #tpu.memory_space<vmem_shared>>
    tpu.enqueue_indirect_dma source(%dma_start3A_33 : memref<128xf32, #tpu.memory_space<vmem>>) target(%dma_start3A_38 : memref<6144xf32, #tpu.memory_space<vmem_shared>>) offsets(%dma_start3A_36 : memref<128xi32, #tpu.memory_space<vmem>>) semaphore(%arg24 : memref<!tpu.dma_semaphore, #tpu.memory_space<semaphore_mem>>)
    %dma_start3A_39 = arith.constant 0 : i32
    %dma_start3A_40 = arith.constant 0 : i32
    %dma_start3A_41 = arith.constant 0 : i32
    %dma_start3A_42 = tpu.memref_slice %arg17[%dma_start3A_39, %dma_start3A_41] : memref<18x128xf32, #tpu.memory_space<vmem>> -> memref<1x128xf32, #tpu.memory_space<vmem>>
    %dma_start3A_43 = tpu.memref_squeeze %dma_start3A_42 : memref<1x128xf32, #tpu.memory_space<vmem>> -> memref<128xf32, #tpu.memory_space<vmem>>
    %dma_start3A_44 = arith.constant 0 : i32
    %dma_start3A_45 = tpu.memref_slice %arg18[%dma_start3A_40, %dma_start3A_44] : memref<18x128xi32, #tpu.memory_space<vmem>> -> memref<1x128xi32, #tpu.memory_space<vmem>>
    %dma_start3A_46 = tpu.memref_squeeze %dma_start3A_45 : memref<1x128xi32, #tpu.memory_space<vmem>> -> memref<128xi32, #tpu.memory_space<vmem>>
    %dma_start3A_47 = arith.constant 0 : i32
    %dma_start3A_48 = tpu.memref_slice %arg23[%dma_start3A_47] : memref<6144xf32, #tpu.memory_space<vmem_shared>> -> memref<6144xf32, #tpu.memory_space<vmem_shared>>
    tpu.enqueue_indirect_dma source(%dma_start3A_43 : memref<128xf32, #tpu.memory_space<vmem>>) target(%dma_start3A_48 : memref<6144xf32, #tpu.memory_space<vmem_shared>>) offsets(%dma_start3A_46 : memref<128xi32, #tpu.memory_space<vmem>>) semaphore(%arg24 : memref<!tpu.dma_semaphore, #tpu.memory_space<semaphore_mem>>)
    %dma_start3A_49 = arith.constant 1 : i32
    %dma_start3A_50 = arith.constant 1 : i32
    %dma_start3A_51 = arith.constant 0 : i32
    %dma_start3A_52 = tpu.memref_slice %arg13[%dma_start3A_49, %dma_start3A_51] : memref<18x128xf32, #tpu.memory_space<vmem>> -> memref<1x128xf32, #tpu.memory_space<vmem>>
    %dma_start3A_53 = tpu.memref_squeeze %dma_start3A_52 : memref<1x128xf32, #tpu.memory_space<vmem>> -> memref<128xf32, #tpu.memory_space<vmem>>
    %dma_start3A_54 = arith.constant 0 : i32
    %dma_start3A_55 = tpu.memref_slice %arg18[%dma_start3A_50, %dma_start3A_54] : memref<18x128xi32, #tpu.memory_space<vmem>> -> memref<1x128xi32, #tpu.memory_space<vmem>>
    %dma_start3A_56 = tpu.memref_squeeze %dma_start3A_55 : memref<1x128xi32, #tpu.memory_space<vmem>> -> memref<128xi32, #tpu.memory_space<vmem>>
    %dma_start3A_57 = arith.constant 0 : i32
    %dma_start3A_58 = tpu.memref_slice %arg19[%dma_start3A_57] : memref<6144xf32, #tpu.memory_space<vmem_shared>> -> memref<6144xf32, #tpu.memory_space<vmem_shared>>
    tpu.enqueue_indirect_dma source(%dma_start3A_53 : memref<128xf32, #tpu.memory_space<vmem>>) target(%dma_start3A_58 : memref<6144xf32, #tpu.memory_space<vmem_shared>>) offsets(%dma_start3A_56 : memref<128xi32, #tpu.memory_space<vmem>>) semaphore(%arg24 : memref<!tpu.dma_semaphore, #tpu.memory_space<semaphore_mem>>)
    %dma_start3A_59 = arith.constant 1 : i32
    %dma_start3A_60 = arith.constant 1 : i32
    %dma_start3A_61 = arith.constant 0 : i32
    %dma_start3A_62 = tpu.memref_slice %arg14[%dma_start3A_59, %dma_start3A_61] : memref<18x128xf32, #tpu.memory_space<vmem>> -> memref<1x128xf32, #tpu.memory_space<vmem>>
    %dma_start3A_63 = tpu.memref_squeeze %dma_start3A_62 : memref<1x128xf32, #tpu.memory_space<vmem>> -> memref<128xf32, #tpu.memory_space<vmem>>
    %dma_start3A_64 = arith.constant 0 : i32
    %dma_start3A_65 = tpu.memref_slice %arg18[%dma_start3A_60, %dma_start3A_64] : memref<18x128xi32, #tpu.memory_space<vmem>> -> memref<1x128xi32, #tpu.memory_space<vmem>>
    %dma_start3A_66 = tpu.memref_squeeze %dma_start3A_65 : memref<1x128xi32, #tpu.memory_space<vmem>> -> memref<128xi32, #tpu.memory_space<vmem>>
    %dma_start3A_67 = arith.constant 0 : i32
    %dma_start3A_68 = tpu.memref_slice %arg20[%dma_start3A_67] : memref<6144xf32, #tpu.memory_space<vmem_shared>> -> memref<6144xf32, #tpu.memory_space<vmem_shared>>
    tpu.enqueue_indirect_dma source(%dma_start3A_63 : memref<128xf32, #tpu.memory_space<vmem>>) target(%dma_start3A_68 : memref<6144xf32, #tpu.memory_space<vmem_shared>>) offsets(%dma_start3A_66 : memref<128xi32, #tpu.memory_space<vmem>>) semaphore(%arg24 : memref<!tpu.dma_semaphore, #tpu.memory_space<semaphore_mem>>)
    %dma_start3A_69 = arith.constant 1 : i32
    %dma_start3A_70 = arith.constant 1 : i32
    %dma_start3A_71 = arith.constant 0 : i32
    %dma_start3A_72 = tpu.memref_slice %arg15[%dma_start3A_69, %dma_start3A_71] : memref<18x128xf32, #tpu.memory_space<vmem>> -> memref<1x128xf32, #tpu.memory_space<vmem>>
    %dma_start3A_73 = tpu.memref_squeeze %dma_start3A_72 : memref<1x128xf32, #tpu.memory_space<vmem>> -> memref<128xf32, #tpu.memory_space<vmem>>
    %dma_start3A_74 = arith.constant 0 : i32
    %dma_start3A_75 = tpu.memref_slice %arg18[%dma_start3A_70, %dma_start3A_74] : memref<18x128xi32, #tpu.memory_space<vmem>> -> memref<1x128xi32, #tpu.memory_space<vmem>>
    %dma_start3A_76 = tpu.memref_squeeze %dma_start3A_75 : memref<1x128xi32, #tpu.memory_space<vmem>> -> memref<128xi32, #tpu.memory_space<vmem>>
    %dma_start3A_77 = arith.constant 0 : i32
    %dma_start3A_78 = tpu.memref_slice %arg21[%dma_start3A_77] : memref<6144xf32, #tpu.memory_space<vmem_shared>> -> memref<6144xf32, #tpu.memory_space<vmem_shared>>
    tpu.enqueue_indirect_dma source(%dma_start3A_73 : memref<128xf32, #tpu.memory_space<vmem>>) target(%dma_start3A_78 : memref<6144xf32, #tpu.memory_space<vmem_shared>>) offsets(%dma_start3A_76 : memref<128xi32, #tpu.memory_space<vmem>>) semaphore(%arg24 : memref<!tpu.dma_semaphore, #tpu.memory_space<semaphore_mem>>)
    %dma_start3A_79 = arith.constant 1 : i32
    %dma_start3A_80 = arith.constant 1 : i32
    %dma_start3A_81 = arith.constant 0 : i32
    %dma_start3A_82 = tpu.memref_slice %arg16[%dma_start3A_79, %dma_start3A_81] : memref<18x128xf32, #tpu.memory_space<vmem>> -> memref<1x128xf32, #tpu.memory_space<vmem>>
    %dma_start3A_83 = tpu.memref_squeeze %dma_start3A_82 : memref<1x128xf32, #tpu.memory_space<vmem>> -> memref<128xf32, #tpu.memory_space<vmem>>
    %dma_start3A_84 = arith.constant 0 : i32
    %dma_start3A_85 = tpu.memref_slice %arg18[%dma_start3A_80, %dma_start3A_84] : memref<18x128xi32, #tpu.memory_space<vmem>> -> memref<1x128xi32, #tpu.memory_space<vmem>>
    %dma_start3A_86 = tpu.memref_squeeze %dma_start3A_85 : memref<1x128xi32, #tpu.memory_space<vmem>> -> memref<128xi32, #tpu.memory_space<vmem>>
    %dma_start3A_87 = arith.constant 0 : i32
    %dma_start3A_88 = tpu.memref_slice %arg22[%dma_start3A_87] : memref<6144xf32, #tpu.memory_space<vmem_shared>> -> memref<6144xf32, #tpu.memory_space<vmem_shared>>
    tpu.enqueue_indirect_dma source(%dma_start3A_83 : memref<128xf32, #tpu.memory_space<vmem>>) target(%dma_start3A_88 : memref<6144xf32, #tpu.memory_space<vmem_shared>>) offsets(%dma_start3A_86 : memref<128xi32, #tpu.memory_space<vmem>>) semaphore(%arg24 : memref<!tpu.dma_semaphore, #tpu.memory_space<semaphore_mem>>)
    %dma_start3A_89 = arith.constant 1 : i32
    %dma_start3A_90 = arith.constant 1 : i32
    %dma_start3A_91 = arith.constant 0 : i32
    %dma_start3A_92 = tpu.memref_slice %arg17[%dma_start3A_89, %dma_start3A_91] : memref<18x128xf32, #tpu.memory_space<vmem>> -> memref<1x128xf32, #tpu.memory_space<vmem>>
    %dma_start3A_93 = tpu.memref_squeeze %dma_start3A_92 : memref<1x128xf32, #tpu.memory_space<vmem>> -> memref<128xf32, #tpu.memory_space<vmem>>
    %dma_start3A_94 = arith.constant 0 : i32
    %dma_start3A_95 = tpu.memref_slice %arg18[%dma_start3A_90, %dma_start3A_94] : memref<18x128xi32, #tpu.memory_space<vmem>> -> memref<1x128xi32, #tpu.memory_space<vmem>>
    %dma_start3A_96 = tpu.memref_squeeze %dma_start3A_95 : memref<1x128xi32, #tpu.memory_space<vmem>> -> memref<128xi32, #tpu.memory_space<vmem>>
    %dma_start3A_97 = arith.constant 0 : i32
    %dma_start3A_98 = tpu.memref_slice %arg23[%dma_start3A_97] : memref<6144xf32, #tpu.memory_space<vmem_shared>> -> memref<6144xf32, #tpu.memory_space<vmem_shared>>
    tpu.enqueue_indirect_dma source(%dma_start3A_93 : memref<128xf32, #tpu.memory_space<vmem>>) target(%dma_start3A_98 : memref<6144xf32, #tpu.memory_space<vmem_shared>>) offsets(%dma_start3A_96 : memref<128xi32, #tpu.memory_space<vmem>>) semaphore(%arg24 : memref<!tpu.dma_semaphore, #tpu.memory_space<semaphore_mem>>)
    %dma_start3A_99 = arith.constant 2 : i32
    %dma_start3A_100 = arith.constant 2 : i32
    %dma_start3A_101 = arith.constant 0 : i32
    %dma_start3A_102 = tpu.memref_slice %arg13[%dma_start3A_99, %dma_start3A_101] : memref<18x128xf32, #tpu.memory_space<vmem>> -> memref<1x128xf32, #tpu.memory_space<vmem>>
    %dma_start3A_103 = tpu.memref_squeeze %dma_start3A_102 : memref<1x128xf32, #tpu.memory_space<vmem>> -> memref<128xf32, #tpu.memory_space<vmem>>
    %dma_start3A_104 = arith.constant 0 : i32
    %dma_start3A_105 = tpu.memref_slice %arg18[%dma_start3A_100, %dma_start3A_104] : memref<18x128xi32, #tpu.memory_space<vmem>> -> memref<1x128xi32, #tpu.memory_space<vmem>>
    %dma_start3A_106 = tpu.memref_squeeze %dma_start3A_105 : memref<1x128xi32, #tpu.memory_space<vmem>> -> memref<128xi32, #tpu.memory_space<vmem>>
    %dma_start3A_107 = arith.constant 0 : i32
    %dma_start3A_108 = tpu.memref_slice %arg19[%dma_start3A_107] : memref<6144xf32, #tpu.memory_space<vmem_shared>> -> memref<6144xf32, #tpu.memory_space<vmem_shared>>
    tpu.enqueue_indirect_dma source(%dma_start3A_103 : memref<128xf32, #tpu.memory_space<vmem>>) target(%dma_start3A_108 : memref<6144xf32, #tpu.memory_space<vmem_shared>>) offsets(%dma_start3A_106 : memref<128xi32, #tpu.memory_space<vmem>>) semaphore(%arg24 : memref<!tpu.dma_semaphore, #tpu.memory_space<semaphore_mem>>)
    %dma_start3A_109 = arith.constant 2 : i32
    %dma_start3A_110 = arith.constant 2 : i32
    %dma_start3A_111 = arith.constant 0 : i32
    %dma_start3A_112 = tpu.memref_slice %arg14[%dma_start3A_109, %dma_start3A_111] : memref<18x128xf32, #tpu.memory_space<vmem>> -> memref<1x128xf32, #tpu.memory_space<vmem>>
    %dma_start3A_113 = tpu.memref_squeeze %dma_start3A_112 : memref<1x128xf32, #tpu.memory_space<vmem>> -> memref<128xf32, #tpu.memory_space<vmem>>
    %dma_start3A_114 = arith.constant 0 : i32
    %dma_start3A_115 = tpu.memref_slice %arg18[%dma_start3A_110, %dma_start3A_114] : memref<18x128xi32, #tpu.memory_space<vmem>> -> memref<1x128xi32, #tpu.memory_space<vmem>>
    %dma_start3A_116 = tpu.memref_squeeze %dma_start3A_115 : memref<1x128xi32, #tpu.memory_space<vmem>> -> memref<128xi32, #tpu.memory_space<vmem>>
    %dma_start3A_117 = arith.constant 0 : i32
    %dma_start3A_118 = tpu.memref_slice %arg20[%dma_start3A_117] : memref<6144xf32, #tpu.memory_space<vmem_shared>> -> memref<6144xf32, #tpu.memory_space<vmem_shared>>
    tpu.enqueue_indirect_dma source(%dma_start3A_113 : memref<128xf32, #tpu.memory_space<vmem>>) target(%dma_start3A_118 : memref<6144xf32, #tpu.memory_space<vmem_shared>>) offsets(%dma_start3A_116 : memref<128xi32, #tpu.memory_space<vmem>>) semaphore(%arg24 : memref<!tpu.dma_semaphore, #tpu.memory_space<semaphore_mem>>)
    %dma_start3A_119 = arith.constant 2 : i32
    %dma_start3A_120 = arith.constant 2 : i32
    %dma_start3A_121 = arith.constant 0 : i32
    %dma_start3A_122 = tpu.memref_slice %arg15[%dma_start3A_119, %dma_start3A_121] : memref<18x128xf32, #tpu.memory_space<vmem>> -> memref<1x128xf32, #tpu.memory_space<vmem>>
    %dma_start3A_123 = tpu.memref_squeeze %dma_start3A_122 : memref<1x128xf32, #tpu.memory_space<vmem>> -> memref<128xf32, #tpu.memory_space<vmem>>
    %dma_start3A_124 = arith.constant 0 : i32
    %dma_start3A_125 = tpu.memref_slice %arg18[%dma_start3A_120, %dma_start3A_124] : memref<18x128xi32, #tpu.memory_space<vmem>> -> memref<1x128xi32, #tpu.memory_space<vmem>>
    %dma_start3A_126 = tpu.memref_squeeze %dma_start3A_125 : memref<1x128xi32, #tpu.memory_space<vmem>> -> memref<128xi32, #tpu.memory_space<vmem>>
    %dma_start3A_127 = arith.constant 0 : i32
    %dma_start3A_128 = tpu.memref_slice %arg21[%dma_start3A_127] : memref<6144xf32, #tpu.memory_space<vmem_shared>> -> memref<6144xf32, #tpu.memory_space<vmem_shared>>
    tpu.enqueue_indirect_dma source(%dma_start3A_123 : memref<128xf32, #tpu.memory_space<vmem>>) target(%dma_start3A_128 : memref<6144xf32, #tpu.memory_space<vmem_shared>>) offsets(%dma_start3A_126 : memref<128xi32, #tpu.memory_space<vmem>>) semaphore(%arg24 : memref<!tpu.dma_semaphore, #tpu.memory_space<semaphore_mem>>)
    %dma_start3A_129 = arith.constant 2 : i32
    %dma_start3A_130 = arith.constant 2 : i32
    %dma_start3A_131 = arith.constant 0 : i32
    %dma_start3A_132 = tpu.memref_slice %arg16[%dma_start3A_129, %dma_start3A_131] : memref<18x128xf32, #tpu.memory_space<vmem>> -> memref<1x128xf32, #tpu.memory_space<vmem>>
    %dma_start3A_133 = tpu.memref_squeeze %dma_start3A_132 : memref<1x128xf32, #tpu.memory_space<vmem>> -> memref<128xf32, #tpu.memory_space<vmem>>
    %dma_start3A_134 = arith.constant 0 : i32
    %dma_start3A_135 = tpu.memref_slice %arg18[%dma_start3A_130, %dma_start3A_134] : memref<18x128xi32, #tpu.memory_space<vmem>> -> memref<1x128xi32, #tpu.memory_space<vmem>>
    %dma_start3A_136 = tpu.memref_squeeze %dma_start3A_135 : memref<1x128xi32, #tpu.memory_space<vmem>> -> memref<128xi32, #tpu.memory_space<vmem>>
    %dma_start3A_137 = arith.constant 0 : i32
    %dma_start3A_138 = tpu.memref_slice %arg22[%dma_start3A_137] : memref<6144xf32, #tpu.memory_space<vmem_shared>> -> memref<6144xf32, #tpu.memory_space<vmem_shared>>
    tpu.enqueue_indirect_dma source(%dma_start3A_133 : memref<128xf32, #tpu.memory_space<vmem>>) target(%dma_start3A_138 : memref<6144xf32, #tpu.memory_space<vmem_shared>>) offsets(%dma_start3A_136 : memref<128xi32, #tpu.memory_space<vmem>>) semaphore(%arg24 : memref<!tpu.dma_semaphore, #tpu.memory_space<semaphore_mem>>)
    %dma_start3A_139 = arith.constant 2 : i32
    %dma_start3A_140 = arith.constant 2 : i32
    %dma_start3A_141 = arith.constant 0 : i32
    %dma_start3A_142 = tpu.memref_slice %arg17[%dma_start3A_139, %dma_start3A_141] : memref<18x128xf32, #tpu.memory_space<vmem>> -> memref<1x128xf32, #tpu.memory_space<vmem>>
    %dma_start3A_143 = tpu.memref_squeeze %dma_start3A_142 : memref<1x128xf32, #tpu.memory_space<vmem>> -> memref<128xf32, #tpu.memory_space<vmem>>
    %dma_start3A_144 = arith.constant 0 : i32
    %dma_start3A_145 = tpu.memref_slice %arg18[%dma_start3A_140, %dma_start3A_144] : memref<18x128xi32, #tpu.memory_space<vmem>> -> memref<1x128xi32, #tpu.memory_space<vmem>>
    %dma_start3A_146 = tpu.memref_squeeze %dma_start3A_145 : memref<1x128xi32, #tpu.memory_space<vmem>> -> memref<128xi32, #tpu.memory_space<vmem>>
    %dma_start3A_147 = arith.constant 0 : i32
    %dma_start3A_148 = tpu.memref_slice %arg23[%dma_start3A_147] : memref<6144xf32, #tpu.memory_space<vmem_shared>> -> memref<6144xf32, #tpu.memory_space<vmem_shared>>
    tpu.enqueue_indirect_dma source(%dma_start3A_143 : memref<128xf32, #tpu.memory_space<vmem>>) target(%dma_start3A_148 : memref<6144xf32, #tpu.memory_space<vmem_shared>>) offsets(%dma_start3A_146 : memref<128xi32, #tpu.memory_space<vmem>>) semaphore(%arg24 : memref<!tpu.dma_semaphore, #tpu.memory_space<semaphore_mem>>)
    %dma_start3A_149 = arith.constant 3 : i32
    %dma_start3A_150 = arith.constant 3 : i32
    %dma_start3A_151 = arith.constant 0 : i32
    %dma_start3A_152 = tpu.memref_slice %arg13[%dma_start3A_149, %dma_start3A_151] : memref<18x128xf32, #tpu.memory_space<vmem>> -> memref<1x128xf32, #tpu.memory_space<vmem>>
    %dma_start3A_153 = tpu.memref_squeeze %dma_start3A_152 : memref<1x128xf32, #tpu.memory_space<vmem>> -> memref<128xf32, #tpu.memory_space<vmem>>
    %dma_start3A_154 = arith.constant 0 : i32
    %dma_start3A_155 = tpu.memref_slice %arg18[%dma_start3A_150, %dma_start3A_154] : memref<18x128xi32, #tpu.memory_space<vmem>> -> memref<1x128xi32, #tpu.memory_space<vmem>>
    %dma_start3A_156 = tpu.memref_squeeze %dma_start3A_155 : memref<1x128xi32, #tpu.memory_space<vmem>> -> memref<128xi32, #tpu.memory_space<vmem>>
    %dma_start3A_157 = arith.constant 0 : i32
    %dma_start3A_158 = tpu.memref_slice %arg19[%dma_start3A_157] : memref<6144xf32, #tpu.memory_space<vmem_shared>> -> memref<6144xf32, #tpu.memory_space<vmem_shared>>
    tpu.enqueue_indirect_dma source(%dma_start3A_153 : memref<128xf32, #tpu.memory_space<vmem>>) target(%dma_start3A_158 : memref<6144xf32, #tpu.memory_space<vmem_shared>>) offsets(%dma_start3A_156 : memref<128xi32, #tpu.memory_space<vmem>>) semaphore(%arg24 : memref<!tpu.dma_semaphore, #tpu.memory_space<semaphore_mem>>)
    %dma_start3A_159 = arith.constant 3 : i32
    %dma_start3A_160 = arith.constant 3 : i32
    %dma_start3A_161 = arith.constant 0 : i32
    %dma_start3A_162 = tpu.memref_slice %arg14[%dma_start3A_159, %dma_start3A_161] : memref<18x128xf32, #tpu.memory_space<vmem>> -> memref<1x128xf32, #tpu.memory_space<vmem>>
    %dma_start3A_163 = tpu.memref_squeeze %dma_start3A_162 : memref<1x128xf32, #tpu.memory_space<vmem>> -> memref<128xf32, #tpu.memory_space<vmem>>
    %dma_start3A_164 = arith.constant 0 : i32
    %dma_start3A_165 = tpu.memref_slice %arg18[%dma_start3A_160, %dma_start3A_164] : memref<18x128xi32, #tpu.memory_space<vmem>> -> memref<1x128xi32, #tpu.memory_space<vmem>>
    %dma_start3A_166 = tpu.memref_squeeze %dma_start3A_165 : memref<1x128xi32, #tpu.memory_space<vmem>> -> memref<128xi32, #tpu.memory_space<vmem>>
    %dma_start3A_167 = arith.constant 0 : i32
    %dma_start3A_168 = tpu.memref_slice %arg20[%dma_start3A_167] : memref<6144xf32, #tpu.memory_space<vmem_shared>> -> memref<6144xf32, #tpu.memory_space<vmem_shared>>
    tpu.enqueue_indirect_dma source(%dma_start3A_163 : memref<128xf32, #tpu.memory_space<vmem>>) target(%dma_start3A_168 : memref<6144xf32, #tpu.memory_space<vmem_shared>>) offsets(%dma_start3A_166 : memref<128xi32, #tpu.memory_space<vmem>>) semaphore(%arg24 : memref<!tpu.dma_semaphore, #tpu.memory_space<semaphore_mem>>)
    %dma_start3A_169 = arith.constant 3 : i32
    %dma_start3A_170 = arith.constant 3 : i32
    %dma_start3A_171 = arith.constant 0 : i32
    %dma_start3A_172 = tpu.memref_slice %arg15[%dma_start3A_169, %dma_start3A_171] : memref<18x128xf32, #tpu.memory_space<vmem>> -> memref<1x128xf32, #tpu.memory_space<vmem>>
    %dma_start3A_173 = tpu.memref_squeeze %dma_start3A_172 : memref<1x128xf32, #tpu.memory_space<vmem>> -> memref<128xf32, #tpu.memory_space<vmem>>
    %dma_start3A_174 = arith.constant 0 : i32
    %dma_start3A_175 = tpu.memref_slice %arg18[%dma_start3A_170, %dma_start3A_174] : memref<18x128xi32, #tpu.memory_space<vmem>> -> memref<1x128xi32, #tpu.memory_space<vmem>>
    %dma_start3A_176 = tpu.memref_squeeze %dma_start3A_175 : memref<1x128xi32, #tpu.memory_space<vmem>> -> memref<128xi32, #tpu.memory_space<vmem>>
    %dma_start3A_177 = arith.constant 0 : i32
    %dma_start3A_178 = tpu.memref_slice %arg21[%dma_start3A_177] : memref<6144xf32, #tpu.memory_space<vmem_shared>> -> memref<6144xf32, #tpu.memory_space<vmem_shared>>
    tpu.enqueue_indirect_dma source(%dma_start3A_173 : memref<128xf32, #tpu.memory_space<vmem>>) target(%dma_start3A_178 : memref<6144xf32, #tpu.memory_space<vmem_shared>>) offsets(%dma_start3A_176 : memref<128xi32, #tpu.memory_space<vmem>>) semaphore(%arg24 : memref<!tpu.dma_semaphore, #tpu.memory_space<semaphore_mem>>)
    %dma_start3A_179 = arith.constant 3 : i32
    %dma_start3A_180 = arith.constant 3 : i32
    %dma_start3A_181 = arith.constant 0 : i32
    %dma_start3A_182 = tpu.memref_slice %arg16[%dma_start3A_179, %dma_start3A_181] : memref<18x128xf32, #tpu.memory_space<vmem>> -> memref<1x128xf32, #tpu.memory_space<vmem>>
    %dma_start3A_183 = tpu.memref_squeeze %dma_start3A_182 : memref<1x128xf32, #tpu.memory_space<vmem>> -> memref<128xf32, #tpu.memory_space<vmem>>
    %dma_start3A_184 = arith.constant 0 : i32
    %dma_start3A_185 = tpu.memref_slice %arg18[%dma_start3A_180, %dma_start3A_184] : memref<18x128xi32, #tpu.memory_space<vmem>> -> memref<1x128xi32, #tpu.memory_space<vmem>>
    %dma_start3A_186 = tpu.memref_squeeze %dma_start3A_185 : memref<1x128xi32, #tpu.memory_space<vmem>> -> memref<128xi32, #tpu.memory_space<vmem>>
    %dma_start3A_187 = arith.constant 0 : i32
    %dma_start3A_188 = tpu.memref_slice %arg22[%dma_start3A_187] : memref<6144xf32, #tpu.memory_space<vmem_shared>> -> memref<6144xf32, #tpu.memory_space<vmem_shared>>
    tpu.enqueue_indirect_dma source(%dma_start3A_183 : memref<128xf32, #tpu.memory_space<vmem>>) target(%dma_start3A_188 : memref<6144xf32, #tpu.memory_space<vmem_shared>>) offsets(%dma_start3A_186 : memref<128xi32, #tpu.memory_space<vmem>>) semaphore(%arg24 : memref<!tpu.dma_semaphore, #tpu.memory_space<semaphore_mem>>)
    %dma_start3A_189 = arith.constant 3 : i32
    %dma_start3A_190 = arith.constant 3 : i32
    %dma_start3A_191 = arith.constant 0 : i32
    %dma_start3A_192 = tpu.memref_slice %arg17[%dma_start3A_189, %dma_start3A_191] : memref<18x128xf32, #tpu.memory_space<vmem>> -> memref<1x128xf32, #tpu.memory_space<vmem>>
    %dma_start3A_193 = tpu.memref_squeeze %dma_start3A_192 : memref<1x128xf32, #tpu.memory_space<vmem>> -> memref<128xf32, #tpu.memory_space<vmem>>
    %dma_start3A_194 = arith.constant 0 : i32
    %dma_start3A_195 = tpu.memref_slice %arg18[%dma_start3A_190, %dma_start3A_194] : memref<18x128xi32, #tpu.memory_space<vmem>> -> memref<1x128xi32, #tpu.memory_space<vmem>>
    %dma_start3A_196 = tpu.memref_squeeze %dma_start3A_195 : memref<1x128xi32, #tpu.memory_space<vmem>> -> memref<128xi32, #tpu.memory_space<vmem>>
    %dma_start3A_197 = arith.constant 0 : i32
    %dma_start3A_198 = tpu.memref_slice %arg23[%dma_start3A_197] : memref<6144xf32, #tpu.memory_space<vmem_shared>> -> memref<6144xf32, #tpu.memory_space<vmem_shared>>
    tpu.enqueue_indirect_dma source(%dma_start3A_193 : memref<128xf32, #tpu.memory_space<vmem>>) target(%dma_start3A_198 : memref<6144xf32, #tpu.memory_space<vmem_shared>>) offsets(%dma_start3A_196 : memref<128xi32, #tpu.memory_space<vmem>>) semaphore(%arg24 : memref<!tpu.dma_semaphore, #tpu.memory_space<semaphore_mem>>)
    %dma_start3A_199 = arith.constant 4 : i32
    %dma_start3A_200 = arith.constant 4 : i32
    %dma_start3A_201 = arith.constant 0 : i32
    %dma_start3A_202 = tpu.memref_slice %arg13[%dma_start3A_199, %dma_start3A_201] : memref<18x128xf32, #tpu.memory_space<vmem>> -> memref<1x128xf32, #tpu.memory_space<vmem>>
    %dma_start3A_203 = tpu.memref_squeeze %dma_start3A_202 : memref<1x128xf32, #tpu.memory_space<vmem>> -> memref<128xf32, #tpu.memory_space<vmem>>
    %dma_start3A_204 = arith.constant 0 : i32
    %dma_start3A_205 = tpu.memref_slice %arg18[%dma_start3A_200, %dma_start3A_204] : memref<18x128xi32, #tpu.memory_space<vmem>> -> memref<1x128xi32, #tpu.memory_space<vmem>>
    %dma_start3A_206 = tpu.memref_squeeze %dma_start3A_205 : memref<1x128xi32, #tpu.memory_space<vmem>> -> memref<128xi32, #tpu.memory_space<vmem>>
    %dma_start3A_207 = arith.constant 0 : i32
    %dma_start3A_208 = tpu.memref_slice %arg19[%dma_start3A_207] : memref<6144xf32, #tpu.memory_space<vmem_shared>> -> memref<6144xf32, #tpu.memory_space<vmem_shared>>
    tpu.enqueue_indirect_dma source(%dma_start3A_203 : memref<128xf32, #tpu.memory_space<vmem>>) target(%dma_start3A_208 : memref<6144xf32, #tpu.memory_space<vmem_shared>>) offsets(%dma_start3A_206 : memref<128xi32, #tpu.memory_space<vmem>>) semaphore(%arg24 : memref<!tpu.dma_semaphore, #tpu.memory_space<semaphore_mem>>)
    %dma_start3A_209 = arith.constant 4 : i32
    %dma_start3A_210 = arith.constant 4 : i32
    %dma_start3A_211 = arith.constant 0 : i32
    %dma_start3A_212 = tpu.memref_slice %arg14[%dma_start3A_209, %dma_start3A_211] : memref<18x128xf32, #tpu.memory_space<vmem>> -> memref<1x128xf32, #tpu.memory_space<vmem>>
    %dma_start3A_213 = tpu.memref_squeeze %dma_start3A_212 : memref<1x128xf32, #tpu.memory_space<vmem>> -> memref<128xf32, #tpu.memory_space<vmem>>
    %dma_start3A_214 = arith.constant 0 : i32
    %dma_start3A_215 = tpu.memref_slice %arg18[%dma_start3A_210, %dma_start3A_214] : memref<18x128xi32, #tpu.memory_space<vmem>> -> memref<1x128xi32, #tpu.memory_space<vmem>>
    %dma_start3A_216 = tpu.memref_squeeze %dma_start3A_215 : memref<1x128xi32, #tpu.memory_space<vmem>> -> memref<128xi32, #tpu.memory_space<vmem>>
    %dma_start3A_217 = arith.constant 0 : i32
    %dma_start3A_218 = tpu.memref_slice %arg20[%dma_start3A_217] : memref<6144xf32, #tpu.memory_space<vmem_shared>> -> memref<6144xf32, #tpu.memory_space<vmem_shared>>
    tpu.enqueue_indirect_dma source(%dma_start3A_213 : memref<128xf32, #tpu.memory_space<vmem>>) target(%dma_start3A_218 : memref<6144xf32, #tpu.memory_space<vmem_shared>>) offsets(%dma_start3A_216 : memref<128xi32, #tpu.memory_space<vmem>>) semaphore(%arg24 : memref<!tpu.dma_semaphore, #tpu.memory_space<semaphore_mem>>)
    %dma_start3A_219 = arith.constant 4 : i32
    %dma_start3A_220 = arith.constant 4 : i32
    %dma_start3A_221 = arith.constant 0 : i32
    %dma_start3A_222 = tpu.memref_slice %arg15[%dma_start3A_219, %dma_start3A_221] : memref<18x128xf32, #tpu.memory_space<vmem>> -> memref<1x128xf32, #tpu.memory_space<vmem>>
    %dma_start3A_223 = tpu.memref_squeeze %dma_start3A_222 : memref<1x128xf32, #tpu.memory_space<vmem>> -> memref<128xf32, #tpu.memory_space<vmem>>
    %dma_start3A_224 = arith.constant 0 : i32
    %dma_start3A_225 = tpu.memref_slice %arg18[%dma_start3A_220, %dma_start3A_224] : memref<18x128xi32, #tpu.memory_space<vmem>> -> memref<1x128xi32, #tpu.memory_space<vmem>>
    %dma_start3A_226 = tpu.memref_squeeze %dma_start3A_225 : memref<1x128xi32, #tpu.memory_space<vmem>> -> memref<128xi32, #tpu.memory_space<vmem>>
    %dma_start3A_227 = arith.constant 0 : i32
    %dma_start3A_228 = tpu.memref_slice %arg21[%dma_start3A_227] : memref<6144xf32, #tpu.memory_space<vmem_shared>> -> memref<6144xf32, #tpu.memory_space<vmem_shared>>
    tpu.enqueue_indirect_dma source(%dma_start3A_223 : memref<128xf32, #tpu.memory_space<vmem>>) target(%dma_start3A_228 : memref<6144xf32, #tpu.memory_space<vmem_shared>>) offsets(%dma_start3A_226 : memref<128xi32, #tpu.memory_space<vmem>>) semaphore(%arg24 : memref<!tpu.dma_semaphore, #tpu.memory_space<semaphore_mem>>)
    %dma_start3A_229 = arith.constant 4 : i32
    %dma_start3A_230 = arith.constant 4 : i32
    %dma_start3A_231 = arith.constant 0 : i32
    %dma_start3A_232 = tpu.memref_slice %arg16[%dma_start3A_229, %dma_start3A_231] : memref<18x128xf32, #tpu.memory_space<vmem>> -> memref<1x128xf32, #tpu.memory_space<vmem>>
    %dma_start3A_233 = tpu.memref_squeeze %dma_start3A_232 : memref<1x128xf32, #tpu.memory_space<vmem>> -> memref<128xf32, #tpu.memory_space<vmem>>
    %dma_start3A_234 = arith.constant 0 : i32
    %dma_start3A_235 = tpu.memref_slice %arg18[%dma_start3A_230, %dma_start3A_234] : memref<18x128xi32, #tpu.memory_space<vmem>> -> memref<1x128xi32, #tpu.memory_space<vmem>>
    %dma_start3A_236 = tpu.memref_squeeze %dma_start3A_235 : memref<1x128xi32, #tpu.memory_space<vmem>> -> memref<128xi32, #tpu.memory_space<vmem>>
    %dma_start3A_237 = arith.constant 0 : i32
    %dma_start3A_238 = tpu.memref_slice %arg22[%dma_start3A_237] : memref<6144xf32, #tpu.memory_space<vmem_shared>> -> memref<6144xf32, #tpu.memory_space<vmem_shared>>
    tpu.enqueue_indirect_dma source(%dma_start3A_233 : memref<128xf32, #tpu.memory_space<vmem>>) target(%dma_start3A_238 : memref<6144xf32, #tpu.memory_space<vmem_shared>>) offsets(%dma_start3A_236 : memref<128xi32, #tpu.memory_space<vmem>>) semaphore(%arg24 : memref<!tpu.dma_semaphore, #tpu.memory_space<semaphore_mem>>)
    %dma_start3A_239 = arith.constant 4 : i32
    %dma_start3A_240 = arith.constant 4 : i32
    %dma_start3A_241 = arith.constant 0 : i32
    %dma_start3A_242 = tpu.memref_slice %arg17[%dma_start3A_239, %dma_start3A_241] : memref<18x128xf32, #tpu.memory_space<vmem>> -> memref<1x128xf32, #tpu.memory_space<vmem>>
    %dma_start3A_243 = tpu.memref_squeeze %dma_start3A_242 : memref<1x128xf32, #tpu.memory_space<vmem>> -> memref<128xf32, #tpu.memory_space<vmem>>
    %dma_start3A_244 = arith.constant 0 : i32
    %dma_start3A_245 = tpu.memref_slice %arg18[%dma_start3A_240, %dma_start3A_244] : memref<18x128xi32, #tpu.memory_space<vmem>> -> memref<1x128xi32, #tpu.memory_space<vmem>>
    %dma_start3A_246 = tpu.memref_squeeze %dma_start3A_245 : memref<1x128xi32, #tpu.memory_space<vmem>> -> memref<128xi32, #tpu.memory_space<vmem>>
    %dma_start3A_247 = arith.constant 0 : i32
    %dma_start3A_248 = tpu.memref_slice %arg23[%dma_start3A_247] : memref<6144xf32, #tpu.memory_space<vmem_shared>> -> memref<6144xf32, #tpu.memory_space<vmem_shared>>
    tpu.enqueue_indirect_dma source(%dma_start3A_243 : memref<128xf32, #tpu.memory_space<vmem>>) target(%dma_start3A_248 : memref<6144xf32, #tpu.memory_space<vmem_shared>>) offsets(%dma_start3A_246 : memref<128xi32, #tpu.memory_space<vmem>>) semaphore(%arg24 : memref<!tpu.dma_semaphore, #tpu.memory_space<semaphore_mem>>)
    %dma_start3A_249 = arith.constant 5 : i32
    %dma_start3A_250 = arith.constant 5 : i32
    %dma_start3A_251 = arith.constant 0 : i32
    %dma_start3A_252 = tpu.memref_slice %arg13[%dma_start3A_249, %dma_start3A_251] : memref<18x128xf32, #tpu.memory_space<vmem>> -> memref<1x128xf32, #tpu.memory_space<vmem>>
    %dma_start3A_253 = tpu.memref_squeeze %dma_start3A_252 : memref<1x128xf32, #tpu.memory_space<vmem>> -> memref<128xf32, #tpu.memory_space<vmem>>
    %dma_start3A_254 = arith.constant 0 : i32
    %dma_start3A_255 = tpu.memref_slice %arg18[%dma_start3A_250, %dma_start3A_254] : memref<18x128xi32, #tpu.memory_space<vmem>> -> memref<1x128xi32, #tpu.memory_space<vmem>>
    %dma_start3A_256 = tpu.memref_squeeze %dma_start3A_255 : memref<1x128xi32, #tpu.memory_space<vmem>> -> memref<128xi32, #tpu.memory_space<vmem>>
    %dma_start3A_257 = arith.constant 0 : i32
    %dma_start3A_258 = tpu.memref_slice %arg19[%dma_start3A_257] : memref<6144xf32, #tpu.memory_space<vmem_shared>> -> memref<6144xf32, #tpu.memory_space<vmem_shared>>
    tpu.enqueue_indirect_dma source(%dma_start3A_253 : memref<128xf32, #tpu.memory_space<vmem>>) target(%dma_start3A_258 : memref<6144xf32, #tpu.memory_space<vmem_shared>>) offsets(%dma_start3A_256 : memref<128xi32, #tpu.memory_space<vmem>>) semaphore(%arg24 : memref<!tpu.dma_semaphore, #tpu.memory_space<semaphore_mem>>)
    %dma_start3A_259 = arith.constant 5 : i32
    %dma_start3A_260 = arith.constant 5 : i32
    %dma_start3A_261 = arith.constant 0 : i32
    %dma_start3A_262 = tpu.memref_slice %arg14[%dma_start3A_259, %dma_start3A_261] : memref<18x128xf32, #tpu.memory_space<vmem>> -> memref<1x128xf32, #tpu.memory_space<vmem>>
    %dma_start3A_263 = tpu.memref_squeeze %dma_start3A_262 : memref<1x128xf32, #tpu.memory_space<vmem>> -> memref<128xf32, #tpu.memory_space<vmem>>
    %dma_start3A_264 = arith.constant 0 : i32
    %dma_start3A_265 = tpu.memref_slice %arg18[%dma_start3A_260, %dma_start3A_264] : memref<18x128xi32, #tpu.memory_space<vmem>> -> memref<1x128xi32, #tpu.memory_space<vmem>>
    %dma_start3A_266 = tpu.memref_squeeze %dma_start3A_265 : memref<1x128xi32, #tpu.memory_space<vmem>> -> memref<128xi32, #tpu.memory_space<vmem>>
    %dma_start3A_267 = arith.constant 0 : i32
    %dma_start3A_268 = tpu.memref_slice %arg20[%dma_start3A_267] : memref<6144xf32, #tpu.memory_space<vmem_shared>> -> memref<6144xf32, #tpu.memory_space<vmem_shared>>
    tpu.enqueue_indirect_dma source(%dma_start3A_263 : memref<128xf32, #tpu.memory_space<vmem>>) target(%dma_start3A_268 : memref<6144xf32, #tpu.memory_space<vmem_shared>>) offsets(%dma_start3A_266 : memref<128xi32, #tpu.memory_space<vmem>>) semaphore(%arg24 : memref<!tpu.dma_semaphore, #tpu.memory_space<semaphore_mem>>)
    %dma_start3A_269 = arith.constant 5 : i32
    %dma_start3A_270 = arith.constant 5 : i32
    %dma_start3A_271 = arith.constant 0 : i32
    %dma_start3A_272 = tpu.memref_slice %arg15[%dma_start3A_269, %dma_start3A_271] : memref<18x128xf32, #tpu.memory_space<vmem>> -> memref<1x128xf32, #tpu.memory_space<vmem>>
    %dma_start3A_273 = tpu.memref_squeeze %dma_start3A_272 : memref<1x128xf32, #tpu.memory_space<vmem>> -> memref<128xf32, #tpu.memory_space<vmem>>
    %dma_start3A_274 = arith.constant 0 : i32
    %dma_start3A_275 = tpu.memref_slice %arg18[%dma_start3A_270, %dma_start3A_274] : memref<18x128xi32, #tpu.memory_space<vmem>> -> memref<1x128xi32, #tpu.memory_space<vmem>>
    %dma_start3A_276 = tpu.memref_squeeze %dma_start3A_275 : memref<1x128xi32, #tpu.memory_space<vmem>> -> memref<128xi32, #tpu.memory_space<vmem>>
    %dma_start3A_277 = arith.constant 0 : i32
    %dma_start3A_278 = tpu.memref_slice %arg21[%dma_start3A_277] : memref<6144xf32, #tpu.memory_space<vmem_shared>> -> memref<6144xf32, #tpu.memory_space<vmem_shared>>
    tpu.enqueue_indirect_dma source(%dma_start3A_273 : memref<128xf32, #tpu.memory_space<vmem>>) target(%dma_start3A_278 : memref<6144xf32, #tpu.memory_space<vmem_shared>>) offsets(%dma_start3A_276 : memref<128xi32, #tpu.memory_space<vmem>>) semaphore(%arg24 : memref<!tpu.dma_semaphore, #tpu.memory_space<semaphore_mem>>)
    %dma_start3A_279 = arith.constant 5 : i32
    %dma_start3A_280 = arith.constant 5 : i32
    %dma_start3A_281 = arith.constant 0 : i32
    %dma_start3A_282 = tpu.memref_slice %arg16[%dma_start3A_279, %dma_start3A_281] : memref<18x128xf32, #tpu.memory_space<vmem>> -> memref<1x128xf32, #tpu.memory_space<vmem>>
    %dma_start3A_283 = tpu.memref_squeeze %dma_start3A_282 : memref<1x128xf32, #tpu.memory_space<vmem>> -> memref<128xf32, #tpu.memory_space<vmem>>
    %dma_start3A_284 = arith.constant 0 : i32
    %dma_start3A_285 = tpu.memref_slice %arg18[%dma_start3A_280, %dma_start3A_284] : memref<18x128xi32, #tpu.memory_space<vmem>> -> memref<1x128xi32, #tpu.memory_space<vmem>>
    %dma_start3A_286 = tpu.memref_squeeze %dma_start3A_285 : memref<1x128xi32, #tpu.memory_space<vmem>> -> memref<128xi32, #tpu.memory_space<vmem>>
    %dma_start3A_287 = arith.constant 0 : i32
    %dma_start3A_288 = tpu.memref_slice %arg22[%dma_start3A_287] : memref<6144xf32, #tpu.memory_space<vmem_shared>> -> memref<6144xf32, #tpu.memory_space<vmem_shared>>
    tpu.enqueue_indirect_dma source(%dma_start3A_283 : memref<128xf32, #tpu.memory_space<vmem>>) target(%dma_start3A_288 : memref<6144xf32, #tpu.memory_space<vmem_shared>>) offsets(%dma_start3A_286 : memref<128xi32, #tpu.memory_space<vmem>>) semaphore(%arg24 : memref<!tpu.dma_semaphore, #tpu.memory_space<semaphore_mem>>)
    %dma_start3A_289 = arith.constant 5 : i32
    %dma_start3A_290 = arith.constant 5 : i32
    %dma_start3A_291 = arith.constant 0 : i32
    %dma_start3A_292 = tpu.memref_slice %arg17[%dma_start3A_289, %dma_start3A_291] : memref<18x128xf32, #tpu.memory_space<vmem>> -> memref<1x128xf32, #tpu.memory_space<vmem>>
    %dma_start3A_293 = tpu.memref_squeeze %dma_start3A_292 : memref<1x128xf32, #tpu.memory_space<vmem>> -> memref<128xf32, #tpu.memory_space<vmem>>
    %dma_start3A_294 = arith.constant 0 : i32
    %dma_start3A_295 = tpu.memref_slice %arg18[%dma_start3A_290, %dma_start3A_294] : memref<18x128xi32, #tpu.memory_space<vmem>> -> memref<1x128xi32, #tpu.memory_space<vmem>>
    %dma_start3A_296 = tpu.memref_squeeze %dma_start3A_295 : memref<1x128xi32, #tpu.memory_space<vmem>> -> memref<128xi32, #tpu.memory_space<vmem>>
    %dma_start3A_297 = arith.constant 0 : i32
    %dma_start3A_298 = tpu.memref_slice %arg23[%dma_start3A_297] : memref<6144xf32, #tpu.memory_space<vmem_shared>> -> memref<6144xf32, #tpu.memory_space<vmem_shared>>
    tpu.enqueue_indirect_dma source(%dma_start3A_293 : memref<128xf32, #tpu.memory_space<vmem>>) target(%dma_start3A_298 : memref<6144xf32, #tpu.memory_space<vmem_shared>>) offsets(%dma_start3A_296 : memref<128xi32, #tpu.memory_space<vmem>>) semaphore(%arg24 : memref<!tpu.dma_semaphore, #tpu.memory_space<semaphore_mem>>)
    %dma_start3A_299 = arith.constant 6 : i32
    %dma_start3A_300 = arith.constant 6 : i32
    %dma_start3A_301 = arith.constant 0 : i32
    %dma_start3A_302 = tpu.memref_slice %arg13[%dma_start3A_299, %dma_start3A_301] : memref<18x128xf32, #tpu.memory_space<vmem>> -> memref<1x128xf32, #tpu.memory_space<vmem>>
    %dma_start3A_303 = tpu.memref_squeeze %dma_start3A_302 : memref<1x128xf32, #tpu.memory_space<vmem>> -> memref<128xf32, #tpu.memory_space<vmem>>
    %dma_start3A_304 = arith.constant 0 : i32
    %dma_start3A_305 = tpu.memref_slice %arg18[%dma_start3A_300, %dma_start3A_304] : memref<18x128xi32, #tpu.memory_space<vmem>> -> memref<1x128xi32, #tpu.memory_space<vmem>>
    %dma_start3A_306 = tpu.memref_squeeze %dma_start3A_305 : memref<1x128xi32, #tpu.memory_space<vmem>> -> memref<128xi32, #tpu.memory_space<vmem>>
    %dma_start3A_307 = arith.constant 0 : i32
    %dma_start3A_308 = tpu.memref_slice %arg19[%dma_start3A_307] : memref<6144xf32, #tpu.memory_space<vmem_shared>> -> memref<6144xf32, #tpu.memory_space<vmem_shared>>
    tpu.enqueue_indirect_dma source(%dma_start3A_303 : memref<128xf32, #tpu.memory_space<vmem>>) target(%dma_start3A_308 : memref<6144xf32, #tpu.memory_space<vmem_shared>>) offsets(%dma_start3A_306 : memref<128xi32, #tpu.memory_space<vmem>>) semaphore(%arg24 : memref<!tpu.dma_semaphore, #tpu.memory_space<semaphore_mem>>)
    %dma_start3A_309 = arith.constant 6 : i32
    %dma_start3A_310 = arith.constant 6 : i32
    %dma_start3A_311 = arith.constant 0 : i32
    %dma_start3A_312 = tpu.memref_slice %arg14[%dma_start3A_309, %dma_start3A_311] : memref<18x128xf32, #tpu.memory_space<vmem>> -> memref<1x128xf32, #tpu.memory_space<vmem>>
    %dma_start3A_313 = tpu.memref_squeeze %dma_start3A_312 : memref<1x128xf32, #tpu.memory_space<vmem>> -> memref<128xf32, #tpu.memory_space<vmem>>
    %dma_start3A_314 = arith.constant 0 : i32
    %dma_start3A_315 = tpu.memref_slice %arg18[%dma_start3A_310, %dma_start3A_314] : memref<18x128xi32, #tpu.memory_space<vmem>> -> memref<1x128xi32, #tpu.memory_space<vmem>>
    %dma_start3A_316 = tpu.memref_squeeze %dma_start3A_315 : memref<1x128xi32, #tpu.memory_space<vmem>> -> memref<128xi32, #tpu.memory_space<vmem>>
    %dma_start3A_317 = arith.constant 0 : i32
    %dma_start3A_318 = tpu.memref_slice %arg20[%dma_start3A_317] : memref<6144xf32, #tpu.memory_space<vmem_shared>> -> memref<6144xf32, #tpu.memory_space<vmem_shared>>
    tpu.enqueue_indirect_dma source(%dma_start3A_313 : memref<128xf32, #tpu.memory_space<vmem>>) target(%dma_start3A_318 : memref<6144xf32, #tpu.memory_space<vmem_shared>>) offsets(%dma_start3A_316 : memref<128xi32, #tpu.memory_space<vmem>>) semaphore(%arg24 : memref<!tpu.dma_semaphore, #tpu.memory_space<semaphore_mem>>)
    %dma_start3A_319 = arith.constant 6 : i32
    %dma_start3A_320 = arith.constant 6 : i32
    %dma_start3A_321 = arith.constant 0 : i32
    %dma_start3A_322 = tpu.memref_slice %arg15[%dma_start3A_319, %dma_start3A_321] : memref<18x128xf32, #tpu.memory_space<vmem>> -> memref<1x128xf32, #tpu.memory_space<vmem>>
    %dma_start3A_323 = tpu.memref_squeeze %dma_start3A_322 : memref<1x128xf32, #tpu.memory_space<vmem>> -> memref<128xf32, #tpu.memory_space<vmem>>
    %dma_start3A_324 = arith.constant 0 : i32
    %dma_start3A_325 = tpu.memref_slice %arg18[%dma_start3A_320, %dma_start3A_324] : memref<18x128xi32, #tpu.memory_space<vmem>> -> memref<1x128xi32, #tpu.memory_space<vmem>>
    %dma_start3A_326 = tpu.memref_squeeze %dma_start3A_325 : memref<1x128xi32, #tpu.memory_space<vmem>> -> memref<128xi32, #tpu.memory_space<vmem>>
    %dma_start3A_327 = arith.constant 0 : i32
    %dma_start3A_328 = tpu.memref_slice %arg21[%dma_start3A_327] : memref<6144xf32, #tpu.memory_space<vmem_shared>> -> memref<6144xf32, #tpu.memory_space<vmem_shared>>
    tpu.enqueue_indirect_dma source(%dma_start3A_323 : memref<128xf32, #tpu.memory_space<vmem>>) target(%dma_start3A_328 : memref<6144xf32, #tpu.memory_space<vmem_shared>>) offsets(%dma_start3A_326 : memref<128xi32, #tpu.memory_space<vmem>>) semaphore(%arg24 : memref<!tpu.dma_semaphore, #tpu.memory_space<semaphore_mem>>)
    %dma_start3A_329 = arith.constant 6 : i32
    %dma_start3A_330 = arith.constant 6 : i32
    %dma_start3A_331 = arith.constant 0 : i32
    %dma_start3A_332 = tpu.memref_slice %arg16[%dma_start3A_329, %dma_start3A_331] : memref<18x128xf32, #tpu.memory_space<vmem>> -> memref<1x128xf32, #tpu.memory_space<vmem>>
    %dma_start3A_333 = tpu.memref_squeeze %dma_start3A_332 : memref<1x128xf32, #tpu.memory_space<vmem>> -> memref<128xf32, #tpu.memory_space<vmem>>
    %dma_start3A_334 = arith.constant 0 : i32
    %dma_start3A_335 = tpu.memref_slice %arg18[%dma_start3A_330, %dma_start3A_334] : memref<18x128xi32, #tpu.memory_space<vmem>> -> memref<1x128xi32, #tpu.memory_space<vmem>>
    %dma_start3A_336 = tpu.memref_squeeze %dma_start3A_335 : memref<1x128xi32, #tpu.memory_space<vmem>> -> memref<128xi32, #tpu.memory_space<vmem>>
    %dma_start3A_337 = arith.constant 0 : i32
    %dma_start3A_338 = tpu.memref_slice %arg22[%dma_start3A_337] : memref<6144xf32, #tpu.memory_space<vmem_shared>> -> memref<6144xf32, #tpu.memory_space<vmem_shared>>
    tpu.enqueue_indirect_dma source(%dma_start3A_333 : memref<128xf32, #tpu.memory_space<vmem>>) target(%dma_start3A_338 : memref<6144xf32, #tpu.memory_space<vmem_shared>>) offsets(%dma_start3A_336 : memref<128xi32, #tpu.memory_space<vmem>>) semaphore(%arg24 : memref<!tpu.dma_semaphore, #tpu.memory_space<semaphore_mem>>)
    %dma_start3A_339 = arith.constant 6 : i32
    %dma_start3A_340 = arith.constant 6 : i32
    %dma_start3A_341 = arith.constant 0 : i32
    %dma_start3A_342 = tpu.memref_slice %arg17[%dma_start3A_339, %dma_start3A_341] : memref<18x128xf32, #tpu.memory_space<vmem>> -> memref<1x128xf32, #tpu.memory_space<vmem>>
    %dma_start3A_343 = tpu.memref_squeeze %dma_start3A_342 : memref<1x128xf32, #tpu.memory_space<vmem>> -> memref<128xf32, #tpu.memory_space<vmem>>
    %dma_start3A_344 = arith.constant 0 : i32
    %dma_start3A_345 = tpu.memref_slice %arg18[%dma_start3A_340, %dma_start3A_344] : memref<18x128xi32, #tpu.memory_space<vmem>> -> memref<1x128xi32, #tpu.memory_space<vmem>>
    %dma_start3A_346 = tpu.memref_squeeze %dma_start3A_345 : memref<1x128xi32, #tpu.memory_space<vmem>> -> memref<128xi32, #tpu.memory_space<vmem>>
    %dma_start3A_347 = arith.constant 0 : i32
    %dma_start3A_348 = tpu.memref_slice %arg23[%dma_start3A_347] : memref<6144xf32, #tpu.memory_space<vmem_shared>> -> memref<6144xf32, #tpu.memory_space<vmem_shared>>
    tpu.enqueue_indirect_dma source(%dma_start3A_343 : memref<128xf32, #tpu.memory_space<vmem>>) target(%dma_start3A_348 : memref<6144xf32, #tpu.memory_space<vmem_shared>>) offsets(%dma_start3A_346 : memref<128xi32, #tpu.memory_space<vmem>>) semaphore(%arg24 : memref<!tpu.dma_semaphore, #tpu.memory_space<semaphore_mem>>)
    %dma_start3A_349 = arith.constant 7 : i32
    %dma_start3A_350 = arith.constant 7 : i32
    %dma_start3A_351 = arith.constant 0 : i32
    %dma_start3A_352 = tpu.memref_slice %arg13[%dma_start3A_349, %dma_start3A_351] : memref<18x128xf32, #tpu.memory_space<vmem>> -> memref<1x128xf32, #tpu.memory_space<vmem>>
    %dma_start3A_353 = tpu.memref_squeeze %dma_start3A_352 : memref<1x128xf32, #tpu.memory_space<vmem>> -> memref<128xf32, #tpu.memory_space<vmem>>
    %dma_start3A_354 = arith.constant 0 : i32
    %dma_start3A_355 = tpu.memref_slice %arg18[%dma_start3A_350, %dma_start3A_354] : memref<18x128xi32, #tpu.memory_space<vmem>> -> memref<1x128xi32, #tpu.memory_space<vmem>>
    %dma_start3A_356 = tpu.memref_squeeze %dma_start3A_355 : memref<1x128xi32, #tpu.memory_space<vmem>> -> memref<128xi32, #tpu.memory_space<vmem>>
    %dma_start3A_357 = arith.constant 0 : i32
    %dma_start3A_358 = tpu.memref_slice %arg19[%dma_start3A_357] : memref<6144xf32, #tpu.memory_space<vmem_shared>> -> memref<6144xf32, #tpu.memory_space<vmem_shared>>
    tpu.enqueue_indirect_dma source(%dma_start3A_353 : memref<128xf32, #tpu.memory_space<vmem>>) target(%dma_start3A_358 : memref<6144xf32, #tpu.memory_space<vmem_shared>>) offsets(%dma_start3A_356 : memref<128xi32, #tpu.memory_space<vmem>>) semaphore(%arg24 : memref<!tpu.dma_semaphore, #tpu.memory_space<semaphore_mem>>)
    %dma_start3A_359 = arith.constant 7 : i32
    %dma_start3A_360 = arith.constant 7 : i32
    %dma_start3A_361 = arith.constant 0 : i32
    %dma_start3A_362 = tpu.memref_slice %arg14[%dma_start3A_359, %dma_start3A_361] : memref<18x128xf32, #tpu.memory_space<vmem>> -> memref<1x128xf32, #tpu.memory_space<vmem>>
    %dma_start3A_363 = tpu.memref_squeeze %dma_start3A_362 : memref<1x128xf32, #tpu.memory_space<vmem>> -> memref<128xf32, #tpu.memory_space<vmem>>
    %dma_start3A_364 = arith.constant 0 : i32
    %dma_start3A_365 = tpu.memref_slice %arg18[%dma_start3A_360, %dma_start3A_364] : memref<18x128xi32, #tpu.memory_space<vmem>> -> memref<1x128xi32, #tpu.memory_space<vmem>>
    %dma_start3A_366 = tpu.memref_squeeze %dma_start3A_365 : memref<1x128xi32, #tpu.memory_space<vmem>> -> memref<128xi32, #tpu.memory_space<vmem>>
    %dma_start3A_367 = arith.constant 0 : i32
    %dma_start3A_368 = tpu.memref_slice %arg20[%dma_start3A_367] : memref<6144xf32, #tpu.memory_space<vmem_shared>> -> memref<6144xf32, #tpu.memory_space<vmem_shared>>
    tpu.enqueue_indirect_dma source(%dma_start3A_363 : memref<128xf32, #tpu.memory_space<vmem>>) target(%dma_start3A_368 : memref<6144xf32, #tpu.memory_space<vmem_shared>>) offsets(%dma_start3A_366 : memref<128xi32, #tpu.memory_space<vmem>>) semaphore(%arg24 : memref<!tpu.dma_semaphore, #tpu.memory_space<semaphore_mem>>)
    %dma_start3A_369 = arith.constant 7 : i32
    %dma_start3A_370 = arith.constant 7 : i32
    %dma_start3A_371 = arith.constant 0 : i32
    %dma_start3A_372 = tpu.memref_slice %arg15[%dma_start3A_369, %dma_start3A_371] : memref<18x128xf32, #tpu.memory_space<vmem>> -> memref<1x128xf32, #tpu.memory_space<vmem>>
    %dma_start3A_373 = tpu.memref_squeeze %dma_start3A_372 : memref<1x128xf32, #tpu.memory_space<vmem>> -> memref<128xf32, #tpu.memory_space<vmem>>
    %dma_start3A_374 = arith.constant 0 : i32
    %dma_start3A_375 = tpu.memref_slice %arg18[%dma_start3A_370, %dma_start3A_374] : memref<18x128xi32, #tpu.memory_space<vmem>> -> memref<1x128xi32, #tpu.memory_space<vmem>>
    %dma_start3A_376 = tpu.memref_squeeze %dma_start3A_375 : memref<1x128xi32, #tpu.memory_space<vmem>> -> memref<128xi32, #tpu.memory_space<vmem>>
    %dma_start3A_377 = arith.constant 0 : i32
    %dma_start3A_378 = tpu.memref_slice %arg21[%dma_start3A_377] : memref<6144xf32, #tpu.memory_space<vmem_shared>> -> memref<6144xf32, #tpu.memory_space<vmem_shared>>
    tpu.enqueue_indirect_dma source(%dma_start3A_373 : memref<128xf32, #tpu.memory_space<vmem>>) target(%dma_start3A_378 : memref<6144xf32, #tpu.memory_space<vmem_shared>>) offsets(%dma_start3A_376 : memref<128xi32, #tpu.memory_space<vmem>>) semaphore(%arg24 : memref<!tpu.dma_semaphore, #tpu.memory_space<semaphore_mem>>)
    %dma_start3A_379 = arith.constant 7 : i32
    %dma_start3A_380 = arith.constant 7 : i32
    %dma_start3A_381 = arith.constant 0 : i32
    %dma_start3A_382 = tpu.memref_slice %arg16[%dma_start3A_379, %dma_start3A_381] : memref<18x128xf32, #tpu.memory_space<vmem>> -> memref<1x128xf32, #tpu.memory_space<vmem>>
    %dma_start3A_383 = tpu.memref_squeeze %dma_start3A_382 : memref<1x128xf32, #tpu.memory_space<vmem>> -> memref<128xf32, #tpu.memory_space<vmem>>
    %dma_start3A_384 = arith.constant 0 : i32
    %dma_start3A_385 = tpu.memref_slice %arg18[%dma_start3A_380, %dma_start3A_384] : memref<18x128xi32, #tpu.memory_space<vmem>> -> memref<1x128xi32, #tpu.memory_space<vmem>>
    %dma_start3A_386 = tpu.memref_squeeze %dma_start3A_385 : memref<1x128xi32, #tpu.memory_space<vmem>> -> memref<128xi32, #tpu.memory_space<vmem>>
    %dma_start3A_387 = arith.constant 0 : i32
    %dma_start3A_388 = tpu.memref_slice %arg22[%dma_start3A_387] : memref<6144xf32, #tpu.memory_space<vmem_shared>> -> memref<6144xf32, #tpu.memory_space<vmem_shared>>
    tpu.enqueue_indirect_dma source(%dma_start3A_383 : memref<128xf32, #tpu.memory_space<vmem>>) target(%dma_start3A_388 : memref<6144xf32, #tpu.memory_space<vmem_shared>>) offsets(%dma_start3A_386 : memref<128xi32, #tpu.memory_space<vmem>>) semaphore(%arg24 : memref<!tpu.dma_semaphore, #tpu.memory_space<semaphore_mem>>)
    %dma_start3A_389 = arith.constant 7 : i32
    %dma_start3A_390 = arith.constant 7 : i32
    %dma_start3A_391 = arith.constant 0 : i32
    %dma_start3A_392 = tpu.memref_slice %arg17[%dma_start3A_389, %dma_start3A_391] : memref<18x128xf32, #tpu.memory_space<vmem>> -> memref<1x128xf32, #tpu.memory_space<vmem>>
    %dma_start3A_393 = tpu.memref_squeeze %dma_start3A_392 : memref<1x128xf32, #tpu.memory_space<vmem>> -> memref<128xf32, #tpu.memory_space<vmem>>
    %dma_start3A_394 = arith.constant 0 : i32
    %dma_start3A_395 = tpu.memref_slice %arg18[%dma_start3A_390, %dma_start3A_394] : memref<18x128xi32, #tpu.memory_space<vmem>> -> memref<1x128xi32, #tpu.memory_space<vmem>>
    %dma_start3A_396 = tpu.memref_squeeze %dma_start3A_395 : memref<1x128xi32, #tpu.memory_space<vmem>> -> memref<128xi32, #tpu.memory_space<vmem>>
    %dma_start3A_397 = arith.constant 0 : i32
    %dma_start3A_398 = tpu.memref_slice %arg23[%dma_start3A_397] : memref<6144xf32, #tpu.memory_space<vmem_shared>> -> memref<6144xf32, #tpu.memory_space<vmem_shared>>
    tpu.enqueue_indirect_dma source(%dma_start3A_393 : memref<128xf32, #tpu.memory_space<vmem>>) target(%dma_start3A_398 : memref<6144xf32, #tpu.memory_space<vmem_shared>>) offsets(%dma_start3A_396 : memref<128xi32, #tpu.memory_space<vmem>>) semaphore(%arg24 : memref<!tpu.dma_semaphore, #tpu.memory_space<semaphore_mem>>)
    %dma_start3A_399 = arith.constant 8 : i32
    %dma_start3A_400 = arith.constant 8 : i32
    %dma_start3A_401 = arith.constant 0 : i32
    %dma_start3A_402 = tpu.memref_slice %arg13[%dma_start3A_399, %dma_start3A_401] : memref<18x128xf32, #tpu.memory_space<vmem>> -> memref<1x128xf32, #tpu.memory_space<vmem>>
    %dma_start3A_403 = tpu.memref_squeeze %dma_start3A_402 : memref<1x128xf32, #tpu.memory_space<vmem>> -> memref<128xf32, #tpu.memory_space<vmem>>
    %dma_start3A_404 = arith.constant 0 : i32
    %dma_start3A_405 = tpu.memref_slice %arg18[%dma_start3A_400, %dma_start3A_404] : memref<18x128xi32, #tpu.memory_space<vmem>> -> memref<1x128xi32, #tpu.memory_space<vmem>>
    %dma_start3A_406 = tpu.memref_squeeze %dma_start3A_405 : memref<1x128xi32, #tpu.memory_space<vmem>> -> memref<128xi32, #tpu.memory_space<vmem>>
    %dma_start3A_407 = arith.constant 0 : i32
    %dma_start3A_408 = tpu.memref_slice %arg19[%dma_start3A_407] : memref<6144xf32, #tpu.memory_space<vmem_shared>> -> memref<6144xf32, #tpu.memory_space<vmem_shared>>
    tpu.enqueue_indirect_dma source(%dma_start3A_403 : memref<128xf32, #tpu.memory_space<vmem>>) target(%dma_start3A_408 : memref<6144xf32, #tpu.memory_space<vmem_shared>>) offsets(%dma_start3A_406 : memref<128xi32, #tpu.memory_space<vmem>>) semaphore(%arg24 : memref<!tpu.dma_semaphore, #tpu.memory_space<semaphore_mem>>)
    %dma_start3A_409 = arith.constant 8 : i32
    %dma_start3A_410 = arith.constant 8 : i32
    %dma_start3A_411 = arith.constant 0 : i32
    %dma_start3A_412 = tpu.memref_slice %arg14[%dma_start3A_409, %dma_start3A_411] : memref<18x128xf32, #tpu.memory_space<vmem>> -> memref<1x128xf32, #tpu.memory_space<vmem>>
    %dma_start3A_413 = tpu.memref_squeeze %dma_start3A_412 : memref<1x128xf32, #tpu.memory_space<vmem>> -> memref<128xf32, #tpu.memory_space<vmem>>
    %dma_start3A_414 = arith.constant 0 : i32
    %dma_start3A_415 = tpu.memref_slice %arg18[%dma_start3A_410, %dma_start3A_414] : memref<18x128xi32, #tpu.memory_space<vmem>> -> memref<1x128xi32, #tpu.memory_space<vmem>>
    %dma_start3A_416 = tpu.memref_squeeze %dma_start3A_415 : memref<1x128xi32, #tpu.memory_space<vmem>> -> memref<128xi32, #tpu.memory_space<vmem>>
    %dma_start3A_417 = arith.constant 0 : i32
    %dma_start3A_418 = tpu.memref_slice %arg20[%dma_start3A_417] : memref<6144xf32, #tpu.memory_space<vmem_shared>> -> memref<6144xf32, #tpu.memory_space<vmem_shared>>
    tpu.enqueue_indirect_dma source(%dma_start3A_413 : memref<128xf32, #tpu.memory_space<vmem>>) target(%dma_start3A_418 : memref<6144xf32, #tpu.memory_space<vmem_shared>>) offsets(%dma_start3A_416 : memref<128xi32, #tpu.memory_space<vmem>>) semaphore(%arg24 : memref<!tpu.dma_semaphore, #tpu.memory_space<semaphore_mem>>)
    %dma_start3A_419 = arith.constant 8 : i32
    %dma_start3A_420 = arith.constant 8 : i32
    %dma_start3A_421 = arith.constant 0 : i32
    %dma_start3A_422 = tpu.memref_slice %arg15[%dma_start3A_419, %dma_start3A_421] : memref<18x128xf32, #tpu.memory_space<vmem>> -> memref<1x128xf32, #tpu.memory_space<vmem>>
    %dma_start3A_423 = tpu.memref_squeeze %dma_start3A_422 : memref<1x128xf32, #tpu.memory_space<vmem>> -> memref<128xf32, #tpu.memory_space<vmem>>
    %dma_start3A_424 = arith.constant 0 : i32
    %dma_start3A_425 = tpu.memref_slice %arg18[%dma_start3A_420, %dma_start3A_424] : memref<18x128xi32, #tpu.memory_space<vmem>> -> memref<1x128xi32, #tpu.memory_space<vmem>>
    %dma_start3A_426 = tpu.memref_squeeze %dma_start3A_425 : memref<1x128xi32, #tpu.memory_space<vmem>> -> memref<128xi32, #tpu.memory_space<vmem>>
    %dma_start3A_427 = arith.constant 0 : i32
    %dma_start3A_428 = tpu.memref_slice %arg21[%dma_start3A_427] : memref<6144xf32, #tpu.memory_space<vmem_shared>> -> memref<6144xf32, #tpu.memory_space<vmem_shared>>
    tpu.enqueue_indirect_dma source(%dma_start3A_423 : memref<128xf32, #tpu.memory_space<vmem>>) target(%dma_start3A_428 : memref<6144xf32, #tpu.memory_space<vmem_shared>>) offsets(%dma_start3A_426 : memref<128xi32, #tpu.memory_space<vmem>>) semaphore(%arg24 : memref<!tpu.dma_semaphore, #tpu.memory_space<semaphore_mem>>)
    %dma_start3A_429 = arith.constant 8 : i32
    %dma_start3A_430 = arith.constant 8 : i32
    %dma_start3A_431 = arith.constant 0 : i32
    %dma_start3A_432 = tpu.memref_slice %arg16[%dma_start3A_429, %dma_start3A_431] : memref<18x128xf32, #tpu.memory_space<vmem>> -> memref<1x128xf32, #tpu.memory_space<vmem>>
    %dma_start3A_433 = tpu.memref_squeeze %dma_start3A_432 : memref<1x128xf32, #tpu.memory_space<vmem>> -> memref<128xf32, #tpu.memory_space<vmem>>
    %dma_start3A_434 = arith.constant 0 : i32
    %dma_start3A_435 = tpu.memref_slice %arg18[%dma_start3A_430, %dma_start3A_434] : memref<18x128xi32, #tpu.memory_space<vmem>> -> memref<1x128xi32, #tpu.memory_space<vmem>>
    %dma_start3A_436 = tpu.memref_squeeze %dma_start3A_435 : memref<1x128xi32, #tpu.memory_space<vmem>> -> memref<128xi32, #tpu.memory_space<vmem>>
    %dma_start3A_437 = arith.constant 0 : i32
    %dma_start3A_438 = tpu.memref_slice %arg22[%dma_start3A_437] : memref<6144xf32, #tpu.memory_space<vmem_shared>> -> memref<6144xf32, #tpu.memory_space<vmem_shared>>
    tpu.enqueue_indirect_dma source(%dma_start3A_433 : memref<128xf32, #tpu.memory_space<vmem>>) target(%dma_start3A_438 : memref<6144xf32, #tpu.memory_space<vmem_shared>>) offsets(%dma_start3A_436 : memref<128xi32, #tpu.memory_space<vmem>>) semaphore(%arg24 : memref<!tpu.dma_semaphore, #tpu.memory_space<semaphore_mem>>)
    %dma_start3A_439 = arith.constant 8 : i32
    %dma_start3A_440 = arith.constant 8 : i32
    %dma_start3A_441 = arith.constant 0 : i32
    %dma_start3A_442 = tpu.memref_slice %arg17[%dma_start3A_439, %dma_start3A_441] : memref<18x128xf32, #tpu.memory_space<vmem>> -> memref<1x128xf32, #tpu.memory_space<vmem>>
    %dma_start3A_443 = tpu.memref_squeeze %dma_start3A_442 : memref<1x128xf32, #tpu.memory_space<vmem>> -> memref<128xf32, #tpu.memory_space<vmem>>
    %dma_start3A_444 = arith.constant 0 : i32
    %dma_start3A_445 = tpu.memref_slice %arg18[%dma_start3A_440, %dma_start3A_444] : memref<18x128xi32, #tpu.memory_space<vmem>> -> memref<1x128xi32, #tpu.memory_space<vmem>>
    %dma_start3A_446 = tpu.memref_squeeze %dma_start3A_445 : memref<1x128xi32, #tpu.memory_space<vmem>> -> memref<128xi32, #tpu.memory_space<vmem>>
    %dma_start3A_447 = arith.constant 0 : i32
    %dma_start3A_448 = tpu.memref_slice %arg23[%dma_start3A_447] : memref<6144xf32, #tpu.memory_space<vmem_shared>> -> memref<6144xf32, #tpu.memory_space<vmem_shared>>
    tpu.enqueue_indirect_dma source(%dma_start3A_443 : memref<128xf32, #tpu.memory_space<vmem>>) target(%dma_start3A_448 : memref<6144xf32, #tpu.memory_space<vmem_shared>>) offsets(%dma_start3A_446 : memref<128xi32, #tpu.memory_space<vmem>>) semaphore(%arg24 : memref<!tpu.dma_semaphore, #tpu.memory_space<semaphore_mem>>)
    %dma_start3A_449 = arith.constant 9 : i32
    %dma_start3A_450 = arith.constant 9 : i32
    %dma_start3A_451 = arith.constant 0 : i32
    %dma_start3A_452 = tpu.memref_slice %arg13[%dma_start3A_449, %dma_start3A_451] : memref<18x128xf32, #tpu.memory_space<vmem>> -> memref<1x128xf32, #tpu.memory_space<vmem>>
    %dma_start3A_453 = tpu.memref_squeeze %dma_start3A_452 : memref<1x128xf32, #tpu.memory_space<vmem>> -> memref<128xf32, #tpu.memory_space<vmem>>
    %dma_start3A_454 = arith.constant 0 : i32
    %dma_start3A_455 = tpu.memref_slice %arg18[%dma_start3A_450, %dma_start3A_454] : memref<18x128xi32, #tpu.memory_space<vmem>> -> memref<1x128xi32, #tpu.memory_space<vmem>>
    %dma_start3A_456 = tpu.memref_squeeze %dma_start3A_455 : memref<1x128xi32, #tpu.memory_space<vmem>> -> memref<128xi32, #tpu.memory_space<vmem>>
    %dma_start3A_457 = arith.constant 0 : i32
    %dma_start3A_458 = tpu.memref_slice %arg19[%dma_start3A_457] : memref<6144xf32, #tpu.memory_space<vmem_shared>> -> memref<6144xf32, #tpu.memory_space<vmem_shared>>
    tpu.enqueue_indirect_dma source(%dma_start3A_453 : memref<128xf32, #tpu.memory_space<vmem>>) target(%dma_start3A_458 : memref<6144xf32, #tpu.memory_space<vmem_shared>>) offsets(%dma_start3A_456 : memref<128xi32, #tpu.memory_space<vmem>>) semaphore(%arg24 : memref<!tpu.dma_semaphore, #tpu.memory_space<semaphore_mem>>)
    %dma_start3A_459 = arith.constant 9 : i32
    %dma_start3A_460 = arith.constant 9 : i32
    %dma_start3A_461 = arith.constant 0 : i32
    %dma_start3A_462 = tpu.memref_slice %arg14[%dma_start3A_459, %dma_start3A_461] : memref<18x128xf32, #tpu.memory_space<vmem>> -> memref<1x128xf32, #tpu.memory_space<vmem>>
    %dma_start3A_463 = tpu.memref_squeeze %dma_start3A_462 : memref<1x128xf32, #tpu.memory_space<vmem>> -> memref<128xf32, #tpu.memory_space<vmem>>
    %dma_start3A_464 = arith.constant 0 : i32
    %dma_start3A_465 = tpu.memref_slice %arg18[%dma_start3A_460, %dma_start3A_464] : memref<18x128xi32, #tpu.memory_space<vmem>> -> memref<1x128xi32, #tpu.memory_space<vmem>>
    %dma_start3A_466 = tpu.memref_squeeze %dma_start3A_465 : memref<1x128xi32, #tpu.memory_space<vmem>> -> memref<128xi32, #tpu.memory_space<vmem>>
    %dma_start3A_467 = arith.constant 0 : i32
    %dma_start3A_468 = tpu.memref_slice %arg20[%dma_start3A_467] : memref<6144xf32, #tpu.memory_space<vmem_shared>> -> memref<6144xf32, #tpu.memory_space<vmem_shared>>
    tpu.enqueue_indirect_dma source(%dma_start3A_463 : memref<128xf32, #tpu.memory_space<vmem>>) target(%dma_start3A_468 : memref<6144xf32, #tpu.memory_space<vmem_shared>>) offsets(%dma_start3A_466 : memref<128xi32, #tpu.memory_space<vmem>>) semaphore(%arg24 : memref<!tpu.dma_semaphore, #tpu.memory_space<semaphore_mem>>)
    %dma_start3A_469 = arith.constant 9 : i32
    %dma_start3A_470 = arith.constant 9 : i32
    %dma_start3A_471 = arith.constant 0 : i32
    %dma_start3A_472 = tpu.memref_slice %arg15[%dma_start3A_469, %dma_start3A_471] : memref<18x128xf32, #tpu.memory_space<vmem>> -> memref<1x128xf32, #tpu.memory_space<vmem>>
    %dma_start3A_473 = tpu.memref_squeeze %dma_start3A_472 : memref<1x128xf32, #tpu.memory_space<vmem>> -> memref<128xf32, #tpu.memory_space<vmem>>
    %dma_start3A_474 = arith.constant 0 : i32
    %dma_start3A_475 = tpu.memref_slice %arg18[%dma_start3A_470, %dma_start3A_474] : memref<18x128xi32, #tpu.memory_space<vmem>> -> memref<1x128xi32, #tpu.memory_space<vmem>>
    %dma_start3A_476 = tpu.memref_squeeze %dma_start3A_475 : memref<1x128xi32, #tpu.memory_space<vmem>> -> memref<128xi32, #tpu.memory_space<vmem>>
    %dma_start3A_477 = arith.constant 0 : i32
    %dma_start3A_478 = tpu.memref_slice %arg21[%dma_start3A_477] : memref<6144xf32, #tpu.memory_space<vmem_shared>> -> memref<6144xf32, #tpu.memory_space<vmem_shared>>
    tpu.enqueue_indirect_dma source(%dma_start3A_473 : memref<128xf32, #tpu.memory_space<vmem>>) target(%dma_start3A_478 : memref<6144xf32, #tpu.memory_space<vmem_shared>>) offsets(%dma_start3A_476 : memref<128xi32, #tpu.memory_space<vmem>>) semaphore(%arg24 : memref<!tpu.dma_semaphore, #tpu.memory_space<semaphore_mem>>)
    %dma_start3A_479 = arith.constant 9 : i32
    %dma_start3A_480 = arith.constant 9 : i32
    %dma_start3A_481 = arith.constant 0 : i32
    %dma_start3A_482 = tpu.memref_slice %arg16[%dma_start3A_479, %dma_start3A_481] : memref<18x128xf32, #tpu.memory_space<vmem>> -> memref<1x128xf32, #tpu.memory_space<vmem>>
    %dma_start3A_483 = tpu.memref_squeeze %dma_start3A_482 : memref<1x128xf32, #tpu.memory_space<vmem>> -> memref<128xf32, #tpu.memory_space<vmem>>
    %dma_start3A_484 = arith.constant 0 : i32
    %dma_start3A_485 = tpu.memref_slice %arg18[%dma_start3A_480, %dma_start3A_484] : memref<18x128xi32, #tpu.memory_space<vmem>> -> memref<1x128xi32, #tpu.memory_space<vmem>>
    %dma_start3A_486 = tpu.memref_squeeze %dma_start3A_485 : memref<1x128xi32, #tpu.memory_space<vmem>> -> memref<128xi32, #tpu.memory_space<vmem>>
    %dma_start3A_487 = arith.constant 0 : i32
    %dma_start3A_488 = tpu.memref_slice %arg22[%dma_start3A_487] : memref<6144xf32, #tpu.memory_space<vmem_shared>> -> memref<6144xf32, #tpu.memory_space<vmem_shared>>
    tpu.enqueue_indirect_dma source(%dma_start3A_483 : memref<128xf32, #tpu.memory_space<vmem>>) target(%dma_start3A_488 : memref<6144xf32, #tpu.memory_space<vmem_shared>>) offsets(%dma_start3A_486 : memref<128xi32, #tpu.memory_space<vmem>>) semaphore(%arg24 : memref<!tpu.dma_semaphore, #tpu.memory_space<semaphore_mem>>)
    %dma_start3A_489 = arith.constant 9 : i32
    %dma_start3A_490 = arith.constant 9 : i32
    %dma_start3A_491 = arith.constant 0 : i32
    %dma_start3A_492 = tpu.memref_slice %arg17[%dma_start3A_489, %dma_start3A_491] : memref<18x128xf32, #tpu.memory_space<vmem>> -> memref<1x128xf32, #tpu.memory_space<vmem>>
    %dma_start3A_493 = tpu.memref_squeeze %dma_start3A_492 : memref<1x128xf32, #tpu.memory_space<vmem>> -> memref<128xf32, #tpu.memory_space<vmem>>
    %dma_start3A_494 = arith.constant 0 : i32
    %dma_start3A_495 = tpu.memref_slice %arg18[%dma_start3A_490, %dma_start3A_494] : memref<18x128xi32, #tpu.memory_space<vmem>> -> memref<1x128xi32, #tpu.memory_space<vmem>>
    %dma_start3A_496 = tpu.memref_squeeze %dma_start3A_495 : memref<1x128xi32, #tpu.memory_space<vmem>> -> memref<128xi32, #tpu.memory_space<vmem>>
    %dma_start3A_497 = arith.constant 0 : i32
    %dma_start3A_498 = tpu.memref_slice %arg23[%dma_start3A_497] : memref<6144xf32, #tpu.memory_space<vmem_shared>> -> memref<6144xf32, #tpu.memory_space<vmem_shared>>
    tpu.enqueue_indirect_dma source(%dma_start3A_493 : memref<128xf32, #tpu.memory_space<vmem>>) target(%dma_start3A_498 : memref<6144xf32, #tpu.memory_space<vmem_shared>>) offsets(%dma_start3A_496 : memref<128xi32, #tpu.memory_space<vmem>>) semaphore(%arg24 : memref<!tpu.dma_semaphore, #tpu.memory_space<semaphore_mem>>)
    %dma_start3A_499 = arith.constant 10 : i32
    %dma_start3A_500 = arith.constant 10 : i32
    %dma_start3A_501 = arith.constant 0 : i32
    %dma_start3A_502 = tpu.memref_slice %arg13[%dma_start3A_499, %dma_start3A_501] : memref<18x128xf32, #tpu.memory_space<vmem>> -> memref<1x128xf32, #tpu.memory_space<vmem>>
    %dma_start3A_503 = tpu.memref_squeeze %dma_start3A_502 : memref<1x128xf32, #tpu.memory_space<vmem>> -> memref<128xf32, #tpu.memory_space<vmem>>
    %dma_start3A_504 = arith.constant 0 : i32
    %dma_start3A_505 = tpu.memref_slice %arg18[%dma_start3A_500, %dma_start3A_504] : memref<18x128xi32, #tpu.memory_space<vmem>> -> memref<1x128xi32, #tpu.memory_space<vmem>>
    %dma_start3A_506 = tpu.memref_squeeze %dma_start3A_505 : memref<1x128xi32, #tpu.memory_space<vmem>> -> memref<128xi32, #tpu.memory_space<vmem>>
    %dma_start3A_507 = arith.constant 0 : i32
    %dma_start3A_508 = tpu.memref_slice %arg19[%dma_start3A_507] : memref<6144xf32, #tpu.memory_space<vmem_shared>> -> memref<6144xf32, #tpu.memory_space<vmem_shared>>
    tpu.enqueue_indirect_dma source(%dma_start3A_503 : memref<128xf32, #tpu.memory_space<vmem>>) target(%dma_start3A_508 : memref<6144xf32, #tpu.memory_space<vmem_shared>>) offsets(%dma_start3A_506 : memref<128xi32, #tpu.memory_space<vmem>>) semaphore(%arg24 : memref<!tpu.dma_semaphore, #tpu.memory_space<semaphore_mem>>)
    %dma_start3A_509 = arith.constant 10 : i32
    %dma_start3A_510 = arith.constant 10 : i32
    %dma_start3A_511 = arith.constant 0 : i32
    %dma_start3A_512 = tpu.memref_slice %arg14[%dma_start3A_509, %dma_start3A_511] : memref<18x128xf32, #tpu.memory_space<vmem>> -> memref<1x128xf32, #tpu.memory_space<vmem>>
    %dma_start3A_513 = tpu.memref_squeeze %dma_start3A_512 : memref<1x128xf32, #tpu.memory_space<vmem>> -> memref<128xf32, #tpu.memory_space<vmem>>
    %dma_start3A_514 = arith.constant 0 : i32
    %dma_start3A_515 = tpu.memref_slice %arg18[%dma_start3A_510, %dma_start3A_514] : memref<18x128xi32, #tpu.memory_space<vmem>> -> memref<1x128xi32, #tpu.memory_space<vmem>>
    %dma_start3A_516 = tpu.memref_squeeze %dma_start3A_515 : memref<1x128xi32, #tpu.memory_space<vmem>> -> memref<128xi32, #tpu.memory_space<vmem>>
    %dma_start3A_517 = arith.constant 0 : i32
    %dma_start3A_518 = tpu.memref_slice %arg20[%dma_start3A_517] : memref<6144xf32, #tpu.memory_space<vmem_shared>> -> memref<6144xf32, #tpu.memory_space<vmem_shared>>
    tpu.enqueue_indirect_dma source(%dma_start3A_513 : memref<128xf32, #tpu.memory_space<vmem>>) target(%dma_start3A_518 : memref<6144xf32, #tpu.memory_space<vmem_shared>>) offsets(%dma_start3A_516 : memref<128xi32, #tpu.memory_space<vmem>>) semaphore(%arg24 : memref<!tpu.dma_semaphore, #tpu.memory_space<semaphore_mem>>)
    %dma_start3A_519 = arith.constant 10 : i32
    %dma_start3A_520 = arith.constant 10 : i32
    %dma_start3A_521 = arith.constant 0 : i32
    %dma_start3A_522 = tpu.memref_slice %arg15[%dma_start3A_519, %dma_start3A_521] : memref<18x128xf32, #tpu.memory_space<vmem>> -> memref<1x128xf32, #tpu.memory_space<vmem>>
    %dma_start3A_523 = tpu.memref_squeeze %dma_start3A_522 : memref<1x128xf32, #tpu.memory_space<vmem>> -> memref<128xf32, #tpu.memory_space<vmem>>
    %dma_start3A_524 = arith.constant 0 : i32
    %dma_start3A_525 = tpu.memref_slice %arg18[%dma_start3A_520, %dma_start3A_524] : memref<18x128xi32, #tpu.memory_space<vmem>> -> memref<1x128xi32, #tpu.memory_space<vmem>>
    %dma_start3A_526 = tpu.memref_squeeze %dma_start3A_525 : memref<1x128xi32, #tpu.memory_space<vmem>> -> memref<128xi32, #tpu.memory_space<vmem>>
    %dma_start3A_527 = arith.constant 0 : i32
    %dma_start3A_528 = tpu.memref_slice %arg21[%dma_start3A_527] : memref<6144xf32, #tpu.memory_space<vmem_shared>> -> memref<6144xf32, #tpu.memory_space<vmem_shared>>
    tpu.enqueue_indirect_dma source(%dma_start3A_523 : memref<128xf32, #tpu.memory_space<vmem>>) target(%dma_start3A_528 : memref<6144xf32, #tpu.memory_space<vmem_shared>>) offsets(%dma_start3A_526 : memref<128xi32, #tpu.memory_space<vmem>>) semaphore(%arg24 : memref<!tpu.dma_semaphore, #tpu.memory_space<semaphore_mem>>)
    %dma_start3A_529 = arith.constant 10 : i32
    %dma_start3A_530 = arith.constant 10 : i32
    %dma_start3A_531 = arith.constant 0 : i32
    %dma_start3A_532 = tpu.memref_slice %arg16[%dma_start3A_529, %dma_start3A_531] : memref<18x128xf32, #tpu.memory_space<vmem>> -> memref<1x128xf32, #tpu.memory_space<vmem>>
    %dma_start3A_533 = tpu.memref_squeeze %dma_start3A_532 : memref<1x128xf32, #tpu.memory_space<vmem>> -> memref<128xf32, #tpu.memory_space<vmem>>
    %dma_start3A_534 = arith.constant 0 : i32
    %dma_start3A_535 = tpu.memref_slice %arg18[%dma_start3A_530, %dma_start3A_534] : memref<18x128xi32, #tpu.memory_space<vmem>> -> memref<1x128xi32, #tpu.memory_space<vmem>>
    %dma_start3A_536 = tpu.memref_squeeze %dma_start3A_535 : memref<1x128xi32, #tpu.memory_space<vmem>> -> memref<128xi32, #tpu.memory_space<vmem>>
    %dma_start3A_537 = arith.constant 0 : i32
    %dma_start3A_538 = tpu.memref_slice %arg22[%dma_start3A_537] : memref<6144xf32, #tpu.memory_space<vmem_shared>> -> memref<6144xf32, #tpu.memory_space<vmem_shared>>
    tpu.enqueue_indirect_dma source(%dma_start3A_533 : memref<128xf32, #tpu.memory_space<vmem>>) target(%dma_start3A_538 : memref<6144xf32, #tpu.memory_space<vmem_shared>>) offsets(%dma_start3A_536 : memref<128xi32, #tpu.memory_space<vmem>>) semaphore(%arg24 : memref<!tpu.dma_semaphore, #tpu.memory_space<semaphore_mem>>)
    %dma_start3A_539 = arith.constant 10 : i32
    %dma_start3A_540 = arith.constant 10 : i32
    %dma_start3A_541 = arith.constant 0 : i32
    %dma_start3A_542 = tpu.memref_slice %arg17[%dma_start3A_539, %dma_start3A_541] : memref<18x128xf32, #tpu.memory_space<vmem>> -> memref<1x128xf32, #tpu.memory_space<vmem>>
    %dma_start3A_543 = tpu.memref_squeeze %dma_start3A_542 : memref<1x128xf32, #tpu.memory_space<vmem>> -> memref<128xf32, #tpu.memory_space<vmem>>
    %dma_start3A_544 = arith.constant 0 : i32
    %dma_start3A_545 = tpu.memref_slice %arg18[%dma_start3A_540, %dma_start3A_544] : memref<18x128xi32, #tpu.memory_space<vmem>> -> memref<1x128xi32, #tpu.memory_space<vmem>>
    %dma_start3A_546 = tpu.memref_squeeze %dma_start3A_545 : memref<1x128xi32, #tpu.memory_space<vmem>> -> memref<128xi32, #tpu.memory_space<vmem>>
    %dma_start3A_547 = arith.constant 0 : i32
    %dma_start3A_548 = tpu.memref_slice %arg23[%dma_start3A_547] : memref<6144xf32, #tpu.memory_space<vmem_shared>> -> memref<6144xf32, #tpu.memory_space<vmem_shared>>
    tpu.enqueue_indirect_dma source(%dma_start3A_543 : memref<128xf32, #tpu.memory_space<vmem>>) target(%dma_start3A_548 : memref<6144xf32, #tpu.memory_space<vmem_shared>>) offsets(%dma_start3A_546 : memref<128xi32, #tpu.memory_space<vmem>>) semaphore(%arg24 : memref<!tpu.dma_semaphore, #tpu.memory_space<semaphore_mem>>)
    %dma_start3A_549 = arith.constant 11 : i32
    %dma_start3A_550 = arith.constant 11 : i32
    %dma_start3A_551 = arith.constant 0 : i32
    %dma_start3A_552 = tpu.memref_slice %arg13[%dma_start3A_549, %dma_start3A_551] : memref<18x128xf32, #tpu.memory_space<vmem>> -> memref<1x128xf32, #tpu.memory_space<vmem>>
    %dma_start3A_553 = tpu.memref_squeeze %dma_start3A_552 : memref<1x128xf32, #tpu.memory_space<vmem>> -> memref<128xf32, #tpu.memory_space<vmem>>
    %dma_start3A_554 = arith.constant 0 : i32
    %dma_start3A_555 = tpu.memref_slice %arg18[%dma_start3A_550, %dma_start3A_554] : memref<18x128xi32, #tpu.memory_space<vmem>> -> memref<1x128xi32, #tpu.memory_space<vmem>>
    %dma_start3A_556 = tpu.memref_squeeze %dma_start3A_555 : memref<1x128xi32, #tpu.memory_space<vmem>> -> memref<128xi32, #tpu.memory_space<vmem>>
    %dma_start3A_557 = arith.constant 0 : i32
    %dma_start3A_558 = tpu.memref_slice %arg19[%dma_start3A_557] : memref<6144xf32, #tpu.memory_space<vmem_shared>> -> memref<6144xf32, #tpu.memory_space<vmem_shared>>
    tpu.enqueue_indirect_dma source(%dma_start3A_553 : memref<128xf32, #tpu.memory_space<vmem>>) target(%dma_start3A_558 : memref<6144xf32, #tpu.memory_space<vmem_shared>>) offsets(%dma_start3A_556 : memref<128xi32, #tpu.memory_space<vmem>>) semaphore(%arg24 : memref<!tpu.dma_semaphore, #tpu.memory_space<semaphore_mem>>)
    %dma_start3A_559 = arith.constant 11 : i32
    %dma_start3A_560 = arith.constant 11 : i32
    %dma_start3A_561 = arith.constant 0 : i32
    %dma_start3A_562 = tpu.memref_slice %arg14[%dma_start3A_559, %dma_start3A_561] : memref<18x128xf32, #tpu.memory_space<vmem>> -> memref<1x128xf32, #tpu.memory_space<vmem>>
    %dma_start3A_563 = tpu.memref_squeeze %dma_start3A_562 : memref<1x128xf32, #tpu.memory_space<vmem>> -> memref<128xf32, #tpu.memory_space<vmem>>
    %dma_start3A_564 = arith.constant 0 : i32
    %dma_start3A_565 = tpu.memref_slice %arg18[%dma_start3A_560, %dma_start3A_564] : memref<18x128xi32, #tpu.memory_space<vmem>> -> memref<1x128xi32, #tpu.memory_space<vmem>>
    %dma_start3A_566 = tpu.memref_squeeze %dma_start3A_565 : memref<1x128xi32, #tpu.memory_space<vmem>> -> memref<128xi32, #tpu.memory_space<vmem>>
    %dma_start3A_567 = arith.constant 0 : i32
    %dma_start3A_568 = tpu.memref_slice %arg20[%dma_start3A_567] : memref<6144xf32, #tpu.memory_space<vmem_shared>> -> memref<6144xf32, #tpu.memory_space<vmem_shared>>
    tpu.enqueue_indirect_dma source(%dma_start3A_563 : memref<128xf32, #tpu.memory_space<vmem>>) target(%dma_start3A_568 : memref<6144xf32, #tpu.memory_space<vmem_shared>>) offsets(%dma_start3A_566 : memref<128xi32, #tpu.memory_space<vmem>>) semaphore(%arg24 : memref<!tpu.dma_semaphore, #tpu.memory_space<semaphore_mem>>)
    %dma_start3A_569 = arith.constant 11 : i32
    %dma_start3A_570 = arith.constant 11 : i32
    %dma_start3A_571 = arith.constant 0 : i32
    %dma_start3A_572 = tpu.memref_slice %arg15[%dma_start3A_569, %dma_start3A_571] : memref<18x128xf32, #tpu.memory_space<vmem>> -> memref<1x128xf32, #tpu.memory_space<vmem>>
    %dma_start3A_573 = tpu.memref_squeeze %dma_start3A_572 : memref<1x128xf32, #tpu.memory_space<vmem>> -> memref<128xf32, #tpu.memory_space<vmem>>
    %dma_start3A_574 = arith.constant 0 : i32
    %dma_start3A_575 = tpu.memref_slice %arg18[%dma_start3A_570, %dma_start3A_574] : memref<18x128xi32, #tpu.memory_space<vmem>> -> memref<1x128xi32, #tpu.memory_space<vmem>>
    %dma_start3A_576 = tpu.memref_squeeze %dma_start3A_575 : memref<1x128xi32, #tpu.memory_space<vmem>> -> memref<128xi32, #tpu.memory_space<vmem>>
    %dma_start3A_577 = arith.constant 0 : i32
    %dma_start3A_578 = tpu.memref_slice %arg21[%dma_start3A_577] : memref<6144xf32, #tpu.memory_space<vmem_shared>> -> memref<6144xf32, #tpu.memory_space<vmem_shared>>
    tpu.enqueue_indirect_dma source(%dma_start3A_573 : memref<128xf32, #tpu.memory_space<vmem>>) target(%dma_start3A_578 : memref<6144xf32, #tpu.memory_space<vmem_shared>>) offsets(%dma_start3A_576 : memref<128xi32, #tpu.memory_space<vmem>>) semaphore(%arg24 : memref<!tpu.dma_semaphore, #tpu.memory_space<semaphore_mem>>)
    %dma_start3A_579 = arith.constant 11 : i32
    %dma_start3A_580 = arith.constant 11 : i32
    %dma_start3A_581 = arith.constant 0 : i32
    %dma_start3A_582 = tpu.memref_slice %arg16[%dma_start3A_579, %dma_start3A_581] : memref<18x128xf32, #tpu.memory_space<vmem>> -> memref<1x128xf32, #tpu.memory_space<vmem>>
    %dma_start3A_583 = tpu.memref_squeeze %dma_start3A_582 : memref<1x128xf32, #tpu.memory_space<vmem>> -> memref<128xf32, #tpu.memory_space<vmem>>
    %dma_start3A_584 = arith.constant 0 : i32
    %dma_start3A_585 = tpu.memref_slice %arg18[%dma_start3A_580, %dma_start3A_584] : memref<18x128xi32, #tpu.memory_space<vmem>> -> memref<1x128xi32, #tpu.memory_space<vmem>>
    %dma_start3A_586 = tpu.memref_squeeze %dma_start3A_585 : memref<1x128xi32, #tpu.memory_space<vmem>> -> memref<128xi32, #tpu.memory_space<vmem>>
    %dma_start3A_587 = arith.constant 0 : i32
    %dma_start3A_588 = tpu.memref_slice %arg22[%dma_start3A_587] : memref<6144xf32, #tpu.memory_space<vmem_shared>> -> memref<6144xf32, #tpu.memory_space<vmem_shared>>
    tpu.enqueue_indirect_dma source(%dma_start3A_583 : memref<128xf32, #tpu.memory_space<vmem>>) target(%dma_start3A_588 : memref<6144xf32, #tpu.memory_space<vmem_shared>>) offsets(%dma_start3A_586 : memref<128xi32, #tpu.memory_space<vmem>>) semaphore(%arg24 : memref<!tpu.dma_semaphore, #tpu.memory_space<semaphore_mem>>)
    %dma_start3A_589 = arith.constant 11 : i32
    %dma_start3A_590 = arith.constant 11 : i32
    %dma_start3A_591 = arith.constant 0 : i32
    %dma_start3A_592 = tpu.memref_slice %arg17[%dma_start3A_589, %dma_start3A_591] : memref<18x128xf32, #tpu.memory_space<vmem>> -> memref<1x128xf32, #tpu.memory_space<vmem>>
    %dma_start3A_593 = tpu.memref_squeeze %dma_start3A_592 : memref<1x128xf32, #tpu.memory_space<vmem>> -> memref<128xf32, #tpu.memory_space<vmem>>
    %dma_start3A_594 = arith.constant 0 : i32
    %dma_start3A_595 = tpu.memref_slice %arg18[%dma_start3A_590, %dma_start3A_594] : memref<18x128xi32, #tpu.memory_space<vmem>> -> memref<1x128xi32, #tpu.memory_space<vmem>>
    %dma_start3A_596 = tpu.memref_squeeze %dma_start3A_595 : memref<1x128xi32, #tpu.memory_space<vmem>> -> memref<128xi32, #tpu.memory_space<vmem>>
    %dma_start3A_597 = arith.constant 0 : i32
    %dma_start3A_598 = tpu.memref_slice %arg23[%dma_start3A_597] : memref<6144xf32, #tpu.memory_space<vmem_shared>> -> memref<6144xf32, #tpu.memory_space<vmem_shared>>
    tpu.enqueue_indirect_dma source(%dma_start3A_593 : memref<128xf32, #tpu.memory_space<vmem>>) target(%dma_start3A_598 : memref<6144xf32, #tpu.memory_space<vmem_shared>>) offsets(%dma_start3A_596 : memref<128xi32, #tpu.memory_space<vmem>>) semaphore(%arg24 : memref<!tpu.dma_semaphore, #tpu.memory_space<semaphore_mem>>)
    %dma_start3A_599 = arith.constant 12 : i32
    %dma_start3A_600 = arith.constant 12 : i32
    %dma_start3A_601 = arith.constant 0 : i32
    %dma_start3A_602 = tpu.memref_slice %arg13[%dma_start3A_599, %dma_start3A_601] : memref<18x128xf32, #tpu.memory_space<vmem>> -> memref<1x128xf32, #tpu.memory_space<vmem>>
    %dma_start3A_603 = tpu.memref_squeeze %dma_start3A_602 : memref<1x128xf32, #tpu.memory_space<vmem>> -> memref<128xf32, #tpu.memory_space<vmem>>
    %dma_start3A_604 = arith.constant 0 : i32
    %dma_start3A_605 = tpu.memref_slice %arg18[%dma_start3A_600, %dma_start3A_604] : memref<18x128xi32, #tpu.memory_space<vmem>> -> memref<1x128xi32, #tpu.memory_space<vmem>>
    %dma_start3A_606 = tpu.memref_squeeze %dma_start3A_605 : memref<1x128xi32, #tpu.memory_space<vmem>> -> memref<128xi32, #tpu.memory_space<vmem>>
    %dma_start3A_607 = arith.constant 0 : i32
    %dma_start3A_608 = tpu.memref_slice %arg19[%dma_start3A_607] : memref<6144xf32, #tpu.memory_space<vmem_shared>> -> memref<6144xf32, #tpu.memory_space<vmem_shared>>
    tpu.enqueue_indirect_dma source(%dma_start3A_603 : memref<128xf32, #tpu.memory_space<vmem>>) target(%dma_start3A_608 : memref<6144xf32, #tpu.memory_space<vmem_shared>>) offsets(%dma_start3A_606 : memref<128xi32, #tpu.memory_space<vmem>>) semaphore(%arg24 : memref<!tpu.dma_semaphore, #tpu.memory_space<semaphore_mem>>)
    %dma_start3A_609 = arith.constant 12 : i32
    %dma_start3A_610 = arith.constant 12 : i32
    %dma_start3A_611 = arith.constant 0 : i32
    %dma_start3A_612 = tpu.memref_slice %arg14[%dma_start3A_609, %dma_start3A_611] : memref<18x128xf32, #tpu.memory_space<vmem>> -> memref<1x128xf32, #tpu.memory_space<vmem>>
    %dma_start3A_613 = tpu.memref_squeeze %dma_start3A_612 : memref<1x128xf32, #tpu.memory_space<vmem>> -> memref<128xf32, #tpu.memory_space<vmem>>
    %dma_start3A_614 = arith.constant 0 : i32
    %dma_start3A_615 = tpu.memref_slice %arg18[%dma_start3A_610, %dma_start3A_614] : memref<18x128xi32, #tpu.memory_space<vmem>> -> memref<1x128xi32, #tpu.memory_space<vmem>>
    %dma_start3A_616 = tpu.memref_squeeze %dma_start3A_615 : memref<1x128xi32, #tpu.memory_space<vmem>> -> memref<128xi32, #tpu.memory_space<vmem>>
    %dma_start3A_617 = arith.constant 0 : i32
    %dma_start3A_618 = tpu.memref_slice %arg20[%dma_start3A_617] : memref<6144xf32, #tpu.memory_space<vmem_shared>> -> memref<6144xf32, #tpu.memory_space<vmem_shared>>
    tpu.enqueue_indirect_dma source(%dma_start3A_613 : memref<128xf32, #tpu.memory_space<vmem>>) target(%dma_start3A_618 : memref<6144xf32, #tpu.memory_space<vmem_shared>>) offsets(%dma_start3A_616 : memref<128xi32, #tpu.memory_space<vmem>>) semaphore(%arg24 : memref<!tpu.dma_semaphore, #tpu.memory_space<semaphore_mem>>)
    %dma_start3A_619 = arith.constant 12 : i32
    %dma_start3A_620 = arith.constant 12 : i32
    %dma_start3A_621 = arith.constant 0 : i32
    %dma_start3A_622 = tpu.memref_slice %arg15[%dma_start3A_619, %dma_start3A_621] : memref<18x128xf32, #tpu.memory_space<vmem>> -> memref<1x128xf32, #tpu.memory_space<vmem>>
    %dma_start3A_623 = tpu.memref_squeeze %dma_start3A_622 : memref<1x128xf32, #tpu.memory_space<vmem>> -> memref<128xf32, #tpu.memory_space<vmem>>
    %dma_start3A_624 = arith.constant 0 : i32
    %dma_start3A_625 = tpu.memref_slice %arg18[%dma_start3A_620, %dma_start3A_624] : memref<18x128xi32, #tpu.memory_space<vmem>> -> memref<1x128xi32, #tpu.memory_space<vmem>>
    %dma_start3A_626 = tpu.memref_squeeze %dma_start3A_625 : memref<1x128xi32, #tpu.memory_space<vmem>> -> memref<128xi32, #tpu.memory_space<vmem>>
    %dma_start3A_627 = arith.constant 0 : i32
    %dma_start3A_628 = tpu.memref_slice %arg21[%dma_start3A_627] : memref<6144xf32, #tpu.memory_space<vmem_shared>> -> memref<6144xf32, #tpu.memory_space<vmem_shared>>
    tpu.enqueue_indirect_dma source(%dma_start3A_623 : memref<128xf32, #tpu.memory_space<vmem>>) target(%dma_start3A_628 : memref<6144xf32, #tpu.memory_space<vmem_shared>>) offsets(%dma_start3A_626 : memref<128xi32, #tpu.memory_space<vmem>>) semaphore(%arg24 : memref<!tpu.dma_semaphore, #tpu.memory_space<semaphore_mem>>)
    %dma_start3A_629 = arith.constant 12 : i32
    %dma_start3A_630 = arith.constant 12 : i32
    %dma_start3A_631 = arith.constant 0 : i32
    %dma_start3A_632 = tpu.memref_slice %arg16[%dma_start3A_629, %dma_start3A_631] : memref<18x128xf32, #tpu.memory_space<vmem>> -> memref<1x128xf32, #tpu.memory_space<vmem>>
    %dma_start3A_633 = tpu.memref_squeeze %dma_start3A_632 : memref<1x128xf32, #tpu.memory_space<vmem>> -> memref<128xf32, #tpu.memory_space<vmem>>
    %dma_start3A_634 = arith.constant 0 : i32
    %dma_start3A_635 = tpu.memref_slice %arg18[%dma_start3A_630, %dma_start3A_634] : memref<18x128xi32, #tpu.memory_space<vmem>> -> memref<1x128xi32, #tpu.memory_space<vmem>>
    %dma_start3A_636 = tpu.memref_squeeze %dma_start3A_635 : memref<1x128xi32, #tpu.memory_space<vmem>> -> memref<128xi32, #tpu.memory_space<vmem>>
    %dma_start3A_637 = arith.constant 0 : i32
    %dma_start3A_638 = tpu.memref_slice %arg22[%dma_start3A_637] : memref<6144xf32, #tpu.memory_space<vmem_shared>> -> memref<6144xf32, #tpu.memory_space<vmem_shared>>
    tpu.enqueue_indirect_dma source(%dma_start3A_633 : memref<128xf32, #tpu.memory_space<vmem>>) target(%dma_start3A_638 : memref<6144xf32, #tpu.memory_space<vmem_shared>>) offsets(%dma_start3A_636 : memref<128xi32, #tpu.memory_space<vmem>>) semaphore(%arg24 : memref<!tpu.dma_semaphore, #tpu.memory_space<semaphore_mem>>)
    %dma_start3A_639 = arith.constant 12 : i32
    %dma_start3A_640 = arith.constant 12 : i32
    %dma_start3A_641 = arith.constant 0 : i32
    %dma_start3A_642 = tpu.memref_slice %arg17[%dma_start3A_639, %dma_start3A_641] : memref<18x128xf32, #tpu.memory_space<vmem>> -> memref<1x128xf32, #tpu.memory_space<vmem>>
    %dma_start3A_643 = tpu.memref_squeeze %dma_start3A_642 : memref<1x128xf32, #tpu.memory_space<vmem>> -> memref<128xf32, #tpu.memory_space<vmem>>
    %dma_start3A_644 = arith.constant 0 : i32
    %dma_start3A_645 = tpu.memref_slice %arg18[%dma_start3A_640, %dma_start3A_644] : memref<18x128xi32, #tpu.memory_space<vmem>> -> memref<1x128xi32, #tpu.memory_space<vmem>>
    %dma_start3A_646 = tpu.memref_squeeze %dma_start3A_645 : memref<1x128xi32, #tpu.memory_space<vmem>> -> memref<128xi32, #tpu.memory_space<vmem>>
    %dma_start3A_647 = arith.constant 0 : i32
    %dma_start3A_648 = tpu.memref_slice %arg23[%dma_start3A_647] : memref<6144xf32, #tpu.memory_space<vmem_shared>> -> memref<6144xf32, #tpu.memory_space<vmem_shared>>
    tpu.enqueue_indirect_dma source(%dma_start3A_643 : memref<128xf32, #tpu.memory_space<vmem>>) target(%dma_start3A_648 : memref<6144xf32, #tpu.memory_space<vmem_shared>>) offsets(%dma_start3A_646 : memref<128xi32, #tpu.memory_space<vmem>>) semaphore(%arg24 : memref<!tpu.dma_semaphore, #tpu.memory_space<semaphore_mem>>)
    %dma_start3A_649 = arith.constant 13 : i32
    %dma_start3A_650 = arith.constant 13 : i32
    %dma_start3A_651 = arith.constant 0 : i32
    %dma_start3A_652 = tpu.memref_slice %arg13[%dma_start3A_649, %dma_start3A_651] : memref<18x128xf32, #tpu.memory_space<vmem>> -> memref<1x128xf32, #tpu.memory_space<vmem>>
    %dma_start3A_653 = tpu.memref_squeeze %dma_start3A_652 : memref<1x128xf32, #tpu.memory_space<vmem>> -> memref<128xf32, #tpu.memory_space<vmem>>
    %dma_start3A_654 = arith.constant 0 : i32
    %dma_start3A_655 = tpu.memref_slice %arg18[%dma_start3A_650, %dma_start3A_654] : memref<18x128xi32, #tpu.memory_space<vmem>> -> memref<1x128xi32, #tpu.memory_space<vmem>>
    %dma_start3A_656 = tpu.memref_squeeze %dma_start3A_655 : memref<1x128xi32, #tpu.memory_space<vmem>> -> memref<128xi32, #tpu.memory_space<vmem>>
    %dma_start3A_657 = arith.constant 0 : i32
    %dma_start3A_658 = tpu.memref_slice %arg19[%dma_start3A_657] : memref<6144xf32, #tpu.memory_space<vmem_shared>> -> memref<6144xf32, #tpu.memory_space<vmem_shared>>
    tpu.enqueue_indirect_dma source(%dma_start3A_653 : memref<128xf32, #tpu.memory_space<vmem>>) target(%dma_start3A_658 : memref<6144xf32, #tpu.memory_space<vmem_shared>>) offsets(%dma_start3A_656 : memref<128xi32, #tpu.memory_space<vmem>>) semaphore(%arg24 : memref<!tpu.dma_semaphore, #tpu.memory_space<semaphore_mem>>)
    %dma_start3A_659 = arith.constant 13 : i32
    %dma_start3A_660 = arith.constant 13 : i32
    %dma_start3A_661 = arith.constant 0 : i32
    %dma_start3A_662 = tpu.memref_slice %arg14[%dma_start3A_659, %dma_start3A_661] : memref<18x128xf32, #tpu.memory_space<vmem>> -> memref<1x128xf32, #tpu.memory_space<vmem>>
    %dma_start3A_663 = tpu.memref_squeeze %dma_start3A_662 : memref<1x128xf32, #tpu.memory_space<vmem>> -> memref<128xf32, #tpu.memory_space<vmem>>
    %dma_start3A_664 = arith.constant 0 : i32
    %dma_start3A_665 = tpu.memref_slice %arg18[%dma_start3A_660, %dma_start3A_664] : memref<18x128xi32, #tpu.memory_space<vmem>> -> memref<1x128xi32, #tpu.memory_space<vmem>>
    %dma_start3A_666 = tpu.memref_squeeze %dma_start3A_665 : memref<1x128xi32, #tpu.memory_space<vmem>> -> memref<128xi32, #tpu.memory_space<vmem>>
    %dma_start3A_667 = arith.constant 0 : i32
    %dma_start3A_668 = tpu.memref_slice %arg20[%dma_start3A_667] : memref<6144xf32, #tpu.memory_space<vmem_shared>> -> memref<6144xf32, #tpu.memory_space<vmem_shared>>
    tpu.enqueue_indirect_dma source(%dma_start3A_663 : memref<128xf32, #tpu.memory_space<vmem>>) target(%dma_start3A_668 : memref<6144xf32, #tpu.memory_space<vmem_shared>>) offsets(%dma_start3A_666 : memref<128xi32, #tpu.memory_space<vmem>>) semaphore(%arg24 : memref<!tpu.dma_semaphore, #tpu.memory_space<semaphore_mem>>)
    %dma_start3A_669 = arith.constant 13 : i32
    %dma_start3A_670 = arith.constant 13 : i32
    %dma_start3A_671 = arith.constant 0 : i32
    %dma_start3A_672 = tpu.memref_slice %arg15[%dma_start3A_669, %dma_start3A_671] : memref<18x128xf32, #tpu.memory_space<vmem>> -> memref<1x128xf32, #tpu.memory_space<vmem>>
    %dma_start3A_673 = tpu.memref_squeeze %dma_start3A_672 : memref<1x128xf32, #tpu.memory_space<vmem>> -> memref<128xf32, #tpu.memory_space<vmem>>
    %dma_start3A_674 = arith.constant 0 : i32
    %dma_start3A_675 = tpu.memref_slice %arg18[%dma_start3A_670, %dma_start3A_674] : memref<18x128xi32, #tpu.memory_space<vmem>> -> memref<1x128xi32, #tpu.memory_space<vmem>>
    %dma_start3A_676 = tpu.memref_squeeze %dma_start3A_675 : memref<1x128xi32, #tpu.memory_space<vmem>> -> memref<128xi32, #tpu.memory_space<vmem>>
    %dma_start3A_677 = arith.constant 0 : i32
    %dma_start3A_678 = tpu.memref_slice %arg21[%dma_start3A_677] : memref<6144xf32, #tpu.memory_space<vmem_shared>> -> memref<6144xf32, #tpu.memory_space<vmem_shared>>
    tpu.enqueue_indirect_dma source(%dma_start3A_673 : memref<128xf32, #tpu.memory_space<vmem>>) target(%dma_start3A_678 : memref<6144xf32, #tpu.memory_space<vmem_shared>>) offsets(%dma_start3A_676 : memref<128xi32, #tpu.memory_space<vmem>>) semaphore(%arg24 : memref<!tpu.dma_semaphore, #tpu.memory_space<semaphore_mem>>)
    %dma_start3A_679 = arith.constant 13 : i32
    %dma_start3A_680 = arith.constant 13 : i32
    %dma_start3A_681 = arith.constant 0 : i32
    %dma_start3A_682 = tpu.memref_slice %arg16[%dma_start3A_679, %dma_start3A_681] : memref<18x128xf32, #tpu.memory_space<vmem>> -> memref<1x128xf32, #tpu.memory_space<vmem>>
    %dma_start3A_683 = tpu.memref_squeeze %dma_start3A_682 : memref<1x128xf32, #tpu.memory_space<vmem>> -> memref<128xf32, #tpu.memory_space<vmem>>
    %dma_start3A_684 = arith.constant 0 : i32
    %dma_start3A_685 = tpu.memref_slice %arg18[%dma_start3A_680, %dma_start3A_684] : memref<18x128xi32, #tpu.memory_space<vmem>> -> memref<1x128xi32, #tpu.memory_space<vmem>>
    %dma_start3A_686 = tpu.memref_squeeze %dma_start3A_685 : memref<1x128xi32, #tpu.memory_space<vmem>> -> memref<128xi32, #tpu.memory_space<vmem>>
    %dma_start3A_687 = arith.constant 0 : i32
    %dma_start3A_688 = tpu.memref_slice %arg22[%dma_start3A_687] : memref<6144xf32, #tpu.memory_space<vmem_shared>> -> memref<6144xf32, #tpu.memory_space<vmem_shared>>
    tpu.enqueue_indirect_dma source(%dma_start3A_683 : memref<128xf32, #tpu.memory_space<vmem>>) target(%dma_start3A_688 : memref<6144xf32, #tpu.memory_space<vmem_shared>>) offsets(%dma_start3A_686 : memref<128xi32, #tpu.memory_space<vmem>>) semaphore(%arg24 : memref<!tpu.dma_semaphore, #tpu.memory_space<semaphore_mem>>)
    %dma_start3A_689 = arith.constant 13 : i32
    %dma_start3A_690 = arith.constant 13 : i32
    %dma_start3A_691 = arith.constant 0 : i32
    %dma_start3A_692 = tpu.memref_slice %arg17[%dma_start3A_689, %dma_start3A_691] : memref<18x128xf32, #tpu.memory_space<vmem>> -> memref<1x128xf32, #tpu.memory_space<vmem>>
    %dma_start3A_693 = tpu.memref_squeeze %dma_start3A_692 : memref<1x128xf32, #tpu.memory_space<vmem>> -> memref<128xf32, #tpu.memory_space<vmem>>
    %dma_start3A_694 = arith.constant 0 : i32
    %dma_start3A_695 = tpu.memref_slice %arg18[%dma_start3A_690, %dma_start3A_694] : memref<18x128xi32, #tpu.memory_space<vmem>> -> memref<1x128xi32, #tpu.memory_space<vmem>>
    %dma_start3A_696 = tpu.memref_squeeze %dma_start3A_695 : memref<1x128xi32, #tpu.memory_space<vmem>> -> memref<128xi32, #tpu.memory_space<vmem>>
    %dma_start3A_697 = arith.constant 0 : i32
    %dma_start3A_698 = tpu.memref_slice %arg23[%dma_start3A_697] : memref<6144xf32, #tpu.memory_space<vmem_shared>> -> memref<6144xf32, #tpu.memory_space<vmem_shared>>
    tpu.enqueue_indirect_dma source(%dma_start3A_693 : memref<128xf32, #tpu.memory_space<vmem>>) target(%dma_start3A_698 : memref<6144xf32, #tpu.memory_space<vmem_shared>>) offsets(%dma_start3A_696 : memref<128xi32, #tpu.memory_space<vmem>>) semaphore(%arg24 : memref<!tpu.dma_semaphore, #tpu.memory_space<semaphore_mem>>)
    %dma_start3A_699 = arith.constant 14 : i32
    %dma_start3A_700 = arith.constant 14 : i32
    %dma_start3A_701 = arith.constant 0 : i32
    %dma_start3A_702 = tpu.memref_slice %arg13[%dma_start3A_699, %dma_start3A_701] : memref<18x128xf32, #tpu.memory_space<vmem>> -> memref<1x128xf32, #tpu.memory_space<vmem>>
    %dma_start3A_703 = tpu.memref_squeeze %dma_start3A_702 : memref<1x128xf32, #tpu.memory_space<vmem>> -> memref<128xf32, #tpu.memory_space<vmem>>
    %dma_start3A_704 = arith.constant 0 : i32
    %dma_start3A_705 = tpu.memref_slice %arg18[%dma_start3A_700, %dma_start3A_704] : memref<18x128xi32, #tpu.memory_space<vmem>> -> memref<1x128xi32, #tpu.memory_space<vmem>>
    %dma_start3A_706 = tpu.memref_squeeze %dma_start3A_705 : memref<1x128xi32, #tpu.memory_space<vmem>> -> memref<128xi32, #tpu.memory_space<vmem>>
    %dma_start3A_707 = arith.constant 0 : i32
    %dma_start3A_708 = tpu.memref_slice %arg19[%dma_start3A_707] : memref<6144xf32, #tpu.memory_space<vmem_shared>> -> memref<6144xf32, #tpu.memory_space<vmem_shared>>
    tpu.enqueue_indirect_dma source(%dma_start3A_703 : memref<128xf32, #tpu.memory_space<vmem>>) target(%dma_start3A_708 : memref<6144xf32, #tpu.memory_space<vmem_shared>>) offsets(%dma_start3A_706 : memref<128xi32, #tpu.memory_space<vmem>>) semaphore(%arg24 : memref<!tpu.dma_semaphore, #tpu.memory_space<semaphore_mem>>)
    %dma_start3A_709 = arith.constant 14 : i32
    %dma_start3A_710 = arith.constant 14 : i32
    %dma_start3A_711 = arith.constant 0 : i32
    %dma_start3A_712 = tpu.memref_slice %arg14[%dma_start3A_709, %dma_start3A_711] : memref<18x128xf32, #tpu.memory_space<vmem>> -> memref<1x128xf32, #tpu.memory_space<vmem>>
    %dma_start3A_713 = tpu.memref_squeeze %dma_start3A_712 : memref<1x128xf32, #tpu.memory_space<vmem>> -> memref<128xf32, #tpu.memory_space<vmem>>
    %dma_start3A_714 = arith.constant 0 : i32
    %dma_start3A_715 = tpu.memref_slice %arg18[%dma_start3A_710, %dma_start3A_714] : memref<18x128xi32, #tpu.memory_space<vmem>> -> memref<1x128xi32, #tpu.memory_space<vmem>>
    %dma_start3A_716 = tpu.memref_squeeze %dma_start3A_715 : memref<1x128xi32, #tpu.memory_space<vmem>> -> memref<128xi32, #tpu.memory_space<vmem>>
    %dma_start3A_717 = arith.constant 0 : i32
    %dma_start3A_718 = tpu.memref_slice %arg20[%dma_start3A_717] : memref<6144xf32, #tpu.memory_space<vmem_shared>> -> memref<6144xf32, #tpu.memory_space<vmem_shared>>
    tpu.enqueue_indirect_dma source(%dma_start3A_713 : memref<128xf32, #tpu.memory_space<vmem>>) target(%dma_start3A_718 : memref<6144xf32, #tpu.memory_space<vmem_shared>>) offsets(%dma_start3A_716 : memref<128xi32, #tpu.memory_space<vmem>>) semaphore(%arg24 : memref<!tpu.dma_semaphore, #tpu.memory_space<semaphore_mem>>)
    %dma_start3A_719 = arith.constant 14 : i32
    %dma_start3A_720 = arith.constant 14 : i32
    %dma_start3A_721 = arith.constant 0 : i32
    %dma_start3A_722 = tpu.memref_slice %arg15[%dma_start3A_719, %dma_start3A_721] : memref<18x128xf32, #tpu.memory_space<vmem>> -> memref<1x128xf32, #tpu.memory_space<vmem>>
    %dma_start3A_723 = tpu.memref_squeeze %dma_start3A_722 : memref<1x128xf32, #tpu.memory_space<vmem>> -> memref<128xf32, #tpu.memory_space<vmem>>
    %dma_start3A_724 = arith.constant 0 : i32
    %dma_start3A_725 = tpu.memref_slice %arg18[%dma_start3A_720, %dma_start3A_724] : memref<18x128xi32, #tpu.memory_space<vmem>> -> memref<1x128xi32, #tpu.memory_space<vmem>>
    %dma_start3A_726 = tpu.memref_squeeze %dma_start3A_725 : memref<1x128xi32, #tpu.memory_space<vmem>> -> memref<128xi32, #tpu.memory_space<vmem>>
    %dma_start3A_727 = arith.constant 0 : i32
    %dma_start3A_728 = tpu.memref_slice %arg21[%dma_start3A_727] : memref<6144xf32, #tpu.memory_space<vmem_shared>> -> memref<6144xf32, #tpu.memory_space<vmem_shared>>
    tpu.enqueue_indirect_dma source(%dma_start3A_723 : memref<128xf32, #tpu.memory_space<vmem>>) target(%dma_start3A_728 : memref<6144xf32, #tpu.memory_space<vmem_shared>>) offsets(%dma_start3A_726 : memref<128xi32, #tpu.memory_space<vmem>>) semaphore(%arg24 : memref<!tpu.dma_semaphore, #tpu.memory_space<semaphore_mem>>)
    %dma_start3A_729 = arith.constant 14 : i32
    %dma_start3A_730 = arith.constant 14 : i32
    %dma_start3A_731 = arith.constant 0 : i32
    %dma_start3A_732 = tpu.memref_slice %arg16[%dma_start3A_729, %dma_start3A_731] : memref<18x128xf32, #tpu.memory_space<vmem>> -> memref<1x128xf32, #tpu.memory_space<vmem>>
    %dma_start3A_733 = tpu.memref_squeeze %dma_start3A_732 : memref<1x128xf32, #tpu.memory_space<vmem>> -> memref<128xf32, #tpu.memory_space<vmem>>
    %dma_start3A_734 = arith.constant 0 : i32
    %dma_start3A_735 = tpu.memref_slice %arg18[%dma_start3A_730, %dma_start3A_734] : memref<18x128xi32, #tpu.memory_space<vmem>> -> memref<1x128xi32, #tpu.memory_space<vmem>>
    %dma_start3A_736 = tpu.memref_squeeze %dma_start3A_735 : memref<1x128xi32, #tpu.memory_space<vmem>> -> memref<128xi32, #tpu.memory_space<vmem>>
    %dma_start3A_737 = arith.constant 0 : i32
    %dma_start3A_738 = tpu.memref_slice %arg22[%dma_start3A_737] : memref<6144xf32, #tpu.memory_space<vmem_shared>> -> memref<6144xf32, #tpu.memory_space<vmem_shared>>
    tpu.enqueue_indirect_dma source(%dma_start3A_733 : memref<128xf32, #tpu.memory_space<vmem>>) target(%dma_start3A_738 : memref<6144xf32, #tpu.memory_space<vmem_shared>>) offsets(%dma_start3A_736 : memref<128xi32, #tpu.memory_space<vmem>>) semaphore(%arg24 : memref<!tpu.dma_semaphore, #tpu.memory_space<semaphore_mem>>)
    %dma_start3A_739 = arith.constant 14 : i32
    %dma_start3A_740 = arith.constant 14 : i32
    %dma_start3A_741 = arith.constant 0 : i32
    %dma_start3A_742 = tpu.memref_slice %arg17[%dma_start3A_739, %dma_start3A_741] : memref<18x128xf32, #tpu.memory_space<vmem>> -> memref<1x128xf32, #tpu.memory_space<vmem>>
    %dma_start3A_743 = tpu.memref_squeeze %dma_start3A_742 : memref<1x128xf32, #tpu.memory_space<vmem>> -> memref<128xf32, #tpu.memory_space<vmem>>
    %dma_start3A_744 = arith.constant 0 : i32
    %dma_start3A_745 = tpu.memref_slice %arg18[%dma_start3A_740, %dma_start3A_744] : memref<18x128xi32, #tpu.memory_space<vmem>> -> memref<1x128xi32, #tpu.memory_space<vmem>>
    %dma_start3A_746 = tpu.memref_squeeze %dma_start3A_745 : memref<1x128xi32, #tpu.memory_space<vmem>> -> memref<128xi32, #tpu.memory_space<vmem>>
    %dma_start3A_747 = arith.constant 0 : i32
    %dma_start3A_748 = tpu.memref_slice %arg23[%dma_start3A_747] : memref<6144xf32, #tpu.memory_space<vmem_shared>> -> memref<6144xf32, #tpu.memory_space<vmem_shared>>
    tpu.enqueue_indirect_dma source(%dma_start3A_743 : memref<128xf32, #tpu.memory_space<vmem>>) target(%dma_start3A_748 : memref<6144xf32, #tpu.memory_space<vmem_shared>>) offsets(%dma_start3A_746 : memref<128xi32, #tpu.memory_space<vmem>>) semaphore(%arg24 : memref<!tpu.dma_semaphore, #tpu.memory_space<semaphore_mem>>)
    %dma_start3A_749 = arith.constant 15 : i32
    %dma_start3A_750 = arith.constant 15 : i32
    %dma_start3A_751 = arith.constant 0 : i32
    %dma_start3A_752 = tpu.memref_slice %arg13[%dma_start3A_749, %dma_start3A_751] : memref<18x128xf32, #tpu.memory_space<vmem>> -> memref<1x128xf32, #tpu.memory_space<vmem>>
    %dma_start3A_753 = tpu.memref_squeeze %dma_start3A_752 : memref<1x128xf32, #tpu.memory_space<vmem>> -> memref<128xf32, #tpu.memory_space<vmem>>
    %dma_start3A_754 = arith.constant 0 : i32
    %dma_start3A_755 = tpu.memref_slice %arg18[%dma_start3A_750, %dma_start3A_754] : memref<18x128xi32, #tpu.memory_space<vmem>> -> memref<1x128xi32, #tpu.memory_space<vmem>>
    %dma_start3A_756 = tpu.memref_squeeze %dma_start3A_755 : memref<1x128xi32, #tpu.memory_space<vmem>> -> memref<128xi32, #tpu.memory_space<vmem>>
    %dma_start3A_757 = arith.constant 0 : i32
    %dma_start3A_758 = tpu.memref_slice %arg19[%dma_start3A_757] : memref<6144xf32, #tpu.memory_space<vmem_shared>> -> memref<6144xf32, #tpu.memory_space<vmem_shared>>
    tpu.enqueue_indirect_dma source(%dma_start3A_753 : memref<128xf32, #tpu.memory_space<vmem>>) target(%dma_start3A_758 : memref<6144xf32, #tpu.memory_space<vmem_shared>>) offsets(%dma_start3A_756 : memref<128xi32, #tpu.memory_space<vmem>>) semaphore(%arg24 : memref<!tpu.dma_semaphore, #tpu.memory_space<semaphore_mem>>)
    %dma_start3A_759 = arith.constant 15 : i32
    %dma_start3A_760 = arith.constant 15 : i32
    %dma_start3A_761 = arith.constant 0 : i32
    %dma_start3A_762 = tpu.memref_slice %arg14[%dma_start3A_759, %dma_start3A_761] : memref<18x128xf32, #tpu.memory_space<vmem>> -> memref<1x128xf32, #tpu.memory_space<vmem>>
    %dma_start3A_763 = tpu.memref_squeeze %dma_start3A_762 : memref<1x128xf32, #tpu.memory_space<vmem>> -> memref<128xf32, #tpu.memory_space<vmem>>
    %dma_start3A_764 = arith.constant 0 : i32
    %dma_start3A_765 = tpu.memref_slice %arg18[%dma_start3A_760, %dma_start3A_764] : memref<18x128xi32, #tpu.memory_space<vmem>> -> memref<1x128xi32, #tpu.memory_space<vmem>>
    %dma_start3A_766 = tpu.memref_squeeze %dma_start3A_765 : memref<1x128xi32, #tpu.memory_space<vmem>> -> memref<128xi32, #tpu.memory_space<vmem>>
    %dma_start3A_767 = arith.constant 0 : i32
    %dma_start3A_768 = tpu.memref_slice %arg20[%dma_start3A_767] : memref<6144xf32, #tpu.memory_space<vmem_shared>> -> memref<6144xf32, #tpu.memory_space<vmem_shared>>
    tpu.enqueue_indirect_dma source(%dma_start3A_763 : memref<128xf32, #tpu.memory_space<vmem>>) target(%dma_start3A_768 : memref<6144xf32, #tpu.memory_space<vmem_shared>>) offsets(%dma_start3A_766 : memref<128xi32, #tpu.memory_space<vmem>>) semaphore(%arg24 : memref<!tpu.dma_semaphore, #tpu.memory_space<semaphore_mem>>)
    %dma_start3A_769 = arith.constant 15 : i32
    %dma_start3A_770 = arith.constant 15 : i32
    %dma_start3A_771 = arith.constant 0 : i32
    %dma_start3A_772 = tpu.memref_slice %arg15[%dma_start3A_769, %dma_start3A_771] : memref<18x128xf32, #tpu.memory_space<vmem>> -> memref<1x128xf32, #tpu.memory_space<vmem>>
    %dma_start3A_773 = tpu.memref_squeeze %dma_start3A_772 : memref<1x128xf32, #tpu.memory_space<vmem>> -> memref<128xf32, #tpu.memory_space<vmem>>
    %dma_start3A_774 = arith.constant 0 : i32
    %dma_start3A_775 = tpu.memref_slice %arg18[%dma_start3A_770, %dma_start3A_774] : memref<18x128xi32, #tpu.memory_space<vmem>> -> memref<1x128xi32, #tpu.memory_space<vmem>>
    %dma_start3A_776 = tpu.memref_squeeze %dma_start3A_775 : memref<1x128xi32, #tpu.memory_space<vmem>> -> memref<128xi32, #tpu.memory_space<vmem>>
    %dma_start3A_777 = arith.constant 0 : i32
    %dma_start3A_778 = tpu.memref_slice %arg21[%dma_start3A_777] : memref<6144xf32, #tpu.memory_space<vmem_shared>> -> memref<6144xf32, #tpu.memory_space<vmem_shared>>
    tpu.enqueue_indirect_dma source(%dma_start3A_773 : memref<128xf32, #tpu.memory_space<vmem>>) target(%dma_start3A_778 : memref<6144xf32, #tpu.memory_space<vmem_shared>>) offsets(%dma_start3A_776 : memref<128xi32, #tpu.memory_space<vmem>>) semaphore(%arg24 : memref<!tpu.dma_semaphore, #tpu.memory_space<semaphore_mem>>)
    %dma_start3A_779 = arith.constant 15 : i32
    %dma_start3A_780 = arith.constant 15 : i32
    %dma_start3A_781 = arith.constant 0 : i32
    %dma_start3A_782 = tpu.memref_slice %arg16[%dma_start3A_779, %dma_start3A_781] : memref<18x128xf32, #tpu.memory_space<vmem>> -> memref<1x128xf32, #tpu.memory_space<vmem>>
    %dma_start3A_783 = tpu.memref_squeeze %dma_start3A_782 : memref<1x128xf32, #tpu.memory_space<vmem>> -> memref<128xf32, #tpu.memory_space<vmem>>
    %dma_start3A_784 = arith.constant 0 : i32
    %dma_start3A_785 = tpu.memref_slice %arg18[%dma_start3A_780, %dma_start3A_784] : memref<18x128xi32, #tpu.memory_space<vmem>> -> memref<1x128xi32, #tpu.memory_space<vmem>>
    %dma_start3A_786 = tpu.memref_squeeze %dma_start3A_785 : memref<1x128xi32, #tpu.memory_space<vmem>> -> memref<128xi32, #tpu.memory_space<vmem>>
    %dma_start3A_787 = arith.constant 0 : i32
    %dma_start3A_788 = tpu.memref_slice %arg22[%dma_start3A_787] : memref<6144xf32, #tpu.memory_space<vmem_shared>> -> memref<6144xf32, #tpu.memory_space<vmem_shared>>
    tpu.enqueue_indirect_dma source(%dma_start3A_783 : memref<128xf32, #tpu.memory_space<vmem>>) target(%dma_start3A_788 : memref<6144xf32, #tpu.memory_space<vmem_shared>>) offsets(%dma_start3A_786 : memref<128xi32, #tpu.memory_space<vmem>>) semaphore(%arg24 : memref<!tpu.dma_semaphore, #tpu.memory_space<semaphore_mem>>)
    %dma_start3A_789 = arith.constant 15 : i32
    %dma_start3A_790 = arith.constant 15 : i32
    %dma_start3A_791 = arith.constant 0 : i32
    %dma_start3A_792 = tpu.memref_slice %arg17[%dma_start3A_789, %dma_start3A_791] : memref<18x128xf32, #tpu.memory_space<vmem>> -> memref<1x128xf32, #tpu.memory_space<vmem>>
    %dma_start3A_793 = tpu.memref_squeeze %dma_start3A_792 : memref<1x128xf32, #tpu.memory_space<vmem>> -> memref<128xf32, #tpu.memory_space<vmem>>
    %dma_start3A_794 = arith.constant 0 : i32
    %dma_start3A_795 = tpu.memref_slice %arg18[%dma_start3A_790, %dma_start3A_794] : memref<18x128xi32, #tpu.memory_space<vmem>> -> memref<1x128xi32, #tpu.memory_space<vmem>>
    %dma_start3A_796 = tpu.memref_squeeze %dma_start3A_795 : memref<1x128xi32, #tpu.memory_space<vmem>> -> memref<128xi32, #tpu.memory_space<vmem>>
    %dma_start3A_797 = arith.constant 0 : i32
    %dma_start3A_798 = tpu.memref_slice %arg23[%dma_start3A_797] : memref<6144xf32, #tpu.memory_space<vmem_shared>> -> memref<6144xf32, #tpu.memory_space<vmem_shared>>
    tpu.enqueue_indirect_dma source(%dma_start3A_793 : memref<128xf32, #tpu.memory_space<vmem>>) target(%dma_start3A_798 : memref<6144xf32, #tpu.memory_space<vmem_shared>>) offsets(%dma_start3A_796 : memref<128xi32, #tpu.memory_space<vmem>>) semaphore(%arg24 : memref<!tpu.dma_semaphore, #tpu.memory_space<semaphore_mem>>)
    %dma_start3A_799 = arith.constant 16 : i32
    %dma_start3A_800 = arith.constant 16 : i32
    %dma_start3A_801 = arith.constant 0 : i32
    %dma_start3A_802 = tpu.memref_slice %arg13[%dma_start3A_799, %dma_start3A_801] : memref<18x128xf32, #tpu.memory_space<vmem>> -> memref<1x128xf32, #tpu.memory_space<vmem>>
    %dma_start3A_803 = tpu.memref_squeeze %dma_start3A_802 : memref<1x128xf32, #tpu.memory_space<vmem>> -> memref<128xf32, #tpu.memory_space<vmem>>
    %dma_start3A_804 = arith.constant 0 : i32
    %dma_start3A_805 = tpu.memref_slice %arg18[%dma_start3A_800, %dma_start3A_804] : memref<18x128xi32, #tpu.memory_space<vmem>> -> memref<1x128xi32, #tpu.memory_space<vmem>>
    %dma_start3A_806 = tpu.memref_squeeze %dma_start3A_805 : memref<1x128xi32, #tpu.memory_space<vmem>> -> memref<128xi32, #tpu.memory_space<vmem>>
    %dma_start3A_807 = arith.constant 0 : i32
    %dma_start3A_808 = tpu.memref_slice %arg19[%dma_start3A_807] : memref<6144xf32, #tpu.memory_space<vmem_shared>> -> memref<6144xf32, #tpu.memory_space<vmem_shared>>
    tpu.enqueue_indirect_dma source(%dma_start3A_803 : memref<128xf32, #tpu.memory_space<vmem>>) target(%dma_start3A_808 : memref<6144xf32, #tpu.memory_space<vmem_shared>>) offsets(%dma_start3A_806 : memref<128xi32, #tpu.memory_space<vmem>>) semaphore(%arg24 : memref<!tpu.dma_semaphore, #tpu.memory_space<semaphore_mem>>)
    %dma_start3A_809 = arith.constant 16 : i32
    %dma_start3A_810 = arith.constant 16 : i32
    %dma_start3A_811 = arith.constant 0 : i32
    %dma_start3A_812 = tpu.memref_slice %arg14[%dma_start3A_809, %dma_start3A_811] : memref<18x128xf32, #tpu.memory_space<vmem>> -> memref<1x128xf32, #tpu.memory_space<vmem>>
    %dma_start3A_813 = tpu.memref_squeeze %dma_start3A_812 : memref<1x128xf32, #tpu.memory_space<vmem>> -> memref<128xf32, #tpu.memory_space<vmem>>
    %dma_start3A_814 = arith.constant 0 : i32
    %dma_start3A_815 = tpu.memref_slice %arg18[%dma_start3A_810, %dma_start3A_814] : memref<18x128xi32, #tpu.memory_space<vmem>> -> memref<1x128xi32, #tpu.memory_space<vmem>>
    %dma_start3A_816 = tpu.memref_squeeze %dma_start3A_815 : memref<1x128xi32, #tpu.memory_space<vmem>> -> memref<128xi32, #tpu.memory_space<vmem>>
    %dma_start3A_817 = arith.constant 0 : i32
    %dma_start3A_818 = tpu.memref_slice %arg20[%dma_start3A_817] : memref<6144xf32, #tpu.memory_space<vmem_shared>> -> memref<6144xf32, #tpu.memory_space<vmem_shared>>
    tpu.enqueue_indirect_dma source(%dma_start3A_813 : memref<128xf32, #tpu.memory_space<vmem>>) target(%dma_start3A_818 : memref<6144xf32, #tpu.memory_space<vmem_shared>>) offsets(%dma_start3A_816 : memref<128xi32, #tpu.memory_space<vmem>>) semaphore(%arg24 : memref<!tpu.dma_semaphore, #tpu.memory_space<semaphore_mem>>)
    %dma_start3A_819 = arith.constant 16 : i32
    %dma_start3A_820 = arith.constant 16 : i32
    %dma_start3A_821 = arith.constant 0 : i32
    %dma_start3A_822 = tpu.memref_slice %arg15[%dma_start3A_819, %dma_start3A_821] : memref<18x128xf32, #tpu.memory_space<vmem>> -> memref<1x128xf32, #tpu.memory_space<vmem>>
    %dma_start3A_823 = tpu.memref_squeeze %dma_start3A_822 : memref<1x128xf32, #tpu.memory_space<vmem>> -> memref<128xf32, #tpu.memory_space<vmem>>
    %dma_start3A_824 = arith.constant 0 : i32
    %dma_start3A_825 = tpu.memref_slice %arg18[%dma_start3A_820, %dma_start3A_824] : memref<18x128xi32, #tpu.memory_space<vmem>> -> memref<1x128xi32, #tpu.memory_space<vmem>>
    %dma_start3A_826 = tpu.memref_squeeze %dma_start3A_825 : memref<1x128xi32, #tpu.memory_space<vmem>> -> memref<128xi32, #tpu.memory_space<vmem>>
    %dma_start3A_827 = arith.constant 0 : i32
    %dma_start3A_828 = tpu.memref_slice %arg21[%dma_start3A_827] : memref<6144xf32, #tpu.memory_space<vmem_shared>> -> memref<6144xf32, #tpu.memory_space<vmem_shared>>
    tpu.enqueue_indirect_dma source(%dma_start3A_823 : memref<128xf32, #tpu.memory_space<vmem>>) target(%dma_start3A_828 : memref<6144xf32, #tpu.memory_space<vmem_shared>>) offsets(%dma_start3A_826 : memref<128xi32, #tpu.memory_space<vmem>>) semaphore(%arg24 : memref<!tpu.dma_semaphore, #tpu.memory_space<semaphore_mem>>)
    %dma_start3A_829 = arith.constant 16 : i32
    %dma_start3A_830 = arith.constant 16 : i32
    %dma_start3A_831 = arith.constant 0 : i32
    %dma_start3A_832 = tpu.memref_slice %arg16[%dma_start3A_829, %dma_start3A_831] : memref<18x128xf32, #tpu.memory_space<vmem>> -> memref<1x128xf32, #tpu.memory_space<vmem>>
    %dma_start3A_833 = tpu.memref_squeeze %dma_start3A_832 : memref<1x128xf32, #tpu.memory_space<vmem>> -> memref<128xf32, #tpu.memory_space<vmem>>
    %dma_start3A_834 = arith.constant 0 : i32
    %dma_start3A_835 = tpu.memref_slice %arg18[%dma_start3A_830, %dma_start3A_834] : memref<18x128xi32, #tpu.memory_space<vmem>> -> memref<1x128xi32, #tpu.memory_space<vmem>>
    %dma_start3A_836 = tpu.memref_squeeze %dma_start3A_835 : memref<1x128xi32, #tpu.memory_space<vmem>> -> memref<128xi32, #tpu.memory_space<vmem>>
    %dma_start3A_837 = arith.constant 0 : i32
    %dma_start3A_838 = tpu.memref_slice %arg22[%dma_start3A_837] : memref<6144xf32, #tpu.memory_space<vmem_shared>> -> memref<6144xf32, #tpu.memory_space<vmem_shared>>
    tpu.enqueue_indirect_dma source(%dma_start3A_833 : memref<128xf32, #tpu.memory_space<vmem>>) target(%dma_start3A_838 : memref<6144xf32, #tpu.memory_space<vmem_shared>>) offsets(%dma_start3A_836 : memref<128xi32, #tpu.memory_space<vmem>>) semaphore(%arg24 : memref<!tpu.dma_semaphore, #tpu.memory_space<semaphore_mem>>)
    %dma_start3A_839 = arith.constant 16 : i32
    %dma_start3A_840 = arith.constant 16 : i32
    %dma_start3A_841 = arith.constant 0 : i32
    %dma_start3A_842 = tpu.memref_slice %arg17[%dma_start3A_839, %dma_start3A_841] : memref<18x128xf32, #tpu.memory_space<vmem>> -> memref<1x128xf32, #tpu.memory_space<vmem>>
    %dma_start3A_843 = tpu.memref_squeeze %dma_start3A_842 : memref<1x128xf32, #tpu.memory_space<vmem>> -> memref<128xf32, #tpu.memory_space<vmem>>
    %dma_start3A_844 = arith.constant 0 : i32
    %dma_start3A_845 = tpu.memref_slice %arg18[%dma_start3A_840, %dma_start3A_844] : memref<18x128xi32, #tpu.memory_space<vmem>> -> memref<1x128xi32, #tpu.memory_space<vmem>>
    %dma_start3A_846 = tpu.memref_squeeze %dma_start3A_845 : memref<1x128xi32, #tpu.memory_space<vmem>> -> memref<128xi32, #tpu.memory_space<vmem>>
    %dma_start3A_847 = arith.constant 0 : i32
    %dma_start3A_848 = tpu.memref_slice %arg23[%dma_start3A_847] : memref<6144xf32, #tpu.memory_space<vmem_shared>> -> memref<6144xf32, #tpu.memory_space<vmem_shared>>
    tpu.enqueue_indirect_dma source(%dma_start3A_843 : memref<128xf32, #tpu.memory_space<vmem>>) target(%dma_start3A_848 : memref<6144xf32, #tpu.memory_space<vmem_shared>>) offsets(%dma_start3A_846 : memref<128xi32, #tpu.memory_space<vmem>>) semaphore(%arg24 : memref<!tpu.dma_semaphore, #tpu.memory_space<semaphore_mem>>)
    %dma_start3A_849 = arith.constant 17 : i32
    %dma_start3A_850 = arith.constant 17 : i32
    %dma_start3A_851 = arith.constant 0 : i32
    %dma_start3A_852 = tpu.memref_slice %arg13[%dma_start3A_849, %dma_start3A_851] : memref<18x128xf32, #tpu.memory_space<vmem>> -> memref<1x128xf32, #tpu.memory_space<vmem>>
    %dma_start3A_853 = tpu.memref_squeeze %dma_start3A_852 : memref<1x128xf32, #tpu.memory_space<vmem>> -> memref<128xf32, #tpu.memory_space<vmem>>
    %dma_start3A_854 = arith.constant 0 : i32
    %dma_start3A_855 = tpu.memref_slice %arg18[%dma_start3A_850, %dma_start3A_854] : memref<18x128xi32, #tpu.memory_space<vmem>> -> memref<1x128xi32, #tpu.memory_space<vmem>>
    %dma_start3A_856 = tpu.memref_squeeze %dma_start3A_855 : memref<1x128xi32, #tpu.memory_space<vmem>> -> memref<128xi32, #tpu.memory_space<vmem>>
    %dma_start3A_857 = arith.constant 0 : i32
    %dma_start3A_858 = tpu.memref_slice %arg19[%dma_start3A_857] : memref<6144xf32, #tpu.memory_space<vmem_shared>> -> memref<6144xf32, #tpu.memory_space<vmem_shared>>
    tpu.enqueue_indirect_dma source(%dma_start3A_853 : memref<128xf32, #tpu.memory_space<vmem>>) target(%dma_start3A_858 : memref<6144xf32, #tpu.memory_space<vmem_shared>>) offsets(%dma_start3A_856 : memref<128xi32, #tpu.memory_space<vmem>>) semaphore(%arg24 : memref<!tpu.dma_semaphore, #tpu.memory_space<semaphore_mem>>)
    %dma_start3A_859 = arith.constant 17 : i32
    %dma_start3A_860 = arith.constant 17 : i32
    %dma_start3A_861 = arith.constant 0 : i32
    %dma_start3A_862 = tpu.memref_slice %arg14[%dma_start3A_859, %dma_start3A_861] : memref<18x128xf32, #tpu.memory_space<vmem>> -> memref<1x128xf32, #tpu.memory_space<vmem>>
    %dma_start3A_863 = tpu.memref_squeeze %dma_start3A_862 : memref<1x128xf32, #tpu.memory_space<vmem>> -> memref<128xf32, #tpu.memory_space<vmem>>
    %dma_start3A_864 = arith.constant 0 : i32
    %dma_start3A_865 = tpu.memref_slice %arg18[%dma_start3A_860, %dma_start3A_864] : memref<18x128xi32, #tpu.memory_space<vmem>> -> memref<1x128xi32, #tpu.memory_space<vmem>>
    %dma_start3A_866 = tpu.memref_squeeze %dma_start3A_865 : memref<1x128xi32, #tpu.memory_space<vmem>> -> memref<128xi32, #tpu.memory_space<vmem>>
    %dma_start3A_867 = arith.constant 0 : i32
    %dma_start3A_868 = tpu.memref_slice %arg20[%dma_start3A_867] : memref<6144xf32, #tpu.memory_space<vmem_shared>> -> memref<6144xf32, #tpu.memory_space<vmem_shared>>
    tpu.enqueue_indirect_dma source(%dma_start3A_863 : memref<128xf32, #tpu.memory_space<vmem>>) target(%dma_start3A_868 : memref<6144xf32, #tpu.memory_space<vmem_shared>>) offsets(%dma_start3A_866 : memref<128xi32, #tpu.memory_space<vmem>>) semaphore(%arg24 : memref<!tpu.dma_semaphore, #tpu.memory_space<semaphore_mem>>)
    %dma_start3A_869 = arith.constant 17 : i32
    %dma_start3A_870 = arith.constant 17 : i32
    %dma_start3A_871 = arith.constant 0 : i32
    %dma_start3A_872 = tpu.memref_slice %arg15[%dma_start3A_869, %dma_start3A_871] : memref<18x128xf32, #tpu.memory_space<vmem>> -> memref<1x128xf32, #tpu.memory_space<vmem>>
    %dma_start3A_873 = tpu.memref_squeeze %dma_start3A_872 : memref<1x128xf32, #tpu.memory_space<vmem>> -> memref<128xf32, #tpu.memory_space<vmem>>
    %dma_start3A_874 = arith.constant 0 : i32
    %dma_start3A_875 = tpu.memref_slice %arg18[%dma_start3A_870, %dma_start3A_874] : memref<18x128xi32, #tpu.memory_space<vmem>> -> memref<1x128xi32, #tpu.memory_space<vmem>>
    %dma_start3A_876 = tpu.memref_squeeze %dma_start3A_875 : memref<1x128xi32, #tpu.memory_space<vmem>> -> memref<128xi32, #tpu.memory_space<vmem>>
    %dma_start3A_877 = arith.constant 0 : i32
    %dma_start3A_878 = tpu.memref_slice %arg21[%dma_start3A_877] : memref<6144xf32, #tpu.memory_space<vmem_shared>> -> memref<6144xf32, #tpu.memory_space<vmem_shared>>
    tpu.enqueue_indirect_dma source(%dma_start3A_873 : memref<128xf32, #tpu.memory_space<vmem>>) target(%dma_start3A_878 : memref<6144xf32, #tpu.memory_space<vmem_shared>>) offsets(%dma_start3A_876 : memref<128xi32, #tpu.memory_space<vmem>>) semaphore(%arg24 : memref<!tpu.dma_semaphore, #tpu.memory_space<semaphore_mem>>)
    %dma_start3A_879 = arith.constant 17 : i32
    %dma_start3A_880 = arith.constant 17 : i32
    %dma_start3A_881 = arith.constant 0 : i32
    %dma_start3A_882 = tpu.memref_slice %arg16[%dma_start3A_879, %dma_start3A_881] : memref<18x128xf32, #tpu.memory_space<vmem>> -> memref<1x128xf32, #tpu.memory_space<vmem>>
    %dma_start3A_883 = tpu.memref_squeeze %dma_start3A_882 : memref<1x128xf32, #tpu.memory_space<vmem>> -> memref<128xf32, #tpu.memory_space<vmem>>
    %dma_start3A_884 = arith.constant 0 : i32
    %dma_start3A_885 = tpu.memref_slice %arg18[%dma_start3A_880, %dma_start3A_884] : memref<18x128xi32, #tpu.memory_space<vmem>> -> memref<1x128xi32, #tpu.memory_space<vmem>>
    %dma_start3A_886 = tpu.memref_squeeze %dma_start3A_885 : memref<1x128xi32, #tpu.memory_space<vmem>> -> memref<128xi32, #tpu.memory_space<vmem>>
    %dma_start3A_887 = arith.constant 0 : i32
    %dma_start3A_888 = tpu.memref_slice %arg22[%dma_start3A_887] : memref<6144xf32, #tpu.memory_space<vmem_shared>> -> memref<6144xf32, #tpu.memory_space<vmem_shared>>
    tpu.enqueue_indirect_dma source(%dma_start3A_883 : memref<128xf32, #tpu.memory_space<vmem>>) target(%dma_start3A_888 : memref<6144xf32, #tpu.memory_space<vmem_shared>>) offsets(%dma_start3A_886 : memref<128xi32, #tpu.memory_space<vmem>>) semaphore(%arg24 : memref<!tpu.dma_semaphore, #tpu.memory_space<semaphore_mem>>)
    %dma_start3A_889 = arith.constant 17 : i32
    %dma_start3A_890 = arith.constant 17 : i32
    %dma_start3A_891 = arith.constant 0 : i32
    %dma_start3A_892 = tpu.memref_slice %arg17[%dma_start3A_889, %dma_start3A_891] : memref<18x128xf32, #tpu.memory_space<vmem>> -> memref<1x128xf32, #tpu.memory_space<vmem>>
    %dma_start3A_893 = tpu.memref_squeeze %dma_start3A_892 : memref<1x128xf32, #tpu.memory_space<vmem>> -> memref<128xf32, #tpu.memory_space<vmem>>
    %dma_start3A_894 = arith.constant 0 : i32
    %dma_start3A_895 = tpu.memref_slice %arg18[%dma_start3A_890, %dma_start3A_894] : memref<18x128xi32, #tpu.memory_space<vmem>> -> memref<1x128xi32, #tpu.memory_space<vmem>>
    %dma_start3A_896 = tpu.memref_squeeze %dma_start3A_895 : memref<1x128xi32, #tpu.memory_space<vmem>> -> memref<128xi32, #tpu.memory_space<vmem>>
    %dma_start3A_897 = arith.constant 0 : i32
    %dma_start3A_898 = tpu.memref_slice %arg23[%dma_start3A_897] : memref<6144xf32, #tpu.memory_space<vmem_shared>> -> memref<6144xf32, #tpu.memory_space<vmem_shared>>
    tpu.enqueue_indirect_dma source(%dma_start3A_893 : memref<128xf32, #tpu.memory_space<vmem>>) target(%dma_start3A_898 : memref<6144xf32, #tpu.memory_space<vmem_shared>>) offsets(%dma_start3A_896 : memref<128xi32, #tpu.memory_space<vmem>>) semaphore(%arg24 : memref<!tpu.dma_semaphore, #tpu.memory_space<semaphore_mem>>)
    %dma_wait3A = arith.constant 0 : i32
    %dma_wait3A_899 = arith.constant 0 : i32
    %dma_wait3A_900 = arith.constant 0 : i32
    %dma_wait3A_901 = tpu.memref_slice %arg13[%dma_wait3A, %dma_wait3A_900] : memref<18x128xf32, #tpu.memory_space<vmem>> -> memref<1x128xf32, #tpu.memory_space<vmem>>
    %dma_wait3A_902 = tpu.memref_squeeze %dma_wait3A_901 : memref<1x128xf32, #tpu.memory_space<vmem>> -> memref<128xf32, #tpu.memory_space<vmem>>
    %dma_wait3A_903 = arith.constant 0 : i32
    %dma_wait3A_904 = tpu.memref_slice %arg18[%dma_wait3A_899, %dma_wait3A_903] : memref<18x128xi32, #tpu.memory_space<vmem>> -> memref<1x128xi32, #tpu.memory_space<vmem>>
    %dma_wait3A_905 = tpu.memref_squeeze %dma_wait3A_904 : memref<1x128xi32, #tpu.memory_space<vmem>> -> memref<128xi32, #tpu.memory_space<vmem>>
    %dma_wait3A_906 = arith.constant 0 : i32
    %dma_wait3A_907 = tpu.memref_slice %arg19[%dma_wait3A_906] : memref<6144xf32, #tpu.memory_space<vmem_shared>> -> memref<6144xf32, #tpu.memory_space<vmem_shared>>
    tpu.wait_indirect_dma semaphore(%arg24 : memref<!tpu.dma_semaphore, #tpu.memory_space<semaphore_mem>>) src(%dma_wait3A_902 : memref<128xf32, #tpu.memory_space<vmem>>) dst(%dma_wait3A_907 : memref<6144xf32, #tpu.memory_space<vmem_shared>>)
    %dma_wait3A_908 = arith.constant 0 : i32
    %dma_wait3A_909 = arith.constant 0 : i32
    %dma_wait3A_910 = arith.constant 0 : i32
    %dma_wait3A_911 = tpu.memref_slice %arg14[%dma_wait3A_908, %dma_wait3A_910] : memref<18x128xf32, #tpu.memory_space<vmem>> -> memref<1x128xf32, #tpu.memory_space<vmem>>
    %dma_wait3A_912 = tpu.memref_squeeze %dma_wait3A_911 : memref<1x128xf32, #tpu.memory_space<vmem>> -> memref<128xf32, #tpu.memory_space<vmem>>
    %dma_wait3A_913 = arith.constant 0 : i32
    %dma_wait3A_914 = tpu.memref_slice %arg18[%dma_wait3A_909, %dma_wait3A_913] : memref<18x128xi32, #tpu.memory_space<vmem>> -> memref<1x128xi32, #tpu.memory_space<vmem>>
    %dma_wait3A_915 = tpu.memref_squeeze %dma_wait3A_914 : memref<1x128xi32, #tpu.memory_space<vmem>> -> memref<128xi32, #tpu.memory_space<vmem>>
    %dma_wait3A_916 = arith.constant 0 : i32
    %dma_wait3A_917 = tpu.memref_slice %arg20[%dma_wait3A_916] : memref<6144xf32, #tpu.memory_space<vmem_shared>> -> memref<6144xf32, #tpu.memory_space<vmem_shared>>
    tpu.wait_indirect_dma semaphore(%arg24 : memref<!tpu.dma_semaphore, #tpu.memory_space<semaphore_mem>>) src(%dma_wait3A_912 : memref<128xf32, #tpu.memory_space<vmem>>) dst(%dma_wait3A_917 : memref<6144xf32, #tpu.memory_space<vmem_shared>>)
    %dma_wait3A_918 = arith.constant 0 : i32
    %dma_wait3A_919 = arith.constant 0 : i32
    %dma_wait3A_920 = arith.constant 0 : i32
    %dma_wait3A_921 = tpu.memref_slice %arg15[%dma_wait3A_918, %dma_wait3A_920] : memref<18x128xf32, #tpu.memory_space<vmem>> -> memref<1x128xf32, #tpu.memory_space<vmem>>
    %dma_wait3A_922 = tpu.memref_squeeze %dma_wait3A_921 : memref<1x128xf32, #tpu.memory_space<vmem>> -> memref<128xf32, #tpu.memory_space<vmem>>
    %dma_wait3A_923 = arith.constant 0 : i32
    %dma_wait3A_924 = tpu.memref_slice %arg18[%dma_wait3A_919, %dma_wait3A_923] : memref<18x128xi32, #tpu.memory_space<vmem>> -> memref<1x128xi32, #tpu.memory_space<vmem>>
    %dma_wait3A_925 = tpu.memref_squeeze %dma_wait3A_924 : memref<1x128xi32, #tpu.memory_space<vmem>> -> memref<128xi32, #tpu.memory_space<vmem>>
    %dma_wait3A_926 = arith.constant 0 : i32
    %dma_wait3A_927 = tpu.memref_slice %arg21[%dma_wait3A_926] : memref<6144xf32, #tpu.memory_space<vmem_shared>> -> memref<6144xf32, #tpu.memory_space<vmem_shared>>
    tpu.wait_indirect_dma semaphore(%arg24 : memref<!tpu.dma_semaphore, #tpu.memory_space<semaphore_mem>>) src(%dma_wait3A_922 : memref<128xf32, #tpu.memory_space<vmem>>) dst(%dma_wait3A_927 : memref<6144xf32, #tpu.memory_space<vmem_shared>>)
    %dma_wait3A_928 = arith.constant 0 : i32
    %dma_wait3A_929 = arith.constant 0 : i32
    %dma_wait3A_930 = arith.constant 0 : i32
    %dma_wait3A_931 = tpu.memref_slice %arg16[%dma_wait3A_928, %dma_wait3A_930] : memref<18x128xf32, #tpu.memory_space<vmem>> -> memref<1x128xf32, #tpu.memory_space<vmem>>
    %dma_wait3A_932 = tpu.memref_squeeze %dma_wait3A_931 : memref<1x128xf32, #tpu.memory_space<vmem>> -> memref<128xf32, #tpu.memory_space<vmem>>
    %dma_wait3A_933 = arith.constant 0 : i32
    %dma_wait3A_934 = tpu.memref_slice %arg18[%dma_wait3A_929, %dma_wait3A_933] : memref<18x128xi32, #tpu.memory_space<vmem>> -> memref<1x128xi32, #tpu.memory_space<vmem>>
    %dma_wait3A_935 = tpu.memref_squeeze %dma_wait3A_934 : memref<1x128xi32, #tpu.memory_space<vmem>> -> memref<128xi32, #tpu.memory_space<vmem>>
    %dma_wait3A_936 = arith.constant 0 : i32
    %dma_wait3A_937 = tpu.memref_slice %arg22[%dma_wait3A_936] : memref<6144xf32, #tpu.memory_space<vmem_shared>> -> memref<6144xf32, #tpu.memory_space<vmem_shared>>
    tpu.wait_indirect_dma semaphore(%arg24 : memref<!tpu.dma_semaphore, #tpu.memory_space<semaphore_mem>>) src(%dma_wait3A_932 : memref<128xf32, #tpu.memory_space<vmem>>) dst(%dma_wait3A_937 : memref<6144xf32, #tpu.memory_space<vmem_shared>>)
    %dma_wait3A_938 = arith.constant 0 : i32
    %dma_wait3A_939 = arith.constant 0 : i32
    %dma_wait3A_940 = arith.constant 0 : i32
    %dma_wait3A_941 = tpu.memref_slice %arg17[%dma_wait3A_938, %dma_wait3A_940] : memref<18x128xf32, #tpu.memory_space<vmem>> -> memref<1x128xf32, #tpu.memory_space<vmem>>
    %dma_wait3A_942 = tpu.memref_squeeze %dma_wait3A_941 : memref<1x128xf32, #tpu.memory_space<vmem>> -> memref<128xf32, #tpu.memory_space<vmem>>
    %dma_wait3A_943 = arith.constant 0 : i32
    %dma_wait3A_944 = tpu.memref_slice %arg18[%dma_wait3A_939, %dma_wait3A_943] : memref<18x128xi32, #tpu.memory_space<vmem>> -> memref<1x128xi32, #tpu.memory_space<vmem>>
    %dma_wait3A_945 = tpu.memref_squeeze %dma_wait3A_944 : memref<1x128xi32, #tpu.memory_space<vmem>> -> memref<128xi32, #tpu.memory_space<vmem>>
    %dma_wait3A_946 = arith.constant 0 : i32
    %dma_wait3A_947 = tpu.memref_slice %arg23[%dma_wait3A_946] : memref<6144xf32, #tpu.memory_space<vmem_shared>> -> memref<6144xf32, #tpu.memory_space<vmem_shared>>
    tpu.wait_indirect_dma semaphore(%arg24 : memref<!tpu.dma_semaphore, #tpu.memory_space<semaphore_mem>>) src(%dma_wait3A_942 : memref<128xf32, #tpu.memory_space<vmem>>) dst(%dma_wait3A_947 : memref<6144xf32, #tpu.memory_space<vmem_shared>>)
    %dma_wait3A_948 = arith.constant 1 : i32
    %dma_wait3A_949 = arith.constant 1 : i32
    %dma_wait3A_950 = arith.constant 0 : i32
    %dma_wait3A_951 = tpu.memref_slice %arg13[%dma_wait3A_948, %dma_wait3A_950] : memref<18x128xf32, #tpu.memory_space<vmem>> -> memref<1x128xf32, #tpu.memory_space<vmem>>
    %dma_wait3A_952 = tpu.memref_squeeze %dma_wait3A_951 : memref<1x128xf32, #tpu.memory_space<vmem>> -> memref<128xf32, #tpu.memory_space<vmem>>
    %dma_wait3A_953 = arith.constant 0 : i32
    %dma_wait3A_954 = tpu.memref_slice %arg18[%dma_wait3A_949, %dma_wait3A_953] : memref<18x128xi32, #tpu.memory_space<vmem>> -> memref<1x128xi32, #tpu.memory_space<vmem>>
    %dma_wait3A_955 = tpu.memref_squeeze %dma_wait3A_954 : memref<1x128xi32, #tpu.memory_space<vmem>> -> memref<128xi32, #tpu.memory_space<vmem>>
    %dma_wait3A_956 = arith.constant 0 : i32
    %dma_wait3A_957 = tpu.memref_slice %arg19[%dma_wait3A_956] : memref<6144xf32, #tpu.memory_space<vmem_shared>> -> memref<6144xf32, #tpu.memory_space<vmem_shared>>
    tpu.wait_indirect_dma semaphore(%arg24 : memref<!tpu.dma_semaphore, #tpu.memory_space<semaphore_mem>>) src(%dma_wait3A_952 : memref<128xf32, #tpu.memory_space<vmem>>) dst(%dma_wait3A_957 : memref<6144xf32, #tpu.memory_space<vmem_shared>>)
    %dma_wait3A_958 = arith.constant 1 : i32
    %dma_wait3A_959 = arith.constant 1 : i32
    %dma_wait3A_960 = arith.constant 0 : i32
    %dma_wait3A_961 = tpu.memref_slice %arg14[%dma_wait3A_958, %dma_wait3A_960] : memref<18x128xf32, #tpu.memory_space<vmem>> -> memref<1x128xf32, #tpu.memory_space<vmem>>
    %dma_wait3A_962 = tpu.memref_squeeze %dma_wait3A_961 : memref<1x128xf32, #tpu.memory_space<vmem>> -> memref<128xf32, #tpu.memory_space<vmem>>
    %dma_wait3A_963 = arith.constant 0 : i32
    %dma_wait3A_964 = tpu.memref_slice %arg18[%dma_wait3A_959, %dma_wait3A_963] : memref<18x128xi32, #tpu.memory_space<vmem>> -> memref<1x128xi32, #tpu.memory_space<vmem>>
    %dma_wait3A_965 = tpu.memref_squeeze %dma_wait3A_964 : memref<1x128xi32, #tpu.memory_space<vmem>> -> memref<128xi32, #tpu.memory_space<vmem>>
    %dma_wait3A_966 = arith.constant 0 : i32
    %dma_wait3A_967 = tpu.memref_slice %arg20[%dma_wait3A_966] : memref<6144xf32, #tpu.memory_space<vmem_shared>> -> memref<6144xf32, #tpu.memory_space<vmem_shared>>
    tpu.wait_indirect_dma semaphore(%arg24 : memref<!tpu.dma_semaphore, #tpu.memory_space<semaphore_mem>>) src(%dma_wait3A_962 : memref<128xf32, #tpu.memory_space<vmem>>) dst(%dma_wait3A_967 : memref<6144xf32, #tpu.memory_space<vmem_shared>>)
    %dma_wait3A_968 = arith.constant 1 : i32
    %dma_wait3A_969 = arith.constant 1 : i32
    %dma_wait3A_970 = arith.constant 0 : i32
    %dma_wait3A_971 = tpu.memref_slice %arg15[%dma_wait3A_968, %dma_wait3A_970] : memref<18x128xf32, #tpu.memory_space<vmem>> -> memref<1x128xf32, #tpu.memory_space<vmem>>
    %dma_wait3A_972 = tpu.memref_squeeze %dma_wait3A_971 : memref<1x128xf32, #tpu.memory_space<vmem>> -> memref<128xf32, #tpu.memory_space<vmem>>
    %dma_wait3A_973 = arith.constant 0 : i32
    %dma_wait3A_974 = tpu.memref_slice %arg18[%dma_wait3A_969, %dma_wait3A_973] : memref<18x128xi32, #tpu.memory_space<vmem>> -> memref<1x128xi32, #tpu.memory_space<vmem>>
    %dma_wait3A_975 = tpu.memref_squeeze %dma_wait3A_974 : memref<1x128xi32, #tpu.memory_space<vmem>> -> memref<128xi32, #tpu.memory_space<vmem>>
    %dma_wait3A_976 = arith.constant 0 : i32
    %dma_wait3A_977 = tpu.memref_slice %arg21[%dma_wait3A_976] : memref<6144xf32, #tpu.memory_space<vmem_shared>> -> memref<6144xf32, #tpu.memory_space<vmem_shared>>
    tpu.wait_indirect_dma semaphore(%arg24 : memref<!tpu.dma_semaphore, #tpu.memory_space<semaphore_mem>>) src(%dma_wait3A_972 : memref<128xf32, #tpu.memory_space<vmem>>) dst(%dma_wait3A_977 : memref<6144xf32, #tpu.memory_space<vmem_shared>>)
    %dma_wait3A_978 = arith.constant 1 : i32
    %dma_wait3A_979 = arith.constant 1 : i32
    %dma_wait3A_980 = arith.constant 0 : i32
    %dma_wait3A_981 = tpu.memref_slice %arg16[%dma_wait3A_978, %dma_wait3A_980] : memref<18x128xf32, #tpu.memory_space<vmem>> -> memref<1x128xf32, #tpu.memory_space<vmem>>
    %dma_wait3A_982 = tpu.memref_squeeze %dma_wait3A_981 : memref<1x128xf32, #tpu.memory_space<vmem>> -> memref<128xf32, #tpu.memory_space<vmem>>
    %dma_wait3A_983 = arith.constant 0 : i32
    %dma_wait3A_984 = tpu.memref_slice %arg18[%dma_wait3A_979, %dma_wait3A_983] : memref<18x128xi32, #tpu.memory_space<vmem>> -> memref<1x128xi32, #tpu.memory_space<vmem>>
    %dma_wait3A_985 = tpu.memref_squeeze %dma_wait3A_984 : memref<1x128xi32, #tpu.memory_space<vmem>> -> memref<128xi32, #tpu.memory_space<vmem>>
    %dma_wait3A_986 = arith.constant 0 : i32
    %dma_wait3A_987 = tpu.memref_slice %arg22[%dma_wait3A_986] : memref<6144xf32, #tpu.memory_space<vmem_shared>> -> memref<6144xf32, #tpu.memory_space<vmem_shared>>
    tpu.wait_indirect_dma semaphore(%arg24 : memref<!tpu.dma_semaphore, #tpu.memory_space<semaphore_mem>>) src(%dma_wait3A_982 : memref<128xf32, #tpu.memory_space<vmem>>) dst(%dma_wait3A_987 : memref<6144xf32, #tpu.memory_space<vmem_shared>>)
    %dma_wait3A_988 = arith.constant 1 : i32
    %dma_wait3A_989 = arith.constant 1 : i32
    %dma_wait3A_990 = arith.constant 0 : i32
    %dma_wait3A_991 = tpu.memref_slice %arg17[%dma_wait3A_988, %dma_wait3A_990] : memref<18x128xf32, #tpu.memory_space<vmem>> -> memref<1x128xf32, #tpu.memory_space<vmem>>
    %dma_wait3A_992 = tpu.memref_squeeze %dma_wait3A_991 : memref<1x128xf32, #tpu.memory_space<vmem>> -> memref<128xf32, #tpu.memory_space<vmem>>
    %dma_wait3A_993 = arith.constant 0 : i32
    %dma_wait3A_994 = tpu.memref_slice %arg18[%dma_wait3A_989, %dma_wait3A_993] : memref<18x128xi32, #tpu.memory_space<vmem>> -> memref<1x128xi32, #tpu.memory_space<vmem>>
    %dma_wait3A_995 = tpu.memref_squeeze %dma_wait3A_994 : memref<1x128xi32, #tpu.memory_space<vmem>> -> memref<128xi32, #tpu.memory_space<vmem>>
    %dma_wait3A_996 = arith.constant 0 : i32
    %dma_wait3A_997 = tpu.memref_slice %arg23[%dma_wait3A_996] : memref<6144xf32, #tpu.memory_space<vmem_shared>> -> memref<6144xf32, #tpu.memory_space<vmem_shared>>
    tpu.wait_indirect_dma semaphore(%arg24 : memref<!tpu.dma_semaphore, #tpu.memory_space<semaphore_mem>>) src(%dma_wait3A_992 : memref<128xf32, #tpu.memory_space<vmem>>) dst(%dma_wait3A_997 : memref<6144xf32, #tpu.memory_space<vmem_shared>>)
    %dma_wait3A_998 = arith.constant 2 : i32
    %dma_wait3A_999 = arith.constant 2 : i32
    %dma_wait3A_1000 = arith.constant 0 : i32
    %dma_wait3A_1001 = tpu.memref_slice %arg13[%dma_wait3A_998, %dma_wait3A_1000] : memref<18x128xf32, #tpu.memory_space<vmem>> -> memref<1x128xf32, #tpu.memory_space<vmem>>
    %dma_wait3A_1002 = tpu.memref_squeeze %dma_wait3A_1001 : memref<1x128xf32, #tpu.memory_space<vmem>> -> memref<128xf32, #tpu.memory_space<vmem>>
    %dma_wait3A_1003 = arith.constant 0 : i32
    %dma_wait3A_1004 = tpu.memref_slice %arg18[%dma_wait3A_999, %dma_wait3A_1003] : memref<18x128xi32, #tpu.memory_space<vmem>> -> memref<1x128xi32, #tpu.memory_space<vmem>>
    %dma_wait3A_1005 = tpu.memref_squeeze %dma_wait3A_1004 : memref<1x128xi32, #tpu.memory_space<vmem>> -> memref<128xi32, #tpu.memory_space<vmem>>
    %dma_wait3A_1006 = arith.constant 0 : i32
    %dma_wait3A_1007 = tpu.memref_slice %arg19[%dma_wait3A_1006] : memref<6144xf32, #tpu.memory_space<vmem_shared>> -> memref<6144xf32, #tpu.memory_space<vmem_shared>>
    tpu.wait_indirect_dma semaphore(%arg24 : memref<!tpu.dma_semaphore, #tpu.memory_space<semaphore_mem>>) src(%dma_wait3A_1002 : memref<128xf32, #tpu.memory_space<vmem>>) dst(%dma_wait3A_1007 : memref<6144xf32, #tpu.memory_space<vmem_shared>>)
    %dma_wait3A_1008 = arith.constant 2 : i32
    %dma_wait3A_1009 = arith.constant 2 : i32
    %dma_wait3A_1010 = arith.constant 0 : i32
    %dma_wait3A_1011 = tpu.memref_slice %arg14[%dma_wait3A_1008, %dma_wait3A_1010] : memref<18x128xf32, #tpu.memory_space<vmem>> -> memref<1x128xf32, #tpu.memory_space<vmem>>
    %dma_wait3A_1012 = tpu.memref_squeeze %dma_wait3A_1011 : memref<1x128xf32, #tpu.memory_space<vmem>> -> memref<128xf32, #tpu.memory_space<vmem>>
    %dma_wait3A_1013 = arith.constant 0 : i32
    %dma_wait3A_1014 = tpu.memref_slice %arg18[%dma_wait3A_1009, %dma_wait3A_1013] : memref<18x128xi32, #tpu.memory_space<vmem>> -> memref<1x128xi32, #tpu.memory_space<vmem>>
    %dma_wait3A_1015 = tpu.memref_squeeze %dma_wait3A_1014 : memref<1x128xi32, #tpu.memory_space<vmem>> -> memref<128xi32, #tpu.memory_space<vmem>>
    %dma_wait3A_1016 = arith.constant 0 : i32
    %dma_wait3A_1017 = tpu.memref_slice %arg20[%dma_wait3A_1016] : memref<6144xf32, #tpu.memory_space<vmem_shared>> -> memref<6144xf32, #tpu.memory_space<vmem_shared>>
    tpu.wait_indirect_dma semaphore(%arg24 : memref<!tpu.dma_semaphore, #tpu.memory_space<semaphore_mem>>) src(%dma_wait3A_1012 : memref<128xf32, #tpu.memory_space<vmem>>) dst(%dma_wait3A_1017 : memref<6144xf32, #tpu.memory_space<vmem_shared>>)
    %dma_wait3A_1018 = arith.constant 2 : i32
    %dma_wait3A_1019 = arith.constant 2 : i32
    %dma_wait3A_1020 = arith.constant 0 : i32
    %dma_wait3A_1021 = tpu.memref_slice %arg15[%dma_wait3A_1018, %dma_wait3A_1020] : memref<18x128xf32, #tpu.memory_space<vmem>> -> memref<1x128xf32, #tpu.memory_space<vmem>>
    %dma_wait3A_1022 = tpu.memref_squeeze %dma_wait3A_1021 : memref<1x128xf32, #tpu.memory_space<vmem>> -> memref<128xf32, #tpu.memory_space<vmem>>
    %dma_wait3A_1023 = arith.constant 0 : i32
    %dma_wait3A_1024 = tpu.memref_slice %arg18[%dma_wait3A_1019, %dma_wait3A_1023] : memref<18x128xi32, #tpu.memory_space<vmem>> -> memref<1x128xi32, #tpu.memory_space<vmem>>
    %dma_wait3A_1025 = tpu.memref_squeeze %dma_wait3A_1024 : memref<1x128xi32, #tpu.memory_space<vmem>> -> memref<128xi32, #tpu.memory_space<vmem>>
    %dma_wait3A_1026 = arith.constant 0 : i32
    %dma_wait3A_1027 = tpu.memref_slice %arg21[%dma_wait3A_1026] : memref<6144xf32, #tpu.memory_space<vmem_shared>> -> memref<6144xf32, #tpu.memory_space<vmem_shared>>
    tpu.wait_indirect_dma semaphore(%arg24 : memref<!tpu.dma_semaphore, #tpu.memory_space<semaphore_mem>>) src(%dma_wait3A_1022 : memref<128xf32, #tpu.memory_space<vmem>>) dst(%dma_wait3A_1027 : memref<6144xf32, #tpu.memory_space<vmem_shared>>)
    %dma_wait3A_1028 = arith.constant 2 : i32
    %dma_wait3A_1029 = arith.constant 2 : i32
    %dma_wait3A_1030 = arith.constant 0 : i32
    %dma_wait3A_1031 = tpu.memref_slice %arg16[%dma_wait3A_1028, %dma_wait3A_1030] : memref<18x128xf32, #tpu.memory_space<vmem>> -> memref<1x128xf32, #tpu.memory_space<vmem>>
    %dma_wait3A_1032 = tpu.memref_squeeze %dma_wait3A_1031 : memref<1x128xf32, #tpu.memory_space<vmem>> -> memref<128xf32, #tpu.memory_space<vmem>>
    %dma_wait3A_1033 = arith.constant 0 : i32
    %dma_wait3A_1034 = tpu.memref_slice %arg18[%dma_wait3A_1029, %dma_wait3A_1033] : memref<18x128xi32, #tpu.memory_space<vmem>> -> memref<1x128xi32, #tpu.memory_space<vmem>>
    %dma_wait3A_1035 = tpu.memref_squeeze %dma_wait3A_1034 : memref<1x128xi32, #tpu.memory_space<vmem>> -> memref<128xi32, #tpu.memory_space<vmem>>
    %dma_wait3A_1036 = arith.constant 0 : i32
    %dma_wait3A_1037 = tpu.memref_slice %arg22[%dma_wait3A_1036] : memref<6144xf32, #tpu.memory_space<vmem_shared>> -> memref<6144xf32, #tpu.memory_space<vmem_shared>>
    tpu.wait_indirect_dma semaphore(%arg24 : memref<!tpu.dma_semaphore, #tpu.memory_space<semaphore_mem>>) src(%dma_wait3A_1032 : memref<128xf32, #tpu.memory_space<vmem>>) dst(%dma_wait3A_1037 : memref<6144xf32, #tpu.memory_space<vmem_shared>>)
    %dma_wait3A_1038 = arith.constant 2 : i32
    %dma_wait3A_1039 = arith.constant 2 : i32
    %dma_wait3A_1040 = arith.constant 0 : i32
    %dma_wait3A_1041 = tpu.memref_slice %arg17[%dma_wait3A_1038, %dma_wait3A_1040] : memref<18x128xf32, #tpu.memory_space<vmem>> -> memref<1x128xf32, #tpu.memory_space<vmem>>
    %dma_wait3A_1042 = tpu.memref_squeeze %dma_wait3A_1041 : memref<1x128xf32, #tpu.memory_space<vmem>> -> memref<128xf32, #tpu.memory_space<vmem>>
    %dma_wait3A_1043 = arith.constant 0 : i32
    %dma_wait3A_1044 = tpu.memref_slice %arg18[%dma_wait3A_1039, %dma_wait3A_1043] : memref<18x128xi32, #tpu.memory_space<vmem>> -> memref<1x128xi32, #tpu.memory_space<vmem>>
    %dma_wait3A_1045 = tpu.memref_squeeze %dma_wait3A_1044 : memref<1x128xi32, #tpu.memory_space<vmem>> -> memref<128xi32, #tpu.memory_space<vmem>>
    %dma_wait3A_1046 = arith.constant 0 : i32
    %dma_wait3A_1047 = tpu.memref_slice %arg23[%dma_wait3A_1046] : memref<6144xf32, #tpu.memory_space<vmem_shared>> -> memref<6144xf32, #tpu.memory_space<vmem_shared>>
    tpu.wait_indirect_dma semaphore(%arg24 : memref<!tpu.dma_semaphore, #tpu.memory_space<semaphore_mem>>) src(%dma_wait3A_1042 : memref<128xf32, #tpu.memory_space<vmem>>) dst(%dma_wait3A_1047 : memref<6144xf32, #tpu.memory_space<vmem_shared>>)
    %dma_wait3A_1048 = arith.constant 3 : i32
    %dma_wait3A_1049 = arith.constant 3 : i32
    %dma_wait3A_1050 = arith.constant 0 : i32
    %dma_wait3A_1051 = tpu.memref_slice %arg13[%dma_wait3A_1048, %dma_wait3A_1050] : memref<18x128xf32, #tpu.memory_space<vmem>> -> memref<1x128xf32, #tpu.memory_space<vmem>>
    %dma_wait3A_1052 = tpu.memref_squeeze %dma_wait3A_1051 : memref<1x128xf32, #tpu.memory_space<vmem>> -> memref<128xf32, #tpu.memory_space<vmem>>
    %dma_wait3A_1053 = arith.constant 0 : i32
    %dma_wait3A_1054 = tpu.memref_slice %arg18[%dma_wait3A_1049, %dma_wait3A_1053] : memref<18x128xi32, #tpu.memory_space<vmem>> -> memref<1x128xi32, #tpu.memory_space<vmem>>
    %dma_wait3A_1055 = tpu.memref_squeeze %dma_wait3A_1054 : memref<1x128xi32, #tpu.memory_space<vmem>> -> memref<128xi32, #tpu.memory_space<vmem>>
    %dma_wait3A_1056 = arith.constant 0 : i32
    %dma_wait3A_1057 = tpu.memref_slice %arg19[%dma_wait3A_1056] : memref<6144xf32, #tpu.memory_space<vmem_shared>> -> memref<6144xf32, #tpu.memory_space<vmem_shared>>
    tpu.wait_indirect_dma semaphore(%arg24 : memref<!tpu.dma_semaphore, #tpu.memory_space<semaphore_mem>>) src(%dma_wait3A_1052 : memref<128xf32, #tpu.memory_space<vmem>>) dst(%dma_wait3A_1057 : memref<6144xf32, #tpu.memory_space<vmem_shared>>)
    %dma_wait3A_1058 = arith.constant 3 : i32
    %dma_wait3A_1059 = arith.constant 3 : i32
    %dma_wait3A_1060 = arith.constant 0 : i32
    %dma_wait3A_1061 = tpu.memref_slice %arg14[%dma_wait3A_1058, %dma_wait3A_1060] : memref<18x128xf32, #tpu.memory_space<vmem>> -> memref<1x128xf32, #tpu.memory_space<vmem>>
    %dma_wait3A_1062 = tpu.memref_squeeze %dma_wait3A_1061 : memref<1x128xf32, #tpu.memory_space<vmem>> -> memref<128xf32, #tpu.memory_space<vmem>>
    %dma_wait3A_1063 = arith.constant 0 : i32
    %dma_wait3A_1064 = tpu.memref_slice %arg18[%dma_wait3A_1059, %dma_wait3A_1063] : memref<18x128xi32, #tpu.memory_space<vmem>> -> memref<1x128xi32, #tpu.memory_space<vmem>>
    %dma_wait3A_1065 = tpu.memref_squeeze %dma_wait3A_1064 : memref<1x128xi32, #tpu.memory_space<vmem>> -> memref<128xi32, #tpu.memory_space<vmem>>
    %dma_wait3A_1066 = arith.constant 0 : i32
    %dma_wait3A_1067 = tpu.memref_slice %arg20[%dma_wait3A_1066] : memref<6144xf32, #tpu.memory_space<vmem_shared>> -> memref<6144xf32, #tpu.memory_space<vmem_shared>>
    tpu.wait_indirect_dma semaphore(%arg24 : memref<!tpu.dma_semaphore, #tpu.memory_space<semaphore_mem>>) src(%dma_wait3A_1062 : memref<128xf32, #tpu.memory_space<vmem>>) dst(%dma_wait3A_1067 : memref<6144xf32, #tpu.memory_space<vmem_shared>>)
    %dma_wait3A_1068 = arith.constant 3 : i32
    %dma_wait3A_1069 = arith.constant 3 : i32
    %dma_wait3A_1070 = arith.constant 0 : i32
    %dma_wait3A_1071 = tpu.memref_slice %arg15[%dma_wait3A_1068, %dma_wait3A_1070] : memref<18x128xf32, #tpu.memory_space<vmem>> -> memref<1x128xf32, #tpu.memory_space<vmem>>
    %dma_wait3A_1072 = tpu.memref_squeeze %dma_wait3A_1071 : memref<1x128xf32, #tpu.memory_space<vmem>> -> memref<128xf32, #tpu.memory_space<vmem>>
    %dma_wait3A_1073 = arith.constant 0 : i32
    %dma_wait3A_1074 = tpu.memref_slice %arg18[%dma_wait3A_1069, %dma_wait3A_1073] : memref<18x128xi32, #tpu.memory_space<vmem>> -> memref<1x128xi32, #tpu.memory_space<vmem>>
    %dma_wait3A_1075 = tpu.memref_squeeze %dma_wait3A_1074 : memref<1x128xi32, #tpu.memory_space<vmem>> -> memref<128xi32, #tpu.memory_space<vmem>>
    %dma_wait3A_1076 = arith.constant 0 : i32
    %dma_wait3A_1077 = tpu.memref_slice %arg21[%dma_wait3A_1076] : memref<6144xf32, #tpu.memory_space<vmem_shared>> -> memref<6144xf32, #tpu.memory_space<vmem_shared>>
    tpu.wait_indirect_dma semaphore(%arg24 : memref<!tpu.dma_semaphore, #tpu.memory_space<semaphore_mem>>) src(%dma_wait3A_1072 : memref<128xf32, #tpu.memory_space<vmem>>) dst(%dma_wait3A_1077 : memref<6144xf32, #tpu.memory_space<vmem_shared>>)
    %dma_wait3A_1078 = arith.constant 3 : i32
    %dma_wait3A_1079 = arith.constant 3 : i32
    %dma_wait3A_1080 = arith.constant 0 : i32
    %dma_wait3A_1081 = tpu.memref_slice %arg16[%dma_wait3A_1078, %dma_wait3A_1080] : memref<18x128xf32, #tpu.memory_space<vmem>> -> memref<1x128xf32, #tpu.memory_space<vmem>>
    %dma_wait3A_1082 = tpu.memref_squeeze %dma_wait3A_1081 : memref<1x128xf32, #tpu.memory_space<vmem>> -> memref<128xf32, #tpu.memory_space<vmem>>
    %dma_wait3A_1083 = arith.constant 0 : i32
    %dma_wait3A_1084 = tpu.memref_slice %arg18[%dma_wait3A_1079, %dma_wait3A_1083] : memref<18x128xi32, #tpu.memory_space<vmem>> -> memref<1x128xi32, #tpu.memory_space<vmem>>
    %dma_wait3A_1085 = tpu.memref_squeeze %dma_wait3A_1084 : memref<1x128xi32, #tpu.memory_space<vmem>> -> memref<128xi32, #tpu.memory_space<vmem>>
    %dma_wait3A_1086 = arith.constant 0 : i32
    %dma_wait3A_1087 = tpu.memref_slice %arg22[%dma_wait3A_1086] : memref<6144xf32, #tpu.memory_space<vmem_shared>> -> memref<6144xf32, #tpu.memory_space<vmem_shared>>
    tpu.wait_indirect_dma semaphore(%arg24 : memref<!tpu.dma_semaphore, #tpu.memory_space<semaphore_mem>>) src(%dma_wait3A_1082 : memref<128xf32, #tpu.memory_space<vmem>>) dst(%dma_wait3A_1087 : memref<6144xf32, #tpu.memory_space<vmem_shared>>)
    %dma_wait3A_1088 = arith.constant 3 : i32
    %dma_wait3A_1089 = arith.constant 3 : i32
    %dma_wait3A_1090 = arith.constant 0 : i32
    %dma_wait3A_1091 = tpu.memref_slice %arg17[%dma_wait3A_1088, %dma_wait3A_1090] : memref<18x128xf32, #tpu.memory_space<vmem>> -> memref<1x128xf32, #tpu.memory_space<vmem>>
    %dma_wait3A_1092 = tpu.memref_squeeze %dma_wait3A_1091 : memref<1x128xf32, #tpu.memory_space<vmem>> -> memref<128xf32, #tpu.memory_space<vmem>>
    %dma_wait3A_1093 = arith.constant 0 : i32
    %dma_wait3A_1094 = tpu.memref_slice %arg18[%dma_wait3A_1089, %dma_wait3A_1093] : memref<18x128xi32, #tpu.memory_space<vmem>> -> memref<1x128xi32, #tpu.memory_space<vmem>>
    %dma_wait3A_1095 = tpu.memref_squeeze %dma_wait3A_1094 : memref<1x128xi32, #tpu.memory_space<vmem>> -> memref<128xi32, #tpu.memory_space<vmem>>
    %dma_wait3A_1096 = arith.constant 0 : i32
    %dma_wait3A_1097 = tpu.memref_slice %arg23[%dma_wait3A_1096] : memref<6144xf32, #tpu.memory_space<vmem_shared>> -> memref<6144xf32, #tpu.memory_space<vmem_shared>>
    tpu.wait_indirect_dma semaphore(%arg24 : memref<!tpu.dma_semaphore, #tpu.memory_space<semaphore_mem>>) src(%dma_wait3A_1092 : memref<128xf32, #tpu.memory_space<vmem>>) dst(%dma_wait3A_1097 : memref<6144xf32, #tpu.memory_space<vmem_shared>>)
    %dma_wait3A_1098 = arith.constant 4 : i32
    %dma_wait3A_1099 = arith.constant 4 : i32
    %dma_wait3A_1100 = arith.constant 0 : i32
    %dma_wait3A_1101 = tpu.memref_slice %arg13[%dma_wait3A_1098, %dma_wait3A_1100] : memref<18x128xf32, #tpu.memory_space<vmem>> -> memref<1x128xf32, #tpu.memory_space<vmem>>
    %dma_wait3A_1102 = tpu.memref_squeeze %dma_wait3A_1101 : memref<1x128xf32, #tpu.memory_space<vmem>> -> memref<128xf32, #tpu.memory_space<vmem>>
    %dma_wait3A_1103 = arith.constant 0 : i32
    %dma_wait3A_1104 = tpu.memref_slice %arg18[%dma_wait3A_1099, %dma_wait3A_1103] : memref<18x128xi32, #tpu.memory_space<vmem>> -> memref<1x128xi32, #tpu.memory_space<vmem>>
    %dma_wait3A_1105 = tpu.memref_squeeze %dma_wait3A_1104 : memref<1x128xi32, #tpu.memory_space<vmem>> -> memref<128xi32, #tpu.memory_space<vmem>>
    %dma_wait3A_1106 = arith.constant 0 : i32
    %dma_wait3A_1107 = tpu.memref_slice %arg19[%dma_wait3A_1106] : memref<6144xf32, #tpu.memory_space<vmem_shared>> -> memref<6144xf32, #tpu.memory_space<vmem_shared>>
    tpu.wait_indirect_dma semaphore(%arg24 : memref<!tpu.dma_semaphore, #tpu.memory_space<semaphore_mem>>) src(%dma_wait3A_1102 : memref<128xf32, #tpu.memory_space<vmem>>) dst(%dma_wait3A_1107 : memref<6144xf32, #tpu.memory_space<vmem_shared>>)
    %dma_wait3A_1108 = arith.constant 4 : i32
    %dma_wait3A_1109 = arith.constant 4 : i32
    %dma_wait3A_1110 = arith.constant 0 : i32
    %dma_wait3A_1111 = tpu.memref_slice %arg14[%dma_wait3A_1108, %dma_wait3A_1110] : memref<18x128xf32, #tpu.memory_space<vmem>> -> memref<1x128xf32, #tpu.memory_space<vmem>>
    %dma_wait3A_1112 = tpu.memref_squeeze %dma_wait3A_1111 : memref<1x128xf32, #tpu.memory_space<vmem>> -> memref<128xf32, #tpu.memory_space<vmem>>
    %dma_wait3A_1113 = arith.constant 0 : i32
    %dma_wait3A_1114 = tpu.memref_slice %arg18[%dma_wait3A_1109, %dma_wait3A_1113] : memref<18x128xi32, #tpu.memory_space<vmem>> -> memref<1x128xi32, #tpu.memory_space<vmem>>
    %dma_wait3A_1115 = tpu.memref_squeeze %dma_wait3A_1114 : memref<1x128xi32, #tpu.memory_space<vmem>> -> memref<128xi32, #tpu.memory_space<vmem>>
    %dma_wait3A_1116 = arith.constant 0 : i32
    %dma_wait3A_1117 = tpu.memref_slice %arg20[%dma_wait3A_1116] : memref<6144xf32, #tpu.memory_space<vmem_shared>> -> memref<6144xf32, #tpu.memory_space<vmem_shared>>
    tpu.wait_indirect_dma semaphore(%arg24 : memref<!tpu.dma_semaphore, #tpu.memory_space<semaphore_mem>>) src(%dma_wait3A_1112 : memref<128xf32, #tpu.memory_space<vmem>>) dst(%dma_wait3A_1117 : memref<6144xf32, #tpu.memory_space<vmem_shared>>)
    %dma_wait3A_1118 = arith.constant 4 : i32
    %dma_wait3A_1119 = arith.constant 4 : i32
    %dma_wait3A_1120 = arith.constant 0 : i32
    %dma_wait3A_1121 = tpu.memref_slice %arg15[%dma_wait3A_1118, %dma_wait3A_1120] : memref<18x128xf32, #tpu.memory_space<vmem>> -> memref<1x128xf32, #tpu.memory_space<vmem>>
    %dma_wait3A_1122 = tpu.memref_squeeze %dma_wait3A_1121 : memref<1x128xf32, #tpu.memory_space<vmem>> -> memref<128xf32, #tpu.memory_space<vmem>>
    %dma_wait3A_1123 = arith.constant 0 : i32
    %dma_wait3A_1124 = tpu.memref_slice %arg18[%dma_wait3A_1119, %dma_wait3A_1123] : memref<18x128xi32, #tpu.memory_space<vmem>> -> memref<1x128xi32, #tpu.memory_space<vmem>>
    %dma_wait3A_1125 = tpu.memref_squeeze %dma_wait3A_1124 : memref<1x128xi32, #tpu.memory_space<vmem>> -> memref<128xi32, #tpu.memory_space<vmem>>
    %dma_wait3A_1126 = arith.constant 0 : i32
    %dma_wait3A_1127 = tpu.memref_slice %arg21[%dma_wait3A_1126] : memref<6144xf32, #tpu.memory_space<vmem_shared>> -> memref<6144xf32, #tpu.memory_space<vmem_shared>>
    tpu.wait_indirect_dma semaphore(%arg24 : memref<!tpu.dma_semaphore, #tpu.memory_space<semaphore_mem>>) src(%dma_wait3A_1122 : memref<128xf32, #tpu.memory_space<vmem>>) dst(%dma_wait3A_1127 : memref<6144xf32, #tpu.memory_space<vmem_shared>>)
    %dma_wait3A_1128 = arith.constant 4 : i32
    %dma_wait3A_1129 = arith.constant 4 : i32
    %dma_wait3A_1130 = arith.constant 0 : i32
    %dma_wait3A_1131 = tpu.memref_slice %arg16[%dma_wait3A_1128, %dma_wait3A_1130] : memref<18x128xf32, #tpu.memory_space<vmem>> -> memref<1x128xf32, #tpu.memory_space<vmem>>
    %dma_wait3A_1132 = tpu.memref_squeeze %dma_wait3A_1131 : memref<1x128xf32, #tpu.memory_space<vmem>> -> memref<128xf32, #tpu.memory_space<vmem>>
    %dma_wait3A_1133 = arith.constant 0 : i32
    %dma_wait3A_1134 = tpu.memref_slice %arg18[%dma_wait3A_1129, %dma_wait3A_1133] : memref<18x128xi32, #tpu.memory_space<vmem>> -> memref<1x128xi32, #tpu.memory_space<vmem>>
    %dma_wait3A_1135 = tpu.memref_squeeze %dma_wait3A_1134 : memref<1x128xi32, #tpu.memory_space<vmem>> -> memref<128xi32, #tpu.memory_space<vmem>>
    %dma_wait3A_1136 = arith.constant 0 : i32
    %dma_wait3A_1137 = tpu.memref_slice %arg22[%dma_wait3A_1136] : memref<6144xf32, #tpu.memory_space<vmem_shared>> -> memref<6144xf32, #tpu.memory_space<vmem_shared>>
    tpu.wait_indirect_dma semaphore(%arg24 : memref<!tpu.dma_semaphore, #tpu.memory_space<semaphore_mem>>) src(%dma_wait3A_1132 : memref<128xf32, #tpu.memory_space<vmem>>) dst(%dma_wait3A_1137 : memref<6144xf32, #tpu.memory_space<vmem_shared>>)
    %dma_wait3A_1138 = arith.constant 4 : i32
    %dma_wait3A_1139 = arith.constant 4 : i32
    %dma_wait3A_1140 = arith.constant 0 : i32
    %dma_wait3A_1141 = tpu.memref_slice %arg17[%dma_wait3A_1138, %dma_wait3A_1140] : memref<18x128xf32, #tpu.memory_space<vmem>> -> memref<1x128xf32, #tpu.memory_space<vmem>>
    %dma_wait3A_1142 = tpu.memref_squeeze %dma_wait3A_1141 : memref<1x128xf32, #tpu.memory_space<vmem>> -> memref<128xf32, #tpu.memory_space<vmem>>
    %dma_wait3A_1143 = arith.constant 0 : i32
    %dma_wait3A_1144 = tpu.memref_slice %arg18[%dma_wait3A_1139, %dma_wait3A_1143] : memref<18x128xi32, #tpu.memory_space<vmem>> -> memref<1x128xi32, #tpu.memory_space<vmem>>
    %dma_wait3A_1145 = tpu.memref_squeeze %dma_wait3A_1144 : memref<1x128xi32, #tpu.memory_space<vmem>> -> memref<128xi32, #tpu.memory_space<vmem>>
    %dma_wait3A_1146 = arith.constant 0 : i32
    %dma_wait3A_1147 = tpu.memref_slice %arg23[%dma_wait3A_1146] : memref<6144xf32, #tpu.memory_space<vmem_shared>> -> memref<6144xf32, #tpu.memory_space<vmem_shared>>
    tpu.wait_indirect_dma semaphore(%arg24 : memref<!tpu.dma_semaphore, #tpu.memory_space<semaphore_mem>>) src(%dma_wait3A_1142 : memref<128xf32, #tpu.memory_space<vmem>>) dst(%dma_wait3A_1147 : memref<6144xf32, #tpu.memory_space<vmem_shared>>)
    %dma_wait3A_1148 = arith.constant 5 : i32
    %dma_wait3A_1149 = arith.constant 5 : i32
    %dma_wait3A_1150 = arith.constant 0 : i32
    %dma_wait3A_1151 = tpu.memref_slice %arg13[%dma_wait3A_1148, %dma_wait3A_1150] : memref<18x128xf32, #tpu.memory_space<vmem>> -> memref<1x128xf32, #tpu.memory_space<vmem>>
    %dma_wait3A_1152 = tpu.memref_squeeze %dma_wait3A_1151 : memref<1x128xf32, #tpu.memory_space<vmem>> -> memref<128xf32, #tpu.memory_space<vmem>>
    %dma_wait3A_1153 = arith.constant 0 : i32
    %dma_wait3A_1154 = tpu.memref_slice %arg18[%dma_wait3A_1149, %dma_wait3A_1153] : memref<18x128xi32, #tpu.memory_space<vmem>> -> memref<1x128xi32, #tpu.memory_space<vmem>>
    %dma_wait3A_1155 = tpu.memref_squeeze %dma_wait3A_1154 : memref<1x128xi32, #tpu.memory_space<vmem>> -> memref<128xi32, #tpu.memory_space<vmem>>
    %dma_wait3A_1156 = arith.constant 0 : i32
    %dma_wait3A_1157 = tpu.memref_slice %arg19[%dma_wait3A_1156] : memref<6144xf32, #tpu.memory_space<vmem_shared>> -> memref<6144xf32, #tpu.memory_space<vmem_shared>>
    tpu.wait_indirect_dma semaphore(%arg24 : memref<!tpu.dma_semaphore, #tpu.memory_space<semaphore_mem>>) src(%dma_wait3A_1152 : memref<128xf32, #tpu.memory_space<vmem>>) dst(%dma_wait3A_1157 : memref<6144xf32, #tpu.memory_space<vmem_shared>>)
    %dma_wait3A_1158 = arith.constant 5 : i32
    %dma_wait3A_1159 = arith.constant 5 : i32
    %dma_wait3A_1160 = arith.constant 0 : i32
    %dma_wait3A_1161 = tpu.memref_slice %arg14[%dma_wait3A_1158, %dma_wait3A_1160] : memref<18x128xf32, #tpu.memory_space<vmem>> -> memref<1x128xf32, #tpu.memory_space<vmem>>
    %dma_wait3A_1162 = tpu.memref_squeeze %dma_wait3A_1161 : memref<1x128xf32, #tpu.memory_space<vmem>> -> memref<128xf32, #tpu.memory_space<vmem>>
    %dma_wait3A_1163 = arith.constant 0 : i32
    %dma_wait3A_1164 = tpu.memref_slice %arg18[%dma_wait3A_1159, %dma_wait3A_1163] : memref<18x128xi32, #tpu.memory_space<vmem>> -> memref<1x128xi32, #tpu.memory_space<vmem>>
    %dma_wait3A_1165 = tpu.memref_squeeze %dma_wait3A_1164 : memref<1x128xi32, #tpu.memory_space<vmem>> -> memref<128xi32, #tpu.memory_space<vmem>>
    %dma_wait3A_1166 = arith.constant 0 : i32
    %dma_wait3A_1167 = tpu.memref_slice %arg20[%dma_wait3A_1166] : memref<6144xf32, #tpu.memory_space<vmem_shared>> -> memref<6144xf32, #tpu.memory_space<vmem_shared>>
    tpu.wait_indirect_dma semaphore(%arg24 : memref<!tpu.dma_semaphore, #tpu.memory_space<semaphore_mem>>) src(%dma_wait3A_1162 : memref<128xf32, #tpu.memory_space<vmem>>) dst(%dma_wait3A_1167 : memref<6144xf32, #tpu.memory_space<vmem_shared>>)
    %dma_wait3A_1168 = arith.constant 5 : i32
    %dma_wait3A_1169 = arith.constant 5 : i32
    %dma_wait3A_1170 = arith.constant 0 : i32
    %dma_wait3A_1171 = tpu.memref_slice %arg15[%dma_wait3A_1168, %dma_wait3A_1170] : memref<18x128xf32, #tpu.memory_space<vmem>> -> memref<1x128xf32, #tpu.memory_space<vmem>>
    %dma_wait3A_1172 = tpu.memref_squeeze %dma_wait3A_1171 : memref<1x128xf32, #tpu.memory_space<vmem>> -> memref<128xf32, #tpu.memory_space<vmem>>
    %dma_wait3A_1173 = arith.constant 0 : i32
    %dma_wait3A_1174 = tpu.memref_slice %arg18[%dma_wait3A_1169, %dma_wait3A_1173] : memref<18x128xi32, #tpu.memory_space<vmem>> -> memref<1x128xi32, #tpu.memory_space<vmem>>
    %dma_wait3A_1175 = tpu.memref_squeeze %dma_wait3A_1174 : memref<1x128xi32, #tpu.memory_space<vmem>> -> memref<128xi32, #tpu.memory_space<vmem>>
    %dma_wait3A_1176 = arith.constant 0 : i32
    %dma_wait3A_1177 = tpu.memref_slice %arg21[%dma_wait3A_1176] : memref<6144xf32, #tpu.memory_space<vmem_shared>> -> memref<6144xf32, #tpu.memory_space<vmem_shared>>
    tpu.wait_indirect_dma semaphore(%arg24 : memref<!tpu.dma_semaphore, #tpu.memory_space<semaphore_mem>>) src(%dma_wait3A_1172 : memref<128xf32, #tpu.memory_space<vmem>>) dst(%dma_wait3A_1177 : memref<6144xf32, #tpu.memory_space<vmem_shared>>)
    %dma_wait3A_1178 = arith.constant 5 : i32
    %dma_wait3A_1179 = arith.constant 5 : i32
    %dma_wait3A_1180 = arith.constant 0 : i32
    %dma_wait3A_1181 = tpu.memref_slice %arg16[%dma_wait3A_1178, %dma_wait3A_1180] : memref<18x128xf32, #tpu.memory_space<vmem>> -> memref<1x128xf32, #tpu.memory_space<vmem>>
    %dma_wait3A_1182 = tpu.memref_squeeze %dma_wait3A_1181 : memref<1x128xf32, #tpu.memory_space<vmem>> -> memref<128xf32, #tpu.memory_space<vmem>>
    %dma_wait3A_1183 = arith.constant 0 : i32
    %dma_wait3A_1184 = tpu.memref_slice %arg18[%dma_wait3A_1179, %dma_wait3A_1183] : memref<18x128xi32, #tpu.memory_space<vmem>> -> memref<1x128xi32, #tpu.memory_space<vmem>>
    %dma_wait3A_1185 = tpu.memref_squeeze %dma_wait3A_1184 : memref<1x128xi32, #tpu.memory_space<vmem>> -> memref<128xi32, #tpu.memory_space<vmem>>
    %dma_wait3A_1186 = arith.constant 0 : i32
    %dma_wait3A_1187 = tpu.memref_slice %arg22[%dma_wait3A_1186] : memref<6144xf32, #tpu.memory_space<vmem_shared>> -> memref<6144xf32, #tpu.memory_space<vmem_shared>>
    tpu.wait_indirect_dma semaphore(%arg24 : memref<!tpu.dma_semaphore, #tpu.memory_space<semaphore_mem>>) src(%dma_wait3A_1182 : memref<128xf32, #tpu.memory_space<vmem>>) dst(%dma_wait3A_1187 : memref<6144xf32, #tpu.memory_space<vmem_shared>>)
    %dma_wait3A_1188 = arith.constant 5 : i32
    %dma_wait3A_1189 = arith.constant 5 : i32
    %dma_wait3A_1190 = arith.constant 0 : i32
    %dma_wait3A_1191 = tpu.memref_slice %arg17[%dma_wait3A_1188, %dma_wait3A_1190] : memref<18x128xf32, #tpu.memory_space<vmem>> -> memref<1x128xf32, #tpu.memory_space<vmem>>
    %dma_wait3A_1192 = tpu.memref_squeeze %dma_wait3A_1191 : memref<1x128xf32, #tpu.memory_space<vmem>> -> memref<128xf32, #tpu.memory_space<vmem>>
    %dma_wait3A_1193 = arith.constant 0 : i32
    %dma_wait3A_1194 = tpu.memref_slice %arg18[%dma_wait3A_1189, %dma_wait3A_1193] : memref<18x128xi32, #tpu.memory_space<vmem>> -> memref<1x128xi32, #tpu.memory_space<vmem>>
    %dma_wait3A_1195 = tpu.memref_squeeze %dma_wait3A_1194 : memref<1x128xi32, #tpu.memory_space<vmem>> -> memref<128xi32, #tpu.memory_space<vmem>>
    %dma_wait3A_1196 = arith.constant 0 : i32
    %dma_wait3A_1197 = tpu.memref_slice %arg23[%dma_wait3A_1196] : memref<6144xf32, #tpu.memory_space<vmem_shared>> -> memref<6144xf32, #tpu.memory_space<vmem_shared>>
    tpu.wait_indirect_dma semaphore(%arg24 : memref<!tpu.dma_semaphore, #tpu.memory_space<semaphore_mem>>) src(%dma_wait3A_1192 : memref<128xf32, #tpu.memory_space<vmem>>) dst(%dma_wait3A_1197 : memref<6144xf32, #tpu.memory_space<vmem_shared>>)
    %dma_wait3A_1198 = arith.constant 6 : i32
    %dma_wait3A_1199 = arith.constant 6 : i32
    %dma_wait3A_1200 = arith.constant 0 : i32
    %dma_wait3A_1201 = tpu.memref_slice %arg13[%dma_wait3A_1198, %dma_wait3A_1200] : memref<18x128xf32, #tpu.memory_space<vmem>> -> memref<1x128xf32, #tpu.memory_space<vmem>>
    %dma_wait3A_1202 = tpu.memref_squeeze %dma_wait3A_1201 : memref<1x128xf32, #tpu.memory_space<vmem>> -> memref<128xf32, #tpu.memory_space<vmem>>
    %dma_wait3A_1203 = arith.constant 0 : i32
    %dma_wait3A_1204 = tpu.memref_slice %arg18[%dma_wait3A_1199, %dma_wait3A_1203] : memref<18x128xi32, #tpu.memory_space<vmem>> -> memref<1x128xi32, #tpu.memory_space<vmem>>
    %dma_wait3A_1205 = tpu.memref_squeeze %dma_wait3A_1204 : memref<1x128xi32, #tpu.memory_space<vmem>> -> memref<128xi32, #tpu.memory_space<vmem>>
    %dma_wait3A_1206 = arith.constant 0 : i32
    %dma_wait3A_1207 = tpu.memref_slice %arg19[%dma_wait3A_1206] : memref<6144xf32, #tpu.memory_space<vmem_shared>> -> memref<6144xf32, #tpu.memory_space<vmem_shared>>
    tpu.wait_indirect_dma semaphore(%arg24 : memref<!tpu.dma_semaphore, #tpu.memory_space<semaphore_mem>>) src(%dma_wait3A_1202 : memref<128xf32, #tpu.memory_space<vmem>>) dst(%dma_wait3A_1207 : memref<6144xf32, #tpu.memory_space<vmem_shared>>)
    %dma_wait3A_1208 = arith.constant 6 : i32
    %dma_wait3A_1209 = arith.constant 6 : i32
    %dma_wait3A_1210 = arith.constant 0 : i32
    %dma_wait3A_1211 = tpu.memref_slice %arg14[%dma_wait3A_1208, %dma_wait3A_1210] : memref<18x128xf32, #tpu.memory_space<vmem>> -> memref<1x128xf32, #tpu.memory_space<vmem>>
    %dma_wait3A_1212 = tpu.memref_squeeze %dma_wait3A_1211 : memref<1x128xf32, #tpu.memory_space<vmem>> -> memref<128xf32, #tpu.memory_space<vmem>>
    %dma_wait3A_1213 = arith.constant 0 : i32
    %dma_wait3A_1214 = tpu.memref_slice %arg18[%dma_wait3A_1209, %dma_wait3A_1213] : memref<18x128xi32, #tpu.memory_space<vmem>> -> memref<1x128xi32, #tpu.memory_space<vmem>>
    %dma_wait3A_1215 = tpu.memref_squeeze %dma_wait3A_1214 : memref<1x128xi32, #tpu.memory_space<vmem>> -> memref<128xi32, #tpu.memory_space<vmem>>
    %dma_wait3A_1216 = arith.constant 0 : i32
    %dma_wait3A_1217 = tpu.memref_slice %arg20[%dma_wait3A_1216] : memref<6144xf32, #tpu.memory_space<vmem_shared>> -> memref<6144xf32, #tpu.memory_space<vmem_shared>>
    tpu.wait_indirect_dma semaphore(%arg24 : memref<!tpu.dma_semaphore, #tpu.memory_space<semaphore_mem>>) src(%dma_wait3A_1212 : memref<128xf32, #tpu.memory_space<vmem>>) dst(%dma_wait3A_1217 : memref<6144xf32, #tpu.memory_space<vmem_shared>>)
    %dma_wait3A_1218 = arith.constant 6 : i32
    %dma_wait3A_1219 = arith.constant 6 : i32
    %dma_wait3A_1220 = arith.constant 0 : i32
    %dma_wait3A_1221 = tpu.memref_slice %arg15[%dma_wait3A_1218, %dma_wait3A_1220] : memref<18x128xf32, #tpu.memory_space<vmem>> -> memref<1x128xf32, #tpu.memory_space<vmem>>
    %dma_wait3A_1222 = tpu.memref_squeeze %dma_wait3A_1221 : memref<1x128xf32, #tpu.memory_space<vmem>> -> memref<128xf32, #tpu.memory_space<vmem>>
    %dma_wait3A_1223 = arith.constant 0 : i32
    %dma_wait3A_1224 = tpu.memref_slice %arg18[%dma_wait3A_1219, %dma_wait3A_1223] : memref<18x128xi32, #tpu.memory_space<vmem>> -> memref<1x128xi32, #tpu.memory_space<vmem>>
    %dma_wait3A_1225 = tpu.memref_squeeze %dma_wait3A_1224 : memref<1x128xi32, #tpu.memory_space<vmem>> -> memref<128xi32, #tpu.memory_space<vmem>>
    %dma_wait3A_1226 = arith.constant 0 : i32
    %dma_wait3A_1227 = tpu.memref_slice %arg21[%dma_wait3A_1226] : memref<6144xf32, #tpu.memory_space<vmem_shared>> -> memref<6144xf32, #tpu.memory_space<vmem_shared>>
    tpu.wait_indirect_dma semaphore(%arg24 : memref<!tpu.dma_semaphore, #tpu.memory_space<semaphore_mem>>) src(%dma_wait3A_1222 : memref<128xf32, #tpu.memory_space<vmem>>) dst(%dma_wait3A_1227 : memref<6144xf32, #tpu.memory_space<vmem_shared>>)
    %dma_wait3A_1228 = arith.constant 6 : i32
    %dma_wait3A_1229 = arith.constant 6 : i32
    %dma_wait3A_1230 = arith.constant 0 : i32
    %dma_wait3A_1231 = tpu.memref_slice %arg16[%dma_wait3A_1228, %dma_wait3A_1230] : memref<18x128xf32, #tpu.memory_space<vmem>> -> memref<1x128xf32, #tpu.memory_space<vmem>>
    %dma_wait3A_1232 = tpu.memref_squeeze %dma_wait3A_1231 : memref<1x128xf32, #tpu.memory_space<vmem>> -> memref<128xf32, #tpu.memory_space<vmem>>
    %dma_wait3A_1233 = arith.constant 0 : i32
    %dma_wait3A_1234 = tpu.memref_slice %arg18[%dma_wait3A_1229, %dma_wait3A_1233] : memref<18x128xi32, #tpu.memory_space<vmem>> -> memref<1x128xi32, #tpu.memory_space<vmem>>
    %dma_wait3A_1235 = tpu.memref_squeeze %dma_wait3A_1234 : memref<1x128xi32, #tpu.memory_space<vmem>> -> memref<128xi32, #tpu.memory_space<vmem>>
    %dma_wait3A_1236 = arith.constant 0 : i32
    %dma_wait3A_1237 = tpu.memref_slice %arg22[%dma_wait3A_1236] : memref<6144xf32, #tpu.memory_space<vmem_shared>> -> memref<6144xf32, #tpu.memory_space<vmem_shared>>
    tpu.wait_indirect_dma semaphore(%arg24 : memref<!tpu.dma_semaphore, #tpu.memory_space<semaphore_mem>>) src(%dma_wait3A_1232 : memref<128xf32, #tpu.memory_space<vmem>>) dst(%dma_wait3A_1237 : memref<6144xf32, #tpu.memory_space<vmem_shared>>)
    %dma_wait3A_1238 = arith.constant 6 : i32
    %dma_wait3A_1239 = arith.constant 6 : i32
    %dma_wait3A_1240 = arith.constant 0 : i32
    %dma_wait3A_1241 = tpu.memref_slice %arg17[%dma_wait3A_1238, %dma_wait3A_1240] : memref<18x128xf32, #tpu.memory_space<vmem>> -> memref<1x128xf32, #tpu.memory_space<vmem>>
    %dma_wait3A_1242 = tpu.memref_squeeze %dma_wait3A_1241 : memref<1x128xf32, #tpu.memory_space<vmem>> -> memref<128xf32, #tpu.memory_space<vmem>>
    %dma_wait3A_1243 = arith.constant 0 : i32
    %dma_wait3A_1244 = tpu.memref_slice %arg18[%dma_wait3A_1239, %dma_wait3A_1243] : memref<18x128xi32, #tpu.memory_space<vmem>> -> memref<1x128xi32, #tpu.memory_space<vmem>>
    %dma_wait3A_1245 = tpu.memref_squeeze %dma_wait3A_1244 : memref<1x128xi32, #tpu.memory_space<vmem>> -> memref<128xi32, #tpu.memory_space<vmem>>
    %dma_wait3A_1246 = arith.constant 0 : i32
    %dma_wait3A_1247 = tpu.memref_slice %arg23[%dma_wait3A_1246] : memref<6144xf32, #tpu.memory_space<vmem_shared>> -> memref<6144xf32, #tpu.memory_space<vmem_shared>>
    tpu.wait_indirect_dma semaphore(%arg24 : memref<!tpu.dma_semaphore, #tpu.memory_space<semaphore_mem>>) src(%dma_wait3A_1242 : memref<128xf32, #tpu.memory_space<vmem>>) dst(%dma_wait3A_1247 : memref<6144xf32, #tpu.memory_space<vmem_shared>>)
    %dma_wait3A_1248 = arith.constant 7 : i32
    %dma_wait3A_1249 = arith.constant 7 : i32
    %dma_wait3A_1250 = arith.constant 0 : i32
    %dma_wait3A_1251 = tpu.memref_slice %arg13[%dma_wait3A_1248, %dma_wait3A_1250] : memref<18x128xf32, #tpu.memory_space<vmem>> -> memref<1x128xf32, #tpu.memory_space<vmem>>
    %dma_wait3A_1252 = tpu.memref_squeeze %dma_wait3A_1251 : memref<1x128xf32, #tpu.memory_space<vmem>> -> memref<128xf32, #tpu.memory_space<vmem>>
    %dma_wait3A_1253 = arith.constant 0 : i32
    %dma_wait3A_1254 = tpu.memref_slice %arg18[%dma_wait3A_1249, %dma_wait3A_1253] : memref<18x128xi32, #tpu.memory_space<vmem>> -> memref<1x128xi32, #tpu.memory_space<vmem>>
    %dma_wait3A_1255 = tpu.memref_squeeze %dma_wait3A_1254 : memref<1x128xi32, #tpu.memory_space<vmem>> -> memref<128xi32, #tpu.memory_space<vmem>>
    %dma_wait3A_1256 = arith.constant 0 : i32
    %dma_wait3A_1257 = tpu.memref_slice %arg19[%dma_wait3A_1256] : memref<6144xf32, #tpu.memory_space<vmem_shared>> -> memref<6144xf32, #tpu.memory_space<vmem_shared>>
    tpu.wait_indirect_dma semaphore(%arg24 : memref<!tpu.dma_semaphore, #tpu.memory_space<semaphore_mem>>) src(%dma_wait3A_1252 : memref<128xf32, #tpu.memory_space<vmem>>) dst(%dma_wait3A_1257 : memref<6144xf32, #tpu.memory_space<vmem_shared>>)
    %dma_wait3A_1258 = arith.constant 7 : i32
    %dma_wait3A_1259 = arith.constant 7 : i32
    %dma_wait3A_1260 = arith.constant 0 : i32
    %dma_wait3A_1261 = tpu.memref_slice %arg14[%dma_wait3A_1258, %dma_wait3A_1260] : memref<18x128xf32, #tpu.memory_space<vmem>> -> memref<1x128xf32, #tpu.memory_space<vmem>>
    %dma_wait3A_1262 = tpu.memref_squeeze %dma_wait3A_1261 : memref<1x128xf32, #tpu.memory_space<vmem>> -> memref<128xf32, #tpu.memory_space<vmem>>
    %dma_wait3A_1263 = arith.constant 0 : i32
    %dma_wait3A_1264 = tpu.memref_slice %arg18[%dma_wait3A_1259, %dma_wait3A_1263] : memref<18x128xi32, #tpu.memory_space<vmem>> -> memref<1x128xi32, #tpu.memory_space<vmem>>
    %dma_wait3A_1265 = tpu.memref_squeeze %dma_wait3A_1264 : memref<1x128xi32, #tpu.memory_space<vmem>> -> memref<128xi32, #tpu.memory_space<vmem>>
    %dma_wait3A_1266 = arith.constant 0 : i32
    %dma_wait3A_1267 = tpu.memref_slice %arg20[%dma_wait3A_1266] : memref<6144xf32, #tpu.memory_space<vmem_shared>> -> memref<6144xf32, #tpu.memory_space<vmem_shared>>
    tpu.wait_indirect_dma semaphore(%arg24 : memref<!tpu.dma_semaphore, #tpu.memory_space<semaphore_mem>>) src(%dma_wait3A_1262 : memref<128xf32, #tpu.memory_space<vmem>>) dst(%dma_wait3A_1267 : memref<6144xf32, #tpu.memory_space<vmem_shared>>)
    %dma_wait3A_1268 = arith.constant 7 : i32
    %dma_wait3A_1269 = arith.constant 7 : i32
    %dma_wait3A_1270 = arith.constant 0 : i32
    %dma_wait3A_1271 = tpu.memref_slice %arg15[%dma_wait3A_1268, %dma_wait3A_1270] : memref<18x128xf32, #tpu.memory_space<vmem>> -> memref<1x128xf32, #tpu.memory_space<vmem>>
    %dma_wait3A_1272 = tpu.memref_squeeze %dma_wait3A_1271 : memref<1x128xf32, #tpu.memory_space<vmem>> -> memref<128xf32, #tpu.memory_space<vmem>>
    %dma_wait3A_1273 = arith.constant 0 : i32
    %dma_wait3A_1274 = tpu.memref_slice %arg18[%dma_wait3A_1269, %dma_wait3A_1273] : memref<18x128xi32, #tpu.memory_space<vmem>> -> memref<1x128xi32, #tpu.memory_space<vmem>>
    %dma_wait3A_1275 = tpu.memref_squeeze %dma_wait3A_1274 : memref<1x128xi32, #tpu.memory_space<vmem>> -> memref<128xi32, #tpu.memory_space<vmem>>
    %dma_wait3A_1276 = arith.constant 0 : i32
    %dma_wait3A_1277 = tpu.memref_slice %arg21[%dma_wait3A_1276] : memref<6144xf32, #tpu.memory_space<vmem_shared>> -> memref<6144xf32, #tpu.memory_space<vmem_shared>>
    tpu.wait_indirect_dma semaphore(%arg24 : memref<!tpu.dma_semaphore, #tpu.memory_space<semaphore_mem>>) src(%dma_wait3A_1272 : memref<128xf32, #tpu.memory_space<vmem>>) dst(%dma_wait3A_1277 : memref<6144xf32, #tpu.memory_space<vmem_shared>>)
    %dma_wait3A_1278 = arith.constant 7 : i32
    %dma_wait3A_1279 = arith.constant 7 : i32
    %dma_wait3A_1280 = arith.constant 0 : i32
    %dma_wait3A_1281 = tpu.memref_slice %arg16[%dma_wait3A_1278, %dma_wait3A_1280] : memref<18x128xf32, #tpu.memory_space<vmem>> -> memref<1x128xf32, #tpu.memory_space<vmem>>
    %dma_wait3A_1282 = tpu.memref_squeeze %dma_wait3A_1281 : memref<1x128xf32, #tpu.memory_space<vmem>> -> memref<128xf32, #tpu.memory_space<vmem>>
    %dma_wait3A_1283 = arith.constant 0 : i32
    %dma_wait3A_1284 = tpu.memref_slice %arg18[%dma_wait3A_1279, %dma_wait3A_1283] : memref<18x128xi32, #tpu.memory_space<vmem>> -> memref<1x128xi32, #tpu.memory_space<vmem>>
    %dma_wait3A_1285 = tpu.memref_squeeze %dma_wait3A_1284 : memref<1x128xi32, #tpu.memory_space<vmem>> -> memref<128xi32, #tpu.memory_space<vmem>>
    %dma_wait3A_1286 = arith.constant 0 : i32
    %dma_wait3A_1287 = tpu.memref_slice %arg22[%dma_wait3A_1286] : memref<6144xf32, #tpu.memory_space<vmem_shared>> -> memref<6144xf32, #tpu.memory_space<vmem_shared>>
    tpu.wait_indirect_dma semaphore(%arg24 : memref<!tpu.dma_semaphore, #tpu.memory_space<semaphore_mem>>) src(%dma_wait3A_1282 : memref<128xf32, #tpu.memory_space<vmem>>) dst(%dma_wait3A_1287 : memref<6144xf32, #tpu.memory_space<vmem_shared>>)
    %dma_wait3A_1288 = arith.constant 7 : i32
    %dma_wait3A_1289 = arith.constant 7 : i32
    %dma_wait3A_1290 = arith.constant 0 : i32
    %dma_wait3A_1291 = tpu.memref_slice %arg17[%dma_wait3A_1288, %dma_wait3A_1290] : memref<18x128xf32, #tpu.memory_space<vmem>> -> memref<1x128xf32, #tpu.memory_space<vmem>>
    %dma_wait3A_1292 = tpu.memref_squeeze %dma_wait3A_1291 : memref<1x128xf32, #tpu.memory_space<vmem>> -> memref<128xf32, #tpu.memory_space<vmem>>
    %dma_wait3A_1293 = arith.constant 0 : i32
    %dma_wait3A_1294 = tpu.memref_slice %arg18[%dma_wait3A_1289, %dma_wait3A_1293] : memref<18x128xi32, #tpu.memory_space<vmem>> -> memref<1x128xi32, #tpu.memory_space<vmem>>
    %dma_wait3A_1295 = tpu.memref_squeeze %dma_wait3A_1294 : memref<1x128xi32, #tpu.memory_space<vmem>> -> memref<128xi32, #tpu.memory_space<vmem>>
    %dma_wait3A_1296 = arith.constant 0 : i32
    %dma_wait3A_1297 = tpu.memref_slice %arg23[%dma_wait3A_1296] : memref<6144xf32, #tpu.memory_space<vmem_shared>> -> memref<6144xf32, #tpu.memory_space<vmem_shared>>
    tpu.wait_indirect_dma semaphore(%arg24 : memref<!tpu.dma_semaphore, #tpu.memory_space<semaphore_mem>>) src(%dma_wait3A_1292 : memref<128xf32, #tpu.memory_space<vmem>>) dst(%dma_wait3A_1297 : memref<6144xf32, #tpu.memory_space<vmem_shared>>)
    %dma_wait3A_1298 = arith.constant 8 : i32
    %dma_wait3A_1299 = arith.constant 8 : i32
    %dma_wait3A_1300 = arith.constant 0 : i32
    %dma_wait3A_1301 = tpu.memref_slice %arg13[%dma_wait3A_1298, %dma_wait3A_1300] : memref<18x128xf32, #tpu.memory_space<vmem>> -> memref<1x128xf32, #tpu.memory_space<vmem>>
    %dma_wait3A_1302 = tpu.memref_squeeze %dma_wait3A_1301 : memref<1x128xf32, #tpu.memory_space<vmem>> -> memref<128xf32, #tpu.memory_space<vmem>>
    %dma_wait3A_1303 = arith.constant 0 : i32
    %dma_wait3A_1304 = tpu.memref_slice %arg18[%dma_wait3A_1299, %dma_wait3A_1303] : memref<18x128xi32, #tpu.memory_space<vmem>> -> memref<1x128xi32, #tpu.memory_space<vmem>>
    %dma_wait3A_1305 = tpu.memref_squeeze %dma_wait3A_1304 : memref<1x128xi32, #tpu.memory_space<vmem>> -> memref<128xi32, #tpu.memory_space<vmem>>
    %dma_wait3A_1306 = arith.constant 0 : i32
    %dma_wait3A_1307 = tpu.memref_slice %arg19[%dma_wait3A_1306] : memref<6144xf32, #tpu.memory_space<vmem_shared>> -> memref<6144xf32, #tpu.memory_space<vmem_shared>>
    tpu.wait_indirect_dma semaphore(%arg24 : memref<!tpu.dma_semaphore, #tpu.memory_space<semaphore_mem>>) src(%dma_wait3A_1302 : memref<128xf32, #tpu.memory_space<vmem>>) dst(%dma_wait3A_1307 : memref<6144xf32, #tpu.memory_space<vmem_shared>>)
    %dma_wait3A_1308 = arith.constant 8 : i32
    %dma_wait3A_1309 = arith.constant 8 : i32
    %dma_wait3A_1310 = arith.constant 0 : i32
    %dma_wait3A_1311 = tpu.memref_slice %arg14[%dma_wait3A_1308, %dma_wait3A_1310] : memref<18x128xf32, #tpu.memory_space<vmem>> -> memref<1x128xf32, #tpu.memory_space<vmem>>
    %dma_wait3A_1312 = tpu.memref_squeeze %dma_wait3A_1311 : memref<1x128xf32, #tpu.memory_space<vmem>> -> memref<128xf32, #tpu.memory_space<vmem>>
    %dma_wait3A_1313 = arith.constant 0 : i32
    %dma_wait3A_1314 = tpu.memref_slice %arg18[%dma_wait3A_1309, %dma_wait3A_1313] : memref<18x128xi32, #tpu.memory_space<vmem>> -> memref<1x128xi32, #tpu.memory_space<vmem>>
    %dma_wait3A_1315 = tpu.memref_squeeze %dma_wait3A_1314 : memref<1x128xi32, #tpu.memory_space<vmem>> -> memref<128xi32, #tpu.memory_space<vmem>>
    %dma_wait3A_1316 = arith.constant 0 : i32
    %dma_wait3A_1317 = tpu.memref_slice %arg20[%dma_wait3A_1316] : memref<6144xf32, #tpu.memory_space<vmem_shared>> -> memref<6144xf32, #tpu.memory_space<vmem_shared>>
    tpu.wait_indirect_dma semaphore(%arg24 : memref<!tpu.dma_semaphore, #tpu.memory_space<semaphore_mem>>) src(%dma_wait3A_1312 : memref<128xf32, #tpu.memory_space<vmem>>) dst(%dma_wait3A_1317 : memref<6144xf32, #tpu.memory_space<vmem_shared>>)
    %dma_wait3A_1318 = arith.constant 8 : i32
    %dma_wait3A_1319 = arith.constant 8 : i32
    %dma_wait3A_1320 = arith.constant 0 : i32
    %dma_wait3A_1321 = tpu.memref_slice %arg15[%dma_wait3A_1318, %dma_wait3A_1320] : memref<18x128xf32, #tpu.memory_space<vmem>> -> memref<1x128xf32, #tpu.memory_space<vmem>>
    %dma_wait3A_1322 = tpu.memref_squeeze %dma_wait3A_1321 : memref<1x128xf32, #tpu.memory_space<vmem>> -> memref<128xf32, #tpu.memory_space<vmem>>
    %dma_wait3A_1323 = arith.constant 0 : i32
    %dma_wait3A_1324 = tpu.memref_slice %arg18[%dma_wait3A_1319, %dma_wait3A_1323] : memref<18x128xi32, #tpu.memory_space<vmem>> -> memref<1x128xi32, #tpu.memory_space<vmem>>
    %dma_wait3A_1325 = tpu.memref_squeeze %dma_wait3A_1324 : memref<1x128xi32, #tpu.memory_space<vmem>> -> memref<128xi32, #tpu.memory_space<vmem>>
    %dma_wait3A_1326 = arith.constant 0 : i32
    %dma_wait3A_1327 = tpu.memref_slice %arg21[%dma_wait3A_1326] : memref<6144xf32, #tpu.memory_space<vmem_shared>> -> memref<6144xf32, #tpu.memory_space<vmem_shared>>
    tpu.wait_indirect_dma semaphore(%arg24 : memref<!tpu.dma_semaphore, #tpu.memory_space<semaphore_mem>>) src(%dma_wait3A_1322 : memref<128xf32, #tpu.memory_space<vmem>>) dst(%dma_wait3A_1327 : memref<6144xf32, #tpu.memory_space<vmem_shared>>)
    %dma_wait3A_1328 = arith.constant 8 : i32
    %dma_wait3A_1329 = arith.constant 8 : i32
    %dma_wait3A_1330 = arith.constant 0 : i32
    %dma_wait3A_1331 = tpu.memref_slice %arg16[%dma_wait3A_1328, %dma_wait3A_1330] : memref<18x128xf32, #tpu.memory_space<vmem>> -> memref<1x128xf32, #tpu.memory_space<vmem>>
    %dma_wait3A_1332 = tpu.memref_squeeze %dma_wait3A_1331 : memref<1x128xf32, #tpu.memory_space<vmem>> -> memref<128xf32, #tpu.memory_space<vmem>>
    %dma_wait3A_1333 = arith.constant 0 : i32
    %dma_wait3A_1334 = tpu.memref_slice %arg18[%dma_wait3A_1329, %dma_wait3A_1333] : memref<18x128xi32, #tpu.memory_space<vmem>> -> memref<1x128xi32, #tpu.memory_space<vmem>>
    %dma_wait3A_1335 = tpu.memref_squeeze %dma_wait3A_1334 : memref<1x128xi32, #tpu.memory_space<vmem>> -> memref<128xi32, #tpu.memory_space<vmem>>
    %dma_wait3A_1336 = arith.constant 0 : i32
    %dma_wait3A_1337 = tpu.memref_slice %arg22[%dma_wait3A_1336] : memref<6144xf32, #tpu.memory_space<vmem_shared>> -> memref<6144xf32, #tpu.memory_space<vmem_shared>>
    tpu.wait_indirect_dma semaphore(%arg24 : memref<!tpu.dma_semaphore, #tpu.memory_space<semaphore_mem>>) src(%dma_wait3A_1332 : memref<128xf32, #tpu.memory_space<vmem>>) dst(%dma_wait3A_1337 : memref<6144xf32, #tpu.memory_space<vmem_shared>>)
    %dma_wait3A_1338 = arith.constant 8 : i32
    %dma_wait3A_1339 = arith.constant 8 : i32
    %dma_wait3A_1340 = arith.constant 0 : i32
    %dma_wait3A_1341 = tpu.memref_slice %arg17[%dma_wait3A_1338, %dma_wait3A_1340] : memref<18x128xf32, #tpu.memory_space<vmem>> -> memref<1x128xf32, #tpu.memory_space<vmem>>
    %dma_wait3A_1342 = tpu.memref_squeeze %dma_wait3A_1341 : memref<1x128xf32, #tpu.memory_space<vmem>> -> memref<128xf32, #tpu.memory_space<vmem>>
    %dma_wait3A_1343 = arith.constant 0 : i32
    %dma_wait3A_1344 = tpu.memref_slice %arg18[%dma_wait3A_1339, %dma_wait3A_1343] : memref<18x128xi32, #tpu.memory_space<vmem>> -> memref<1x128xi32, #tpu.memory_space<vmem>>
    %dma_wait3A_1345 = tpu.memref_squeeze %dma_wait3A_1344 : memref<1x128xi32, #tpu.memory_space<vmem>> -> memref<128xi32, #tpu.memory_space<vmem>>
    %dma_wait3A_1346 = arith.constant 0 : i32
    %dma_wait3A_1347 = tpu.memref_slice %arg23[%dma_wait3A_1346] : memref<6144xf32, #tpu.memory_space<vmem_shared>> -> memref<6144xf32, #tpu.memory_space<vmem_shared>>
    tpu.wait_indirect_dma semaphore(%arg24 : memref<!tpu.dma_semaphore, #tpu.memory_space<semaphore_mem>>) src(%dma_wait3A_1342 : memref<128xf32, #tpu.memory_space<vmem>>) dst(%dma_wait3A_1347 : memref<6144xf32, #tpu.memory_space<vmem_shared>>)
    %dma_wait3A_1348 = arith.constant 9 : i32
    %dma_wait3A_1349 = arith.constant 9 : i32
    %dma_wait3A_1350 = arith.constant 0 : i32
    %dma_wait3A_1351 = tpu.memref_slice %arg13[%dma_wait3A_1348, %dma_wait3A_1350] : memref<18x128xf32, #tpu.memory_space<vmem>> -> memref<1x128xf32, #tpu.memory_space<vmem>>
    %dma_wait3A_1352 = tpu.memref_squeeze %dma_wait3A_1351 : memref<1x128xf32, #tpu.memory_space<vmem>> -> memref<128xf32, #tpu.memory_space<vmem>>
    %dma_wait3A_1353 = arith.constant 0 : i32
    %dma_wait3A_1354 = tpu.memref_slice %arg18[%dma_wait3A_1349, %dma_wait3A_1353] : memref<18x128xi32, #tpu.memory_space<vmem>> -> memref<1x128xi32, #tpu.memory_space<vmem>>
    %dma_wait3A_1355 = tpu.memref_squeeze %dma_wait3A_1354 : memref<1x128xi32, #tpu.memory_space<vmem>> -> memref<128xi32, #tpu.memory_space<vmem>>
    %dma_wait3A_1356 = arith.constant 0 : i32
    %dma_wait3A_1357 = tpu.memref_slice %arg19[%dma_wait3A_1356] : memref<6144xf32, #tpu.memory_space<vmem_shared>> -> memref<6144xf32, #tpu.memory_space<vmem_shared>>
    tpu.wait_indirect_dma semaphore(%arg24 : memref<!tpu.dma_semaphore, #tpu.memory_space<semaphore_mem>>) src(%dma_wait3A_1352 : memref<128xf32, #tpu.memory_space<vmem>>) dst(%dma_wait3A_1357 : memref<6144xf32, #tpu.memory_space<vmem_shared>>)
    %dma_wait3A_1358 = arith.constant 9 : i32
    %dma_wait3A_1359 = arith.constant 9 : i32
    %dma_wait3A_1360 = arith.constant 0 : i32
    %dma_wait3A_1361 = tpu.memref_slice %arg14[%dma_wait3A_1358, %dma_wait3A_1360] : memref<18x128xf32, #tpu.memory_space<vmem>> -> memref<1x128xf32, #tpu.memory_space<vmem>>
    %dma_wait3A_1362 = tpu.memref_squeeze %dma_wait3A_1361 : memref<1x128xf32, #tpu.memory_space<vmem>> -> memref<128xf32, #tpu.memory_space<vmem>>
    %dma_wait3A_1363 = arith.constant 0 : i32
    %dma_wait3A_1364 = tpu.memref_slice %arg18[%dma_wait3A_1359, %dma_wait3A_1363] : memref<18x128xi32, #tpu.memory_space<vmem>> -> memref<1x128xi32, #tpu.memory_space<vmem>>
    %dma_wait3A_1365 = tpu.memref_squeeze %dma_wait3A_1364 : memref<1x128xi32, #tpu.memory_space<vmem>> -> memref<128xi32, #tpu.memory_space<vmem>>
    %dma_wait3A_1366 = arith.constant 0 : i32
    %dma_wait3A_1367 = tpu.memref_slice %arg20[%dma_wait3A_1366] : memref<6144xf32, #tpu.memory_space<vmem_shared>> -> memref<6144xf32, #tpu.memory_space<vmem_shared>>
    tpu.wait_indirect_dma semaphore(%arg24 : memref<!tpu.dma_semaphore, #tpu.memory_space<semaphore_mem>>) src(%dma_wait3A_1362 : memref<128xf32, #tpu.memory_space<vmem>>) dst(%dma_wait3A_1367 : memref<6144xf32, #tpu.memory_space<vmem_shared>>)
    %dma_wait3A_1368 = arith.constant 9 : i32
    %dma_wait3A_1369 = arith.constant 9 : i32
    %dma_wait3A_1370 = arith.constant 0 : i32
    %dma_wait3A_1371 = tpu.memref_slice %arg15[%dma_wait3A_1368, %dma_wait3A_1370] : memref<18x128xf32, #tpu.memory_space<vmem>> -> memref<1x128xf32, #tpu.memory_space<vmem>>
    %dma_wait3A_1372 = tpu.memref_squeeze %dma_wait3A_1371 : memref<1x128xf32, #tpu.memory_space<vmem>> -> memref<128xf32, #tpu.memory_space<vmem>>
    %dma_wait3A_1373 = arith.constant 0 : i32
    %dma_wait3A_1374 = tpu.memref_slice %arg18[%dma_wait3A_1369, %dma_wait3A_1373] : memref<18x128xi32, #tpu.memory_space<vmem>> -> memref<1x128xi32, #tpu.memory_space<vmem>>
    %dma_wait3A_1375 = tpu.memref_squeeze %dma_wait3A_1374 : memref<1x128xi32, #tpu.memory_space<vmem>> -> memref<128xi32, #tpu.memory_space<vmem>>
    %dma_wait3A_1376 = arith.constant 0 : i32
    %dma_wait3A_1377 = tpu.memref_slice %arg21[%dma_wait3A_1376] : memref<6144xf32, #tpu.memory_space<vmem_shared>> -> memref<6144xf32, #tpu.memory_space<vmem_shared>>
    tpu.wait_indirect_dma semaphore(%arg24 : memref<!tpu.dma_semaphore, #tpu.memory_space<semaphore_mem>>) src(%dma_wait3A_1372 : memref<128xf32, #tpu.memory_space<vmem>>) dst(%dma_wait3A_1377 : memref<6144xf32, #tpu.memory_space<vmem_shared>>)
    %dma_wait3A_1378 = arith.constant 9 : i32
    %dma_wait3A_1379 = arith.constant 9 : i32
    %dma_wait3A_1380 = arith.constant 0 : i32
    %dma_wait3A_1381 = tpu.memref_slice %arg16[%dma_wait3A_1378, %dma_wait3A_1380] : memref<18x128xf32, #tpu.memory_space<vmem>> -> memref<1x128xf32, #tpu.memory_space<vmem>>
    %dma_wait3A_1382 = tpu.memref_squeeze %dma_wait3A_1381 : memref<1x128xf32, #tpu.memory_space<vmem>> -> memref<128xf32, #tpu.memory_space<vmem>>
    %dma_wait3A_1383 = arith.constant 0 : i32
    %dma_wait3A_1384 = tpu.memref_slice %arg18[%dma_wait3A_1379, %dma_wait3A_1383] : memref<18x128xi32, #tpu.memory_space<vmem>> -> memref<1x128xi32, #tpu.memory_space<vmem>>
    %dma_wait3A_1385 = tpu.memref_squeeze %dma_wait3A_1384 : memref<1x128xi32, #tpu.memory_space<vmem>> -> memref<128xi32, #tpu.memory_space<vmem>>
    %dma_wait3A_1386 = arith.constant 0 : i32
    %dma_wait3A_1387 = tpu.memref_slice %arg22[%dma_wait3A_1386] : memref<6144xf32, #tpu.memory_space<vmem_shared>> -> memref<6144xf32, #tpu.memory_space<vmem_shared>>
    tpu.wait_indirect_dma semaphore(%arg24 : memref<!tpu.dma_semaphore, #tpu.memory_space<semaphore_mem>>) src(%dma_wait3A_1382 : memref<128xf32, #tpu.memory_space<vmem>>) dst(%dma_wait3A_1387 : memref<6144xf32, #tpu.memory_space<vmem_shared>>)
    %dma_wait3A_1388 = arith.constant 9 : i32
    %dma_wait3A_1389 = arith.constant 9 : i32
    %dma_wait3A_1390 = arith.constant 0 : i32
    %dma_wait3A_1391 = tpu.memref_slice %arg17[%dma_wait3A_1388, %dma_wait3A_1390] : memref<18x128xf32, #tpu.memory_space<vmem>> -> memref<1x128xf32, #tpu.memory_space<vmem>>
    %dma_wait3A_1392 = tpu.memref_squeeze %dma_wait3A_1391 : memref<1x128xf32, #tpu.memory_space<vmem>> -> memref<128xf32, #tpu.memory_space<vmem>>
    %dma_wait3A_1393 = arith.constant 0 : i32
    %dma_wait3A_1394 = tpu.memref_slice %arg18[%dma_wait3A_1389, %dma_wait3A_1393] : memref<18x128xi32, #tpu.memory_space<vmem>> -> memref<1x128xi32, #tpu.memory_space<vmem>>
    %dma_wait3A_1395 = tpu.memref_squeeze %dma_wait3A_1394 : memref<1x128xi32, #tpu.memory_space<vmem>> -> memref<128xi32, #tpu.memory_space<vmem>>
    %dma_wait3A_1396 = arith.constant 0 : i32
    %dma_wait3A_1397 = tpu.memref_slice %arg23[%dma_wait3A_1396] : memref<6144xf32, #tpu.memory_space<vmem_shared>> -> memref<6144xf32, #tpu.memory_space<vmem_shared>>
    tpu.wait_indirect_dma semaphore(%arg24 : memref<!tpu.dma_semaphore, #tpu.memory_space<semaphore_mem>>) src(%dma_wait3A_1392 : memref<128xf32, #tpu.memory_space<vmem>>) dst(%dma_wait3A_1397 : memref<6144xf32, #tpu.memory_space<vmem_shared>>)
    %dma_wait3A_1398 = arith.constant 10 : i32
    %dma_wait3A_1399 = arith.constant 10 : i32
    %dma_wait3A_1400 = arith.constant 0 : i32
    %dma_wait3A_1401 = tpu.memref_slice %arg13[%dma_wait3A_1398, %dma_wait3A_1400] : memref<18x128xf32, #tpu.memory_space<vmem>> -> memref<1x128xf32, #tpu.memory_space<vmem>>
    %dma_wait3A_1402 = tpu.memref_squeeze %dma_wait3A_1401 : memref<1x128xf32, #tpu.memory_space<vmem>> -> memref<128xf32, #tpu.memory_space<vmem>>
    %dma_wait3A_1403 = arith.constant 0 : i32
    %dma_wait3A_1404 = tpu.memref_slice %arg18[%dma_wait3A_1399, %dma_wait3A_1403] : memref<18x128xi32, #tpu.memory_space<vmem>> -> memref<1x128xi32, #tpu.memory_space<vmem>>
    %dma_wait3A_1405 = tpu.memref_squeeze %dma_wait3A_1404 : memref<1x128xi32, #tpu.memory_space<vmem>> -> memref<128xi32, #tpu.memory_space<vmem>>
    %dma_wait3A_1406 = arith.constant 0 : i32
    %dma_wait3A_1407 = tpu.memref_slice %arg19[%dma_wait3A_1406] : memref<6144xf32, #tpu.memory_space<vmem_shared>> -> memref<6144xf32, #tpu.memory_space<vmem_shared>>
    tpu.wait_indirect_dma semaphore(%arg24 : memref<!tpu.dma_semaphore, #tpu.memory_space<semaphore_mem>>) src(%dma_wait3A_1402 : memref<128xf32, #tpu.memory_space<vmem>>) dst(%dma_wait3A_1407 : memref<6144xf32, #tpu.memory_space<vmem_shared>>)
    %dma_wait3A_1408 = arith.constant 10 : i32
    %dma_wait3A_1409 = arith.constant 10 : i32
    %dma_wait3A_1410 = arith.constant 0 : i32
    %dma_wait3A_1411 = tpu.memref_slice %arg14[%dma_wait3A_1408, %dma_wait3A_1410] : memref<18x128xf32, #tpu.memory_space<vmem>> -> memref<1x128xf32, #tpu.memory_space<vmem>>
    %dma_wait3A_1412 = tpu.memref_squeeze %dma_wait3A_1411 : memref<1x128xf32, #tpu.memory_space<vmem>> -> memref<128xf32, #tpu.memory_space<vmem>>
    %dma_wait3A_1413 = arith.constant 0 : i32
    %dma_wait3A_1414 = tpu.memref_slice %arg18[%dma_wait3A_1409, %dma_wait3A_1413] : memref<18x128xi32, #tpu.memory_space<vmem>> -> memref<1x128xi32, #tpu.memory_space<vmem>>
    %dma_wait3A_1415 = tpu.memref_squeeze %dma_wait3A_1414 : memref<1x128xi32, #tpu.memory_space<vmem>> -> memref<128xi32, #tpu.memory_space<vmem>>
    %dma_wait3A_1416 = arith.constant 0 : i32
    %dma_wait3A_1417 = tpu.memref_slice %arg20[%dma_wait3A_1416] : memref<6144xf32, #tpu.memory_space<vmem_shared>> -> memref<6144xf32, #tpu.memory_space<vmem_shared>>
    tpu.wait_indirect_dma semaphore(%arg24 : memref<!tpu.dma_semaphore, #tpu.memory_space<semaphore_mem>>) src(%dma_wait3A_1412 : memref<128xf32, #tpu.memory_space<vmem>>) dst(%dma_wait3A_1417 : memref<6144xf32, #tpu.memory_space<vmem_shared>>)
    %dma_wait3A_1418 = arith.constant 10 : i32
    %dma_wait3A_1419 = arith.constant 10 : i32
    %dma_wait3A_1420 = arith.constant 0 : i32
    %dma_wait3A_1421 = tpu.memref_slice %arg15[%dma_wait3A_1418, %dma_wait3A_1420] : memref<18x128xf32, #tpu.memory_space<vmem>> -> memref<1x128xf32, #tpu.memory_space<vmem>>
    %dma_wait3A_1422 = tpu.memref_squeeze %dma_wait3A_1421 : memref<1x128xf32, #tpu.memory_space<vmem>> -> memref<128xf32, #tpu.memory_space<vmem>>
    %dma_wait3A_1423 = arith.constant 0 : i32
    %dma_wait3A_1424 = tpu.memref_slice %arg18[%dma_wait3A_1419, %dma_wait3A_1423] : memref<18x128xi32, #tpu.memory_space<vmem>> -> memref<1x128xi32, #tpu.memory_space<vmem>>
    %dma_wait3A_1425 = tpu.memref_squeeze %dma_wait3A_1424 : memref<1x128xi32, #tpu.memory_space<vmem>> -> memref<128xi32, #tpu.memory_space<vmem>>
    %dma_wait3A_1426 = arith.constant 0 : i32
    %dma_wait3A_1427 = tpu.memref_slice %arg21[%dma_wait3A_1426] : memref<6144xf32, #tpu.memory_space<vmem_shared>> -> memref<6144xf32, #tpu.memory_space<vmem_shared>>
    tpu.wait_indirect_dma semaphore(%arg24 : memref<!tpu.dma_semaphore, #tpu.memory_space<semaphore_mem>>) src(%dma_wait3A_1422 : memref<128xf32, #tpu.memory_space<vmem>>) dst(%dma_wait3A_1427 : memref<6144xf32, #tpu.memory_space<vmem_shared>>)
    %dma_wait3A_1428 = arith.constant 10 : i32
    %dma_wait3A_1429 = arith.constant 10 : i32
    %dma_wait3A_1430 = arith.constant 0 : i32
    %dma_wait3A_1431 = tpu.memref_slice %arg16[%dma_wait3A_1428, %dma_wait3A_1430] : memref<18x128xf32, #tpu.memory_space<vmem>> -> memref<1x128xf32, #tpu.memory_space<vmem>>
    %dma_wait3A_1432 = tpu.memref_squeeze %dma_wait3A_1431 : memref<1x128xf32, #tpu.memory_space<vmem>> -> memref<128xf32, #tpu.memory_space<vmem>>
    %dma_wait3A_1433 = arith.constant 0 : i32
    %dma_wait3A_1434 = tpu.memref_slice %arg18[%dma_wait3A_1429, %dma_wait3A_1433] : memref<18x128xi32, #tpu.memory_space<vmem>> -> memref<1x128xi32, #tpu.memory_space<vmem>>
    %dma_wait3A_1435 = tpu.memref_squeeze %dma_wait3A_1434 : memref<1x128xi32, #tpu.memory_space<vmem>> -> memref<128xi32, #tpu.memory_space<vmem>>
    %dma_wait3A_1436 = arith.constant 0 : i32
    %dma_wait3A_1437 = tpu.memref_slice %arg22[%dma_wait3A_1436] : memref<6144xf32, #tpu.memory_space<vmem_shared>> -> memref<6144xf32, #tpu.memory_space<vmem_shared>>
    tpu.wait_indirect_dma semaphore(%arg24 : memref<!tpu.dma_semaphore, #tpu.memory_space<semaphore_mem>>) src(%dma_wait3A_1432 : memref<128xf32, #tpu.memory_space<vmem>>) dst(%dma_wait3A_1437 : memref<6144xf32, #tpu.memory_space<vmem_shared>>)
    %dma_wait3A_1438 = arith.constant 10 : i32
    %dma_wait3A_1439 = arith.constant 10 : i32
    %dma_wait3A_1440 = arith.constant 0 : i32
    %dma_wait3A_1441 = tpu.memref_slice %arg17[%dma_wait3A_1438, %dma_wait3A_1440] : memref<18x128xf32, #tpu.memory_space<vmem>> -> memref<1x128xf32, #tpu.memory_space<vmem>>
    %dma_wait3A_1442 = tpu.memref_squeeze %dma_wait3A_1441 : memref<1x128xf32, #tpu.memory_space<vmem>> -> memref<128xf32, #tpu.memory_space<vmem>>
    %dma_wait3A_1443 = arith.constant 0 : i32
    %dma_wait3A_1444 = tpu.memref_slice %arg18[%dma_wait3A_1439, %dma_wait3A_1443] : memref<18x128xi32, #tpu.memory_space<vmem>> -> memref<1x128xi32, #tpu.memory_space<vmem>>
    %dma_wait3A_1445 = tpu.memref_squeeze %dma_wait3A_1444 : memref<1x128xi32, #tpu.memory_space<vmem>> -> memref<128xi32, #tpu.memory_space<vmem>>
    %dma_wait3A_1446 = arith.constant 0 : i32
    %dma_wait3A_1447 = tpu.memref_slice %arg23[%dma_wait3A_1446] : memref<6144xf32, #tpu.memory_space<vmem_shared>> -> memref<6144xf32, #tpu.memory_space<vmem_shared>>
    tpu.wait_indirect_dma semaphore(%arg24 : memref<!tpu.dma_semaphore, #tpu.memory_space<semaphore_mem>>) src(%dma_wait3A_1442 : memref<128xf32, #tpu.memory_space<vmem>>) dst(%dma_wait3A_1447 : memref<6144xf32, #tpu.memory_space<vmem_shared>>)
    %dma_wait3A_1448 = arith.constant 11 : i32
    %dma_wait3A_1449 = arith.constant 11 : i32
    %dma_wait3A_1450 = arith.constant 0 : i32
    %dma_wait3A_1451 = tpu.memref_slice %arg13[%dma_wait3A_1448, %dma_wait3A_1450] : memref<18x128xf32, #tpu.memory_space<vmem>> -> memref<1x128xf32, #tpu.memory_space<vmem>>
    %dma_wait3A_1452 = tpu.memref_squeeze %dma_wait3A_1451 : memref<1x128xf32, #tpu.memory_space<vmem>> -> memref<128xf32, #tpu.memory_space<vmem>>
    %dma_wait3A_1453 = arith.constant 0 : i32
    %dma_wait3A_1454 = tpu.memref_slice %arg18[%dma_wait3A_1449, %dma_wait3A_1453] : memref<18x128xi32, #tpu.memory_space<vmem>> -> memref<1x128xi32, #tpu.memory_space<vmem>>
    %dma_wait3A_1455 = tpu.memref_squeeze %dma_wait3A_1454 : memref<1x128xi32, #tpu.memory_space<vmem>> -> memref<128xi32, #tpu.memory_space<vmem>>
    %dma_wait3A_1456 = arith.constant 0 : i32
    %dma_wait3A_1457 = tpu.memref_slice %arg19[%dma_wait3A_1456] : memref<6144xf32, #tpu.memory_space<vmem_shared>> -> memref<6144xf32, #tpu.memory_space<vmem_shared>>
    tpu.wait_indirect_dma semaphore(%arg24 : memref<!tpu.dma_semaphore, #tpu.memory_space<semaphore_mem>>) src(%dma_wait3A_1452 : memref<128xf32, #tpu.memory_space<vmem>>) dst(%dma_wait3A_1457 : memref<6144xf32, #tpu.memory_space<vmem_shared>>)
    %dma_wait3A_1458 = arith.constant 11 : i32
    %dma_wait3A_1459 = arith.constant 11 : i32
    %dma_wait3A_1460 = arith.constant 0 : i32
    %dma_wait3A_1461 = tpu.memref_slice %arg14[%dma_wait3A_1458, %dma_wait3A_1460] : memref<18x128xf32, #tpu.memory_space<vmem>> -> memref<1x128xf32, #tpu.memory_space<vmem>>
    %dma_wait3A_1462 = tpu.memref_squeeze %dma_wait3A_1461 : memref<1x128xf32, #tpu.memory_space<vmem>> -> memref<128xf32, #tpu.memory_space<vmem>>
    %dma_wait3A_1463 = arith.constant 0 : i32
    %dma_wait3A_1464 = tpu.memref_slice %arg18[%dma_wait3A_1459, %dma_wait3A_1463] : memref<18x128xi32, #tpu.memory_space<vmem>> -> memref<1x128xi32, #tpu.memory_space<vmem>>
    %dma_wait3A_1465 = tpu.memref_squeeze %dma_wait3A_1464 : memref<1x128xi32, #tpu.memory_space<vmem>> -> memref<128xi32, #tpu.memory_space<vmem>>
    %dma_wait3A_1466 = arith.constant 0 : i32
    %dma_wait3A_1467 = tpu.memref_slice %arg20[%dma_wait3A_1466] : memref<6144xf32, #tpu.memory_space<vmem_shared>> -> memref<6144xf32, #tpu.memory_space<vmem_shared>>
    tpu.wait_indirect_dma semaphore(%arg24 : memref<!tpu.dma_semaphore, #tpu.memory_space<semaphore_mem>>) src(%dma_wait3A_1462 : memref<128xf32, #tpu.memory_space<vmem>>) dst(%dma_wait3A_1467 : memref<6144xf32, #tpu.memory_space<vmem_shared>>)
    %dma_wait3A_1468 = arith.constant 11 : i32
    %dma_wait3A_1469 = arith.constant 11 : i32
    %dma_wait3A_1470 = arith.constant 0 : i32
    %dma_wait3A_1471 = tpu.memref_slice %arg15[%dma_wait3A_1468, %dma_wait3A_1470] : memref<18x128xf32, #tpu.memory_space<vmem>> -> memref<1x128xf32, #tpu.memory_space<vmem>>
    %dma_wait3A_1472 = tpu.memref_squeeze %dma_wait3A_1471 : memref<1x128xf32, #tpu.memory_space<vmem>> -> memref<128xf32, #tpu.memory_space<vmem>>
    %dma_wait3A_1473 = arith.constant 0 : i32
    %dma_wait3A_1474 = tpu.memref_slice %arg18[%dma_wait3A_1469, %dma_wait3A_1473] : memref<18x128xi32, #tpu.memory_space<vmem>> -> memref<1x128xi32, #tpu.memory_space<vmem>>
    %dma_wait3A_1475 = tpu.memref_squeeze %dma_wait3A_1474 : memref<1x128xi32, #tpu.memory_space<vmem>> -> memref<128xi32, #tpu.memory_space<vmem>>
    %dma_wait3A_1476 = arith.constant 0 : i32
    %dma_wait3A_1477 = tpu.memref_slice %arg21[%dma_wait3A_1476] : memref<6144xf32, #tpu.memory_space<vmem_shared>> -> memref<6144xf32, #tpu.memory_space<vmem_shared>>
    tpu.wait_indirect_dma semaphore(%arg24 : memref<!tpu.dma_semaphore, #tpu.memory_space<semaphore_mem>>) src(%dma_wait3A_1472 : memref<128xf32, #tpu.memory_space<vmem>>) dst(%dma_wait3A_1477 : memref<6144xf32, #tpu.memory_space<vmem_shared>>)
    %dma_wait3A_1478 = arith.constant 11 : i32
    %dma_wait3A_1479 = arith.constant 11 : i32
    %dma_wait3A_1480 = arith.constant 0 : i32
    %dma_wait3A_1481 = tpu.memref_slice %arg16[%dma_wait3A_1478, %dma_wait3A_1480] : memref<18x128xf32, #tpu.memory_space<vmem>> -> memref<1x128xf32, #tpu.memory_space<vmem>>
    %dma_wait3A_1482 = tpu.memref_squeeze %dma_wait3A_1481 : memref<1x128xf32, #tpu.memory_space<vmem>> -> memref<128xf32, #tpu.memory_space<vmem>>
    %dma_wait3A_1483 = arith.constant 0 : i32
    %dma_wait3A_1484 = tpu.memref_slice %arg18[%dma_wait3A_1479, %dma_wait3A_1483] : memref<18x128xi32, #tpu.memory_space<vmem>> -> memref<1x128xi32, #tpu.memory_space<vmem>>
    %dma_wait3A_1485 = tpu.memref_squeeze %dma_wait3A_1484 : memref<1x128xi32, #tpu.memory_space<vmem>> -> memref<128xi32, #tpu.memory_space<vmem>>
    %dma_wait3A_1486 = arith.constant 0 : i32
    %dma_wait3A_1487 = tpu.memref_slice %arg22[%dma_wait3A_1486] : memref<6144xf32, #tpu.memory_space<vmem_shared>> -> memref<6144xf32, #tpu.memory_space<vmem_shared>>
    tpu.wait_indirect_dma semaphore(%arg24 : memref<!tpu.dma_semaphore, #tpu.memory_space<semaphore_mem>>) src(%dma_wait3A_1482 : memref<128xf32, #tpu.memory_space<vmem>>) dst(%dma_wait3A_1487 : memref<6144xf32, #tpu.memory_space<vmem_shared>>)
    %dma_wait3A_1488 = arith.constant 11 : i32
    %dma_wait3A_1489 = arith.constant 11 : i32
    %dma_wait3A_1490 = arith.constant 0 : i32
    %dma_wait3A_1491 = tpu.memref_slice %arg17[%dma_wait3A_1488, %dma_wait3A_1490] : memref<18x128xf32, #tpu.memory_space<vmem>> -> memref<1x128xf32, #tpu.memory_space<vmem>>
    %dma_wait3A_1492 = tpu.memref_squeeze %dma_wait3A_1491 : memref<1x128xf32, #tpu.memory_space<vmem>> -> memref<128xf32, #tpu.memory_space<vmem>>
    %dma_wait3A_1493 = arith.constant 0 : i32
    %dma_wait3A_1494 = tpu.memref_slice %arg18[%dma_wait3A_1489, %dma_wait3A_1493] : memref<18x128xi32, #tpu.memory_space<vmem>> -> memref<1x128xi32, #tpu.memory_space<vmem>>
    %dma_wait3A_1495 = tpu.memref_squeeze %dma_wait3A_1494 : memref<1x128xi32, #tpu.memory_space<vmem>> -> memref<128xi32, #tpu.memory_space<vmem>>
    %dma_wait3A_1496 = arith.constant 0 : i32
    %dma_wait3A_1497 = tpu.memref_slice %arg23[%dma_wait3A_1496] : memref<6144xf32, #tpu.memory_space<vmem_shared>> -> memref<6144xf32, #tpu.memory_space<vmem_shared>>
    tpu.wait_indirect_dma semaphore(%arg24 : memref<!tpu.dma_semaphore, #tpu.memory_space<semaphore_mem>>) src(%dma_wait3A_1492 : memref<128xf32, #tpu.memory_space<vmem>>) dst(%dma_wait3A_1497 : memref<6144xf32, #tpu.memory_space<vmem_shared>>)
    %dma_wait3A_1498 = arith.constant 12 : i32
    %dma_wait3A_1499 = arith.constant 12 : i32
    %dma_wait3A_1500 = arith.constant 0 : i32
    %dma_wait3A_1501 = tpu.memref_slice %arg13[%dma_wait3A_1498, %dma_wait3A_1500] : memref<18x128xf32, #tpu.memory_space<vmem>> -> memref<1x128xf32, #tpu.memory_space<vmem>>
    %dma_wait3A_1502 = tpu.memref_squeeze %dma_wait3A_1501 : memref<1x128xf32, #tpu.memory_space<vmem>> -> memref<128xf32, #tpu.memory_space<vmem>>
    %dma_wait3A_1503 = arith.constant 0 : i32
    %dma_wait3A_1504 = tpu.memref_slice %arg18[%dma_wait3A_1499, %dma_wait3A_1503] : memref<18x128xi32, #tpu.memory_space<vmem>> -> memref<1x128xi32, #tpu.memory_space<vmem>>
    %dma_wait3A_1505 = tpu.memref_squeeze %dma_wait3A_1504 : memref<1x128xi32, #tpu.memory_space<vmem>> -> memref<128xi32, #tpu.memory_space<vmem>>
    %dma_wait3A_1506 = arith.constant 0 : i32
    %dma_wait3A_1507 = tpu.memref_slice %arg19[%dma_wait3A_1506] : memref<6144xf32, #tpu.memory_space<vmem_shared>> -> memref<6144xf32, #tpu.memory_space<vmem_shared>>
    tpu.wait_indirect_dma semaphore(%arg24 : memref<!tpu.dma_semaphore, #tpu.memory_space<semaphore_mem>>) src(%dma_wait3A_1502 : memref<128xf32, #tpu.memory_space<vmem>>) dst(%dma_wait3A_1507 : memref<6144xf32, #tpu.memory_space<vmem_shared>>)
    %dma_wait3A_1508 = arith.constant 12 : i32
    %dma_wait3A_1509 = arith.constant 12 : i32
    %dma_wait3A_1510 = arith.constant 0 : i32
    %dma_wait3A_1511 = tpu.memref_slice %arg14[%dma_wait3A_1508, %dma_wait3A_1510] : memref<18x128xf32, #tpu.memory_space<vmem>> -> memref<1x128xf32, #tpu.memory_space<vmem>>
    %dma_wait3A_1512 = tpu.memref_squeeze %dma_wait3A_1511 : memref<1x128xf32, #tpu.memory_space<vmem>> -> memref<128xf32, #tpu.memory_space<vmem>>
    %dma_wait3A_1513 = arith.constant 0 : i32
    %dma_wait3A_1514 = tpu.memref_slice %arg18[%dma_wait3A_1509, %dma_wait3A_1513] : memref<18x128xi32, #tpu.memory_space<vmem>> -> memref<1x128xi32, #tpu.memory_space<vmem>>
    %dma_wait3A_1515 = tpu.memref_squeeze %dma_wait3A_1514 : memref<1x128xi32, #tpu.memory_space<vmem>> -> memref<128xi32, #tpu.memory_space<vmem>>
    %dma_wait3A_1516 = arith.constant 0 : i32
    %dma_wait3A_1517 = tpu.memref_slice %arg20[%dma_wait3A_1516] : memref<6144xf32, #tpu.memory_space<vmem_shared>> -> memref<6144xf32, #tpu.memory_space<vmem_shared>>
    tpu.wait_indirect_dma semaphore(%arg24 : memref<!tpu.dma_semaphore, #tpu.memory_space<semaphore_mem>>) src(%dma_wait3A_1512 : memref<128xf32, #tpu.memory_space<vmem>>) dst(%dma_wait3A_1517 : memref<6144xf32, #tpu.memory_space<vmem_shared>>)
    %dma_wait3A_1518 = arith.constant 12 : i32
    %dma_wait3A_1519 = arith.constant 12 : i32
    %dma_wait3A_1520 = arith.constant 0 : i32
    %dma_wait3A_1521 = tpu.memref_slice %arg15[%dma_wait3A_1518, %dma_wait3A_1520] : memref<18x128xf32, #tpu.memory_space<vmem>> -> memref<1x128xf32, #tpu.memory_space<vmem>>
    %dma_wait3A_1522 = tpu.memref_squeeze %dma_wait3A_1521 : memref<1x128xf32, #tpu.memory_space<vmem>> -> memref<128xf32, #tpu.memory_space<vmem>>
    %dma_wait3A_1523 = arith.constant 0 : i32
    %dma_wait3A_1524 = tpu.memref_slice %arg18[%dma_wait3A_1519, %dma_wait3A_1523] : memref<18x128xi32, #tpu.memory_space<vmem>> -> memref<1x128xi32, #tpu.memory_space<vmem>>
    %dma_wait3A_1525 = tpu.memref_squeeze %dma_wait3A_1524 : memref<1x128xi32, #tpu.memory_space<vmem>> -> memref<128xi32, #tpu.memory_space<vmem>>
    %dma_wait3A_1526 = arith.constant 0 : i32
    %dma_wait3A_1527 = tpu.memref_slice %arg21[%dma_wait3A_1526] : memref<6144xf32, #tpu.memory_space<vmem_shared>> -> memref<6144xf32, #tpu.memory_space<vmem_shared>>
    tpu.wait_indirect_dma semaphore(%arg24 : memref<!tpu.dma_semaphore, #tpu.memory_space<semaphore_mem>>) src(%dma_wait3A_1522 : memref<128xf32, #tpu.memory_space<vmem>>) dst(%dma_wait3A_1527 : memref<6144xf32, #tpu.memory_space<vmem_shared>>)
    %dma_wait3A_1528 = arith.constant 12 : i32
    %dma_wait3A_1529 = arith.constant 12 : i32
    %dma_wait3A_1530 = arith.constant 0 : i32
    %dma_wait3A_1531 = tpu.memref_slice %arg16[%dma_wait3A_1528, %dma_wait3A_1530] : memref<18x128xf32, #tpu.memory_space<vmem>> -> memref<1x128xf32, #tpu.memory_space<vmem>>
    %dma_wait3A_1532 = tpu.memref_squeeze %dma_wait3A_1531 : memref<1x128xf32, #tpu.memory_space<vmem>> -> memref<128xf32, #tpu.memory_space<vmem>>
    %dma_wait3A_1533 = arith.constant 0 : i32
    %dma_wait3A_1534 = tpu.memref_slice %arg18[%dma_wait3A_1529, %dma_wait3A_1533] : memref<18x128xi32, #tpu.memory_space<vmem>> -> memref<1x128xi32, #tpu.memory_space<vmem>>
    %dma_wait3A_1535 = tpu.memref_squeeze %dma_wait3A_1534 : memref<1x128xi32, #tpu.memory_space<vmem>> -> memref<128xi32, #tpu.memory_space<vmem>>
    %dma_wait3A_1536 = arith.constant 0 : i32
    %dma_wait3A_1537 = tpu.memref_slice %arg22[%dma_wait3A_1536] : memref<6144xf32, #tpu.memory_space<vmem_shared>> -> memref<6144xf32, #tpu.memory_space<vmem_shared>>
    tpu.wait_indirect_dma semaphore(%arg24 : memref<!tpu.dma_semaphore, #tpu.memory_space<semaphore_mem>>) src(%dma_wait3A_1532 : memref<128xf32, #tpu.memory_space<vmem>>) dst(%dma_wait3A_1537 : memref<6144xf32, #tpu.memory_space<vmem_shared>>)
    %dma_wait3A_1538 = arith.constant 12 : i32
    %dma_wait3A_1539 = arith.constant 12 : i32
    %dma_wait3A_1540 = arith.constant 0 : i32
    %dma_wait3A_1541 = tpu.memref_slice %arg17[%dma_wait3A_1538, %dma_wait3A_1540] : memref<18x128xf32, #tpu.memory_space<vmem>> -> memref<1x128xf32, #tpu.memory_space<vmem>>
    %dma_wait3A_1542 = tpu.memref_squeeze %dma_wait3A_1541 : memref<1x128xf32, #tpu.memory_space<vmem>> -> memref<128xf32, #tpu.memory_space<vmem>>
    %dma_wait3A_1543 = arith.constant 0 : i32
    %dma_wait3A_1544 = tpu.memref_slice %arg18[%dma_wait3A_1539, %dma_wait3A_1543] : memref<18x128xi32, #tpu.memory_space<vmem>> -> memref<1x128xi32, #tpu.memory_space<vmem>>
    %dma_wait3A_1545 = tpu.memref_squeeze %dma_wait3A_1544 : memref<1x128xi32, #tpu.memory_space<vmem>> -> memref<128xi32, #tpu.memory_space<vmem>>
    %dma_wait3A_1546 = arith.constant 0 : i32
    %dma_wait3A_1547 = tpu.memref_slice %arg23[%dma_wait3A_1546] : memref<6144xf32, #tpu.memory_space<vmem_shared>> -> memref<6144xf32, #tpu.memory_space<vmem_shared>>
    tpu.wait_indirect_dma semaphore(%arg24 : memref<!tpu.dma_semaphore, #tpu.memory_space<semaphore_mem>>) src(%dma_wait3A_1542 : memref<128xf32, #tpu.memory_space<vmem>>) dst(%dma_wait3A_1547 : memref<6144xf32, #tpu.memory_space<vmem_shared>>)
    %dma_wait3A_1548 = arith.constant 13 : i32
    %dma_wait3A_1549 = arith.constant 13 : i32
    %dma_wait3A_1550 = arith.constant 0 : i32
    %dma_wait3A_1551 = tpu.memref_slice %arg13[%dma_wait3A_1548, %dma_wait3A_1550] : memref<18x128xf32, #tpu.memory_space<vmem>> -> memref<1x128xf32, #tpu.memory_space<vmem>>
    %dma_wait3A_1552 = tpu.memref_squeeze %dma_wait3A_1551 : memref<1x128xf32, #tpu.memory_space<vmem>> -> memref<128xf32, #tpu.memory_space<vmem>>
    %dma_wait3A_1553 = arith.constant 0 : i32
    %dma_wait3A_1554 = tpu.memref_slice %arg18[%dma_wait3A_1549, %dma_wait3A_1553] : memref<18x128xi32, #tpu.memory_space<vmem>> -> memref<1x128xi32, #tpu.memory_space<vmem>>
    %dma_wait3A_1555 = tpu.memref_squeeze %dma_wait3A_1554 : memref<1x128xi32, #tpu.memory_space<vmem>> -> memref<128xi32, #tpu.memory_space<vmem>>
    %dma_wait3A_1556 = arith.constant 0 : i32
    %dma_wait3A_1557 = tpu.memref_slice %arg19[%dma_wait3A_1556] : memref<6144xf32, #tpu.memory_space<vmem_shared>> -> memref<6144xf32, #tpu.memory_space<vmem_shared>>
    tpu.wait_indirect_dma semaphore(%arg24 : memref<!tpu.dma_semaphore, #tpu.memory_space<semaphore_mem>>) src(%dma_wait3A_1552 : memref<128xf32, #tpu.memory_space<vmem>>) dst(%dma_wait3A_1557 : memref<6144xf32, #tpu.memory_space<vmem_shared>>)
    %dma_wait3A_1558 = arith.constant 13 : i32
    %dma_wait3A_1559 = arith.constant 13 : i32
    %dma_wait3A_1560 = arith.constant 0 : i32
    %dma_wait3A_1561 = tpu.memref_slice %arg14[%dma_wait3A_1558, %dma_wait3A_1560] : memref<18x128xf32, #tpu.memory_space<vmem>> -> memref<1x128xf32, #tpu.memory_space<vmem>>
    %dma_wait3A_1562 = tpu.memref_squeeze %dma_wait3A_1561 : memref<1x128xf32, #tpu.memory_space<vmem>> -> memref<128xf32, #tpu.memory_space<vmem>>
    %dma_wait3A_1563 = arith.constant 0 : i32
    %dma_wait3A_1564 = tpu.memref_slice %arg18[%dma_wait3A_1559, %dma_wait3A_1563] : memref<18x128xi32, #tpu.memory_space<vmem>> -> memref<1x128xi32, #tpu.memory_space<vmem>>
    %dma_wait3A_1565 = tpu.memref_squeeze %dma_wait3A_1564 : memref<1x128xi32, #tpu.memory_space<vmem>> -> memref<128xi32, #tpu.memory_space<vmem>>
    %dma_wait3A_1566 = arith.constant 0 : i32
    %dma_wait3A_1567 = tpu.memref_slice %arg20[%dma_wait3A_1566] : memref<6144xf32, #tpu.memory_space<vmem_shared>> -> memref<6144xf32, #tpu.memory_space<vmem_shared>>
    tpu.wait_indirect_dma semaphore(%arg24 : memref<!tpu.dma_semaphore, #tpu.memory_space<semaphore_mem>>) src(%dma_wait3A_1562 : memref<128xf32, #tpu.memory_space<vmem>>) dst(%dma_wait3A_1567 : memref<6144xf32, #tpu.memory_space<vmem_shared>>)
    %dma_wait3A_1568 = arith.constant 13 : i32
    %dma_wait3A_1569 = arith.constant 13 : i32
    %dma_wait3A_1570 = arith.constant 0 : i32
    %dma_wait3A_1571 = tpu.memref_slice %arg15[%dma_wait3A_1568, %dma_wait3A_1570] : memref<18x128xf32, #tpu.memory_space<vmem>> -> memref<1x128xf32, #tpu.memory_space<vmem>>
    %dma_wait3A_1572 = tpu.memref_squeeze %dma_wait3A_1571 : memref<1x128xf32, #tpu.memory_space<vmem>> -> memref<128xf32, #tpu.memory_space<vmem>>
    %dma_wait3A_1573 = arith.constant 0 : i32
    %dma_wait3A_1574 = tpu.memref_slice %arg18[%dma_wait3A_1569, %dma_wait3A_1573] : memref<18x128xi32, #tpu.memory_space<vmem>> -> memref<1x128xi32, #tpu.memory_space<vmem>>
    %dma_wait3A_1575 = tpu.memref_squeeze %dma_wait3A_1574 : memref<1x128xi32, #tpu.memory_space<vmem>> -> memref<128xi32, #tpu.memory_space<vmem>>
    %dma_wait3A_1576 = arith.constant 0 : i32
    %dma_wait3A_1577 = tpu.memref_slice %arg21[%dma_wait3A_1576] : memref<6144xf32, #tpu.memory_space<vmem_shared>> -> memref<6144xf32, #tpu.memory_space<vmem_shared>>
    tpu.wait_indirect_dma semaphore(%arg24 : memref<!tpu.dma_semaphore, #tpu.memory_space<semaphore_mem>>) src(%dma_wait3A_1572 : memref<128xf32, #tpu.memory_space<vmem>>) dst(%dma_wait3A_1577 : memref<6144xf32, #tpu.memory_space<vmem_shared>>)
    %dma_wait3A_1578 = arith.constant 13 : i32
    %dma_wait3A_1579 = arith.constant 13 : i32
    %dma_wait3A_1580 = arith.constant 0 : i32
    %dma_wait3A_1581 = tpu.memref_slice %arg16[%dma_wait3A_1578, %dma_wait3A_1580] : memref<18x128xf32, #tpu.memory_space<vmem>> -> memref<1x128xf32, #tpu.memory_space<vmem>>
    %dma_wait3A_1582 = tpu.memref_squeeze %dma_wait3A_1581 : memref<1x128xf32, #tpu.memory_space<vmem>> -> memref<128xf32, #tpu.memory_space<vmem>>
    %dma_wait3A_1583 = arith.constant 0 : i32
    %dma_wait3A_1584 = tpu.memref_slice %arg18[%dma_wait3A_1579, %dma_wait3A_1583] : memref<18x128xi32, #tpu.memory_space<vmem>> -> memref<1x128xi32, #tpu.memory_space<vmem>>
    %dma_wait3A_1585 = tpu.memref_squeeze %dma_wait3A_1584 : memref<1x128xi32, #tpu.memory_space<vmem>> -> memref<128xi32, #tpu.memory_space<vmem>>
    %dma_wait3A_1586 = arith.constant 0 : i32
    %dma_wait3A_1587 = tpu.memref_slice %arg22[%dma_wait3A_1586] : memref<6144xf32, #tpu.memory_space<vmem_shared>> -> memref<6144xf32, #tpu.memory_space<vmem_shared>>
    tpu.wait_indirect_dma semaphore(%arg24 : memref<!tpu.dma_semaphore, #tpu.memory_space<semaphore_mem>>) src(%dma_wait3A_1582 : memref<128xf32, #tpu.memory_space<vmem>>) dst(%dma_wait3A_1587 : memref<6144xf32, #tpu.memory_space<vmem_shared>>)
    %dma_wait3A_1588 = arith.constant 13 : i32
    %dma_wait3A_1589 = arith.constant 13 : i32
    %dma_wait3A_1590 = arith.constant 0 : i32
    %dma_wait3A_1591 = tpu.memref_slice %arg17[%dma_wait3A_1588, %dma_wait3A_1590] : memref<18x128xf32, #tpu.memory_space<vmem>> -> memref<1x128xf32, #tpu.memory_space<vmem>>
    %dma_wait3A_1592 = tpu.memref_squeeze %dma_wait3A_1591 : memref<1x128xf32, #tpu.memory_space<vmem>> -> memref<128xf32, #tpu.memory_space<vmem>>
    %dma_wait3A_1593 = arith.constant 0 : i32
    %dma_wait3A_1594 = tpu.memref_slice %arg18[%dma_wait3A_1589, %dma_wait3A_1593] : memref<18x128xi32, #tpu.memory_space<vmem>> -> memref<1x128xi32, #tpu.memory_space<vmem>>
    %dma_wait3A_1595 = tpu.memref_squeeze %dma_wait3A_1594 : memref<1x128xi32, #tpu.memory_space<vmem>> -> memref<128xi32, #tpu.memory_space<vmem>>
    %dma_wait3A_1596 = arith.constant 0 : i32
    %dma_wait3A_1597 = tpu.memref_slice %arg23[%dma_wait3A_1596] : memref<6144xf32, #tpu.memory_space<vmem_shared>> -> memref<6144xf32, #tpu.memory_space<vmem_shared>>
    tpu.wait_indirect_dma semaphore(%arg24 : memref<!tpu.dma_semaphore, #tpu.memory_space<semaphore_mem>>) src(%dma_wait3A_1592 : memref<128xf32, #tpu.memory_space<vmem>>) dst(%dma_wait3A_1597 : memref<6144xf32, #tpu.memory_space<vmem_shared>>)
    %dma_wait3A_1598 = arith.constant 14 : i32
    %dma_wait3A_1599 = arith.constant 14 : i32
    %dma_wait3A_1600 = arith.constant 0 : i32
    %dma_wait3A_1601 = tpu.memref_slice %arg13[%dma_wait3A_1598, %dma_wait3A_1600] : memref<18x128xf32, #tpu.memory_space<vmem>> -> memref<1x128xf32, #tpu.memory_space<vmem>>
    %dma_wait3A_1602 = tpu.memref_squeeze %dma_wait3A_1601 : memref<1x128xf32, #tpu.memory_space<vmem>> -> memref<128xf32, #tpu.memory_space<vmem>>
    %dma_wait3A_1603 = arith.constant 0 : i32
    %dma_wait3A_1604 = tpu.memref_slice %arg18[%dma_wait3A_1599, %dma_wait3A_1603] : memref<18x128xi32, #tpu.memory_space<vmem>> -> memref<1x128xi32, #tpu.memory_space<vmem>>
    %dma_wait3A_1605 = tpu.memref_squeeze %dma_wait3A_1604 : memref<1x128xi32, #tpu.memory_space<vmem>> -> memref<128xi32, #tpu.memory_space<vmem>>
    %dma_wait3A_1606 = arith.constant 0 : i32
    %dma_wait3A_1607 = tpu.memref_slice %arg19[%dma_wait3A_1606] : memref<6144xf32, #tpu.memory_space<vmem_shared>> -> memref<6144xf32, #tpu.memory_space<vmem_shared>>
    tpu.wait_indirect_dma semaphore(%arg24 : memref<!tpu.dma_semaphore, #tpu.memory_space<semaphore_mem>>) src(%dma_wait3A_1602 : memref<128xf32, #tpu.memory_space<vmem>>) dst(%dma_wait3A_1607 : memref<6144xf32, #tpu.memory_space<vmem_shared>>)
    %dma_wait3A_1608 = arith.constant 14 : i32
    %dma_wait3A_1609 = arith.constant 14 : i32
    %dma_wait3A_1610 = arith.constant 0 : i32
    %dma_wait3A_1611 = tpu.memref_slice %arg14[%dma_wait3A_1608, %dma_wait3A_1610] : memref<18x128xf32, #tpu.memory_space<vmem>> -> memref<1x128xf32, #tpu.memory_space<vmem>>
    %dma_wait3A_1612 = tpu.memref_squeeze %dma_wait3A_1611 : memref<1x128xf32, #tpu.memory_space<vmem>> -> memref<128xf32, #tpu.memory_space<vmem>>
    %dma_wait3A_1613 = arith.constant 0 : i32
    %dma_wait3A_1614 = tpu.memref_slice %arg18[%dma_wait3A_1609, %dma_wait3A_1613] : memref<18x128xi32, #tpu.memory_space<vmem>> -> memref<1x128xi32, #tpu.memory_space<vmem>>
    %dma_wait3A_1615 = tpu.memref_squeeze %dma_wait3A_1614 : memref<1x128xi32, #tpu.memory_space<vmem>> -> memref<128xi32, #tpu.memory_space<vmem>>
    %dma_wait3A_1616 = arith.constant 0 : i32
    %dma_wait3A_1617 = tpu.memref_slice %arg20[%dma_wait3A_1616] : memref<6144xf32, #tpu.memory_space<vmem_shared>> -> memref<6144xf32, #tpu.memory_space<vmem_shared>>
    tpu.wait_indirect_dma semaphore(%arg24 : memref<!tpu.dma_semaphore, #tpu.memory_space<semaphore_mem>>) src(%dma_wait3A_1612 : memref<128xf32, #tpu.memory_space<vmem>>) dst(%dma_wait3A_1617 : memref<6144xf32, #tpu.memory_space<vmem_shared>>)
    %dma_wait3A_1618 = arith.constant 14 : i32
    %dma_wait3A_1619 = arith.constant 14 : i32
    %dma_wait3A_1620 = arith.constant 0 : i32
    %dma_wait3A_1621 = tpu.memref_slice %arg15[%dma_wait3A_1618, %dma_wait3A_1620] : memref<18x128xf32, #tpu.memory_space<vmem>> -> memref<1x128xf32, #tpu.memory_space<vmem>>
    %dma_wait3A_1622 = tpu.memref_squeeze %dma_wait3A_1621 : memref<1x128xf32, #tpu.memory_space<vmem>> -> memref<128xf32, #tpu.memory_space<vmem>>
    %dma_wait3A_1623 = arith.constant 0 : i32
    %dma_wait3A_1624 = tpu.memref_slice %arg18[%dma_wait3A_1619, %dma_wait3A_1623] : memref<18x128xi32, #tpu.memory_space<vmem>> -> memref<1x128xi32, #tpu.memory_space<vmem>>
    %dma_wait3A_1625 = tpu.memref_squeeze %dma_wait3A_1624 : memref<1x128xi32, #tpu.memory_space<vmem>> -> memref<128xi32, #tpu.memory_space<vmem>>
    %dma_wait3A_1626 = arith.constant 0 : i32
    %dma_wait3A_1627 = tpu.memref_slice %arg21[%dma_wait3A_1626] : memref<6144xf32, #tpu.memory_space<vmem_shared>> -> memref<6144xf32, #tpu.memory_space<vmem_shared>>
    tpu.wait_indirect_dma semaphore(%arg24 : memref<!tpu.dma_semaphore, #tpu.memory_space<semaphore_mem>>) src(%dma_wait3A_1622 : memref<128xf32, #tpu.memory_space<vmem>>) dst(%dma_wait3A_1627 : memref<6144xf32, #tpu.memory_space<vmem_shared>>)
    %dma_wait3A_1628 = arith.constant 14 : i32
    %dma_wait3A_1629 = arith.constant 14 : i32
    %dma_wait3A_1630 = arith.constant 0 : i32
    %dma_wait3A_1631 = tpu.memref_slice %arg16[%dma_wait3A_1628, %dma_wait3A_1630] : memref<18x128xf32, #tpu.memory_space<vmem>> -> memref<1x128xf32, #tpu.memory_space<vmem>>
    %dma_wait3A_1632 = tpu.memref_squeeze %dma_wait3A_1631 : memref<1x128xf32, #tpu.memory_space<vmem>> -> memref<128xf32, #tpu.memory_space<vmem>>
    %dma_wait3A_1633 = arith.constant 0 : i32
    %dma_wait3A_1634 = tpu.memref_slice %arg18[%dma_wait3A_1629, %dma_wait3A_1633] : memref<18x128xi32, #tpu.memory_space<vmem>> -> memref<1x128xi32, #tpu.memory_space<vmem>>
    %dma_wait3A_1635 = tpu.memref_squeeze %dma_wait3A_1634 : memref<1x128xi32, #tpu.memory_space<vmem>> -> memref<128xi32, #tpu.memory_space<vmem>>
    %dma_wait3A_1636 = arith.constant 0 : i32
    %dma_wait3A_1637 = tpu.memref_slice %arg22[%dma_wait3A_1636] : memref<6144xf32, #tpu.memory_space<vmem_shared>> -> memref<6144xf32, #tpu.memory_space<vmem_shared>>
    tpu.wait_indirect_dma semaphore(%arg24 : memref<!tpu.dma_semaphore, #tpu.memory_space<semaphore_mem>>) src(%dma_wait3A_1632 : memref<128xf32, #tpu.memory_space<vmem>>) dst(%dma_wait3A_1637 : memref<6144xf32, #tpu.memory_space<vmem_shared>>)
    %dma_wait3A_1638 = arith.constant 14 : i32
    %dma_wait3A_1639 = arith.constant 14 : i32
    %dma_wait3A_1640 = arith.constant 0 : i32
    %dma_wait3A_1641 = tpu.memref_slice %arg17[%dma_wait3A_1638, %dma_wait3A_1640] : memref<18x128xf32, #tpu.memory_space<vmem>> -> memref<1x128xf32, #tpu.memory_space<vmem>>
    %dma_wait3A_1642 = tpu.memref_squeeze %dma_wait3A_1641 : memref<1x128xf32, #tpu.memory_space<vmem>> -> memref<128xf32, #tpu.memory_space<vmem>>
    %dma_wait3A_1643 = arith.constant 0 : i32
    %dma_wait3A_1644 = tpu.memref_slice %arg18[%dma_wait3A_1639, %dma_wait3A_1643] : memref<18x128xi32, #tpu.memory_space<vmem>> -> memref<1x128xi32, #tpu.memory_space<vmem>>
    %dma_wait3A_1645 = tpu.memref_squeeze %dma_wait3A_1644 : memref<1x128xi32, #tpu.memory_space<vmem>> -> memref<128xi32, #tpu.memory_space<vmem>>
    %dma_wait3A_1646 = arith.constant 0 : i32
    %dma_wait3A_1647 = tpu.memref_slice %arg23[%dma_wait3A_1646] : memref<6144xf32, #tpu.memory_space<vmem_shared>> -> memref<6144xf32, #tpu.memory_space<vmem_shared>>
    tpu.wait_indirect_dma semaphore(%arg24 : memref<!tpu.dma_semaphore, #tpu.memory_space<semaphore_mem>>) src(%dma_wait3A_1642 : memref<128xf32, #tpu.memory_space<vmem>>) dst(%dma_wait3A_1647 : memref<6144xf32, #tpu.memory_space<vmem_shared>>)
    %dma_wait3A_1648 = arith.constant 15 : i32
    %dma_wait3A_1649 = arith.constant 15 : i32
    %dma_wait3A_1650 = arith.constant 0 : i32
    %dma_wait3A_1651 = tpu.memref_slice %arg13[%dma_wait3A_1648, %dma_wait3A_1650] : memref<18x128xf32, #tpu.memory_space<vmem>> -> memref<1x128xf32, #tpu.memory_space<vmem>>
    %dma_wait3A_1652 = tpu.memref_squeeze %dma_wait3A_1651 : memref<1x128xf32, #tpu.memory_space<vmem>> -> memref<128xf32, #tpu.memory_space<vmem>>
    %dma_wait3A_1653 = arith.constant 0 : i32
    %dma_wait3A_1654 = tpu.memref_slice %arg18[%dma_wait3A_1649, %dma_wait3A_1653] : memref<18x128xi32, #tpu.memory_space<vmem>> -> memref<1x128xi32, #tpu.memory_space<vmem>>
    %dma_wait3A_1655 = tpu.memref_squeeze %dma_wait3A_1654 : memref<1x128xi32, #tpu.memory_space<vmem>> -> memref<128xi32, #tpu.memory_space<vmem>>
    %dma_wait3A_1656 = arith.constant 0 : i32
    %dma_wait3A_1657 = tpu.memref_slice %arg19[%dma_wait3A_1656] : memref<6144xf32, #tpu.memory_space<vmem_shared>> -> memref<6144xf32, #tpu.memory_space<vmem_shared>>
    tpu.wait_indirect_dma semaphore(%arg24 : memref<!tpu.dma_semaphore, #tpu.memory_space<semaphore_mem>>) src(%dma_wait3A_1652 : memref<128xf32, #tpu.memory_space<vmem>>) dst(%dma_wait3A_1657 : memref<6144xf32, #tpu.memory_space<vmem_shared>>)
    %dma_wait3A_1658 = arith.constant 15 : i32
    %dma_wait3A_1659 = arith.constant 15 : i32
    %dma_wait3A_1660 = arith.constant 0 : i32
    %dma_wait3A_1661 = tpu.memref_slice %arg14[%dma_wait3A_1658, %dma_wait3A_1660] : memref<18x128xf32, #tpu.memory_space<vmem>> -> memref<1x128xf32, #tpu.memory_space<vmem>>
    %dma_wait3A_1662 = tpu.memref_squeeze %dma_wait3A_1661 : memref<1x128xf32, #tpu.memory_space<vmem>> -> memref<128xf32, #tpu.memory_space<vmem>>
    %dma_wait3A_1663 = arith.constant 0 : i32
    %dma_wait3A_1664 = tpu.memref_slice %arg18[%dma_wait3A_1659, %dma_wait3A_1663] : memref<18x128xi32, #tpu.memory_space<vmem>> -> memref<1x128xi32, #tpu.memory_space<vmem>>
    %dma_wait3A_1665 = tpu.memref_squeeze %dma_wait3A_1664 : memref<1x128xi32, #tpu.memory_space<vmem>> -> memref<128xi32, #tpu.memory_space<vmem>>
    %dma_wait3A_1666 = arith.constant 0 : i32
    %dma_wait3A_1667 = tpu.memref_slice %arg20[%dma_wait3A_1666] : memref<6144xf32, #tpu.memory_space<vmem_shared>> -> memref<6144xf32, #tpu.memory_space<vmem_shared>>
    tpu.wait_indirect_dma semaphore(%arg24 : memref<!tpu.dma_semaphore, #tpu.memory_space<semaphore_mem>>) src(%dma_wait3A_1662 : memref<128xf32, #tpu.memory_space<vmem>>) dst(%dma_wait3A_1667 : memref<6144xf32, #tpu.memory_space<vmem_shared>>)
    %dma_wait3A_1668 = arith.constant 15 : i32
    %dma_wait3A_1669 = arith.constant 15 : i32
    %dma_wait3A_1670 = arith.constant 0 : i32
    %dma_wait3A_1671 = tpu.memref_slice %arg15[%dma_wait3A_1668, %dma_wait3A_1670] : memref<18x128xf32, #tpu.memory_space<vmem>> -> memref<1x128xf32, #tpu.memory_space<vmem>>
    %dma_wait3A_1672 = tpu.memref_squeeze %dma_wait3A_1671 : memref<1x128xf32, #tpu.memory_space<vmem>> -> memref<128xf32, #tpu.memory_space<vmem>>
    %dma_wait3A_1673 = arith.constant 0 : i32
    %dma_wait3A_1674 = tpu.memref_slice %arg18[%dma_wait3A_1669, %dma_wait3A_1673] : memref<18x128xi32, #tpu.memory_space<vmem>> -> memref<1x128xi32, #tpu.memory_space<vmem>>
    %dma_wait3A_1675 = tpu.memref_squeeze %dma_wait3A_1674 : memref<1x128xi32, #tpu.memory_space<vmem>> -> memref<128xi32, #tpu.memory_space<vmem>>
    %dma_wait3A_1676 = arith.constant 0 : i32
    %dma_wait3A_1677 = tpu.memref_slice %arg21[%dma_wait3A_1676] : memref<6144xf32, #tpu.memory_space<vmem_shared>> -> memref<6144xf32, #tpu.memory_space<vmem_shared>>
    tpu.wait_indirect_dma semaphore(%arg24 : memref<!tpu.dma_semaphore, #tpu.memory_space<semaphore_mem>>) src(%dma_wait3A_1672 : memref<128xf32, #tpu.memory_space<vmem>>) dst(%dma_wait3A_1677 : memref<6144xf32, #tpu.memory_space<vmem_shared>>)
    %dma_wait3A_1678 = arith.constant 15 : i32
    %dma_wait3A_1679 = arith.constant 15 : i32
    %dma_wait3A_1680 = arith.constant 0 : i32
    %dma_wait3A_1681 = tpu.memref_slice %arg16[%dma_wait3A_1678, %dma_wait3A_1680] : memref<18x128xf32, #tpu.memory_space<vmem>> -> memref<1x128xf32, #tpu.memory_space<vmem>>
    %dma_wait3A_1682 = tpu.memref_squeeze %dma_wait3A_1681 : memref<1x128xf32, #tpu.memory_space<vmem>> -> memref<128xf32, #tpu.memory_space<vmem>>
    %dma_wait3A_1683 = arith.constant 0 : i32
    %dma_wait3A_1684 = tpu.memref_slice %arg18[%dma_wait3A_1679, %dma_wait3A_1683] : memref<18x128xi32, #tpu.memory_space<vmem>> -> memref<1x128xi32, #tpu.memory_space<vmem>>
    %dma_wait3A_1685 = tpu.memref_squeeze %dma_wait3A_1684 : memref<1x128xi32, #tpu.memory_space<vmem>> -> memref<128xi32, #tpu.memory_space<vmem>>
    %dma_wait3A_1686 = arith.constant 0 : i32
    %dma_wait3A_1687 = tpu.memref_slice %arg22[%dma_wait3A_1686] : memref<6144xf32, #tpu.memory_space<vmem_shared>> -> memref<6144xf32, #tpu.memory_space<vmem_shared>>
    tpu.wait_indirect_dma semaphore(%arg24 : memref<!tpu.dma_semaphore, #tpu.memory_space<semaphore_mem>>) src(%dma_wait3A_1682 : memref<128xf32, #tpu.memory_space<vmem>>) dst(%dma_wait3A_1687 : memref<6144xf32, #tpu.memory_space<vmem_shared>>)
    %dma_wait3A_1688 = arith.constant 15 : i32
    %dma_wait3A_1689 = arith.constant 15 : i32
    %dma_wait3A_1690 = arith.constant 0 : i32
    %dma_wait3A_1691 = tpu.memref_slice %arg17[%dma_wait3A_1688, %dma_wait3A_1690] : memref<18x128xf32, #tpu.memory_space<vmem>> -> memref<1x128xf32, #tpu.memory_space<vmem>>
    %dma_wait3A_1692 = tpu.memref_squeeze %dma_wait3A_1691 : memref<1x128xf32, #tpu.memory_space<vmem>> -> memref<128xf32, #tpu.memory_space<vmem>>
    %dma_wait3A_1693 = arith.constant 0 : i32
    %dma_wait3A_1694 = tpu.memref_slice %arg18[%dma_wait3A_1689, %dma_wait3A_1693] : memref<18x128xi32, #tpu.memory_space<vmem>> -> memref<1x128xi32, #tpu.memory_space<vmem>>
    %dma_wait3A_1695 = tpu.memref_squeeze %dma_wait3A_1694 : memref<1x128xi32, #tpu.memory_space<vmem>> -> memref<128xi32, #tpu.memory_space<vmem>>
    %dma_wait3A_1696 = arith.constant 0 : i32
    %dma_wait3A_1697 = tpu.memref_slice %arg23[%dma_wait3A_1696] : memref<6144xf32, #tpu.memory_space<vmem_shared>> -> memref<6144xf32, #tpu.memory_space<vmem_shared>>
    tpu.wait_indirect_dma semaphore(%arg24 : memref<!tpu.dma_semaphore, #tpu.memory_space<semaphore_mem>>) src(%dma_wait3A_1692 : memref<128xf32, #tpu.memory_space<vmem>>) dst(%dma_wait3A_1697 : memref<6144xf32, #tpu.memory_space<vmem_shared>>)
    %dma_wait3A_1698 = arith.constant 16 : i32
    %dma_wait3A_1699 = arith.constant 16 : i32
    %dma_wait3A_1700 = arith.constant 0 : i32
    %dma_wait3A_1701 = tpu.memref_slice %arg13[%dma_wait3A_1698, %dma_wait3A_1700] : memref<18x128xf32, #tpu.memory_space<vmem>> -> memref<1x128xf32, #tpu.memory_space<vmem>>
    %dma_wait3A_1702 = tpu.memref_squeeze %dma_wait3A_1701 : memref<1x128xf32, #tpu.memory_space<vmem>> -> memref<128xf32, #tpu.memory_space<vmem>>
    %dma_wait3A_1703 = arith.constant 0 : i32
    %dma_wait3A_1704 = tpu.memref_slice %arg18[%dma_wait3A_1699, %dma_wait3A_1703] : memref<18x128xi32, #tpu.memory_space<vmem>> -> memref<1x128xi32, #tpu.memory_space<vmem>>
    %dma_wait3A_1705 = tpu.memref_squeeze %dma_wait3A_1704 : memref<1x128xi32, #tpu.memory_space<vmem>> -> memref<128xi32, #tpu.memory_space<vmem>>
    %dma_wait3A_1706 = arith.constant 0 : i32
    %dma_wait3A_1707 = tpu.memref_slice %arg19[%dma_wait3A_1706] : memref<6144xf32, #tpu.memory_space<vmem_shared>> -> memref<6144xf32, #tpu.memory_space<vmem_shared>>
    tpu.wait_indirect_dma semaphore(%arg24 : memref<!tpu.dma_semaphore, #tpu.memory_space<semaphore_mem>>) src(%dma_wait3A_1702 : memref<128xf32, #tpu.memory_space<vmem>>) dst(%dma_wait3A_1707 : memref<6144xf32, #tpu.memory_space<vmem_shared>>)
    %dma_wait3A_1708 = arith.constant 16 : i32
    %dma_wait3A_1709 = arith.constant 16 : i32
    %dma_wait3A_1710 = arith.constant 0 : i32
    %dma_wait3A_1711 = tpu.memref_slice %arg14[%dma_wait3A_1708, %dma_wait3A_1710] : memref<18x128xf32, #tpu.memory_space<vmem>> -> memref<1x128xf32, #tpu.memory_space<vmem>>
    %dma_wait3A_1712 = tpu.memref_squeeze %dma_wait3A_1711 : memref<1x128xf32, #tpu.memory_space<vmem>> -> memref<128xf32, #tpu.memory_space<vmem>>
    %dma_wait3A_1713 = arith.constant 0 : i32
    %dma_wait3A_1714 = tpu.memref_slice %arg18[%dma_wait3A_1709, %dma_wait3A_1713] : memref<18x128xi32, #tpu.memory_space<vmem>> -> memref<1x128xi32, #tpu.memory_space<vmem>>
    %dma_wait3A_1715 = tpu.memref_squeeze %dma_wait3A_1714 : memref<1x128xi32, #tpu.memory_space<vmem>> -> memref<128xi32, #tpu.memory_space<vmem>>
    %dma_wait3A_1716 = arith.constant 0 : i32
    %dma_wait3A_1717 = tpu.memref_slice %arg20[%dma_wait3A_1716] : memref<6144xf32, #tpu.memory_space<vmem_shared>> -> memref<6144xf32, #tpu.memory_space<vmem_shared>>
    tpu.wait_indirect_dma semaphore(%arg24 : memref<!tpu.dma_semaphore, #tpu.memory_space<semaphore_mem>>) src(%dma_wait3A_1712 : memref<128xf32, #tpu.memory_space<vmem>>) dst(%dma_wait3A_1717 : memref<6144xf32, #tpu.memory_space<vmem_shared>>)
    %dma_wait3A_1718 = arith.constant 16 : i32
    %dma_wait3A_1719 = arith.constant 16 : i32
    %dma_wait3A_1720 = arith.constant 0 : i32
    %dma_wait3A_1721 = tpu.memref_slice %arg15[%dma_wait3A_1718, %dma_wait3A_1720] : memref<18x128xf32, #tpu.memory_space<vmem>> -> memref<1x128xf32, #tpu.memory_space<vmem>>
    %dma_wait3A_1722 = tpu.memref_squeeze %dma_wait3A_1721 : memref<1x128xf32, #tpu.memory_space<vmem>> -> memref<128xf32, #tpu.memory_space<vmem>>
    %dma_wait3A_1723 = arith.constant 0 : i32
    %dma_wait3A_1724 = tpu.memref_slice %arg18[%dma_wait3A_1719, %dma_wait3A_1723] : memref<18x128xi32, #tpu.memory_space<vmem>> -> memref<1x128xi32, #tpu.memory_space<vmem>>
    %dma_wait3A_1725 = tpu.memref_squeeze %dma_wait3A_1724 : memref<1x128xi32, #tpu.memory_space<vmem>> -> memref<128xi32, #tpu.memory_space<vmem>>
    %dma_wait3A_1726 = arith.constant 0 : i32
    %dma_wait3A_1727 = tpu.memref_slice %arg21[%dma_wait3A_1726] : memref<6144xf32, #tpu.memory_space<vmem_shared>> -> memref<6144xf32, #tpu.memory_space<vmem_shared>>
    tpu.wait_indirect_dma semaphore(%arg24 : memref<!tpu.dma_semaphore, #tpu.memory_space<semaphore_mem>>) src(%dma_wait3A_1722 : memref<128xf32, #tpu.memory_space<vmem>>) dst(%dma_wait3A_1727 : memref<6144xf32, #tpu.memory_space<vmem_shared>>)
    %dma_wait3A_1728 = arith.constant 16 : i32
    %dma_wait3A_1729 = arith.constant 16 : i32
    %dma_wait3A_1730 = arith.constant 0 : i32
    %dma_wait3A_1731 = tpu.memref_slice %arg16[%dma_wait3A_1728, %dma_wait3A_1730] : memref<18x128xf32, #tpu.memory_space<vmem>> -> memref<1x128xf32, #tpu.memory_space<vmem>>
    %dma_wait3A_1732 = tpu.memref_squeeze %dma_wait3A_1731 : memref<1x128xf32, #tpu.memory_space<vmem>> -> memref<128xf32, #tpu.memory_space<vmem>>
    %dma_wait3A_1733 = arith.constant 0 : i32
    %dma_wait3A_1734 = tpu.memref_slice %arg18[%dma_wait3A_1729, %dma_wait3A_1733] : memref<18x128xi32, #tpu.memory_space<vmem>> -> memref<1x128xi32, #tpu.memory_space<vmem>>
    %dma_wait3A_1735 = tpu.memref_squeeze %dma_wait3A_1734 : memref<1x128xi32, #tpu.memory_space<vmem>> -> memref<128xi32, #tpu.memory_space<vmem>>
    %dma_wait3A_1736 = arith.constant 0 : i32
    %dma_wait3A_1737 = tpu.memref_slice %arg22[%dma_wait3A_1736] : memref<6144xf32, #tpu.memory_space<vmem_shared>> -> memref<6144xf32, #tpu.memory_space<vmem_shared>>
    tpu.wait_indirect_dma semaphore(%arg24 : memref<!tpu.dma_semaphore, #tpu.memory_space<semaphore_mem>>) src(%dma_wait3A_1732 : memref<128xf32, #tpu.memory_space<vmem>>) dst(%dma_wait3A_1737 : memref<6144xf32, #tpu.memory_space<vmem_shared>>)
    %dma_wait3A_1738 = arith.constant 16 : i32
    %dma_wait3A_1739 = arith.constant 16 : i32
    %dma_wait3A_1740 = arith.constant 0 : i32
    %dma_wait3A_1741 = tpu.memref_slice %arg17[%dma_wait3A_1738, %dma_wait3A_1740] : memref<18x128xf32, #tpu.memory_space<vmem>> -> memref<1x128xf32, #tpu.memory_space<vmem>>
    %dma_wait3A_1742 = tpu.memref_squeeze %dma_wait3A_1741 : memref<1x128xf32, #tpu.memory_space<vmem>> -> memref<128xf32, #tpu.memory_space<vmem>>
    %dma_wait3A_1743 = arith.constant 0 : i32
    %dma_wait3A_1744 = tpu.memref_slice %arg18[%dma_wait3A_1739, %dma_wait3A_1743] : memref<18x128xi32, #tpu.memory_space<vmem>> -> memref<1x128xi32, #tpu.memory_space<vmem>>
    %dma_wait3A_1745 = tpu.memref_squeeze %dma_wait3A_1744 : memref<1x128xi32, #tpu.memory_space<vmem>> -> memref<128xi32, #tpu.memory_space<vmem>>
    %dma_wait3A_1746 = arith.constant 0 : i32
    %dma_wait3A_1747 = tpu.memref_slice %arg23[%dma_wait3A_1746] : memref<6144xf32, #tpu.memory_space<vmem_shared>> -> memref<6144xf32, #tpu.memory_space<vmem_shared>>
    tpu.wait_indirect_dma semaphore(%arg24 : memref<!tpu.dma_semaphore, #tpu.memory_space<semaphore_mem>>) src(%dma_wait3A_1742 : memref<128xf32, #tpu.memory_space<vmem>>) dst(%dma_wait3A_1747 : memref<6144xf32, #tpu.memory_space<vmem_shared>>)
    %dma_wait3A_1748 = arith.constant 17 : i32
    %dma_wait3A_1749 = arith.constant 17 : i32
    %dma_wait3A_1750 = arith.constant 0 : i32
    %dma_wait3A_1751 = tpu.memref_slice %arg13[%dma_wait3A_1748, %dma_wait3A_1750] : memref<18x128xf32, #tpu.memory_space<vmem>> -> memref<1x128xf32, #tpu.memory_space<vmem>>
    %dma_wait3A_1752 = tpu.memref_squeeze %dma_wait3A_1751 : memref<1x128xf32, #tpu.memory_space<vmem>> -> memref<128xf32, #tpu.memory_space<vmem>>
    %dma_wait3A_1753 = arith.constant 0 : i32
    %dma_wait3A_1754 = tpu.memref_slice %arg18[%dma_wait3A_1749, %dma_wait3A_1753] : memref<18x128xi32, #tpu.memory_space<vmem>> -> memref<1x128xi32, #tpu.memory_space<vmem>>
    %dma_wait3A_1755 = tpu.memref_squeeze %dma_wait3A_1754 : memref<1x128xi32, #tpu.memory_space<vmem>> -> memref<128xi32, #tpu.memory_space<vmem>>
    %dma_wait3A_1756 = arith.constant 0 : i32
    %dma_wait3A_1757 = tpu.memref_slice %arg19[%dma_wait3A_1756] : memref<6144xf32, #tpu.memory_space<vmem_shared>> -> memref<6144xf32, #tpu.memory_space<vmem_shared>>
    tpu.wait_indirect_dma semaphore(%arg24 : memref<!tpu.dma_semaphore, #tpu.memory_space<semaphore_mem>>) src(%dma_wait3A_1752 : memref<128xf32, #tpu.memory_space<vmem>>) dst(%dma_wait3A_1757 : memref<6144xf32, #tpu.memory_space<vmem_shared>>)
    %dma_wait3A_1758 = arith.constant 17 : i32
    %dma_wait3A_1759 = arith.constant 17 : i32
    %dma_wait3A_1760 = arith.constant 0 : i32
    %dma_wait3A_1761 = tpu.memref_slice %arg14[%dma_wait3A_1758, %dma_wait3A_1760] : memref<18x128xf32, #tpu.memory_space<vmem>> -> memref<1x128xf32, #tpu.memory_space<vmem>>
    %dma_wait3A_1762 = tpu.memref_squeeze %dma_wait3A_1761 : memref<1x128xf32, #tpu.memory_space<vmem>> -> memref<128xf32, #tpu.memory_space<vmem>>
    %dma_wait3A_1763 = arith.constant 0 : i32
    %dma_wait3A_1764 = tpu.memref_slice %arg18[%dma_wait3A_1759, %dma_wait3A_1763] : memref<18x128xi32, #tpu.memory_space<vmem>> -> memref<1x128xi32, #tpu.memory_space<vmem>>
    %dma_wait3A_1765 = tpu.memref_squeeze %dma_wait3A_1764 : memref<1x128xi32, #tpu.memory_space<vmem>> -> memref<128xi32, #tpu.memory_space<vmem>>
    %dma_wait3A_1766 = arith.constant 0 : i32
    %dma_wait3A_1767 = tpu.memref_slice %arg20[%dma_wait3A_1766] : memref<6144xf32, #tpu.memory_space<vmem_shared>> -> memref<6144xf32, #tpu.memory_space<vmem_shared>>
    tpu.wait_indirect_dma semaphore(%arg24 : memref<!tpu.dma_semaphore, #tpu.memory_space<semaphore_mem>>) src(%dma_wait3A_1762 : memref<128xf32, #tpu.memory_space<vmem>>) dst(%dma_wait3A_1767 : memref<6144xf32, #tpu.memory_space<vmem_shared>>)
    %dma_wait3A_1768 = arith.constant 17 : i32
    %dma_wait3A_1769 = arith.constant 17 : i32
    %dma_wait3A_1770 = arith.constant 0 : i32
    %dma_wait3A_1771 = tpu.memref_slice %arg15[%dma_wait3A_1768, %dma_wait3A_1770] : memref<18x128xf32, #tpu.memory_space<vmem>> -> memref<1x128xf32, #tpu.memory_space<vmem>>
    %dma_wait3A_1772 = tpu.memref_squeeze %dma_wait3A_1771 : memref<1x128xf32, #tpu.memory_space<vmem>> -> memref<128xf32, #tpu.memory_space<vmem>>
    %dma_wait3A_1773 = arith.constant 0 : i32
    %dma_wait3A_1774 = tpu.memref_slice %arg18[%dma_wait3A_1769, %dma_wait3A_1773] : memref<18x128xi32, #tpu.memory_space<vmem>> -> memref<1x128xi32, #tpu.memory_space<vmem>>
    %dma_wait3A_1775 = tpu.memref_squeeze %dma_wait3A_1774 : memref<1x128xi32, #tpu.memory_space<vmem>> -> memref<128xi32, #tpu.memory_space<vmem>>
    %dma_wait3A_1776 = arith.constant 0 : i32
    %dma_wait3A_1777 = tpu.memref_slice %arg21[%dma_wait3A_1776] : memref<6144xf32, #tpu.memory_space<vmem_shared>> -> memref<6144xf32, #tpu.memory_space<vmem_shared>>
    tpu.wait_indirect_dma semaphore(%arg24 : memref<!tpu.dma_semaphore, #tpu.memory_space<semaphore_mem>>) src(%dma_wait3A_1772 : memref<128xf32, #tpu.memory_space<vmem>>) dst(%dma_wait3A_1777 : memref<6144xf32, #tpu.memory_space<vmem_shared>>)
    %dma_wait3A_1778 = arith.constant 17 : i32
    %dma_wait3A_1779 = arith.constant 17 : i32
    %dma_wait3A_1780 = arith.constant 0 : i32
    %dma_wait3A_1781 = tpu.memref_slice %arg16[%dma_wait3A_1778, %dma_wait3A_1780] : memref<18x128xf32, #tpu.memory_space<vmem>> -> memref<1x128xf32, #tpu.memory_space<vmem>>
    %dma_wait3A_1782 = tpu.memref_squeeze %dma_wait3A_1781 : memref<1x128xf32, #tpu.memory_space<vmem>> -> memref<128xf32, #tpu.memory_space<vmem>>
    %dma_wait3A_1783 = arith.constant 0 : i32
    %dma_wait3A_1784 = tpu.memref_slice %arg18[%dma_wait3A_1779, %dma_wait3A_1783] : memref<18x128xi32, #tpu.memory_space<vmem>> -> memref<1x128xi32, #tpu.memory_space<vmem>>
    %dma_wait3A_1785 = tpu.memref_squeeze %dma_wait3A_1784 : memref<1x128xi32, #tpu.memory_space<vmem>> -> memref<128xi32, #tpu.memory_space<vmem>>
    %dma_wait3A_1786 = arith.constant 0 : i32
    %dma_wait3A_1787 = tpu.memref_slice %arg22[%dma_wait3A_1786] : memref<6144xf32, #tpu.memory_space<vmem_shared>> -> memref<6144xf32, #tpu.memory_space<vmem_shared>>
    tpu.wait_indirect_dma semaphore(%arg24 : memref<!tpu.dma_semaphore, #tpu.memory_space<semaphore_mem>>) src(%dma_wait3A_1782 : memref<128xf32, #tpu.memory_space<vmem>>) dst(%dma_wait3A_1787 : memref<6144xf32, #tpu.memory_space<vmem_shared>>)
    %dma_wait3A_1788 = arith.constant 17 : i32
    %dma_wait3A_1789 = arith.constant 17 : i32
    %dma_wait3A_1790 = arith.constant 0 : i32
    %dma_wait3A_1791 = tpu.memref_slice %arg17[%dma_wait3A_1788, %dma_wait3A_1790] : memref<18x128xf32, #tpu.memory_space<vmem>> -> memref<1x128xf32, #tpu.memory_space<vmem>>
    %dma_wait3A_1792 = tpu.memref_squeeze %dma_wait3A_1791 : memref<1x128xf32, #tpu.memory_space<vmem>> -> memref<128xf32, #tpu.memory_space<vmem>>
    %dma_wait3A_1793 = arith.constant 0 : i32
    %dma_wait3A_1794 = tpu.memref_slice %arg18[%dma_wait3A_1789, %dma_wait3A_1793] : memref<18x128xi32, #tpu.memory_space<vmem>> -> memref<1x128xi32, #tpu.memory_space<vmem>>
    %dma_wait3A_1795 = tpu.memref_squeeze %dma_wait3A_1794 : memref<1x128xi32, #tpu.memory_space<vmem>> -> memref<128xi32, #tpu.memory_space<vmem>>
    %dma_wait3A_1796 = arith.constant 0 : i32
    %dma_wait3A_1797 = tpu.memref_slice %arg23[%dma_wait3A_1796] : memref<6144xf32, #tpu.memory_space<vmem_shared>> -> memref<6144xf32, #tpu.memory_space<vmem_shared>>
    tpu.wait_indirect_dma semaphore(%arg24 : memref<!tpu.dma_semaphore, #tpu.memory_space<semaphore_mem>>) src(%dma_wait3A_1792 : memref<128xf32, #tpu.memory_space<vmem>>) dst(%dma_wait3A_1797 : memref<6144xf32, #tpu.memory_space<vmem_shared>>)
    %barrier3A = arith.constant 0 : index
    tpu.barrier barrier_id(%barrier3A)
    %eq3A = arith.constant 0 : i32
    %eq3A_1798 = arith.cmpi eq, %arg1, %eq3A : i32
    %convert_element_type3A = arith.extui %eq3A_1798 : i1 to i32
    %cond3A = arith.constant 0 : i32
    %cond3A_1799 = arith.cmpi ne, %convert_element_type3A, %cond3A : i32
    scf.if %cond3A_1799 {
      %mul3A = arith.constant 6144 : i32
      %mul3A_1800 = arith.muli %arg0, %mul3A : i32
      "tpu.region"() ({
        %run_scoped3A = tpu.sem_alloc : memref<!tpu.dma_semaphore, #tpu.memory_space<semaphore_mem>>
        %dma_start3A_1809 = tpu.memref_slice %arg8[%mul3A_1800] : memref<12288xf32, #tpu.memory_space<hbm>> -> memref<6144xf32, #tpu.memory_space<hbm>>
        tpu.enqueue_dma source(%arg19 : memref<6144xf32, #tpu.memory_space<vmem_shared>>) target(%dma_start3A_1809 : memref<6144xf32, #tpu.memory_space<hbm>>) target_semaphore(%run_scoped3A : memref<!tpu.dma_semaphore, #tpu.memory_space<semaphore_mem>>)
        %dma_wait3A_1810 = tpu.memref_slice %arg8[%mul3A_1800] : memref<12288xf32, #tpu.memory_space<hbm>> -> memref<6144xf32, #tpu.memory_space<hbm>>
        tpu.wait_dma2 semaphore(%run_scoped3A : memref<!tpu.dma_semaphore, #tpu.memory_space<semaphore_mem>>) src(%arg19 : memref<6144xf32, #tpu.memory_space<vmem_shared>>) dst(%dma_wait3A_1810 : memref<6144xf32, #tpu.memory_space<hbm>>)
        tpu.yield
      }) : () -> ()
      %mul3A_1801 = arith.constant 6144 : i32
      %mul3A_1802 = arith.muli %arg0, %mul3A_1801 : i32
      "tpu.region"() ({
        %run_scoped3A = tpu.sem_alloc : memref<!tpu.dma_semaphore, #tpu.memory_space<semaphore_mem>>
        %dma_start3A_1809 = tpu.memref_slice %arg9[%mul3A_1802] : memref<12288xf32, #tpu.memory_space<hbm>> -> memref<6144xf32, #tpu.memory_space<hbm>>
        tpu.enqueue_dma source(%arg20 : memref<6144xf32, #tpu.memory_space<vmem_shared>>) target(%dma_start3A_1809 : memref<6144xf32, #tpu.memory_space<hbm>>) target_semaphore(%run_scoped3A : memref<!tpu.dma_semaphore, #tpu.memory_space<semaphore_mem>>)
        %dma_wait3A_1810 = tpu.memref_slice %arg9[%mul3A_1802] : memref<12288xf32, #tpu.memory_space<hbm>> -> memref<6144xf32, #tpu.memory_space<hbm>>
        tpu.wait_dma2 semaphore(%run_scoped3A : memref<!tpu.dma_semaphore, #tpu.memory_space<semaphore_mem>>) src(%arg20 : memref<6144xf32, #tpu.memory_space<vmem_shared>>) dst(%dma_wait3A_1810 : memref<6144xf32, #tpu.memory_space<hbm>>)
        tpu.yield
      }) : () -> ()
      %mul3A_1803 = arith.constant 6144 : i32
      %mul3A_1804 = arith.muli %arg0, %mul3A_1803 : i32
      "tpu.region"() ({
        %run_scoped3A = tpu.sem_alloc : memref<!tpu.dma_semaphore, #tpu.memory_space<semaphore_mem>>
        %dma_start3A_1809 = tpu.memref_slice %arg10[%mul3A_1804] : memref<12288xf32, #tpu.memory_space<hbm>> -> memref<6144xf32, #tpu.memory_space<hbm>>
        tpu.enqueue_dma source(%arg21 : memref<6144xf32, #tpu.memory_space<vmem_shared>>) target(%dma_start3A_1809 : memref<6144xf32, #tpu.memory_space<hbm>>) target_semaphore(%run_scoped3A : memref<!tpu.dma_semaphore, #tpu.memory_space<semaphore_mem>>)
        %dma_wait3A_1810 = tpu.memref_slice %arg10[%mul3A_1804] : memref<12288xf32, #tpu.memory_space<hbm>> -> memref<6144xf32, #tpu.memory_space<hbm>>
        tpu.wait_dma2 semaphore(%run_scoped3A : memref<!tpu.dma_semaphore, #tpu.memory_space<semaphore_mem>>) src(%arg21 : memref<6144xf32, #tpu.memory_space<vmem_shared>>) dst(%dma_wait3A_1810 : memref<6144xf32, #tpu.memory_space<hbm>>)
        tpu.yield
      }) : () -> ()
      %mul3A_1805 = arith.constant 6144 : i32
      %mul3A_1806 = arith.muli %arg0, %mul3A_1805 : i32
      "tpu.region"() ({
        %run_scoped3A = tpu.sem_alloc : memref<!tpu.dma_semaphore, #tpu.memory_space<semaphore_mem>>
        %dma_start3A_1809 = tpu.memref_slice %arg11[%mul3A_1806] : memref<12288xf32, #tpu.memory_space<hbm>> -> memref<6144xf32, #tpu.memory_space<hbm>>
        tpu.enqueue_dma source(%arg22 : memref<6144xf32, #tpu.memory_space<vmem_shared>>) target(%dma_start3A_1809 : memref<6144xf32, #tpu.memory_space<hbm>>) target_semaphore(%run_scoped3A : memref<!tpu.dma_semaphore, #tpu.memory_space<semaphore_mem>>)
        %dma_wait3A_1810 = tpu.memref_slice %arg11[%mul3A_1806] : memref<12288xf32, #tpu.memory_space<hbm>> -> memref<6144xf32, #tpu.memory_space<hbm>>
        tpu.wait_dma2 semaphore(%run_scoped3A : memref<!tpu.dma_semaphore, #tpu.memory_space<semaphore_mem>>) src(%arg22 : memref<6144xf32, #tpu.memory_space<vmem_shared>>) dst(%dma_wait3A_1810 : memref<6144xf32, #tpu.memory_space<hbm>>)
        tpu.yield
      }) : () -> ()
      %mul3A_1807 = arith.constant 6144 : i32
      %mul3A_1808 = arith.muli %arg0, %mul3A_1807 : i32
      "tpu.region"() ({
        %run_scoped3A = tpu.sem_alloc : memref<!tpu.dma_semaphore, #tpu.memory_space<semaphore_mem>>
        %dma_start3A_1809 = tpu.memref_slice %arg12[%mul3A_1808] : memref<12288xf32, #tpu.memory_space<hbm>> -> memref<6144xf32, #tpu.memory_space<hbm>>
        tpu.enqueue_dma source(%arg23 : memref<6144xf32, #tpu.memory_space<vmem_shared>>) target(%dma_start3A_1809 : memref<6144xf32, #tpu.memory_space<hbm>>) target_semaphore(%run_scoped3A : memref<!tpu.dma_semaphore, #tpu.memory_space<semaphore_mem>>)
        %dma_wait3A_1810 = tpu.memref_slice %arg12[%mul3A_1808] : memref<12288xf32, #tpu.memory_space<hbm>> -> memref<6144xf32, #tpu.memory_space<hbm>>
        tpu.wait_dma2 semaphore(%run_scoped3A : memref<!tpu.dma_semaphore, #tpu.memory_space<semaphore_mem>>) src(%arg23 : memref<6144xf32, #tpu.memory_space<vmem_shared>>) dst(%dma_wait3A_1810 : memref<6144xf32, #tpu.memory_space<hbm>>)
        tpu.yield
      }) : () -> ()
    } else {
    }
    return
  }
}

module attributes {stable_mosaic.version = 14 : i64} {
  func.func @_decode_body(%arg0: i32, %arg1: memref<1x1x2xf32, #tpu.memory_space<smem>>, %arg2: memref<288x128xf32, #tpu.memory_space<vmem>>, %arg3: memref<288x128xf32, #tpu.memory_space<vmem>>, %arg4: memref<288x128xf32, #tpu.memory_space<vmem>>, %arg5: memref<288x128xf32, #tpu.memory_space<vmem>>, %arg6: memref<288x128xf32, #tpu.memory_space<vmem>>, %arg7: memref<288x128xf32, #tpu.memory_space<vmem>>, %arg8: memref<288x128xf32, #tpu.memory_space<vmem>>, %arg9: memref<288x128xf32, #tpu.memory_space<vmem>>, %arg10: memref<288x128xf32, #tpu.memory_space<vmem>>, %arg11: memref<288x128xf32, #tpu.memory_space<vmem>>, %arg12: memref<288x128xf32, #tpu.memory_space<vmem>>, %arg13: memref<288x128xf32, #tpu.memory_space<vmem>>, %arg14: memref<288x128xf32, #tpu.memory_space<vmem>>, %arg15: memref<288x128xf32, #tpu.memory_space<vmem>>, %arg16: memref<288x128xi32, #tpu.memory_space<vmem>>, %arg17: memref<8x128xf32, #tpu.memory_space<vmem>>) attributes {dimension_semantics = [#tpu.dimension_semantics<arbitrary>], iteration_bounds = array<i64: 2>, scalar_prefetch = 0 : i64, scratch_operands = 0 : i64, tpu.core_type = #tpu.core_type<tc>, window_params = [{transform_indices = @transform_0, window_bounds = array<i64: 1, 1, 2>}, {transform_indices = @transform_1, window_bounds = array<i64: 288, 128>}, {transform_indices = @transform_2, window_bounds = array<i64: 288, 128>}, {transform_indices = @transform_3, window_bounds = array<i64: 288, 128>}, {transform_indices = @transform_4, window_bounds = array<i64: 288, 128>}, {transform_indices = @transform_5, window_bounds = array<i64: 288, 128>}, {pipeline_mode = #tpu.pipeline_mode<synchronous>, transform_indices = @transform_6, window_bounds = array<i64: 288, 128>}, {pipeline_mode = #tpu.pipeline_mode<synchronous>, transform_indices = @transform_7, window_bounds = array<i64: 288, 128>}, {pipeline_mode = #tpu.pipeline_mode<synchronous>, transform_indices = @transform_8, window_bounds = array<i64: 288, 128>}, {pipeline_mode = #tpu.pipeline_mode<synchronous>, transform_indices = @transform_9, window_bounds = array<i64: 288, 128>}, {transform_indices = @transform_10, window_bounds = array<i64: 288, 128>}, {transform_indices = @transform_11, window_bounds = array<i64: 288, 128>}, {transform_indices = @transform_12, window_bounds = array<i64: 288, 128>}, {transform_indices = @transform_13, window_bounds = array<i64: 288, 128>}, {transform_indices = @transform_14, window_bounds = array<i64: 288, 128>}, {transform_indices = @transform_15, window_bounds = array<i64: 288, 128>}, {transform_indices = @transform_16, window_bounds = array<i64: 8, 128>}]} {
    %get3A = arith.constant 0 : index
    %get3A_0 = arith.constant 0 : index
    %get3A_1 = arith.constant 0 : index
    %get3A_2 = memref.load %arg1[%get3A, %get3A_0, %get3A_1] : memref<1x1x2xf32, #tpu.memory_space<smem>>
    %get3A_3 = arith.constant 0 : index
    %get3A_4 = arith.constant 0 : index
    %get3A_5 = arith.constant 1 : index
    %get3A_6 = memref.load %arg1[%get3A_3, %get3A_4, %get3A_5] : memref<1x1x2xf32, #tpu.memory_space<smem>>
    %get3A_7 = arith.constant 0 : index
    %get3A_8 = arith.constant 0 : index
    %get3A_9 = vector.load %arg7[%get3A_7, %get3A_8] : memref<288x128xf32, #tpu.memory_space<vmem>>, vector<288x128xf32>
    %get3A_10 = arith.constant 0 : index
    %get3A_11 = arith.constant 0 : index
    %get3A_12 = vector.load %arg8[%get3A_10, %get3A_11] : memref<288x128xf32, #tpu.memory_space<vmem>>, vector<288x128xf32>
    %get3A_13 = arith.constant 0 : index
    %get3A_14 = arith.constant 0 : index
    %get3A_15 = vector.load %arg5[%get3A_13, %get3A_14] : memref<288x128xf32, #tpu.memory_space<vmem>>, vector<288x128xf32>
    %jit3A = arith.constant -4.13516665 : f32
    %jit3A_16 = arith.constant 4.13516665 : f32
    %max3A = vector.broadcast %jit3A : f32 to vector<288x128xf32>
    %max3A_17 = arith.maximumf %max3A, %get3A_15 : vector<288x128xf32>
    %min3A = vector.broadcast %jit3A_16 : f32 to vector<288x128xf32>
    %min3A_18 = arith.minimumf %min3A, %max3A_17 : vector<288x128xf32>
    %get3A_19 = arith.constant 0 : index
    %get3A_20 = arith.constant 0 : index
    %get3A_21 = vector.load %arg6[%get3A_19, %get3A_20] : memref<288x128xf32, #tpu.memory_space<vmem>>, vector<288x128xf32>
    %jit3A_22 = arith.constant -4.13516665 : f32
    %jit3A_23 = arith.constant 4.13516665 : f32
    %max3A_24 = vector.broadcast %jit3A_22 : f32 to vector<288x128xf32>
    %max3A_25 = arith.maximumf %max3A_24, %get3A_21 : vector<288x128xf32>
    %min3A_26 = vector.broadcast %jit3A_23 : f32 to vector<288x128xf32>
    %min3A_27 = arith.minimumf %min3A_26, %max3A_25 : vector<288x128xf32>
    %exp3A = math.exp %min3A_18 : vector<288x128xf32>
    %mul3A = arith.mulf %exp3A, %get3A_9 : vector<288x128xf32>
    %exp3A_28 = math.exp %min3A_27 : vector<288x128xf32>
    %mul3A_29 = arith.mulf %exp3A_28, %get3A_12 : vector<288x128xf32>
    %get3A_30 = arith.constant 0 : index
    %get3A_31 = arith.constant 0 : index
    %get3A_32 = vector.load %arg3[%get3A_30, %get3A_31] : memref<288x128xf32, #tpu.memory_space<vmem>>, vector<288x128xf32>
    %mul3A_33 = arith.mulf %get3A_32, %get3A_9 : vector<288x128xf32>
    %get3A_34 = arith.constant 0 : index
    %get3A_35 = arith.constant 0 : index
    %get3A_36 = vector.load %arg9[%get3A_34, %get3A_35] : memref<288x128xf32, #tpu.memory_space<vmem>>, vector<288x128xf32>
    %add3A = arith.addf %mul3A_33, %get3A_36 : vector<288x128xf32>
    %get3A_37 = arith.constant 0 : index
    %get3A_38 = arith.constant 0 : index
    %get3A_39 = vector.load %arg4[%get3A_37, %get3A_38] : memref<288x128xf32, #tpu.memory_space<vmem>>, vector<288x128xf32>
    %mul3A_40 = arith.mulf %get3A_39, %get3A_12 : vector<288x128xf32>
    %get3A_41 = arith.constant 0 : index
    %get3A_42 = arith.constant 0 : index
    %get3A_43 = vector.load %arg10[%get3A_41, %get3A_42] : memref<288x128xf32, #tpu.memory_space<vmem>>, vector<288x128xf32>
    %add3A_44 = arith.addf %mul3A_40, %get3A_43 : vector<288x128xf32>
    %mul3A_45 = arith.constant 5.000000e-01 : f32
    %mul3A_46 = vector.broadcast %mul3A_45 : f32 to vector<288x128xf32>
    %mul3A_47 = arith.mulf %mul3A_46, %mul3A : vector<288x128xf32>
    %sub3A = arith.subf %add3A, %mul3A_47 : vector<288x128xf32>
    %sub3A_48 = arith.constant 1.000000e+00 : f32
    %sub3A_49 = arith.subf %get3A_6, %sub3A_48 : f32
    %jit3A_50 = arith.constant 0.000000e+00 : f32
    %max3A_51 = vector.broadcast %jit3A_50 : f32 to vector<288x128xf32>
    %max3A_52 = arith.maximumf %max3A_51, %sub3A : vector<288x128xf32>
    %min3A_53 = vector.broadcast %sub3A_49 : f32 to vector<288x128xf32>
    %min3A_54 = arith.minimumf %min3A_53, %max3A_52 : vector<288x128xf32>
    %mul3A_55 = arith.constant 5.000000e-01 : f32
    %mul3A_56 = vector.broadcast %mul3A_55 : f32 to vector<288x128xf32>
    %mul3A_57 = arith.mulf %mul3A_56, %mul3A_29 : vector<288x128xf32>
    %sub3A_58 = arith.subf %add3A_44, %mul3A_57 : vector<288x128xf32>
    %sub3A_59 = arith.constant 1.000000e+00 : f32
    %sub3A_60 = arith.subf %get3A_2, %sub3A_59 : f32
    %jit3A_61 = arith.constant 0.000000e+00 : f32
    %max3A_62 = vector.broadcast %jit3A_61 : f32 to vector<288x128xf32>
    %max3A_63 = arith.maximumf %max3A_62, %sub3A_58 : vector<288x128xf32>
    %min3A_64 = vector.broadcast %sub3A_60 : f32 to vector<288x128xf32>
    %min3A_65 = arith.minimumf %min3A_64, %max3A_63 : vector<288x128xf32>
    %mul3A_66 = arith.constant 5.000000e-01 : f32
    %mul3A_67 = vector.broadcast %mul3A_66 : f32 to vector<288x128xf32>
    %mul3A_68 = arith.mulf %mul3A_67, %mul3A : vector<288x128xf32>
    %add3A_69 = arith.addf %add3A, %mul3A_68 : vector<288x128xf32>
    %sub3A_70 = arith.constant 1.000000e+00 : f32
    %sub3A_71 = arith.subf %get3A_6, %sub3A_70 : f32
    %jit3A_72 = arith.constant 0.000000e+00 : f32
    %max3A_73 = vector.broadcast %jit3A_72 : f32 to vector<288x128xf32>
    %max3A_74 = arith.maximumf %max3A_73, %add3A_69 : vector<288x128xf32>
    %min3A_75 = vector.broadcast %sub3A_71 : f32 to vector<288x128xf32>
    %min3A_76 = arith.minimumf %min3A_75, %max3A_74 : vector<288x128xf32>
    %mul3A_77 = arith.constant 5.000000e-01 : f32
    %mul3A_78 = vector.broadcast %mul3A_77 : f32 to vector<288x128xf32>
    %mul3A_79 = arith.mulf %mul3A_78, %mul3A_29 : vector<288x128xf32>
    %add3A_80 = arith.addf %add3A_44, %mul3A_79 : vector<288x128xf32>
    %sub3A_81 = arith.constant 1.000000e+00 : f32
    %sub3A_82 = arith.subf %get3A_2, %sub3A_81 : f32
    %jit3A_83 = arith.constant 0.000000e+00 : f32
    %max3A_84 = vector.broadcast %jit3A_83 : f32 to vector<288x128xf32>
    %max3A_85 = arith.maximumf %max3A_84, %add3A_80 : vector<288x128xf32>
    %min3A_86 = vector.broadcast %sub3A_82 : f32 to vector<288x128xf32>
    %min3A_87 = arith.minimumf %min3A_86, %max3A_85 : vector<288x128xf32>
    %sub3A_88 = arith.subf %min3A_76, %min3A_54 : vector<288x128xf32>
    %add3A_89 = arith.constant 1.000000e+00 : f32
    %add3A_90 = vector.broadcast %add3A_89 : f32 to vector<288x128xf32>
    %add3A_91 = arith.addf %sub3A_88, %add3A_90 : vector<288x128xf32>
    %sub3A_92 = arith.subf %min3A_87, %min3A_65 : vector<288x128xf32>
    %add3A_93 = arith.constant 1.000000e+00 : f32
    %add3A_94 = vector.broadcast %add3A_93 : f32 to vector<288x128xf32>
    %add3A_95 = arith.addf %sub3A_92, %add3A_94 : vector<288x128xf32>
    %ge3A = arith.constant 1.600000e+01 : f32
    %ge3A_96 = vector.broadcast %ge3A : f32 to vector<288x128xf32>
    %ge3A_97 = arith.cmpf oge, %add3A_91, %ge3A_96 : vector<288x128xf32>
    %ge3A_98 = arith.constant 1.600000e+01 : f32
    %ge3A_99 = vector.broadcast %ge3A_98 : f32 to vector<288x128xf32>
    %ge3A_100 = arith.cmpf oge, %add3A_95, %ge3A_99 : vector<288x128xf32>
    %and3A = arith.andi %ge3A_97, %ge3A_100 : vector<288x128xi1>
    %get3A_101 = arith.constant 0 : index
    %get3A_102 = arith.constant 0 : index
    %get3A_103 = vector.load %arg2[%get3A_101, %get3A_102] : memref<288x128xf32, #tpu.memory_space<vmem>>, vector<288x128xf32>
    %jit3A_104 = arith.constant -1.000000e+10 : f32
    %broadcast_in_dim3A = vector.broadcast %jit3A_104 : f32 to vector<288x128xf32>
    %select_n3A = arith.select %and3A, %get3A_103, %broadcast_in_dim3A : vector<288x128xi1>, vector<288x128xf32>
    %bitcast_convert_type3A = tpu.bitcast %select_n3A : vector<288x128xf32> -> vector<288x128xi32>
    %shift_right_arithmetic3A = arith.constant 31 : i32
    %shift_right_arithmetic3A_105 = vector.broadcast %shift_right_arithmetic3A : i32 to vector<288x128xi32>
    %shift_right_arithmetic3A_106 = arith.shrsi %bitcast_convert_type3A, %shift_right_arithmetic3A_105 : vector<288x128xi32>
    %and3A_107 = arith.constant 2147483647 : i32
    %and3A_108 = vector.broadcast %and3A_107 : i32 to vector<288x128xi32>
    %and3A_109 = arith.andi %shift_right_arithmetic3A_106, %and3A_108 : vector<288x128xi32>
    %xor3A = arith.xori %bitcast_convert_type3A, %and3A_109 : vector<288x128xi32>
    %scan3A = arith.constant -2147483648 : i32
    %scan3A_110 = arith.constant 0 : i32
    %scan3A_111 = arith.constant 32 : i32
    %scan3A_112 = arith.addi %scan3A_110, %scan3A_111 : i32
    %scan3A_113 = arith.constant 1 : i32
    %scan3A_114 = scf.for %scan3A_199 = %scan3A_110 to %scan3A_112 step %scan3A_113 iter_args(%scan3A_200 = %scan3A) -> (i32)  : i32 {
      %sub3A_201 = arith.constant 31 : i32
      %sub3A_202 = arith.subi %sub3A_201, %scan3A_199 : i32
      %shift_left3A = arith.constant 1 : i32
      %shift_left3A_203 = arith.shli %shift_left3A, %sub3A_202 : i32
      %add3A_204 = arith.addi %scan3A_200, %shift_left3A_203 : i32
      %ge3A_205 = vector.broadcast %add3A_204 : i32 to vector<288x128xi32>
      %ge3A_206 = arith.cmpi sge, %xor3A, %ge3A_205 : vector<288x128xi32>
      %convert_element_type3A_207 = arith.extui %ge3A_206 : vector<288x128xi1> to vector<288x128xi32>
      %reduce_sum3A_208 = vector.shape_cast %convert_element_type3A_207 : vector<288x128xi32> to vector<1x288x128xi32>
      %reduce_sum3A_209 = arith.constant dense<0> : vector<1xi32>
      %reduce_sum3A_210 = vector.multi_reduction <add>, %reduce_sum3A_208, %reduce_sum3A_209 [1, 2] : vector<1x288x128xi32> to vector<1xi32>
      %reduce_sum3A_211 = vector.shape_cast %reduce_sum3A_210 : vector<1xi32> to vector<1x1x1xi32>
      %reduce_sum3A_212 = vector.extract %reduce_sum3A_211[0, 0, 0] : i32 from vector<1x1x1xi32>
      %ge3A_213 = arith.constant 6000 : i32
      %ge3A_214 = arith.cmpi sge, %reduce_sum3A_212, %ge3A_213 : i32
      %select_n3A_215 = arith.select %ge3A_214, %add3A_204, %scan3A_200 : i32
      scf.yield %select_n3A_215 : i32
    }
    %scan3A_115 = arith.constant 32 : i32
    %gt3A = vector.broadcast %scan3A_114 : i32 to vector<288x128xi32>
    %gt3A_116 = arith.cmpi sgt, %xor3A, %gt3A : vector<288x128xi32>
    %eq3A = vector.broadcast %scan3A_114 : i32 to vector<288x128xi32>
    %eq3A_117 = arith.cmpi eq, %xor3A, %eq3A : vector<288x128xi32>
    %convert_element_type3A = arith.extui %gt3A_116 : vector<288x128xi1> to vector<288x128xi32>
    %reduce_sum3A = vector.shape_cast %convert_element_type3A : vector<288x128xi32> to vector<1x288x128xi32>
    %reduce_sum3A_118 = arith.constant dense<0> : vector<1xi32>
    %reduce_sum3A_119 = vector.multi_reduction <add>, %reduce_sum3A, %reduce_sum3A_118 [1, 2] : vector<1x288x128xi32> to vector<1xi32>
    %reduce_sum3A_120 = vector.shape_cast %reduce_sum3A_119 : vector<1xi32> to vector<1x1x1xi32>
    %reduce_sum3A_121 = vector.extract %reduce_sum3A_120[0, 0, 0] : i32 from vector<1x1x1xi32>
    %sub3A_122 = arith.constant 6000 : i32
    %sub3A_123 = arith.subi %sub3A_122, %reduce_sum3A_121 : i32
    %convert_element_type3A_124 = arith.sitofp %sub3A_123 : i32 to f32
    %iota3A = tpu.iota {dimensions = array<i32: 0>} : vector<128x128xi32>
    %iota3A_125 = tpu.iota {dimensions = array<i32: 1>} : vector<128x128xi32>
    %lt3A = arith.cmpi slt, %iota3A, %iota3A_125 : vector<128x128xi32>
    %convert_element_type3A_126 = arith.extui %lt3A : vector<128x128xi1> to vector<128x128xi32>
    %convert_element_type3A_127 = arith.sitofp %convert_element_type3A_126 : vector<128x128xi32> to vector<128x128xf32>
    %iota3A_128 = tpu.iota {dimensions = array<i32: 1>} : vector<288x288xi32>
    %iota3A_129 = tpu.iota {dimensions = array<i32: 0>} : vector<288x288xi32>
    %lt3A_130 = arith.cmpi slt, %iota3A_128, %iota3A_129 : vector<288x288xi32>
    %convert_element_type3A_131 = arith.extui %lt3A_130 : vector<288x288xi1> to vector<288x288xi32>
    %convert_element_type3A_132 = arith.sitofp %convert_element_type3A_131 : vector<288x288xi32> to vector<288x288xf32>
    %convert_element_type3A_133 = arith.extui %eq3A_117 : vector<288x128xi1> to vector<288x128xi32>
    %convert_element_type3A_134 = arith.sitofp %convert_element_type3A_133 : vector<288x128xi32> to vector<288x128xf32>
    %dot_general3A = arith.constant dense<0.000000e+00> : vector<288x128xf32>
    %dot_general3A_135 = tpu.matmul %convert_element_type3A_134, %convert_element_type3A_127, %dot_general3A {dimension_numbers = #tpu.dot_dimension_numbers<[1], [0], [0], [1], [0, 0, 1, 1], [], []>, transpose_lhs_hint = false} : vector<288x128xf32>, vector<128x128xf32>, vector<288x128xf32> -> vector<288x128xf32>
    %reduce_sum3A_136 = arith.constant dense<0.000000e+00> : vector<288xf32>
    %reduce_sum3A_137 = vector.multi_reduction <add>, %convert_element_type3A_134, %reduce_sum3A_136 [1] : vector<288x128xf32> to vector<288xf32>
    %broadcast_in_dim3A_138 = vector.shape_cast %reduce_sum3A_137 : vector<288xf32> to vector<288x1xf32>
    %broadcast_in_dim3A_139 = vector.shape_cast %broadcast_in_dim3A_138 : vector<288x1xf32> to vector<288x1xf32>
    %broadcast_in_dim3A_140 = vector.broadcast %broadcast_in_dim3A_139 : vector<288x1xf32> to vector<288x128xf32>
    %dot_general3A_141 = arith.constant dense<0.000000e+00> : vector<288x128xf32>
    %dot_general3A_142 = tpu.matmul %convert_element_type3A_132, %broadcast_in_dim3A_140, %dot_general3A_141 {dimension_numbers = #tpu.dot_dimension_numbers<[1], [0], [0], [1], [0, 0, 1, 1], [], []>, transpose_lhs_hint = false} : vector<288x288xf32>, vector<288x128xf32>, vector<288x128xf32> -> vector<288x128xf32>
    %add3A_143 = arith.addf %dot_general3A_142, %dot_general3A_135 : vector<288x128xf32>
    %lt3A_144 = vector.broadcast %convert_element_type3A_124 : f32 to vector<288x128xf32>
    %lt3A_145 = arith.cmpf olt, %add3A_143, %lt3A_144 : vector<288x128xf32>
    %and3A_146 = arith.andi %eq3A_117, %lt3A_145 : vector<288x128xi1>
    %or3A = arith.ori %gt3A_116, %and3A_146 : vector<288x128xi1>
    %gt3A_147 = arith.constant -1.000000e+09 : f32
    %gt3A_148 = vector.broadcast %gt3A_147 : f32 to vector<288x128xf32>
    %gt3A_149 = arith.cmpf ogt, %select_n3A, %gt3A_148 : vector<288x128xf32>
    %and3A_150 = arith.andi %or3A, %gt3A_149 : vector<288x128xi1>
    %convert_element_type3A_151 = arith.extui %and3A_150 : vector<288x128xi1> to vector<288x128xi32>
    %convert_element_type3A_152 = arith.sitofp %convert_element_type3A_151 : vector<288x128xi32> to vector<288x128xf32>
    %dot_general3A_153 = arith.constant dense<0.000000e+00> : vector<288x128xf32>
    %dot_general3A_154 = tpu.matmul %convert_element_type3A_152, %convert_element_type3A_127, %dot_general3A_153 {dimension_numbers = #tpu.dot_dimension_numbers<[1], [0], [0], [1], [0, 0, 1, 1], [], []>, transpose_lhs_hint = false} : vector<288x128xf32>, vector<128x128xf32>, vector<288x128xf32> -> vector<288x128xf32>
    %reduce_sum3A_155 = arith.constant dense<0.000000e+00> : vector<288xf32>
    %reduce_sum3A_156 = vector.multi_reduction <add>, %convert_element_type3A_152, %reduce_sum3A_155 [1] : vector<288x128xf32> to vector<288xf32>
    %broadcast_in_dim3A_157 = vector.shape_cast %reduce_sum3A_156 : vector<288xf32> to vector<288x1xf32>
    %broadcast_in_dim3A_158 = vector.shape_cast %broadcast_in_dim3A_157 : vector<288x1xf32> to vector<288x1xf32>
    %broadcast_in_dim3A_159 = vector.broadcast %broadcast_in_dim3A_158 : vector<288x1xf32> to vector<288x128xf32>
    %dot_general3A_160 = arith.constant dense<0.000000e+00> : vector<288x128xf32>
    %dot_general3A_161 = tpu.matmul %convert_element_type3A_132, %broadcast_in_dim3A_159, %dot_general3A_160 {dimension_numbers = #tpu.dot_dimension_numbers<[1], [0], [0], [1], [0, 0, 1, 1], [], []>, transpose_lhs_hint = false} : vector<288x288xf32>, vector<288x128xf32>, vector<288x128xf32> -> vector<288x128xf32>
    %add3A_162 = arith.addf %dot_general3A_161, %dot_general3A_154 : vector<288x128xf32>
    %reduce_sum3A_163 = vector.shape_cast %convert_element_type3A_152 : vector<288x128xf32> to vector<1x288x128xf32>
    %reduce_sum3A_164 = arith.constant dense<0.000000e+00> : vector<1xf32>
    %reduce_sum3A_165 = vector.multi_reduction <add>, %reduce_sum3A_163, %reduce_sum3A_164 [1, 2] : vector<1x288x128xf32> to vector<1xf32>
    %reduce_sum3A_166 = vector.shape_cast %reduce_sum3A_165 : vector<1xf32> to vector<1x1x1xf32>
    %reduce_sum3A_167 = vector.extract %reduce_sum3A_166[0, 0, 0] : f32 from vector<1x1x1xf32>
    %iota3A_168 = tpu.iota {dimensions = array<i32: 1>} : vector<288x128xi32>
    %and3A_169 = arith.constant 63 : i32
    %and3A_170 = vector.broadcast %and3A_169 : i32 to vector<288x128xi32>
    %and3A_171 = arith.andi %iota3A_168, %and3A_170 : vector<288x128xi32>
    %convert_element_type3A_172 = arith.sitofp %and3A_171 : vector<288x128xi32> to vector<288x128xf32>
    %add3A_173 = arith.constant 6.016000e+03 : f32
    %add3A_174 = vector.broadcast %add3A_173 : f32 to vector<288x128xf32>
    %add3A_175 = arith.addf %add3A_174, %convert_element_type3A_172 : vector<288x128xf32>
    %select_n3A_176 = arith.select %and3A_150, %add3A_162, %add3A_175 : vector<288x128xi1>, vector<288x128xf32>
    %convert_element_type3A_177 = arith.fptosi %select_n3A_176 : vector<288x128xf32> to vector<288x128xi32>
    %swap3A = arith.constant 0 : index
    %swap3A_178 = arith.constant 0 : index
    %swap3A_179 = vector.load %arg16[%swap3A, %swap3A_178] : memref<288x128xi32, #tpu.memory_space<vmem>>, vector<288x128xi32>
    tpu.vector_store %arg16[%swap3A, %swap3A_178], %convert_element_type3A_177 {strides = array<i32>} : memref<288x128xi32, #tpu.memory_space<vmem>>, vector<288x128xi32>,
    %broadcast_in_dim3A_180 = vector.broadcast %reduce_sum3A_167 : f32 to vector<8x128xf32>
    %swap3A_181 = arith.constant 0 : index
    %swap3A_182 = arith.constant 0 : index
    %swap3A_183 = vector.load %arg17[%swap3A_181, %swap3A_182] : memref<8x128xf32, #tpu.memory_space<vmem>>, vector<8x128xf32>
    tpu.vector_store %arg17[%swap3A_181, %swap3A_182], %broadcast_in_dim3A_180 {strides = array<i32>} : memref<8x128xf32, #tpu.memory_space<vmem>>, vector<8x128xf32>,
    %swap3A_184 = arith.constant 0 : index
    %swap3A_185 = arith.constant 0 : index
    %swap3A_186 = vector.load %arg11[%swap3A_184, %swap3A_185] : memref<288x128xf32, #tpu.memory_space<vmem>>, vector<288x128xf32>
    tpu.vector_store %arg11[%swap3A_184, %swap3A_185], %select_n3A {strides = array<i32>} : memref<288x128xf32, #tpu.memory_space<vmem>>, vector<288x128xf32>,
    %swap3A_187 = arith.constant 0 : index
    %swap3A_188 = arith.constant 0 : index
    %swap3A_189 = vector.load %arg12[%swap3A_187, %swap3A_188] : memref<288x128xf32, #tpu.memory_space<vmem>>, vector<288x128xf32>
    tpu.vector_store %arg12[%swap3A_187, %swap3A_188], %min3A_54 {strides = array<i32>} : memref<288x128xf32, #tpu.memory_space<vmem>>, vector<288x128xf32>,
    %swap3A_190 = arith.constant 0 : index
    %swap3A_191 = arith.constant 0 : index
    %swap3A_192 = vector.load %arg13[%swap3A_190, %swap3A_191] : memref<288x128xf32, #tpu.memory_space<vmem>>, vector<288x128xf32>
    tpu.vector_store %arg13[%swap3A_190, %swap3A_191], %min3A_65 {strides = array<i32>} : memref<288x128xf32, #tpu.memory_space<vmem>>, vector<288x128xf32>,
    %swap3A_193 = arith.constant 0 : index
    %swap3A_194 = arith.constant 0 : index
    %swap3A_195 = vector.load %arg14[%swap3A_193, %swap3A_194] : memref<288x128xf32, #tpu.memory_space<vmem>>, vector<288x128xf32>
    tpu.vector_store %arg14[%swap3A_193, %swap3A_194], %min3A_76 {strides = array<i32>} : memref<288x128xf32, #tpu.memory_space<vmem>>, vector<288x128xf32>,
    %swap3A_196 = arith.constant 0 : index
    %swap3A_197 = arith.constant 0 : index
    %swap3A_198 = vector.load %arg15[%swap3A_196, %swap3A_197] : memref<288x128xf32, #tpu.memory_space<vmem>>, vector<288x128xf32>
    tpu.vector_store %arg15[%swap3A_196, %swap3A_197], %min3A_87 {strides = array<i32>} : memref<288x128xf32, #tpu.memory_space<vmem>>, vector<288x128xf32>,
    return
  }
  func.func @transform_0(%arg0: i32) -> (i32, i32, i32) {
    %c0_i32 = arith.constant 0 : i32
    %c0_i32_0 = arith.constant 0 : i32
    %c0_i32_1 = arith.constant 0 : i32
    return %arg0, %c0_i32, %c0_i32_0 : i32, i32, i32
  }
  func.func @transform_1(%arg0: i32) -> (i32, i32) {
    %c0_i32 = arith.constant 0 : i32
    %c0_i32_0 = arith.constant 0 : i32
    return %arg0, %c0_i32 : i32, i32
  }
  func.func @transform_2(%arg0: i32) -> (i32, i32) {
    %c0_i32 = arith.constant 0 : i32
    %c0_i32_0 = arith.constant 0 : i32
    return %arg0, %c0_i32 : i32, i32
  }
  func.func @transform_3(%arg0: i32) -> (i32, i32) {
    %c0_i32 = arith.constant 0 : i32
    %c0_i32_0 = arith.constant 0 : i32
    return %arg0, %c0_i32 : i32, i32
  }
  func.func @transform_4(%arg0: i32) -> (i32, i32) {
    %c0_i32 = arith.constant 0 : i32
    %c0_i32_0 = arith.constant 0 : i32
    return %arg0, %c0_i32 : i32, i32
  }
  func.func @transform_5(%arg0: i32) -> (i32, i32) {
    %c0_i32 = arith.constant 0 : i32
    %c0_i32_0 = arith.constant 0 : i32
    return %arg0, %c0_i32 : i32, i32
  }
  func.func @transform_6(%arg0: i32) -> (i32, i32) {
    %c0_i32 = arith.constant 0 : i32
    %c0_i32_0 = arith.constant 0 : i32
    %c0_i32_1 = arith.constant 0 : i32
    return %c0_i32, %c0_i32_0 : i32, i32
  }
  func.func @transform_7(%arg0: i32) -> (i32, i32) {
    %c0_i32 = arith.constant 0 : i32
    %c0_i32_0 = arith.constant 0 : i32
    %c0_i32_1 = arith.constant 0 : i32
    return %c0_i32, %c0_i32_0 : i32, i32
  }
  func.func @transform_8(%arg0: i32) -> (i32, i32) {
    %c0_i32 = arith.constant 0 : i32
    %c0_i32_0 = arith.constant 0 : i32
    %c0_i32_1 = arith.constant 0 : i32
    return %c0_i32, %c0_i32_0 : i32, i32
  }
  func.func @transform_9(%arg0: i32) -> (i32, i32) {
    %c0_i32 = arith.constant 0 : i32
    %c0_i32_0 = arith.constant 0 : i32
    %c0_i32_1 = arith.constant 0 : i32
    return %c0_i32, %c0_i32_0 : i32, i32
  }
  func.func @transform_10(%arg0: i32) -> (i32, i32) {
    %c0_i32 = arith.constant 0 : i32
    %c0_i32_0 = arith.constant 0 : i32
    return %arg0, %c0_i32 : i32, i32
  }
  func.func @transform_11(%arg0: i32) -> (i32, i32) {
    %c0_i32 = arith.constant 0 : i32
    %c0_i32_0 = arith.constant 0 : i32
    return %arg0, %c0_i32 : i32, i32
  }
  func.func @transform_12(%arg0: i32) -> (i32, i32) {
    %c0_i32 = arith.constant 0 : i32
    %c0_i32_0 = arith.constant 0 : i32
    return %arg0, %c0_i32 : i32, i32
  }
  func.func @transform_13(%arg0: i32) -> (i32, i32) {
    %c0_i32 = arith.constant 0 : i32
    %c0_i32_0 = arith.constant 0 : i32
    return %arg0, %c0_i32 : i32, i32
  }
  func.func @transform_14(%arg0: i32) -> (i32, i32) {
    %c0_i32 = arith.constant 0 : i32
    %c0_i32_0 = arith.constant 0 : i32
    return %arg0, %c0_i32 : i32, i32
  }
  func.func @transform_15(%arg0: i32) -> (i32, i32) {
    %c0_i32 = arith.constant 0 : i32
    %c0_i32_0 = arith.constant 0 : i32
    return %arg0, %c0_i32 : i32, i32
  }
  func.func @transform_16(%arg0: i32) -> (i32, i32) {
    %c0_i32 = arith.constant 0 : i32
    %c0_i32_0 = arith.constant 0 : i32
    return %arg0, %c0_i32 : i32, i32
  }
}

module attributes {stable_mosaic.version = 14 : i64} {
  func.func @_nms_body(%arg0: i32, %arg1: memref<16x128xf32, #tpu.memory_space<vmem>>, %arg2: memref<48x128xf32, #tpu.memory_space<vmem>>, %arg3: memref<48x128xf32, #tpu.memory_space<vmem>>, %arg4: memref<48x128xf32, #tpu.memory_space<vmem>>, %arg5: memref<48x128xf32, #tpu.memory_space<vmem>>, %arg6: memref<48x128xf32, #tpu.memory_space<vmem>>, %arg7: memref<608x8xf32, #tpu.memory_space<vmem>>, %arg8: memref<48x128xf32, #tpu.memory_space<vmem>>, %arg9: memref<48x128xf32, #tpu.memory_space<vmem>>) attributes {dimension_semantics = [#tpu.dimension_semantics<arbitrary>], iteration_bounds = array<i64: 1>, scalar_prefetch = 0 : i64, scratch_operands = 2 : i64, tpu.core_type = #tpu.core_type<tc>, window_params = [{pipeline_mode = #tpu.pipeline_mode<synchronous>, transform_indices = @transform_0, window_bounds = array<i64: 16, 128>}, {pipeline_mode = #tpu.pipeline_mode<synchronous>, transform_indices = @transform_1, window_bounds = array<i64: 48, 128>}, {pipeline_mode = #tpu.pipeline_mode<synchronous>, transform_indices = @transform_2, window_bounds = array<i64: 48, 128>}, {pipeline_mode = #tpu.pipeline_mode<synchronous>, transform_indices = @transform_3, window_bounds = array<i64: 48, 128>}, {pipeline_mode = #tpu.pipeline_mode<synchronous>, transform_indices = @transform_4, window_bounds = array<i64: 48, 128>}, {pipeline_mode = #tpu.pipeline_mode<synchronous>, transform_indices = @transform_5, window_bounds = array<i64: 48, 128>}, {pipeline_mode = #tpu.pipeline_mode<synchronous>, transform_indices = @transform_6, window_bounds = array<i64: 608, 8>}]} {
    %get3A = arith.constant 0 : index
    %get3A_0 = arith.constant 0 : index
    %get3A_1 = vector.load %arg1[%get3A, %get3A_0] : memref<16x128xf32, #tpu.memory_space<vmem>>, vector<1x1xf32>
    %get3A_2 = vector.extract %get3A_1[0, 0] : f32 from vector<1x1xf32>
    %convert_element_type3A = arith.fptosi %get3A_2 : f32 to i32
    %get3A_3 = arith.constant 8 : index
    %get3A_4 = arith.constant 0 : index
    %get3A_5 = vector.load %arg1[%get3A_3, %get3A_4] : memref<16x128xf32, #tpu.memory_space<vmem>>, vector<1x1xf32>
    %get3A_6 = vector.extract %get3A_5[0, 0] : f32 from vector<1x1xf32>
    %convert_element_type3A_7 = arith.fptosi %get3A_6 : f32 to i32
    %iota3A = tpu.iota {dimensions = array<i32: 0>} : vector<24x128xi32>
    %iota3A_8 = tpu.iota {dimensions = array<i32: 1>} : vector<24x128xi32>
    %mul3A = arith.constant 128 : i32
    %mul3A_9 = vector.broadcast %mul3A : i32 to vector<24x128xi32>
    %mul3A_10 = arith.muli %iota3A, %mul3A_9 : vector<24x128xi32>
    %add3A = arith.addi %mul3A_10, %iota3A_8 : vector<24x128xi32>
    %lt3A = vector.broadcast %convert_element_type3A : i32 to vector<24x128xi32>
    %lt3A_11 = arith.cmpi slt, %add3A, %lt3A : vector<24x128xi32>
    %get3A_12 = arith.constant 0 : index
    %get3A_13 = arith.constant 0 : index
    %get3A_14 = vector.load %arg2[%get3A_12, %get3A_13] : memref<48x128xf32, #tpu.memory_space<vmem>>, vector<24x128xf32>
    %jit3A = arith.constant 0xFF800000 : f32
    %broadcast_in_dim3A = vector.broadcast %jit3A : f32 to vector<24x128xf32>
    %select_n3A = arith.select %lt3A_11, %get3A_14, %broadcast_in_dim3A : vector<24x128xi1>, vector<24x128xf32>
    %swap3A = arith.constant 0 : index
    %swap3A_15 = arith.constant 0 : index
    %swap3A_16 = vector.load %arg9[%swap3A, %swap3A_15] : memref<48x128xf32, #tpu.memory_space<vmem>>, vector<24x128xf32>
    tpu.vector_store %arg9[%swap3A, %swap3A_15], %select_n3A {strides = array<i32>} : memref<48x128xf32, #tpu.memory_space<vmem>>, vector<24x128xf32>,
    %lt3A_17 = vector.broadcast %convert_element_type3A_7 : i32 to vector<24x128xi32>
    %lt3A_18 = arith.cmpi slt, %add3A, %lt3A_17 : vector<24x128xi32>
    %get3A_19 = arith.constant 24 : index
    %get3A_20 = arith.constant 0 : index
    %get3A_21 = vector.load %arg2[%get3A_19, %get3A_20] : memref<48x128xf32, #tpu.memory_space<vmem>>, vector<24x128xf32>
    %jit3A_22 = arith.constant 0xFF800000 : f32
    %broadcast_in_dim3A_23 = vector.broadcast %jit3A_22 : f32 to vector<24x128xf32>
    %select_n3A_24 = arith.select %lt3A_18, %get3A_21, %broadcast_in_dim3A_23 : vector<24x128xi1>, vector<24x128xf32>
    %swap3A_25 = arith.constant 24 : index
    %swap3A_26 = arith.constant 0 : index
    %swap3A_27 = vector.load %arg9[%swap3A_25, %swap3A_26] : memref<48x128xf32, #tpu.memory_space<vmem>>, vector<24x128xf32>
    tpu.vector_store %arg9[%swap3A_25, %swap3A_26], %select_n3A_24 {strides = array<i32>} : memref<48x128xf32, #tpu.memory_space<vmem>>, vector<24x128xf32>,
    %get3A_28 = arith.constant 0 : index
    %get3A_29 = arith.constant 0 : index
    %get3A_30 = vector.load %arg3[%get3A_28, %get3A_29] : memref<48x128xf32, #tpu.memory_space<vmem>>, vector<48x128xf32>
    %get3A_31 = arith.constant 0 : index
    %get3A_32 = arith.constant 0 : index
    %get3A_33 = vector.load %arg4[%get3A_31, %get3A_32] : memref<48x128xf32, #tpu.memory_space<vmem>>, vector<48x128xf32>
    %get3A_34 = arith.constant 0 : index
    %get3A_35 = arith.constant 0 : index
    %get3A_36 = vector.load %arg5[%get3A_34, %get3A_35] : memref<48x128xf32, #tpu.memory_space<vmem>>, vector<48x128xf32>
    %get3A_37 = arith.constant 0 : index
    %get3A_38 = arith.constant 0 : index
    %get3A_39 = vector.load %arg6[%get3A_37, %get3A_38] : memref<48x128xf32, #tpu.memory_space<vmem>>, vector<48x128xf32>
    %sub3A = arith.subf %get3A_36, %get3A_30 : vector<48x128xf32>
    %add3A_40 = arith.constant 1.000000e+00 : f32
    %add3A_41 = vector.broadcast %add3A_40 : f32 to vector<48x128xf32>
    %add3A_42 = arith.addf %sub3A, %add3A_41 : vector<48x128xf32>
    %sub3A_43 = arith.subf %get3A_39, %get3A_33 : vector<48x128xf32>
    %add3A_44 = arith.constant 1.000000e+00 : f32
    %add3A_45 = vector.broadcast %add3A_44 : f32 to vector<48x128xf32>
    %add3A_46 = arith.addf %sub3A_43, %add3A_45 : vector<48x128xf32>
    %mul3A_47 = arith.mulf %add3A_42, %add3A_46 : vector<48x128xf32>
    %swap3A_48 = arith.constant 0 : index
    %swap3A_49 = arith.constant 0 : index
    %swap3A_50 = vector.load %arg8[%swap3A_48, %swap3A_49] : memref<48x128xf32, #tpu.memory_space<vmem>>, vector<48x128xf32>
    tpu.vector_store %arg8[%swap3A_48, %swap3A_49], %mul3A_47 {strides = array<i32>} : memref<48x128xf32, #tpu.memory_space<vmem>>, vector<48x128xf32>,
    %iota3A_51 = tpu.iota {dimensions = array<i32: 0>} : vector<608x8xi32>
    %iota3A_52 = tpu.iota {dimensions = array<i32: 1>} : vector<608x8xi32>
    %eq3A = arith.constant 0 : i32
    %eq3A_53 = vector.broadcast %eq3A : i32 to vector<608x8xi32>
    %eq3A_54 = arith.cmpi eq, %iota3A_52, %eq3A_53 : vector<608x8xi32>
    %ge3A = arith.constant 304 : i32
    %ge3A_55 = vector.broadcast %ge3A : i32 to vector<608x8xi32>
    %ge3A_56 = arith.cmpi sge, %iota3A_51, %ge3A_55 : vector<608x8xi32>
    %jit3A_57 = arith.constant 1.000000e+00 : f32
    %jit3A_58 = arith.constant 0.000000e+00 : f32
    %broadcast_in_dim3A_59 = vector.broadcast %jit3A_57 : f32 to vector<608x8xf32>
    %broadcast_in_dim3A_60 = vector.broadcast %jit3A_58 : f32 to vector<608x8xf32>
    %select_n3A_61 = arith.select %ge3A_56, %broadcast_in_dim3A_59, %broadcast_in_dim3A_60 : vector<608x8xi1>, vector<608x8xf32>
    %jit3A_62 = arith.constant 0.000000e+00 : f32
    %broadcast_in_dim3A_63 = vector.broadcast %jit3A_62 : f32 to vector<608x8xf32>
    %select_n3A_64 = arith.select %eq3A_54, %select_n3A_61, %broadcast_in_dim3A_63 : vector<608x8xi1>, vector<608x8xf32>
    %swap3A_65 = arith.constant 0 : index
    %swap3A_66 = arith.constant 0 : index
    %swap3A_67 = vector.load %arg7[%swap3A_65, %swap3A_66] : memref<608x8xf32, #tpu.memory_space<vmem>>, vector<608x8xf32>
    tpu.vector_store %arg7[%swap3A_65, %swap3A_66], %select_n3A_64 {strides = array<i32>} : memref<608x8xf32, #tpu.memory_space<vmem>>, vector<608x8xf32>,
    %iota3A_68 = tpu.iota {dimensions = array<i32: 1>} : vector<1x8xi32>
    %get3A_69 = arith.constant 0 : index
    %get3A_70 = arith.constant 0 : index
    %get3A_71 = vector.load %arg9[%get3A_69, %get3A_70] : memref<48x128xf32, #tpu.memory_space<vmem>>, vector<24x128xf32>
    %get3A_72 = arith.constant 24 : index
    %get3A_73 = arith.constant 0 : index
    %get3A_74 = vector.load %arg9[%get3A_72, %get3A_73] : memref<48x128xf32, #tpu.memory_space<vmem>>, vector<24x128xf32>
    %broadcast_in_dim3A_75 = arith.constant 0.000000e+00 : f32
    %broadcast_in_dim3A_76 = vector.broadcast %broadcast_in_dim3A_75 : f32 to vector<1x8xf32>
    %while3A = arith.constant 1073741824 : i32
    %while3A_77 = arith.constant 0 : i32
    %while3A_78 = arith.constant true
    %while3A_79 = arith.constant true
    %while3A_80:6 = scf.while (%while3A_84 = %while3A_77, %while3A_85 = %while3A_78, %while3A_86 = %while3A_79, %while3A_87 = %get3A_71, %while3A_88 = %get3A_74, %while3A_89 = %broadcast_in_dim3A_76) : (i32, i1, i1, vector<24x128xf32>, vector<24x128xf32>, vector<1x8xf32>) -> (i32, i1, i1, vector<24x128xf32>, vector<24x128xf32>, vector<1x8xf32>) {
      %lt3A_90 = arith.constant 300 : i32
      %lt3A_91 = arith.cmpi slt, %while3A_84, %lt3A_90 : i32
      %or3A = arith.ori %while3A_85, %while3A_86 : i1
      %and3A = arith.andi %lt3A_91, %or3A : i1
      scf.condition(%and3A) %while3A_84, %while3A_85, %while3A_86, %while3A_87, %while3A_88, %while3A_89 : i32, i1, i1, vector<24x128xf32>, vector<24x128xf32>, vector<1x8xf32>
    } do {
    ^bb0(%while3A_84: i32, %while3A_85: i1, %while3A_86: i1, %while3A_87: vector<24x128xf32>, %while3A_88: vector<24x128xf32>, %while3A_89: vector<1x8xf32>):
      %jit3A_90 = arith.constant 1.000000e+00 : f32
      %jit3A_91 = arith.constant 0.000000e+00 : f32
      %select_n3A_92 = arith.select %while3A_85, %jit3A_90, %jit3A_91 : f32
      %reduce_max3A = vector.shape_cast %while3A_87 : vector<24x128xf32> to vector<1x24x128xf32>
      %reduce_max3A_93 = arith.constant dense<0xFF800000> : vector<1xf32>
      %reduce_max3A_94 = vector.multi_reduction <maximumf>, %reduce_max3A, %reduce_max3A_93 [1, 2] : vector<1x24x128xf32> to vector<1xf32>
      %reduce_max3A_95 = vector.shape_cast %reduce_max3A_94 : vector<1xf32> to vector<1x1x1xf32>
      %reduce_max3A_96 = vector.extract %reduce_max3A_95[0, 0, 0] : f32 from vector<1x1x1xf32>
      %gt3A = arith.constant -1.000000e+09 : f32
      %gt3A_97 = arith.cmpf ogt, %reduce_max3A_96, %gt3A : f32
      %eq3A_98 = vector.broadcast %reduce_max3A_96 : f32 to vector<24x128xf32>
      %eq3A_99 = arith.cmpf oeq, %while3A_87, %eq3A_98 : vector<24x128xf32>
      %broadcast_in_dim3A_100 = vector.broadcast %while3A : i32 to vector<24x128xi32>
      %select_n3A_101 = arith.select %eq3A_99, %add3A, %broadcast_in_dim3A_100 : vector<24x128xi1>, vector<24x128xi32>
      %reduce_min3A = vector.shape_cast %select_n3A_101 : vector<24x128xi32> to vector<1x24x128xi32>
      %reduce_min3A_102 = arith.constant dense<2147483647> : vector<1xi32>
      %reduce_min3A_103 = vector.multi_reduction <minsi>, %reduce_min3A, %reduce_min3A_102 [1, 2] : vector<1x24x128xi32> to vector<1xi32>
      %reduce_min3A_104 = vector.shape_cast %reduce_min3A_103 : vector<1xi32> to vector<1x1x1xi32>
      %reduce_min3A_105 = vector.extract %reduce_min3A_104[0, 0, 0] : i32 from vector<1x1x1xi32>
      %get3A_106 = arith.constant 0 : index
      %get3A_107 = arith.constant 0 : index
      %get3A_108 = vector.load %arg3[%get3A_106, %get3A_107] : memref<48x128xf32, #tpu.memory_space<vmem>>, vector<24x128xf32>
      %get3A_109 = arith.constant 0 : index
      %get3A_110 = arith.constant 0 : index
      %get3A_111 = vector.load %arg4[%get3A_109, %get3A_110] : memref<48x128xf32, #tpu.memory_space<vmem>>, vector<24x128xf32>
      %get3A_112 = arith.constant 0 : index
      %get3A_113 = arith.constant 0 : index
      %get3A_114 = vector.load %arg5[%get3A_112, %get3A_113] : memref<48x128xf32, #tpu.memory_space<vmem>>, vector<24x128xf32>
      %get3A_115 = arith.constant 0 : index
      %get3A_116 = arith.constant 0 : index
      %get3A_117 = vector.load %arg6[%get3A_115, %get3A_116] : memref<48x128xf32, #tpu.memory_space<vmem>>, vector<24x128xf32>
      %eq3A_118 = vector.broadcast %reduce_min3A_105 : i32 to vector<24x128xi32>
      %eq3A_119 = arith.cmpi eq, %add3A, %eq3A_118 : vector<24x128xi32>
      %add3A_120 = arith.constant 1.000000e+00 : f32
      %add3A_121 = arith.addf %reduce_max3A_96, %add3A_120 : f32
      %add3A_122 = arith.constant 2.000000e+00 : f32
      %add3A_123 = arith.addf %reduce_max3A_96, %add3A_122 : f32
      %add3A_124 = arith.constant 5.000000e+02 : f32
      %add3A_125 = arith.addf %reduce_max3A_96, %add3A_124 : f32
      %add3A_126 = arith.constant 4.000000e+02 : f32
      %add3A_127 = arith.addf %reduce_max3A_96, %add3A_126 : f32
      %sub3A_128 = arith.subf %add3A_125, %add3A_121 : f32
      %add3A_129 = arith.constant 1.000000e+00 : f32
      %add3A_130 = arith.addf %sub3A_128, %add3A_129 : f32
      %sub3A_131 = arith.subf %add3A_127, %add3A_123 : f32
      %add3A_132 = arith.constant 1.000000e+00 : f32
      %add3A_133 = arith.addf %sub3A_131, %add3A_132 : f32
      %mul3A_134 = arith.mulf %add3A_130, %add3A_133 : f32
      %max3A = vector.broadcast %add3A_121 : f32 to vector<24x128xf32>
      %max3A_135 = arith.maximumf %max3A, %get3A_108 : vector<24x128xf32>
      %max3A_136 = vector.broadcast %add3A_123 : f32 to vector<24x128xf32>
      %max3A_137 = arith.maximumf %max3A_136, %get3A_111 : vector<24x128xf32>
      %min3A = vector.broadcast %add3A_125 : f32 to vector<24x128xf32>
      %min3A_138 = arith.minimumf %min3A, %get3A_114 : vector<24x128xf32>
      %min3A_139 = vector.broadcast %add3A_127 : f32 to vector<24x128xf32>
      %min3A_140 = arith.minimumf %min3A_139, %get3A_117 : vector<24x128xf32>
      %sub3A_141 = arith.subf %min3A_138, %max3A_135 : vector<24x128xf32>
      %add3A_142 = arith.constant 1.000000e+00 : f32
      %add3A_143 = vector.broadcast %add3A_142 : f32 to vector<24x128xf32>
      %add3A_144 = arith.addf %sub3A_141, %add3A_143 : vector<24x128xf32>
      %max3A_145 = arith.constant 0.000000e+00 : f32
      %max3A_146 = vector.broadcast %max3A_145 : f32 to vector<24x128xf32>
      %max3A_147 = arith.maximumf %add3A_144, %max3A_146 : vector<24x128xf32>
      %sub3A_148 = arith.subf %min3A_140, %max3A_137 : vector<24x128xf32>
      %add3A_149 = arith.constant 1.000000e+00 : f32
      %add3A_150 = vector.broadcast %add3A_149 : f32 to vector<24x128xf32>
      %add3A_151 = arith.addf %sub3A_148, %add3A_150 : vector<24x128xf32>
      %max3A_152 = arith.constant 0.000000e+00 : f32
      %max3A_153 = vector.broadcast %max3A_152 : f32 to vector<24x128xf32>
      %max3A_154 = arith.maximumf %add3A_151, %max3A_153 : vector<24x128xf32>
      %mul3A_155 = arith.mulf %max3A_147, %max3A_154 : vector<24x128xf32>
      %get3A_156 = arith.constant 0 : index
      %get3A_157 = arith.constant 0 : index
      %get3A_158 = vector.load %arg8[%get3A_156, %get3A_157] : memref<48x128xf32, #tpu.memory_space<vmem>>, vector<24x128xf32>
      %add3A_159 = vector.broadcast %mul3A_134 : f32 to vector<24x128xf32>
      %add3A_160 = arith.addf %add3A_159, %get3A_158 : vector<24x128xf32>
      %sub3A_161 = arith.subf %add3A_160, %mul3A_155 : vector<24x128xf32>
      %div3A = arith.divf %mul3A_155, %sub3A_161 : vector<24x128xf32>
      %gt3A_162 = arith.constant 0.699999988 : f32
      %gt3A_163 = vector.broadcast %gt3A_162 : f32 to vector<24x128xf32>
      %gt3A_164 = arith.cmpf ogt, %div3A, %gt3A_163 : vector<24x128xf32>
      %or3A = arith.ori %gt3A_164, %eq3A_119 : vector<24x128xi1>
      %jit3A_165 = arith.constant 0xFF800000 : f32
      %broadcast_in_dim3A_166 = vector.broadcast %jit3A_165 : f32 to vector<24x128xf32>
      %select_n3A_167 = arith.select %or3A, %broadcast_in_dim3A_166, %while3A_87 : vector<24x128xi1>, vector<24x128xf32>
      %eq3A_168 = arith.constant 1 : i32
      %eq3A_169 = vector.broadcast %eq3A_168 : i32 to vector<1x8xi32>
      %eq3A_170 = arith.cmpi eq, %iota3A_68, %eq3A_169 : vector<1x8xi32>
      %jit3A_171 = arith.constant 0.000000e+00 : f32
      %broadcast_in_dim3A_172 = vector.broadcast %add3A_121 : f32 to vector<1x8xf32>
      %broadcast_in_dim3A_173 = vector.broadcast %jit3A_171 : f32 to vector<1x8xf32>
      %select_n3A_174 = arith.select %eq3A_170, %broadcast_in_dim3A_172, %broadcast_in_dim3A_173 : vector<1x8xi1>, vector<1x8xf32>
      %eq3A_175 = arith.constant 2 : i32
      %eq3A_176 = vector.broadcast %eq3A_175 : i32 to vector<1x8xi32>
      %eq3A_177 = arith.cmpi eq, %iota3A_68, %eq3A_176 : vector<1x8xi32>
      %jit3A_178 = arith.constant 0.000000e+00 : f32
      %broadcast_in_dim3A_179 = vector.broadcast %add3A_123 : f32 to vector<1x8xf32>
      %broadcast_in_dim3A_180 = vector.broadcast %jit3A_178 : f32 to vector<1x8xf32>
      %select_n3A_181 = arith.select %eq3A_177, %broadcast_in_dim3A_179, %broadcast_in_dim3A_180 : vector<1x8xi1>, vector<1x8xf32>
      %add3A_182 = arith.addf %select_n3A_174, %select_n3A_181 : vector<1x8xf32>
      %eq3A_183 = arith.constant 3 : i32
      %eq3A_184 = vector.broadcast %eq3A_183 : i32 to vector<1x8xi32>
      %eq3A_185 = arith.cmpi eq, %iota3A_68, %eq3A_184 : vector<1x8xi32>
      %jit3A_186 = arith.constant 0.000000e+00 : f32
      %broadcast_in_dim3A_187 = vector.broadcast %add3A_125 : f32 to vector<1x8xf32>
      %broadcast_in_dim3A_188 = vector.broadcast %jit3A_186 : f32 to vector<1x8xf32>
      %select_n3A_189 = arith.select %eq3A_185, %broadcast_in_dim3A_187, %broadcast_in_dim3A_188 : vector<1x8xi1>, vector<1x8xf32>
      %add3A_190 = arith.addf %add3A_182, %select_n3A_189 : vector<1x8xf32>
      %eq3A_191 = arith.constant 4 : i32
      %eq3A_192 = vector.broadcast %eq3A_191 : i32 to vector<1x8xi32>
      %eq3A_193 = arith.cmpi eq, %iota3A_68, %eq3A_192 : vector<1x8xi32>
      %jit3A_194 = arith.constant 0.000000e+00 : f32
      %broadcast_in_dim3A_195 = vector.broadcast %add3A_127 : f32 to vector<1x8xf32>
      %broadcast_in_dim3A_196 = vector.broadcast %jit3A_194 : f32 to vector<1x8xf32>
      %select_n3A_197 = arith.select %eq3A_193, %broadcast_in_dim3A_195, %broadcast_in_dim3A_196 : vector<1x8xi1>, vector<1x8xf32>
      %add3A_198 = arith.addf %add3A_190, %select_n3A_197 : vector<1x8xf32>
      %eq3A_199 = arith.constant 0 : i32
      %eq3A_200 = vector.broadcast %eq3A_199 : i32 to vector<1x8xi32>
      %eq3A_201 = arith.cmpi eq, %iota3A_68, %eq3A_200 : vector<1x8xi32>
      %jit3A_202 = arith.constant 0.000000e+00 : f32
      %broadcast_in_dim3A_203 = vector.broadcast %jit3A_202 : f32 to vector<1x8xf32>
      %select_n3A_204 = arith.select %gt3A_97, %add3A_198, %broadcast_in_dim3A_203 : vector<1x8xf32>
      %jit3A_205 = arith.constant 0.000000e+00 : f32
      %broadcast_in_dim3A_206 = vector.broadcast %jit3A_205 : f32 to vector<1x8xf32>
      %select_n3A_207 = arith.select %eq3A_201, %broadcast_in_dim3A_206, %select_n3A_204 : vector<1x8xi1>, vector<1x8xf32>
      %jit3A_208 = arith.constant 1.000000e+00 : f32
      %jit3A_209 = arith.constant 0.000000e+00 : f32
      %select_n3A_210 = arith.select %while3A_86, %jit3A_208, %jit3A_209 : f32
      %reduce_max3A_211 = vector.shape_cast %while3A_88 : vector<24x128xf32> to vector<1x24x128xf32>
      %reduce_max3A_212 = arith.constant dense<0xFF800000> : vector<1xf32>
      %reduce_max3A_213 = vector.multi_reduction <maximumf>, %reduce_max3A_211, %reduce_max3A_212 [1, 2] : vector<1x24x128xf32> to vector<1xf32>
      %reduce_max3A_214 = vector.shape_cast %reduce_max3A_213 : vector<1xf32> to vector<1x1x1xf32>
      %reduce_max3A_215 = vector.extract %reduce_max3A_214[0, 0, 0] : f32 from vector<1x1x1xf32>
      %gt3A_216 = arith.constant -1.000000e+09 : f32
      %gt3A_217 = arith.cmpf ogt, %reduce_max3A_215, %gt3A_216 : f32
      %eq3A_218 = vector.broadcast %reduce_max3A_215 : f32 to vector<24x128xf32>
      %eq3A_219 = arith.cmpf oeq, %while3A_88, %eq3A_218 : vector<24x128xf32>
      %broadcast_in_dim3A_220 = vector.broadcast %while3A : i32 to vector<24x128xi32>
      %select_n3A_221 = arith.select %eq3A_219, %add3A, %broadcast_in_dim3A_220 : vector<24x128xi1>, vector<24x128xi32>
      %reduce_min3A_222 = vector.shape_cast %select_n3A_221 : vector<24x128xi32> to vector<1x24x128xi32>
      %reduce_min3A_223 = arith.constant dense<2147483647> : vector<1xi32>
      %reduce_min3A_224 = vector.multi_reduction <minsi>, %reduce_min3A_222, %reduce_min3A_223 [1, 2] : vector<1x24x128xi32> to vector<1xi32>
      %reduce_min3A_225 = vector.shape_cast %reduce_min3A_224 : vector<1xi32> to vector<1x1x1xi32>
      %reduce_min3A_226 = vector.extract %reduce_min3A_225[0, 0, 0] : i32 from vector<1x1x1xi32>
      %get3A_227 = arith.constant 24 : index
      %get3A_228 = arith.constant 0 : index
      %get3A_229 = vector.load %arg3[%get3A_227, %get3A_228] : memref<48x128xf32, #tpu.memory_space<vmem>>, vector<24x128xf32>
      %get3A_230 = arith.constant 24 : index
      %get3A_231 = arith.constant 0 : index
      %get3A_232 = vector.load %arg4[%get3A_230, %get3A_231] : memref<48x128xf32, #tpu.memory_space<vmem>>, vector<24x128xf32>
      %get3A_233 = arith.constant 24 : index
      %get3A_234 = arith.constant 0 : index
      %get3A_235 = vector.load %arg5[%get3A_233, %get3A_234] : memref<48x128xf32, #tpu.memory_space<vmem>>, vector<24x128xf32>
      %get3A_236 = arith.constant 24 : index
      %get3A_237 = arith.constant 0 : index
      %get3A_238 = vector.load %arg6[%get3A_236, %get3A_237] : memref<48x128xf32, #tpu.memory_space<vmem>>, vector<24x128xf32>
      %eq3A_239 = vector.broadcast %reduce_min3A_226 : i32 to vector<24x128xi32>
      %eq3A_240 = arith.cmpi eq, %add3A, %eq3A_239 : vector<24x128xi32>
      %add3A_241 = arith.constant 1.000000e+00 : f32
      %add3A_242 = arith.addf %reduce_max3A_215, %add3A_241 : f32
      %add3A_243 = arith.constant 2.000000e+00 : f32
      %add3A_244 = arith.addf %reduce_max3A_215, %add3A_243 : f32
      %add3A_245 = arith.constant 5.000000e+02 : f32
      %add3A_246 = arith.addf %reduce_max3A_215, %add3A_245 : f32
      %add3A_247 = arith.constant 4.000000e+02 : f32
      %add3A_248 = arith.addf %reduce_max3A_215, %add3A_247 : f32
      %sub3A_249 = arith.subf %add3A_246, %add3A_242 : f32
      %add3A_250 = arith.constant 1.000000e+00 : f32
      %add3A_251 = arith.addf %sub3A_249, %add3A_250 : f32
      %sub3A_252 = arith.subf %add3A_248, %add3A_244 : f32
      %add3A_253 = arith.constant 1.000000e+00 : f32
      %add3A_254 = arith.addf %sub3A_252, %add3A_253 : f32
      %mul3A_255 = arith.mulf %add3A_251, %add3A_254 : f32
      %max3A_256 = vector.broadcast %add3A_242 : f32 to vector<24x128xf32>
      %max3A_257 = arith.maximumf %max3A_256, %get3A_229 : vector<24x128xf32>
      %max3A_258 = vector.broadcast %add3A_244 : f32 to vector<24x128xf32>
      %max3A_259 = arith.maximumf %max3A_258, %get3A_232 : vector<24x128xf32>
      %min3A_260 = vector.broadcast %add3A_246 : f32 to vector<24x128xf32>
      %min3A_261 = arith.minimumf %min3A_260, %get3A_235 : vector<24x128xf32>
      %min3A_262 = vector.broadcast %add3A_248 : f32 to vector<24x128xf32>
      %min3A_263 = arith.minimumf %min3A_262, %get3A_238 : vector<24x128xf32>
      %sub3A_264 = arith.subf %min3A_261, %max3A_257 : vector<24x128xf32>
      %add3A_265 = arith.constant 1.000000e+00 : f32
      %add3A_266 = vector.broadcast %add3A_265 : f32 to vector<24x128xf32>
      %add3A_267 = arith.addf %sub3A_264, %add3A_266 : vector<24x128xf32>
      %max3A_268 = arith.constant 0.000000e+00 : f32
      %max3A_269 = vector.broadcast %max3A_268 : f32 to vector<24x128xf32>
      %max3A_270 = arith.maximumf %add3A_267, %max3A_269 : vector<24x128xf32>
      %sub3A_271 = arith.subf %min3A_263, %max3A_259 : vector<24x128xf32>
      %add3A_272 = arith.constant 1.000000e+00 : f32
      %add3A_273 = vector.broadcast %add3A_272 : f32 to vector<24x128xf32>
      %add3A_274 = arith.addf %sub3A_271, %add3A_273 : vector<24x128xf32>
      %max3A_275 = arith.constant 0.000000e+00 : f32
      %max3A_276 = vector.broadcast %max3A_275 : f32 to vector<24x128xf32>
      %max3A_277 = arith.maximumf %add3A_274, %max3A_276 : vector<24x128xf32>
      %mul3A_278 = arith.mulf %max3A_270, %max3A_277 : vector<24x128xf32>
      %get3A_279 = arith.constant 24 : index
      %get3A_280 = arith.constant 0 : index
      %get3A_281 = vector.load %arg8[%get3A_279, %get3A_280] : memref<48x128xf32, #tpu.memory_space<vmem>>, vector<24x128xf32>
      %add3A_282 = vector.broadcast %mul3A_255 : f32 to vector<24x128xf32>
      %add3A_283 = arith.addf %add3A_282, %get3A_281 : vector<24x128xf32>
      %sub3A_284 = arith.subf %add3A_283, %mul3A_278 : vector<24x128xf32>
      %div3A_285 = arith.divf %mul3A_278, %sub3A_284 : vector<24x128xf32>
      %gt3A_286 = arith.constant 0.699999988 : f32
      %gt3A_287 = vector.broadcast %gt3A_286 : f32 to vector<24x128xf32>
      %gt3A_288 = arith.cmpf ogt, %div3A_285, %gt3A_287 : vector<24x128xf32>
      %or3A_289 = arith.ori %gt3A_288, %eq3A_240 : vector<24x128xi1>
      %jit3A_290 = arith.constant 0xFF800000 : f32
      %broadcast_in_dim3A_291 = vector.broadcast %jit3A_290 : f32 to vector<24x128xf32>
      %select_n3A_292 = arith.select %or3A_289, %broadcast_in_dim3A_291, %while3A_88 : vector<24x128xi1>, vector<24x128xf32>
      %eq3A_293 = arith.constant 1 : i32
      %eq3A_294 = vector.broadcast %eq3A_293 : i32 to vector<1x8xi32>
      %eq3A_295 = arith.cmpi eq, %iota3A_68, %eq3A_294 : vector<1x8xi32>
      %jit3A_296 = arith.constant 0.000000e+00 : f32
      %broadcast_in_dim3A_297 = vector.broadcast %add3A_242 : f32 to vector<1x8xf32>
      %broadcast_in_dim3A_298 = vector.broadcast %jit3A_296 : f32 to vector<1x8xf32>
      %select_n3A_299 = arith.select %eq3A_295, %broadcast_in_dim3A_297, %broadcast_in_dim3A_298 : vector<1x8xi1>, vector<1x8xf32>
      %eq3A_300 = arith.constant 2 : i32
      %eq3A_301 = vector.broadcast %eq3A_300 : i32 to vector<1x8xi32>
      %eq3A_302 = arith.cmpi eq, %iota3A_68, %eq3A_301 : vector<1x8xi32>
      %jit3A_303 = arith.constant 0.000000e+00 : f32
      %broadcast_in_dim3A_304 = vector.broadcast %add3A_244 : f32 to vector<1x8xf32>
      %broadcast_in_dim3A_305 = vector.broadcast %jit3A_303 : f32 to vector<1x8xf32>
      %select_n3A_306 = arith.select %eq3A_302, %broadcast_in_dim3A_304, %broadcast_in_dim3A_305 : vector<1x8xi1>, vector<1x8xf32>
      %add3A_307 = arith.addf %select_n3A_299, %select_n3A_306 : vector<1x8xf32>
      %eq3A_308 = arith.constant 3 : i32
      %eq3A_309 = vector.broadcast %eq3A_308 : i32 to vector<1x8xi32>
      %eq3A_310 = arith.cmpi eq, %iota3A_68, %eq3A_309 : vector<1x8xi32>
      %jit3A_311 = arith.constant 0.000000e+00 : f32
      %broadcast_in_dim3A_312 = vector.broadcast %add3A_246 : f32 to vector<1x8xf32>
      %broadcast_in_dim3A_313 = vector.broadcast %jit3A_311 : f32 to vector<1x8xf32>
      %select_n3A_314 = arith.select %eq3A_310, %broadcast_in_dim3A_312, %broadcast_in_dim3A_313 : vector<1x8xi1>, vector<1x8xf32>
      %add3A_315 = arith.addf %add3A_307, %select_n3A_314 : vector<1x8xf32>
      %eq3A_316 = arith.constant 4 : i32
      %eq3A_317 = vector.broadcast %eq3A_316 : i32 to vector<1x8xi32>
      %eq3A_318 = arith.cmpi eq, %iota3A_68, %eq3A_317 : vector<1x8xi32>
      %jit3A_319 = arith.constant 0.000000e+00 : f32
      %broadcast_in_dim3A_320 = vector.broadcast %add3A_248 : f32 to vector<1x8xf32>
      %broadcast_in_dim3A_321 = vector.broadcast %jit3A_319 : f32 to vector<1x8xf32>
      %select_n3A_322 = arith.select %eq3A_318, %broadcast_in_dim3A_320, %broadcast_in_dim3A_321 : vector<1x8xi1>, vector<1x8xf32>
      %add3A_323 = arith.addf %add3A_315, %select_n3A_322 : vector<1x8xf32>
      %eq3A_324 = arith.constant 0 : i32
      %eq3A_325 = vector.broadcast %eq3A_324 : i32 to vector<1x8xi32>
      %eq3A_326 = arith.cmpi eq, %iota3A_68, %eq3A_325 : vector<1x8xi32>
      %jit3A_327 = arith.constant 0.000000e+00 : f32
      %broadcast_in_dim3A_328 = vector.broadcast %jit3A_327 : f32 to vector<1x8xf32>
      %select_n3A_329 = arith.select %gt3A_217, %add3A_323, %broadcast_in_dim3A_328 : vector<1x8xf32>
      %jit3A_330 = arith.constant 1.000000e+00 : f32
      %broadcast_in_dim3A_331 = vector.broadcast %jit3A_330 : f32 to vector<1x8xf32>
      %select_n3A_332 = arith.select %eq3A_326, %broadcast_in_dim3A_331, %select_n3A_329 : vector<1x8xi1>, vector<1x8xf32>
      %add3A_333 = arith.constant 1 : i32
      %add3A_334 = arith.addi %while3A_84, %add3A_333 : i32
      %add3A_335 = arith.addf %while3A_89, %select_n3A_207 : vector<1x8xf32>
      %add3A_336 = arith.addf %add3A_335, %select_n3A_332 : vector<1x8xf32>
      scf.yield %add3A_334, %gt3A_97, %gt3A_217, %select_n3A_167, %select_n3A_292, %add3A_336 : i32, i1, i1, vector<24x128xf32>, vector<24x128xf32>, vector<1x8xf32>
    }
    %swap3A_81 = arith.constant 0 : index
    %swap3A_82 = arith.constant 0 : index
    %swap3A_83 = vector.load %arg7[%swap3A_81, %swap3A_82] : memref<608x8xf32, #tpu.memory_space<vmem>>, vector<1x8xf32>
    tpu.vector_store %arg7[%swap3A_81, %swap3A_82], %while3A_80#5 {strides = array<i32>} : memref<608x8xf32, #tpu.memory_space<vmem>>, vector<1x8xf32>,
    return
  }
  func.func @transform_0(%arg0: i32) -> (i32, i32) {
    %c0_i32 = arith.constant 0 : i32
    %c0_i32_0 = arith.constant 0 : i32
    %c0_i32_1 = arith.constant 0 : i32
    return %c0_i32, %c0_i32_0 : i32, i32
  }
  func.func @transform_1(%arg0: i32) -> (i32, i32) {
    %c0_i32 = arith.constant 0 : i32
    %c0_i32_0 = arith.constant 0 : i32
    %c0_i32_1 = arith.constant 0 : i32
    return %c0_i32, %c0_i32_0 : i32, i32
  }
  func.func @transform_2(%arg0: i32) -> (i32, i32) {
    %c0_i32 = arith.constant 0 : i32
    %c0_i32_0 = arith.constant 0 : i32
    %c0_i32_1 = arith.constant 0 : i32
    return %c0_i32, %c0_i32_0 : i32, i32
  }
  func.func @transform_3(%arg0: i32) -> (i32, i32) {
    %c0_i32 = arith.constant 0 : i32
    %c0_i32_0 = arith.constant 0 : i32
    %c0_i32_1 = arith.constant 0 : i32
    return %c0_i32, %c0_i32_0 : i32, i32
  }
  func.func @transform_4(%arg0: i32) -> (i32, i32) {
    %c0_i32 = arith.constant 0 : i32
    %c0_i32_0 = arith.constant 0 : i32
    %c0_i32_1 = arith.constant 0 : i32
    return %c0_i32, %c0_i32_0 : i32, i32
  }
  func.func @transform_5(%arg0: i32) -> (i32, i32) {
    %c0_i32 = arith.constant 0 : i32
    %c0_i32_0 = arith.constant 0 : i32
    %c0_i32_1 = arith.constant 0 : i32
    return %c0_i32, %c0_i32_0 : i32, i32
  }
  func.func @transform_6(%arg0: i32) -> (i32, i32) {
    %c0_i32 = arith.constant 0 : i32
    %c0_i32_0 = arith.constant 0 : i32
    %c0_i32_1 = arith.constant 0 : i32
    return %c0_i32, %c0_i32_0 : i32, i32
  }
}

</mosaic_0001>

<sc_bundles>
// kernel: kernel.5.cloned.1.call-start
scs
__scs_entry_jumppad:
0x0: {  	(pc) =	sbr.rel $0x88, $3  }
0x1: {  	(tag) =	ssettag $0x0;
	lr =	simm.s32 $0x1  }
0x2: {  	[smem:$0x3F9E] =	sst lr;
	_ =	strace $0xD0000000  }
0x3: {  	_ = 	snop  }
0x4: {  	_ = 	snop  }
0x5: {  	_ = 	snop  }
0x6: {  	_ = 	snop  }
0x7: {  	_ = 	snop  }
__scs_overlays_trampoline_lowered:
0x8: {  	[smem:$0x3FAD] =	sst s0  }
0x9: {  	[smem:$0x3FAE] =	sst s1  }
0xa: {  	[smem:$0x3FAF] =	sst s2  }
0xb: {  	[smem:$0x3FB0] =	sst s3  }
0xc: {  	[smem:$0x3FB1] =	sst s4  }
0xd: {  	[smem:$0x3FB2] =	sst s5  }
0xe: {  	[smem:$0x3FB3] =	sst s6  }
0xf: {  	[smem:$0x3FB4] =	sst s7  }
0x10: {  	[smem:$0x3FB5] =	sst s8  }
0x11: {  	[smem:$0x3FB6] =	sst s9;
	s0 =	simm.s32 @!p0 $0x0  }
0x12: {  	s1 =	sld [smem:$0x3F9C];
	s0 =	simm.s32 @p0 $0x1  }
0x13: {  	[smem:$0x3FB7] =	sst s0;
	s0 =	simm.s32 @!p1 $0x0  }
0x14: {  	s2 =	sld [smem:$0x3F9B];
	s0 =	simm.s32 @p1 $0x1  }
0x15: {  	[smem:$0x3FB8] =	sst s0;
	s0 =	simm.s32 @!p2 $0x0  }
0x16: {  	s3 =	sld [smem:$0x3FDB];
	s0 =	simm.s32 @p2 $0x1  }
0x17: {  	s4 =	simm.s32 $0x1BF5;
	[smem:$0x3FBA] =	sst s0  }
0x18: {  	s0 =	sld [smem:$0x3F9D];
	_ =	swait.ge [sflag:s4], $0x0  }
0x19: {  	s7 =	sld [smem:$0x3F9E]  }
0x1a: {  	s8 =	sadd.s32 $0xFFFFE003, lr  }
0x1b: {  	s9 =	sadd.s32 $0xFFFFFEF7, lr;
	s5 =	simm.s32 $0xFFFFFFFF;
	p2 =	slt.u32 s8, $0xFFFFF086  }
0x1c: {  	p1 =	slt.u32 s9, $0xF7A;
	s5 =	simm.s32 @!p2 $0x0  }
0x1d: {  	s5 =	simm.s32 @p1 $0x1;
	p0 =	seq.s32 s7, s2  }
0x1e: {  	s7 =	smul.u32 @!p0 $0xF7A, s2;
	p2 =	seq.s32 @!p0 s5, $0x0  }
0x1f: {  	s9 =	smul.u32 $0xF7A, s1;
	s8 =	simm.s32 @!p0 $0x1BF5;
	p2 =	por !p2, p0  }
0x20: {  	[sflag:s8] =	ssyncset.s32 @!p0 $0xFFFFF086;
	s6 =	sadd.s32 @!p0 s3, s7;
	s7 =	simm.s32 @!p0 $0x108  }
0x21: {  	s3 =	sadd.s32 s3, s9;
	s6 =	sadd.s32 @!p0 $0x88, s6;
	s7 =	simm.s32 @p2 $0x1082  }
0x22: {  	[simem:s7], [sflag:s8] =	dma.local @!p0 [hbm:s6], $0xF7A  }
0x23: {  	s9 =	sor.u32 $0xD0000000, s2;
	s6 =	simm.s32 $0x108;
	_ =	swait.ge @!p0 [sflag:s8], $0x0  }
0x24: {  	s3 =	sadd.s32 $0x88, s3;
	s6 =	simm.s32 @!p1 $0x1082;
	[sflag:s4] =	ssyncset.s32 $0xFFFFF086  }
0x25: {  	[simem:s6], [sflag:s4] =	dma.local [hbm:s3], $0xF7A  }
0x26: {  	[smem:$0x3F9E] =	sst s1;
	(tag) =	ssettag s2;
	_ =	strace s9  }
0x27: {  	s1 =	sld [smem:$0x3FAE]  }
0x28: {  	s2 =	sld [smem:$0x3FAF]  }
0x29: {  	s4 =	sld [smem:$0x3FB1]  }
0x2a: {  	p0 =	seq.s32 s5, $0x0;
	s5 =	sld [smem:$0x3FB2]  }
0x2b: {  	s6 =	sld [smem:$0x3FB3]  }
0x2c: {  	s7 =	sld [smem:$0x3FB4]  }
0x2d: {  	s3 =	simm.s32 $0x108;
	s8 =	sld [smem:$0x3FB5]  }
0x2e: {  	s3 =	simm.s32 @!p0 $0x1082;
	s9 =	sld [smem:$0x3FB6]  }
0x2f: {  	lr =	sadd.s32 s0, s3;
	s0 =	sld [smem:$0x3FAD]  }
0x30: {  	s3 =	sld [smem:$0x3FB0]  }
0x31: {  	[smem:$0x3FB9] =	sst s10  }
0x32: {  	s10 =	sld [smem:$0x3FB7];
	_ =	sdelay $0x3  }
0x33: {  	p0 =	seq.s32 s10, $0x1;
	s10 =	sld [smem:$0x3FB9];
	_ =	sdelay $0x3  }
0x34: {  	[smem:$0x3FB9] =	sst s10  }
0x35: {  	s10 =	sld [smem:$0x3FB8];
	_ =	sdelay $0x3  }
0x36: {  	p1 =	seq.s32 s10, $0x1;
	s10 =	sld [smem:$0x3FB9];
	_ =	sdelay $0x3  }
0x37: {  	[smem:$0x3FB9] =	sst s10  }
0x38: {  	s10 =	sld [smem:$0x3FBA]  }
0x39: {  	_ = 	snop;
	(pc) =	sbr.ind lr, $3  }
0x3a: {  	_ = 	snop  }
0x3b: {  	_ = 	snop  }
0x3c: {  	p2 =	seq.s32 s10, $0x1;
	s10 =	sld [smem:$0x3FB9]  }
0x3d: {  	_ =	shalt  }
0x3e: {  	_ =	shalt  }
0x3f: {  	_ =	shalt  }
0x40: {  	_ =	shalt  }
0x41: {  	_ =	shalt  }
0x42: {  	_ =	shalt  }
0x43: {  	_ =	shalt  }
0x44: {  	_ =	shalt  }
0x45: {  	_ =	shalt  }
0x46: {  	_ =	shalt  }
0x47: {  	_ =	shalt  }
0x48: {  	_ =	shalt  }
0x49: {  	_ =	shalt  }
0x4a: {  	_ =	shalt  }
0x4b: {  	_ =	shalt  }
0x4c: {  	_ =	shalt  }
0x4d: {  	_ =	shalt  }
0x4e: {  	_ =	shalt  }
0x4f: {  	_ =	shalt  }
0x50: {  	_ =	shalt  }
0x51: {  	_ =	shalt  }
0x52: {  	_ =	shalt  }
0x53: {  	_ =	shalt  }
0x54: {  	_ =	shalt  }
0x55: {  	_ =	shalt  }
0x56: {  	_ =	shalt  }
0x57: {  	_ =	shalt  }
0x58: {  	_ =	shalt  }
0x59: {  	_ =	shalt  }
0x5a: {  	_ =	shalt  }
0x5b: {  	_ =	shalt  }
0x5c: {  	_ =	shalt  }
0x5d: {  	_ =	shalt  }
0x5e: {  	_ =	shalt  }
0x5f: {  	_ =	shalt  }
0x60: {  	_ =	shalt  }
0x61: {  	_ =	shalt  }
0x62: {  	_ =	shalt  }
0x63: {  	_ =	shalt  }
0x64: {  	_ =	shalt  }
0x65: {  	_ =	shalt  }
0x66: {  	_ =	shalt  }
0x67: {  	_ =	shalt  }
0x68: {  	_ =	shalt  }
0x69: {  	_ =	shalt  }
0x6a: {  	_ =	shalt  }
0x6b: {  	_ =	shalt  }
0x6c: {  	_ =	shalt  }
0x6d: {  	_ =	shalt  }
0x6e: {  	_ =	shalt  }
0x6f: {  	_ =	shalt  }
0x70: {  	_ =	shalt  }
0x71: {  	_ =	shalt  }
0x72: {  	_ =	shalt  }
0x73: {  	_ =	shalt  }
0x74: {  	_ =	shalt  }
0x75: {  	_ =	shalt  }
0x76: {  	_ =	shalt  }
0x77: {  	_ =	shalt  }
0x78: {  	_ =	shalt  }
0x79: {  	_ =	shalt  }
0x7a: {  	_ =	shalt  }
0x7b: {  	_ =	shalt  }
0x7c: {  	_ =	shalt  }
0x7d: {  	_ =	shalt  }
0x7e: {  	_ =	shalt  }
0x7f: {  	_ =	shalt  }
0x80: {  	_ =	shalt  }
0x81: {  	_ =	shalt  }
0x82: {  	_ =	shalt  }
0x83: {  	_ =	shalt  }
0x84: {  	_ =	shalt  }
0x85: {  	_ =	shalt  }
0x86: {  	_ =	shalt  }
0x87: {  	_ =	shalt  }
.Lfunc_end0:
.L_simem_size_0:
called_computation_lowered:
.L_overlay_start_0:
0x88: {  	s2 =	sld [smem:$0x3FD9]  }
0x89: {  	s3 =	sld [smem:$0x3FFE];
	_ =	sdelay $0x1  }
0x8a: {  	s1 =	srdreg.scid  }
0x8b: {  	s0 =	sand.u32 $0x1, s1  }
0x8c: {  	s16 =	sshll.u32 s0, $0xA;
	s2 =	sadd.s32 s3, s2  }
0x8d: {  	s2 =	sadd.s32 s2, s16  }
0x8e: {  	[smem:$0x3FC5] =	sst s2  }
0x8f: {  	_ = 	snop  }
0x90: {  	(tm) =	ssettm $0x1  }
0x91: {  	s17 =	sld [smem:$0x3FFB];
	_ =	sdelay $0x3  }
0x92: {  	_ =	strace s17  }
0x93: {  	s2 =	sld [smem:$0x3FFC];
	_ =	sdelay $0x3  }
0x94: {  	_ =	strace s2  }
0x95: {  	s2 =	sld [smem:$0x3FFD];
	_ =	sdelay $0x3  }
0x96: {  	_ =	strace s2  }
0x97: {  	_ =	strace $0x8FFFFFFF  }
0x98: {  	s18 =	sld [smem:$0x3FDB];
	_ =	sdelay $0x1  }
0x99: {  	s19 =	simm.s32 $_scs_section_size  }
0x9a: {  	s4 =	simm.s32 $_size__tile_overlayer_lowered;
	s5 =	simm.s32 $_tile_overlayer_lowered  }
0x9b: {  	s22 =	simm.s32 $0x1BFF;
	s21 =	sshll.u32 s5, $0x1;
	s2 =	sadd.s32 s19, s18  }
0x9c: {  	s6 =	simm.s32 $0x0;
	s20 =	sshll.u32 s4, $0x1;
	s4 =	sadd.s32 s21, s2  }
0x9d: {  	[timem:s6], [sflag:s22] =	dma.local [hbm:s4], s20  }
0x9e: {  	_ =	swait.ge [sflag:s22], s20  }
0x9f: {  	s3 =	ssub.s32 $0x0, s20;
	[sflag:s22] =	ssyncset.done $0x0  }
0xa0: {  	[sflag:s22] =	ssyncadd.s32 s3;
	_ =	sdelay $0x1  }
0xa1: {  	s23 =	simm.s32 $0x1B8B  }
0xa2: {  	_ =	swait.ge [sflag:s23], $0x1  }
0xa3: {  	[sflag:s23] =	ssyncset.done $0x0  }
0xa4: {  	s25 =	simm.s32 $0x1B8E;
	s24 =	sld [smem:$0x3FFE];
	[sflag:s23] =	ssyncadd.s32 $0xFFFFFFFF  }
0xa5: {  	s26 =	simm.s32 $execute0_lowered;
	[smem:$0x3FD2] =	sst s25  }
0xa6: {  	s4 =	sshll.u32 s26, $0x1;
	_ =	strace $0x80000046;
	[dreg:$0x1] =	wrdreg $0xFFFFFFFF  }
0xa7: {  	s28 =	simm.s32 $_size_execute0_lowered;
	s2 =	sadd.s32 s2, s4;
	[dreg:$0x0] =	wrdreg $0x0  }
0xa8: {  	s4 =	sshll.u32 s28, $0x1;
	[dreg:$0x2] =	wrdreg s2  }
0xa9: {  	[dreg:$0x3] =	wrdreg s4  }
0xaa: {  	[dreg:$0x4] =	wrdreg $0xC0  }
0xab: {  	_ =	task [dreg:s6], $0x5FFFF  }
0xac: {  	[dreg:$0x1] =	wrdreg $0xFFFFFFFF  }
0xad: {  	[dreg:$0x0] =	wrdreg $0x60  }
0xae: {  	[dreg:$0x2] =	wrdreg s24  }
0xaf: {  	[dreg:$0x3] =	wrdreg $0x48000  }
0xb0: {  	[dreg:$0x4] =	wrdreg $0x49800  }
0xb1: {  	[dreg:$0x5] =	wrdreg $0x4B000  }
0xb2: {  	[dreg:$0x6] =	wrdreg $0x4C800  }
0xb3: {  	[dreg:$0x7] =	wrdreg $0x4E000  }
0xb4: {  	[dreg:$0x8] =	wrdreg $0x9  }
0xb5: {  	_ =	task.clear_ibuf [dreg:s6], $0x9FFFF;
	_ =	strace $0x90000046  }
0xb6: {  	s29 =	simm.s32 $0x9;
	_ =	strace $0x80000048  }
0xb7: {  	_ =	swait.ge [sflag:s29], $0x1  }
0xb8: {  	[sflag:s29] =	ssyncadd.s32 $0xFFFFFFFF  }
0xb9: {  	_ =	strace $0x90000048  }
0xba: {  	_ =	sfence  }
0xbb: {  	s30 =	sld [smem:$0x0];
	_ =	sdelay $0x2  }
0xbc: {  	s31 =	sshll.u32 s1, $0xD;
	s1 =	sshrl.u32 s1, $0x2  }
0xbd: {  	s3 =	sand.u32 $0x4000, s31;
	s1 =	sadd.s32 s1, s30  }
0xbe: {  	s0 =	sor.u32 s3, s0;
	s1 =	sshll.u32 s1, $0x11  }
0xbf: {  	s0 =	sor.u32 s1, s0  }
0xc0: {  	s0 =	sadd.s32 $0x8F2B, s0  }
0xc1: {  	[sflag:s0] =	ssyncadd.remote.s32 $0x1  }
0xc2: {  	_ =	sfence.sel $0xFFFF  }
0xc3: {  	[dreg:$0x0] =	wrdreg $0xFFFFFFFF;
	(pc) =	sbr.abs _section_cstart, $3  }
0xc4: {  	[dreg:$0x1] =	wrdreg $0xFFFFFFFF  }
0xc5: {  	_ =	task.clear_ibuf [dreg:s6], $0x2FFFF;
	_ =	strace $0x9FFFFFFF  }
0xc6: {  	(tm) =	ssettm $0x7FFFFFFF  }
0xc7: {  	_ =	shalt  }
tec
execute0_lowered:
.L_overlay_start_1:
0x0: {  	(tag) =	ssettag $0x1  }
0x1: {  	s2 =	rddreg [dreg:$0x0]  }
0x2: {  	s7 =	rddreg [dreg:$0x1]  }
0x3: {  	s8 =	rddreg [dreg:$0x2]  }
0x4: {  	s9 =	rddreg [dreg:$0x3]  }
0x5: {  	s10 =	rddreg [dreg:$0x4]  }
0x6: {  	s11 =	rddreg [dreg:$0x5]  }
0x7: {  	s14 =	rddreg [dreg:$0x6];
	s12 =	simm.s32 $0x0  }
0x8: {  	s15 =	simm.s32 $0xC80;
	[smem:$0x7FF] =	sst s12  }
0x9: {  	s16 =	simm.s32 $0x1880;
	_ =	strace $0x80000047;
	[dreg:$0x12] =	wrdreg s15  }
0xa: {  	s17 =	simm.s32 $0x2480;
	[dreg:$0x13] =	wrdreg s16  }
0xb: {  	s18 =	simm.s32 $0x3080;
	[dreg:$0x14] =	wrdreg s17  }
0xc: {  	s19 =	simm.s32 $0x100;
	[dreg:$0x15] =	wrdreg s18  }
0xd: {  	s20 =	simm.s32 $0xD00;
	[dreg:$0x16] =	wrdreg s19  }
0xe: {  	s21 =	simm.s32 $0x1900;
	[dreg:$0x17] =	wrdreg s20  }
0xf: {  	s22 =	simm.s32 $0x2500;
	[dreg:$0x18] =	wrdreg s21  }
0x10: {  	s23 =	simm.s32 $0x3100;
	[dreg:$0x19] =	wrdreg s22  }
0x11: {  	[dreg:$0x1a] =	wrdreg s23;
	s15 =	simm.s32 $0x280  }
0x12: {  	s16 =	simm.s32 $0xE80;
	[smem:$0x7B8] =	sst s15  }
0x13: {  	s17 =	simm.s32 $0x1A80;
	[smem:$0x7B9] =	sst s16  }
0x14: {  	s18 =	simm.s32 $0x2680;
	[smem:$0x7BA] =	sst s17  }
0x15: {  	s19 =	simm.s32 $0x3280;
	[smem:$0x7BB] =	sst s18  }
0x16: {  	s20 =	simm.s32 $0x300;
	[smem:$0x7BC] =	sst s19  }
0x17: {  	s21 =	simm.s32 $0xF00;
	[smem:$0x7BD] =	sst s20  }
0x18: {  	s22 =	simm.s32 $0x1B00;
	[smem:$0x7BE] =	sst s21  }
0x19: {  	s23 =	simm.s32 $0x2700;
	[smem:$0x7BF] =	sst s22  }
0x1a: {  	[smem:$0x7C0] =	sst s23;
	s15 =	simm.s32 $0x3400  }
0x1b: {  	s16 =	simm.s32 $0x480;
	[smem:$0x7CB] =	sst s15  }
0x1c: {  	s17 =	simm.s32 $0x1080;
	[smem:$0x7CC] =	sst s16  }
0x1d: {  	s18 =	simm.s32 $0x1C80;
	[smem:$0x7CD] =	sst s17  }
0x1e: {  	s19 =	simm.s32 $0x2880;
	[smem:$0x7CE] =	sst s18  }
0x1f: {  	s0 =	srdreg.scid;
	s20 =	simm.s32 $0x3480;
	[smem:$0x7CF] =	sst s19  }
0x20: {  	s1 =	sand.u32 $0x1, s0;
	s21 =	simm.s32 $0x500;
	[smem:$0x7D0] =	sst s20  }
0x21: {  	s0 =	stileid.u32;
	s22 =	simm.s32 $0x1100;
	[smem:$0x7D1] =	sst s21  }
0x22: {  	p0 =	sne.s32 s0, $0x0;
	s23 =	simm.s32 $0x1D00;
	[smem:$0x7D2] =	sst s22  }
0x23: {  	s4 =	smul.u32 $0xC00, s0;
	s0 =	sshrl.u32 @!p0 s7, $0x3;
	[smem:$0x7D3] =	sst s23  }
0x24: {  	s15 =	simm.s32 $0x2A00;
	[smem:$0x7F9] =	sst s0  }
0x25: {  	s16 =	simm.s32 $0x3600;
	[smem:$0x7DE] =	sst s15  }
0x26: {  	s17 =	simm.s32 $0x680;
	[smem:$0x7DF] =	sst s16  }
0x27: {  	s18 =	simm.s32 $0x1280;
	[smem:$0x7E0] =	sst s17  }
0x28: {  	s19 =	simm.s32 $0x1E80;
	[smem:$0x7E1] =	sst s18  }
0x29: {  	s20 =	simm.s32 $0x2A80;
	[smem:$0x7E2] =	sst s19  }
0x2a: {  	s22 =	simm.s32 $0x3680;
	[smem:$0x7E3] =	sst s20  }
0x2b: {  	s23 =	simm.s32 $0x700;
	[smem:$0x7E4] =	sst s22  }
0x2c: {  	s0 =	sshrl.u32 @!p0 s8, $0x3;
	[smem:$0x7E5] =	sst s23  }
0x2d: {  	s15 =	simm.s32 $0x800;
	[smem:$0x7FA] =	sst s0  }
0x2e: {  	s16 =	simm.s32 $0x1400;
	[smem:$0x7EF] =	sst s15  }
0x2f: {  	s3 =	smul.u32 $0xC000, s1;
	s17 =	simm.s32 $0x2000;
	[smem:$0x7F0] =	sst s16  }
0x30: {  	s5 =	smul.u32 $0x300, s1;
	s18 =	simm.s32 $0x2C00;
	[smem:$0x7F1] =	sst s17  }
0x31: {  	s1 =	ssub.s32 $0x2, s1;
	s19 =	simm.s32 $0x3800;
	[smem:$0x7F2] =	sst s18  }
0x32: {  	s21 =	sshrl.u32 s1, $0x1;
	s20 =	simm.s32 $0x880;
	[smem:$0x7F3] =	sst s19  }
0x33: {  	s1 =	ssub.s32 s1, s21;
	s21 =	simm.s32 $0x1480;
	[smem:$0x7F4] =	sst s20  }
0x34: {  	s3 =	sadd.s32 s4, s3;
	s22 =	simm.s32 $0x2080;
	[smem:$0x7F5] =	sst s21  }
0x35: {  	s3 =	sshrl.u32 s3, $0x3;
	s0 =	sshrl.u32 @!p0 s9, $0x3;
	[smem:$0x7F6] =	sst s22  }
0x36: {  	s3 =	sadd.s32 s3, s2;
	[smem:$0x7FB] =	sst s0;
	s0 =	sshrl.u32 @!p0 s10, $0x3  }
0x37: {  	s24 =	sadd.s32 $0x1800, s3;
	[smem:$0x7FC] =	sst s0  }
0x38: {  	s25 =	sadd.s32 $0x4800, s3;
	[dreg:$0x7] =	wrdreg s24  }
0x39: {  	s26 =	sadd.s32 $0x7800, s3;
	[dreg:$0x8] =	wrdreg s25  }
0x3a: {  	s29 =	sadd.s32 $0xA800, s3;
	[dreg:$0x9] =	wrdreg s26  }
0x3b: {  	s30 =	sadd.s32 $0xD800, s3;
	[dreg:$0xa] =	wrdreg s29  }
0x3c: {  	s2 =	sadd.s32 s5, s2;
	s3 =	sadd.s32 $0x10800, s3;
	[dreg:$0xb] =	wrdreg s30  }
0x3d: {  	s4 =	sadd.s32 $0x15000, s2;
	[dreg:$0xc] =	wrdreg s3  }
0x3e: {  	s5 =	sadd.s32 $0x13800, s2;
	[dreg:$0xd] =	wrdreg s4  }
0x3f: {  	s6 =	sadd.s32 $0x13E00, s2;
	[dreg:$0xe] =	wrdreg s5  }
0x40: {  	s13 =	sadd.s32 $0x14400, s2;
	[dreg:$0xf] =	wrdreg s6  }
0x41: {  	s2 =	sadd.s32 $0x14A00, s2;
	[dreg:$0x10] =	wrdreg s13  }
0x42: {  	s0 =	sshrl.u32 @!p0 s11, $0x3;
	[dreg:$0x11] =	wrdreg s2  }
0x43: {  	s24 =	simm.s32 $0x180;
	[smem:$0x7FD] =	sst s0  }
0x44: {  	s25 =	simm.s32 $0xD80;
	[dreg:$0x1b] =	wrdreg s24  }
0x45: {  	s26 =	simm.s32 $0x1980;
	[dreg:$0x1c] =	wrdreg s25  }
0x46: {  	s29 =	simm.s32 $0x2580;
	[dreg:$0x1d] =	wrdreg s26  }
0x47: {  	s30 =	simm.s32 $0x3180;
	[dreg:$0x1e] =	wrdreg s29  }
0x48: {  	s3 =	simm.s32 $0x200;
	[dreg:$0x1f] =	wrdreg s30  }
0x49: {  	s4 =	simm.s32 $0xE00;
	[smem:$0x7B3] =	sst s3  }
0x4a: {  	s5 =	simm.s32 $0x1A00;
	[smem:$0x7B4] =	sst s4  }
0x4b: {  	s6 =	simm.s32 $0x2600;
	[smem:$0x7B5] =	sst s5  }
0x4c: {  	s13 =	simm.s32 $0x3200;
	[smem:$0x7B6] =	sst s6  }
0x4d: {  	s2 =	simm.s32 $0x1380;
	[smem:$0x7B7] =	sst s13  }
0x4e: {  	s24 =	simm.s32 $0x3300;
	[smem:$0x7EB] =	sst s2  }
0x4f: {  	s25 =	simm.s32 $0x380;
	[smem:$0x7C1] =	sst s24  }
0x50: {  	s26 =	simm.s32 $0xF80;
	[smem:$0x7C2] =	sst s25  }
0x51: {  	s29 =	simm.s32 $0x1B80;
	[smem:$0x7C3] =	sst s26  }
0x52: {  	s30 =	simm.s32 $0x2780;
	[smem:$0x7C4] =	sst s29  }
0x53: {  	s3 =	simm.s32 $0x3380;
	[smem:$0x7C5] =	sst s30  }
0x54: {  	s4 =	simm.s32 $0x400;
	[smem:$0x7C6] =	sst s3  }
0x55: {  	s5 =	simm.s32 $0x1000;
	[smem:$0x7C7] =	sst s4  }
0x56: {  	s6 =	simm.s32 $0x1C00;
	[smem:$0x7C8] =	sst s5  }
0x57: {  	s13 =	simm.s32 $0x2800;
	[smem:$0x7C9] =	sst s6  }
0x58: {  	[smem:$0x7CA] =	sst s13;
	s24 =	simm.s32 $0x2900  }
0x59: {  	s25 =	simm.s32 $0x3500;
	[smem:$0x7D4] =	sst s24  }
0x5a: {  	s31 =	simm.s32 $0x2;
	s26 =	simm.s32 $0x580;
	[smem:$0x7D5] =	sst s25  }
0x5b: {  	s28 =	simm.s32 $0x3E80;
	s29 =	simm.s32 $0x1180;
	[smem:$0x7D6] =	sst s26  }
0x5c: {  	p1 =	por $0x0, $0x0;
	s30 =	simm.s32 $0x1D80;
	[smem:$0x7D7] =	sst s29  }
0x5d: {  	s23 =	simm.s32 $0x4080;
	s3 =	simm.s32 $0x2980;
	[smem:$0x7D8] =	sst s30  }
0x5e: {  	s1 =	smax.u32 s1, $0x1;
	s4 =	simm.s32 $0x3580;
	[smem:$0x7D9] =	sst s3  }
0x5f: {  	s22 =	simm.s32 $0x4100;
	s5 =	simm.s32 $0x600;
	[smem:$0x7DA] =	sst s4  }
0x60: {  	s21 =	simm.s32 $0x4180;
	s6 =	simm.s32 $0x1200;
	[smem:$0x7DB] =	sst s5  }
0x61: {  	s20 =	simm.s32 $0x4200;
	s13 =	simm.s32 $0x1E00;
	[smem:$0x7DC] =	sst s6  }
0x62: {  	s19 =	simm.s32 $0x4280;
	[smem:$0x7DD] =	sst s13;
	s24 =	simm.s32 $0x1300  }
0x63: {  	s18 =	simm.s32 $0x4300;
	s25 =	simm.s32 $0x1F00;
	[smem:$0x7E6] =	sst s24  }
0x64: {  	s17 =	simm.s32 $0x4380;
	s26 =	simm.s32 $0x2B00;
	[smem:$0x7E7] =	sst s25  }
0x65: {  	s16 =	simm.s32 $0x4400;
	s29 =	simm.s32 $0x3700;
	[smem:$0x7E8] =	sst s26  }
0x66: {  	s15 =	simm.s32 $0x4480;
	s30 =	simm.s32 $0x780;
	[smem:$0x7E9] =	sst s29  }
0x67: {  	s2 =	sadd.s32 $0xFFFFFFFF, s1;
	s3 =	simm.s32 $0x1F80;
	[smem:$0x7EA] =	sst s30  }
0x68: {  	p2 =	sne.s32 s2, $0x0;
	s4 =	simm.s32 $0x2B80;
	[smem:$0x7EC] =	sst s3  }
.Ltmp0:
0x69: {  	s6 =	simm.s32 $0x3780;
	[smem:$0x7ED] =	sst s4;
	(pc) =	sbr.rel @!p2 .LBB2_1-.Ltmp0, $4  }
0x6a: {  	s5 =	simm.s32 $0x3C00;
	s13 =	simm.s32 $0x80;
	[smem:$0x7EE] =	sst s6  }
0x6b: {  	s26 =	simm.s32 $0x3F00;
	s29 =	simm.s32 $0x2C80;
	s4 =	rddreg [dreg:$0x7]  }
0x6c: {  	s25 =	simm.s32 $0x3F80;
	s30 =	simm.s32 $0x3880;
	[smem:$0x7F7] =	sst s29  }
0x6d: {  	s24 =	simm.s32 $0x4000;
	s6 =	simm.s32 $0x1;
	[smem:$0x7F8] =	sst s30  }
0x6e: {  	[tilespmem:s12], [sflag:$0x2] =	stream.linear.gather [hbm4b:s4+s12], $0x900, $0x38;
	[tilespmem:$0x4F80] =	vst v63  }
0x6f: {  	_ =	swait.ge [sflag:s31], $0x900  }
0x70: {  	[sflag:s31] =	ssyncset.done $0x0  }
0x71: {  	s1 =	simm.s32 $0xC00;
	s0 =	rddreg [dreg:$0x8];
	[sflag:s31] =	ssyncadd.s32 $0xFFFFF700  }
0x72: {  	[tilespmem:s1], [sflag:$0x2] =	stream.linear.gather [hbm4b:s0+s12], $0x900, $0x38;
	[tilespmem:$0x4F80] =	vst v63  }
0x73: {  	_ =	swait.ge [sflag:s31], $0x900  }
0x74: {  	[sflag:s31] =	ssyncset.done $0x0  }
0x75: {  	s4 =	simm.s32 $0x1800;
	s3 =	rddreg [dreg:$0x9];
	[sflag:s31] =	ssyncadd.s32 $0xFFFFF700  }
0x76: {  	[tilespmem:s4], [sflag:$0x2] =	stream.linear.gather [hbm4b:s3+s12], $0x900, $0x38;
	[tilespmem:$0x4F80] =	vst v63  }
0x77: {  	_ =	swait.ge [sflag:s31], $0x900  }
0x78: {  	[sflag:s31] =	ssyncset.done $0x0  }
0x79: {  	s3 =	simm.s32 $0x2400;
	s14 =	rddreg [dreg:$0xa];
	[sflag:s31] =	ssyncadd.s32 $0xFFFFF700  }
0x7a: {  	[tilespmem:s3], [sflag:$0x2] =	stream.linear.gather [hbm4b:s14+s12], $0x900, $0x38;
	[tilespmem:$0x4F80] =	vst v63  }
0x7b: {  	_ =	swait.ge [sflag:s31], $0x900  }
0x7c: {  	[sflag:s31] =	ssyncset.done $0x0  }
0x7d: {  	s14 =	simm.s32 $0x3000;
	s29 =	rddreg [dreg:$0xb];
	[sflag:s31] =	ssyncadd.s32 $0xFFFFF700  }
0x7e: {  	[tilespmem:s14], [sflag:$0x2] =	stream.linear.gather [hbm4b:s29+s12], $0x900, $0x38;
	[tilespmem:$0x4F80] =	vst v63  }
0x7f: {  	_ =	swait.ge [sflag:s31], $0x900  }
0x80: {  	[sflag:s31] =	ssyncset.done $0x0  }
0x81: {  	s30 =	rddreg [dreg:$0xc];
	[sflag:s31] =	ssyncadd.s32 $0xFFFFF700  }
0x82: {  	[tilespmem:s5], [sflag:$0x2] =	stream.linear.gather [hbm4b:s30+s12], $0x900, $0x38;
	[tilespmem:$0x4F80] =	vst v63  }
0x83: {  	_ =	swait.ge [sflag:s31], $0x900  }
0x84: {  	[sflag:s31] =	ssyncset.done $0x0  }
0x85: {  	[sflag:s31] =	ssyncadd.s32 $0xFFFFF700  }
0x86: {  	[spmem:s7] =	stream.indirect.scatter [tilespmem:s12], [sflag:$0x1], $0x1, s5, s13, $0xb8;
	[tilespmem:$0x4F80] =	vst v63  }
0x87: {  	_ = 	snop  }
0x88: {  	[spmem:s8] =	stream.indirect.scatter [tilespmem:s1], [sflag:$0x1], $0x1, s5, s13, $0xb8;
	[tilespmem:$0x4F80] =	vst v63  }
0x89: {  	_ = 	snop  }
0x8a: {  	[spmem:s9] =	stream.indirect.scatter [tilespmem:s4], [sflag:$0x1], $0x1, s5, s13, $0xb8;
	[tilespmem:$0x4F80] =	vst v63  }
0x8b: {  	_ = 	snop  }
0x8c: {  	[spmem:s10] =	stream.indirect.scatter [tilespmem:s3], [sflag:$0x1], $0x1, s5, s13, $0xb8;
	[tilespmem:$0x4F80] =	vst v63  }
0x8d: {  	_ = 	snop  }
0x8e: {  	[spmem:s11] =	stream.indirect.scatter [tilespmem:s14], [sflag:$0x1], $0x1, s5, s13, $0xb8;
	[tilespmem:$0x4F80] =	vst v63  }
0x8f: {  	s29 =	rddreg [dreg:$0x14];
	s3 =	simm.s32 $0x3C80  }
0x90: {  	[spmem:s7] =	stream.indirect.scatter [tilespmem:s13], [sflag:$0x1], $0x1, s3, s13, $0xb8;
	[tilespmem:$0x4F80] =	vst v63  }
0x91: {  	s4 =	rddreg [dreg:$0x12]  }
0x92: {  	[spmem:s8] =	stream.indirect.scatter [tilespmem:s4], [sflag:$0x1], $0x1, s3, s13, $0xb8;
	[tilespmem:$0x4F80] =	vst v63  }
0x93: {  	s14 =	rddreg [dreg:$0x13]  }
0x94: {  	[spmem:s9] =	stream.indirect.scatter [tilespmem:s14], [sflag:$0x1], $0x1, s3, s13, $0xb8;
	[tilespmem:$0x4F80] =	vst v63  }
0x95: {  	s30 =	rddreg [dreg:$0x15]  }
0x96: {  	[spmem:s10] =	stream.indirect.scatter [tilespmem:s29], [sflag:$0x1], $0x1, s3, s13, $0xb8;
	[tilespmem:$0x4F80] =	vst v63  }
0x97: {  	s4 =	rddreg [dreg:$0x16]  }
0x98: {  	[spmem:s11] =	stream.indirect.scatter [tilespmem:s30], [sflag:$0x1], $0x1, s3, s13, $0xb8;
	[tilespmem:$0x4F80] =	vst v63  }
0x99: {  	s14 =	rddreg [dreg:$0x17];
	s3 =	simm.s32 $0x3D00  }
0x9a: {  	[spmem:s7] =	stream.indirect.scatter [tilespmem:s4], [sflag:$0x1], $0x1, s3, s13, $0xb8;
	[tilespmem:$0x4F80] =	vst v63  }
0x9b: {  	s29 =	rddreg [dreg:$0x18]  }
0x9c: {  	[spmem:s8] =	stream.indirect.scatter [tilespmem:s14], [sflag:$0x1], $0x1, s3, s13, $0xb8;
	[tilespmem:$0x4F80] =	vst v63  }
0x9d: {  	s30 =	rddreg [dreg:$0x19]  }
0x9e: {  	[spmem:s9] =	stream.indirect.scatter [tilespmem:s29], [sflag:$0x1], $0x1, s3, s13, $0xb8;
	[tilespmem:$0x4F80] =	vst v63  }
0x9f: {  	s4 =	rddreg [dreg:$0x1a]  }
0xa0: {  	[spmem:s10] =	stream.indirect.scatter [tilespmem:s30], [sflag:$0x1], $0x1, s3, s13, $0xb8;
	[tilespmem:$0x4F80] =	vst v63  }
0xa1: {  	s14 =	rddreg [dreg:$0x1b]  }
0xa2: {  	[spmem:s11] =	stream.indirect.scatter [tilespmem:s4], [sflag:$0x1], $0x1, s3, s13, $0xb8;
	[tilespmem:$0x4F80] =	vst v63  }
0xa3: {  	s29 =	rddreg [dreg:$0x1c];
	s3 =	simm.s32 $0x3D80  }
0xa4: {  	[spmem:s7] =	stream.indirect.scatter [tilespmem:s14], [sflag:$0x1], $0x1, s3, s13, $0xb8;
	[tilespmem:$0x4F80] =	vst v63  }
0xa5: {  	s30 =	rddreg [dreg:$0x1d]  }
0xa6: {  	[spmem:s8] =	stream.indirect.scatter [tilespmem:s29], [sflag:$0x1], $0x1, s3, s13, $0xb8;
	[tilespmem:$0x4F80] =	vst v63  }
0xa7: {  	s4 =	rddreg [dreg:$0x1e]  }
0xa8: {  	[spmem:s9] =	stream.indirect.scatter [tilespmem:s30], [sflag:$0x1], $0x1, s3, s13, $0xb8;
	[tilespmem:$0x4F80] =	vst v63  }
0xa9: {  	s14 =	rddreg [dreg:$0x1f]  }
0xaa: {  	[spmem:s10] =	stream.indirect.scatter [tilespmem:s4], [sflag:$0x1], $0x1, s3, s13, $0xb8;
	[tilespmem:$0x4F80] =	vst v63  }
0xab: {  	s29 =	sld [smem:$0x7B3]  }
0xac: {  	[spmem:s11] =	stream.indirect.scatter [tilespmem:s14], [sflag:$0x1], $0x1, s3, s13, $0xb8;
	[tilespmem:$0x4F80] =	vst v63  }
0xad: {  	s30 =	sld [smem:$0x7B4];
	s3 =	simm.s32 $0x3E00  }
0xae: {  	[spmem:s7] =	stream.indirect.scatter [tilespmem:s29], [sflag:$0x1], $0x1, s3, s13, $0xb8;
	[tilespmem:$0x4F80] =	vst v63  }
0xaf: {  	s4 =	sld [smem:$0x7B5]  }
0xb0: {  	[spmem:s8] =	stream.indirect.scatter [tilespmem:s30], [sflag:$0x1], $0x1, s3, s13, $0xb8;
	[tilespmem:$0x4F80] =	vst v63  }
0xb1: {  	s14 =	sld [smem:$0x7B6]  }
0xb2: {  	[spmem:s9] =	stream.indirect.scatter [tilespmem:s4], [sflag:$0x1], $0x1, s3, s13, $0xb8;
	[tilespmem:$0x4F80] =	vst v63  }
0xb3: {  	s29 =	sld [smem:$0x7B7]  }
0xb4: {  	[spmem:s10] =	stream.indirect.scatter [tilespmem:s14], [sflag:$0x1], $0x1, s3, s13, $0xb8;
	[tilespmem:$0x4F80] =	vst v63  }
0xb5: {  	s30 =	sld [smem:$0x7B8]  }
0xb6: {  	[spmem:s11] =	stream.indirect.scatter [tilespmem:s29], [sflag:$0x1], $0x1, s3, s13, $0xb8;
	[tilespmem:$0x4F80] =	vst v63  }
0xb7: {  	s4 =	sld [smem:$0x7B9]  }
0xb8: {  	[spmem:s7] =	stream.indirect.scatter [tilespmem:s30], [sflag:$0x1], $0x1, s28, s13, $0xb8;
	[tilespmem:$0x4F80] =	vst v63  }
0xb9: {  	s14 =	sld [smem:$0x7BA]  }
0xba: {  	[spmem:s8] =	stream.indirect.scatter [tilespmem:s4], [sflag:$0x1], $0x1, s28, s13, $0xb8;
	[tilespmem:$0x4F80] =	vst v63  }
0xbb: {  	s29 =	sld [smem:$0x7BB]  }
0xbc: {  	[spmem:s9] =	stream.indirect.scatter [tilespmem:s14], [sflag:$0x1], $0x1, s28, s13, $0xb8;
	[tilespmem:$0x4F80] =	vst v63  }
0xbd: {  	s30 =	sld [smem:$0x7BC]  }
0xbe: {  	[spmem:s10] =	stream.indirect.scatter [tilespmem:s29], [sflag:$0x1], $0x1, s28, s13, $0xb8;
	[tilespmem:$0x4F80] =	vst v63  }
0xbf: {  	s3 =	sld [smem:$0x7BD]  }
0xc0: {  	[spmem:s11] =	stream.indirect.scatter [tilespmem:s30], [sflag:$0x1], $0x1, s28, s13, $0xb8;
	[tilespmem:$0x4F80] =	vst v63  }
0xc1: {  	s4 =	sld [smem:$0x7BE]  }
0xc2: {  	[spmem:s7] =	stream.indirect.scatter [tilespmem:s3], [sflag:$0x1], $0x1, s26, s13, $0xb8;
	[tilespmem:$0x4F80] =	vst v63  }
0xc3: {  	s14 =	sld [smem:$0x7BF]  }
0xc4: {  	[spmem:s8] =	stream.indirect.scatter [tilespmem:s4], [sflag:$0x1], $0x1, s26, s13, $0xb8;
	[tilespmem:$0x4F80] =	vst v63  }
0xc5: {  	s29 =	sld [smem:$0x7C0]  }
0xc6: {  	[spmem:s9] =	stream.indirect.scatter [tilespmem:s14], [sflag:$0x1], $0x1, s26, s13, $0xb8;
	[tilespmem:$0x4F80] =	vst v63  }
0xc7: {  	s30 =	sld [smem:$0x7C1]  }
0xc8: {  	[spmem:s10] =	stream.indirect.scatter [tilespmem:s29], [sflag:$0x1], $0x1, s26, s13, $0xb8;
	[tilespmem:$0x4F80] =	vst v63  }
0xc9: {  	s3 =	sld [smem:$0x7C2]  }
0xca: {  	[spmem:s11] =	stream.indirect.scatter [tilespmem:s30], [sflag:$0x1], $0x1, s26, s13, $0xb8;
	[tilespmem:$0x4F80] =	vst v63  }
0xcb: {  	s4 =	sld [smem:$0x7C3]  }
0xcc: {  	[spmem:s7] =	stream.indirect.scatter [tilespmem:s3], [sflag:$0x1], $0x1, s25, s13, $0xb8;
	[tilespmem:$0x4F80] =	vst v63  }
0xcd: {  	s14 =	sld [smem:$0x7C4]  }
0xce: {  	[spmem:s8] =	stream.indirect.scatter [tilespmem:s4], [sflag:$0x1], $0x1, s25, s13, $0xb8;
	[tilespmem:$0x4F80] =	vst v63  }
0xcf: {  	s29 =	sld [smem:$0x7C5]  }
0xd0: {  	[spmem:s9] =	stream.indirect.scatter [tilespmem:s14], [sflag:$0x1], $0x1, s25, s13, $0xb8;
	[tilespmem:$0x4F80] =	vst v63  }
0xd1: {  	s30 =	sld [smem:$0x7C6]  }
0xd2: {  	[spmem:s10] =	stream.indirect.scatter [tilespmem:s29], [sflag:$0x1], $0x1, s25, s13, $0xb8;
	[tilespmem:$0x4F80] =	vst v63  }
0xd3: {  	s3 =	sld [smem:$0x7C7]  }
0xd4: {  	[spmem:s11] =	stream.indirect.scatter [tilespmem:s30], [sflag:$0x1], $0x1, s25, s13, $0xb8;
	[tilespmem:$0x4F80] =	vst v63  }
0xd5: {  	s4 =	sld [smem:$0x7C8]  }
0xd6: {  	[spmem:s7] =	stream.indirect.scatter [tilespmem:s3], [sflag:$0x1], $0x1, s24, s13, $0xb8;
	[tilespmem:$0x4F80] =	vst v63  }
0xd7: {  	s14 =	sld [smem:$0x7C9]  }
0xd8: {  	[spmem:s8] =	stream.indirect.scatter [tilespmem:s4], [sflag:$0x1], $0x1, s24, s13, $0xb8;
	[tilespmem:$0x4F80] =	vst v63  }
0xd9: {  	s29 =	sld [smem:$0x7CA]  }
0xda: {  	[spmem:s9] =	stream.indirect.scatter [tilespmem:s14], [sflag:$0x1], $0x1, s24, s13, $0xb8;
	[tilespmem:$0x4F80] =	vst v63  }
0xdb: {  	s30 =	sld [smem:$0x7CB]  }
0xdc: {  	[spmem:s10] =	stream.indirect.scatter [tilespmem:s29], [sflag:$0x1], $0x1, s24, s13, $0xb8;
	[tilespmem:$0x4F80] =	vst v63  }
0xdd: {  	s3 =	sld [smem:$0x7CC]  }
0xde: {  	[spmem:s11] =	stream.indirect.scatter [tilespmem:s30], [sflag:$0x1], $0x1, s24, s13, $0xb8;
	[tilespmem:$0x4F80] =	vst v63  }
0xdf: {  	s4 =	sld [smem:$0x7CD]  }
0xe0: {  	[spmem:s7] =	stream.indirect.scatter [tilespmem:s3], [sflag:$0x1], $0x1, s23, s13, $0xb8;
	[tilespmem:$0x4F80] =	vst v63  }
0xe1: {  	s14 =	sld [smem:$0x7CE]  }
0xe2: {  	[spmem:s8] =	stream.indirect.scatter [tilespmem:s4], [sflag:$0x1], $0x1, s23, s13, $0xb8;
	[tilespmem:$0x4F80] =	vst v63  }
0xe3: {  	s29 =	sld [smem:$0x7CF]  }
0xe4: {  	[spmem:s9] =	stream.indirect.scatter [tilespmem:s14], [sflag:$0x1], $0x1, s23, s13, $0xb8;
	[tilespmem:$0x4F80] =	vst v63  }
0xe5: {  	s30 =	sld [smem:$0x7D0]  }
0xe6: {  	[spmem:s10] =	stream.indirect.scatter [tilespmem:s29], [sflag:$0x1], $0x1, s23, s13, $0xb8;
	[tilespmem:$0x4F80] =	vst v63  }
0xe7: {  	s3 =	sld [smem:$0x7D1]  }
0xe8: {  	[spmem:s11] =	stream.indirect.scatter [tilespmem:s30], [sflag:$0x1], $0x1, s23, s13, $0xb8;
	[tilespmem:$0x4F80] =	vst v63  }
0xe9: {  	s4 =	sld [smem:$0x7D2]  }
0xea: {  	[spmem:s7] =	stream.indirect.scatter [tilespmem:s3], [sflag:$0x1], $0x1, s22, s13, $0xb8;
	[tilespmem:$0x4F80] =	vst v63  }
0xeb: {  	s14 =	sld [smem:$0x7D3]  }
0xec: {  	[spmem:s8] =	stream.indirect.scatter [tilespmem:s4], [sflag:$0x1], $0x1, s22, s13, $0xb8;
	[tilespmem:$0x4F80] =	vst v63  }
0xed: {  	s29 =	sld [smem:$0x7D4]  }
0xee: {  	[spmem:s9] =	stream.indirect.scatter [tilespmem:s14], [sflag:$0x1], $0x1, s22, s13, $0xb8;
	[tilespmem:$0x4F80] =	vst v63  }
0xef: {  	s30 =	sld [smem:$0x7D5]  }
0xf0: {  	[spmem:s10] =	stream.indirect.scatter [tilespmem:s29], [sflag:$0x1], $0x1, s22, s13, $0xb8;
	[tilespmem:$0x4F80] =	vst v63  }
0xf1: {  	s3 =	sld [smem:$0x7D6]  }
0xf2: {  	[spmem:s11] =	stream.indirect.scatter [tilespmem:s30], [sflag:$0x1], $0x1, s22, s13, $0xb8;
	[tilespmem:$0x4F80] =	vst v63  }
0xf3: {  	s4 =	sld [smem:$0x7D7]  }
0xf4: {  	[spmem:s7] =	stream.indirect.scatter [tilespmem:s3], [sflag:$0x1], $0x1, s21, s13, $0xb8;
	[tilespmem:$0x4F80] =	vst v63  }
0xf5: {  	s14 =	sld [smem:$0x7D8]  }
0xf6: {  	[spmem:s8] =	stream.indirect.scatter [tilespmem:s4], [sflag:$0x1], $0x1, s21, s13, $0xb8;
	[tilespmem:$0x4F80] =	vst v63  }
0xf7: {  	s29 =	sld [smem:$0x7D9]  }
0xf8: {  	[spmem:s9] =	stream.indirect.scatter [tilespmem:s14], [sflag:$0x1], $0x1, s21, s13, $0xb8;
	[tilespmem:$0x4F80] =	vst v63  }
0xf9: {  	s30 =	sld [smem:$0x7DA]  }
0xfa: {  	[spmem:s10] =	stream.indirect.scatter [tilespmem:s29], [sflag:$0x1], $0x1, s21, s13, $0xb8;
	[tilespmem:$0x4F80] =	vst v63  }
0xfb: {  	s3 =	sld [smem:$0x7DB]  }
0xfc: {  	[spmem:s11] =	stream.indirect.scatter [tilespmem:s30], [sflag:$0x1], $0x1, s21, s13, $0xb8;
	[tilespmem:$0x4F80] =	vst v63  }
0xfd: {  	s4 =	sld [smem:$0x7DC]  }
0xfe: {  	[spmem:s7] =	stream.indirect.scatter [tilespmem:s3], [sflag:$0x1], $0x1, s20, s13, $0xb8;
	[tilespmem:$0x4F80] =	vst v63  }
0xff: {  	s14 =	sld [smem:$0x7DD]  }
0x100: {  	[spmem:s8] =	stream.indirect.scatter [tilespmem:s4], [sflag:$0x1], $0x1, s20, s13, $0xb8;
	[tilespmem:$0x4F80] =	vst v63  }
0x101: {  	s29 =	sld [smem:$0x7DE]  }
0x102: {  	[spmem:s9] =	stream.indirect.scatter [tilespmem:s14], [sflag:$0x1], $0x1, s20, s13, $0xb8;
	[tilespmem:$0x4F80] =	vst v63  }
0x103: {  	s30 =	sld [smem:$0x7DF]  }
0x104: {  	[spmem:s10] =	stream.indirect.scatter [tilespmem:s29], [sflag:$0x1], $0x1, s20, s13, $0xb8;
	[tilespmem:$0x4F80] =	vst v63  }
0x105: {  	s3 =	sld [smem:$0x7E0]  }
0x106: {  	[spmem:s11] =	stream.indirect.scatter [tilespmem:s30], [sflag:$0x1], $0x1, s20, s13, $0xb8;
	[tilespmem:$0x4F80] =	vst v63  }
0x107: {  	s4 =	sld [smem:$0x7E1]  }
0x108: {  	[spmem:s7] =	stream.indirect.scatter [tilespmem:s3], [sflag:$0x1], $0x1, s19, s13, $0xb8;
	[tilespmem:$0x4F80] =	vst v63  }
0x109: {  	s14 =	sld [smem:$0x7E2]  }
0x10a: {  	[spmem:s8] =	stream.indirect.scatter [tilespmem:s4], [sflag:$0x1], $0x1, s19, s13, $0xb8;
	[tilespmem:$0x4F80] =	vst v63  }
0x10b: {  	s29 =	sld [smem:$0x7E3]  }
0x10c: {  	[spmem:s9] =	stream.indirect.scatter [tilespmem:s14], [sflag:$0x1], $0x1, s19, s13, $0xb8;
	[tilespmem:$0x4F80] =	vst v63  }
0x10d: {  	s30 =	sld [smem:$0x7E4]  }
0x10e: {  	[spmem:s10] =	stream.indirect.scatter [tilespmem:s29], [sflag:$0x1], $0x1, s19, s13, $0xb8;
	[tilespmem:$0x4F80] =	vst v63  }
0x10f: {  	s3 =	sld [smem:$0x7E5]  }
0x110: {  	[spmem:s11] =	stream.indirect.scatter [tilespmem:s30], [sflag:$0x1], $0x1, s19, s13, $0xb8;
	[tilespmem:$0x4F80] =	vst v63  }
0x111: {  	s4 =	sld [smem:$0x7E6]  }
0x112: {  	[spmem:s7] =	stream.indirect.scatter [tilespmem:s3], [sflag:$0x1], $0x1, s18, s13, $0xb8;
	[tilespmem:$0x4F80] =	vst v63  }
0x113: {  	s14 =	sld [smem:$0x7E7]  }
0x114: {  	[spmem:s8] =	stream.indirect.scatter [tilespmem:s4], [sflag:$0x1], $0x1, s18, s13, $0xb8;
	[tilespmem:$0x4F80] =	vst v63  }
0x115: {  	s29 =	sld [smem:$0x7E8]  }
0x116: {  	[spmem:s9] =	stream.indirect.scatter [tilespmem:s14], [sflag:$0x1], $0x1, s18, s13, $0xb8;
	[tilespmem:$0x4F80] =	vst v63  }
0x117: {  	s30 =	sld [smem:$0x7E9]  }
0x118: {  	[spmem:s10] =	stream.indirect.scatter [tilespmem:s29], [sflag:$0x1], $0x1, s18, s13, $0xb8;
	[tilespmem:$0x4F80] =	vst v63  }
0x119: {  	s3 =	sld [smem:$0x7EA]  }
0x11a: {  	[spmem:s11] =	stream.indirect.scatter [tilespmem:s30], [sflag:$0x1], $0x1, s18, s13, $0xb8;
	[tilespmem:$0x4F80] =	vst v63  }
0x11b: {  	s4 =	sld [smem:$0x7EB]  }
0x11c: {  	[spmem:s7] =	stream.indirect.scatter [tilespmem:s3], [sflag:$0x1], $0x1, s17, s13, $0xb8;
	[tilespmem:$0x4F80] =	vst v63  }
0x11d: {  	s14 =	sld [smem:$0x7EC]  }
0x11e: {  	[spmem:s8] =	stream.indirect.scatter [tilespmem:s4], [sflag:$0x1], $0x1, s17, s13, $0xb8;
	[tilespmem:$0x4F80] =	vst v63  }
0x11f: {  	s29 =	sld [smem:$0x7ED]  }
0x120: {  	[spmem:s9] =	stream.indirect.scatter [tilespmem:s14], [sflag:$0x1], $0x1, s17, s13, $0xb8;
	[tilespmem:$0x4F80] =	vst v63  }
0x121: {  	s30 =	sld [smem:$0x7EE]  }
0x122: {  	[spmem:s10] =	stream.indirect.scatter [tilespmem:s29], [sflag:$0x1], $0x1, s17, s13, $0xb8;
	[tilespmem:$0x4F80] =	vst v63  }
0x123: {  	s3 =	sld [smem:$0x7EF]  }
0x124: {  	[spmem:s11] =	stream.indirect.scatter [tilespmem:s30], [sflag:$0x1], $0x1, s17, s13, $0xb8;
	[tilespmem:$0x4F80] =	vst v63  }
0x125: {  	s4 =	sld [smem:$0x7F0]  }
0x126: {  	[spmem:s7] =	stream.indirect.scatter [tilespmem:s3], [sflag:$0x1], $0x1, s16, s13, $0xb8;
	[tilespmem:$0x4F80] =	vst v63  }
0x127: {  	s14 =	sld [smem:$0x7F1]  }
0x128: {  	[spmem:s8] =	stream.indirect.scatter [tilespmem:s4], [sflag:$0x1], $0x1, s16, s13, $0xb8;
	[tilespmem:$0x4F80] =	vst v63  }
0x129: {  	s29 =	sld [smem:$0x7F2]  }
0x12a: {  	[spmem:s9] =	stream.indirect.scatter [tilespmem:s14], [sflag:$0x1], $0x1, s16, s13, $0xb8;
	[tilespmem:$0x4F80] =	vst v63  }
0x12b: {  	s30 =	sld [smem:$0x7F3]  }
0x12c: {  	[spmem:s10] =	stream.indirect.scatter [tilespmem:s29], [sflag:$0x1], $0x1, s16, s13, $0xb8;
	[tilespmem:$0x4F80] =	vst v63  }
0x12d: {  	s3 =	sld [smem:$0x7F4]  }
0x12e: {  	[spmem:s11] =	stream.indirect.scatter [tilespmem:s30], [sflag:$0x1], $0x1, s16, s13, $0xb8;
	[tilespmem:$0x4F80] =	vst v63  }
0x12f: {  	s4 =	sld [smem:$0x7F5]  }
0x130: {  	[spmem:s7] =	stream.indirect.scatter [tilespmem:s3], [sflag:$0x1], $0x1, s15, s13, $0xb8;
	[tilespmem:$0x4F80] =	vst v63  }
0x131: {  	s14 =	sld [smem:$0x7F6]  }
0x132: {  	[spmem:s8] =	stream.indirect.scatter [tilespmem:s4], [sflag:$0x1], $0x1, s15, s13, $0xb8;
	[tilespmem:$0x4F80] =	vst v63  }
0x133: {  	s29 =	sld [smem:$0x7F7]  }
0x134: {  	[spmem:s9] =	stream.indirect.scatter [tilespmem:s14], [sflag:$0x1], $0x1, s15, s13, $0xb8;
	[tilespmem:$0x4F80] =	vst v63  }
0x135: {  	s30 =	sld [smem:$0x7F8]  }
0x136: {  	[spmem:s10] =	stream.indirect.scatter [tilespmem:s29], [sflag:$0x1], $0x1, s15, s13, $0xb8;
	[tilespmem:$0x4F80] =	vst v63  }
0x137: {  	_ = 	snop  }
0x138: {  	[spmem:s11] =	stream.indirect.scatter [tilespmem:s30], [sflag:$0x1], $0x1, s15, s13, $0xb8;
	[tilespmem:$0x4F80] =	vst v63  }
0x139: {  	_ =	swait.ge [sflag:s6], $0x80  }
0x13a: {  	[sflag:s6] =	ssyncset.done $0x0  }
0x13b: {  	[sflag:s6] =	ssyncadd.s32 $0xFFFFFF80  }
0x13c: {  	_ =	swait.ge [sflag:s6], $0x80  }
0x13d: {  	[sflag:s6] =	ssyncset.done $0x0  }
0x13e: {  	[sflag:s6] =	ssyncadd.s32 $0xFFFFFF80  }
0x13f: {  	_ =	swait.ge [sflag:s6], $0x80  }
0x140: {  	[sflag:s6] =	ssyncset.done $0x0  }
0x141: {  	[sflag:s6] =	ssyncadd.s32 $0xFFFFFF80  }
0x142: {  	_ =	swait.ge [sflag:s6], $0x80  }
0x143: {  	[sflag:s6] =	ssyncset.done $0x0  }
0x144: {  	[sflag:s6] =	ssyncadd.s32 $0xFFFFFF80  }
0x145: {  	_ =	swait.ge [sflag:s6], $0x80  }
0x146: {  	[sflag:s6] =	ssyncset.done $0x0  }
0x147: {  	[sflag:s6] =	ssyncadd.s32 $0xFFFFFF80  }
0x148: {  	_ =	swait.ge [sflag:s6], $0x80  }
0x149: {  	[sflag:s6] =	ssyncset.done $0x0  }
0x14a: {  	[sflag:s6] =	ssyncadd.s32 $0xFFFFFF80  }
0x14b: {  	_ =	swait.ge [sflag:s6], $0x80  }
0x14c: {  	[sflag:s6] =	ssyncset.done $0x0  }
0x14d: {  	[sflag:s6] =	ssyncadd.s32 $0xFFFFFF80  }
0x14e: {  	_ =	swait.ge [sflag:s6], $0x80  }
0x14f: {  	[sflag:s6] =	ssyncset.done $0x0  }
0x150: {  	[sflag:s6] =	ssyncadd.s32 $0xFFFFFF80  }
0x151: {  	_ =	swait.ge [sflag:s6], $0x80  }
0x152: {  	[sflag:s6] =	ssyncset.done $0x0  }
0x153: {  	[sflag:s6] =	ssyncadd.s32 $0xFFFFFF80  }
0x154: {  	_ =	swait.ge [sflag:s6], $0x80  }
0x155: {  	[sflag:s6] =	ssyncset.done $0x0  }
0x156: {  	[sflag:s6] =	ssyncadd.s32 $0xFFFFFF80  }
0x157: {  	_ =	swait.ge [sflag:s6], $0x80  }
0x158: {  	[sflag:s6] =	ssyncset.done $0x0  }
0x159: {  	[sflag:s6] =	ssyncadd.s32 $0xFFFFFF80  }
0x15a: {  	_ =	swait.ge [sflag:s6], $0x80  }
0x15b: {  	[sflag:s6] =	ssyncset.done $0x0  }
0x15c: {  	[sflag:s6] =	ssyncadd.s32 $0xFFFFFF80  }
0x15d: {  	_ =	swait.ge [sflag:s6], $0x80  }
0x15e: {  	[sflag:s6] =	ssyncset.done $0x0  }
0x15f: {  	[sflag:s6] =	ssyncadd.s32 $0xFFFFFF80  }
0x160: {  	_ =	swait.ge [sflag:s6], $0x80  }
0x161: {  	[sflag:s6] =	ssyncset.done $0x0  }
0x162: {  	[sflag:s6] =	ssyncadd.s32 $0xFFFFFF80  }
0x163: {  	_ =	swait.ge [sflag:s6], $0x80  }
0x164: {  	[sflag:s6] =	ssyncset.done $0x0  }
0x165: {  	[sflag:s6] =	ssyncadd.s32 $0xFFFFFF80  }
0x166: {  	_ =	swait.ge [sflag:s6], $0x80  }
0x167: {  	[sflag:s6] =	ssyncset.done $0x0  }
0x168: {  	[sflag:s6] =	ssyncadd.s32 $0xFFFFFF80  }
0x169: {  	_ =	swait.ge [sflag:s6], $0x80  }
0x16a: {  	[sflag:s6] =	ssyncset.done $0x0  }
0x16b: {  	[sflag:s6] =	ssyncadd.s32 $0xFFFFFF80  }
0x16c: {  	_ =	swait.ge [sflag:s6], $0x80  }
0x16d: {  	[sflag:s6] =	ssyncset.done $0x0  }
0x16e: {  	[sflag:s6] =	ssyncadd.s32 $0xFFFFFF80  }
0x16f: {  	_ =	swait.ge [sflag:s6], $0x80  }
0x170: {  	[sflag:s6] =	ssyncset.done $0x0  }
0x171: {  	[sflag:s6] =	ssyncadd.s32 $0xFFFFFF80  }
0x172: {  	_ =	swait.ge [sflag:s6], $0x80  }
0x173: {  	[sflag:s6] =	ssyncset.done $0x0  }
0x174: {  	[sflag:s6] =	ssyncadd.s32 $0xFFFFFF80  }
0x175: {  	_ =	swait.ge [sflag:s6], $0x80  }
0x176: {  	[sflag:s6] =	ssyncset.done $0x0  }
0x177: {  	[sflag:s6] =	ssyncadd.s32 $0xFFFFFF80  }
0x178: {  	_ =	swait.ge [sflag:s6], $0x80  }
0x179: {  	[sflag:s6] =	ssyncset.done $0x0  }
0x17a: {  	[sflag:s6] =	ssyncadd.s32 $0xFFFFFF80  }
0x17b: {  	_ =	swait.ge [sflag:s6], $0x80  }
0x17c: {  	[sflag:s6] =	ssyncset.done $0x0  }
0x17d: {  	[sflag:s6] =	ssyncadd.s32 $0xFFFFFF80  }
0x17e: {  	_ =	swait.ge [sflag:s6], $0x80  }
0x17f: {  	[sflag:s6] =	ssyncset.done $0x0  }
0x180: {  	[sflag:s6] =	ssyncadd.s32 $0xFFFFFF80  }
0x181: {  	_ =	swait.ge [sflag:s6], $0x80  }
0x182: {  	[sflag:s6] =	ssyncset.done $0x0  }
0x183: {  	[sflag:s6] =	ssyncadd.s32 $0xFFFFFF80  }
0x184: {  	_ =	swait.ge [sflag:s6], $0x80  }
0x185: {  	[sflag:s6] =	ssyncset.done $0x0  }
0x186: {  	[sflag:s6] =	ssyncadd.s32 $0xFFFFFF80  }
0x187: {  	_ =	swait.ge [sflag:s6], $0x80  }
0x188: {  	[sflag:s6] =	ssyncset.done $0x0  }
0x189: {  	[sflag:s6] =	ssyncadd.s32 $0xFFFFFF80  }
0x18a: {  	_ =	swait.ge [sflag:s6], $0x80  }
0x18b: {  	[sflag:s6] =	ssyncset.done $0x0  }
0x18c: {  	[sflag:s6] =	ssyncadd.s32 $0xFFFFFF80  }
0x18d: {  	_ =	swait.ge [sflag:s6], $0x80  }
0x18e: {  	[sflag:s6] =	ssyncset.done $0x0  }
0x18f: {  	[sflag:s6] =	ssyncadd.s32 $0xFFFFFF80  }
0x190: {  	_ =	swait.ge [sflag:s6], $0x80  }
0x191: {  	[sflag:s6] =	ssyncset.done $0x0  }
0x192: {  	[sflag:s6] =	ssyncadd.s32 $0xFFFFFF80  }
0x193: {  	_ =	swait.ge [sflag:s6], $0x80  }
0x194: {  	[sflag:s6] =	ssyncset.done $0x0  }
0x195: {  	[sflag:s6] =	ssyncadd.s32 $0xFFFFFF80  }
0x196: {  	_ =	swait.ge [sflag:s6], $0x80  }
0x197: {  	[sflag:s6] =	ssyncset.done $0x0  }
0x198: {  	[sflag:s6] =	ssyncadd.s32 $0xFFFFFF80  }
0x199: {  	_ =	swait.ge [sflag:s6], $0x80  }
0x19a: {  	[sflag:s6] =	ssyncset.done $0x0  }
0x19b: {  	[sflag:s6] =	ssyncadd.s32 $0xFFFFFF80  }
0x19c: {  	_ =	swait.ge [sflag:s6], $0x80  }
0x19d: {  	[sflag:s6] =	ssyncset.done $0x0  }
0x19e: {  	[sflag:s6] =	ssyncadd.s32 $0xFFFFFF80  }
0x19f: {  	_ =	swait.ge [sflag:s6], $0x80  }
0x1a0: {  	[sflag:s6] =	ssyncset.done $0x0  }
0x1a1: {  	[sflag:s6] =	ssyncadd.s32 $0xFFFFFF80  }
0x1a2: {  	_ =	swait.ge [sflag:s6], $0x80  }
0x1a3: {  	[sflag:s6] =	ssyncset.done $0x0  }
0x1a4: {  	[sflag:s6] =	ssyncadd.s32 $0xFFFFFF80  }
0x1a5: {  	_ =	swait.ge [sflag:s6], $0x80  }
0x1a6: {  	[sflag:s6] =	ssyncset.done $0x0  }
0x1a7: {  	[sflag:s6] =	ssyncadd.s32 $0xFFFFFF80  }
0x1a8: {  	_ =	swait.ge [sflag:s6], $0x80  }
0x1a9: {  	[sflag:s6] =	ssyncset.done $0x0  }
0x1aa: {  	[sflag:s6] =	ssyncadd.s32 $0xFFFFFF80  }
0x1ab: {  	_ =	swait.ge [sflag:s6], $0x80  }
0x1ac: {  	[sflag:s6] =	ssyncset.done $0x0  }
0x1ad: {  	[sflag:s6] =	ssyncadd.s32 $0xFFFFFF80  }
0x1ae: {  	_ =	swait.ge [sflag:s6], $0x80  }
0x1af: {  	[sflag:s6] =	ssyncset.done $0x0  }
0x1b0: {  	[sflag:s6] =	ssyncadd.s32 $0xFFFFFF80  }
0x1b1: {  	_ =	swait.ge [sflag:s6], $0x80  }
0x1b2: {  	[sflag:s6] =	ssyncset.done $0x0  }
0x1b3: {  	[sflag:s6] =	ssyncadd.s32 $0xFFFFFF80  }
0x1b4: {  	_ =	swait.ge [sflag:s6], $0x80  }
0x1b5: {  	[sflag:s6] =	ssyncset.done $0x0  }
0x1b6: {  	[sflag:s6] =	ssyncadd.s32 $0xFFFFFF80  }
0x1b7: {  	_ =	swait.ge [sflag:s6], $0x80  }
0x1b8: {  	[sflag:s6] =	ssyncset.done $0x0  }
0x1b9: {  	[sflag:s6] =	ssyncadd.s32 $0xFFFFFF80  }
0x1ba: {  	_ =	swait.ge [sflag:s6], $0x80  }
0x1bb: {  	[sflag:s6] =	ssyncset.done $0x0  }
0x1bc: {  	[sflag:s6] =	ssyncadd.s32 $0xFFFFFF80  }
0x1bd: {  	_ =	swait.ge [sflag:s6], $0x80  }
0x1be: {  	[sflag:s6] =	ssyncset.done $0x0  }
0x1bf: {  	[sflag:s6] =	ssyncadd.s32 $0xFFFFFF80  }
0x1c0: {  	_ =	swait.ge [sflag:s6], $0x80  }
0x1c1: {  	[sflag:s6] =	ssyncset.done $0x0  }
0x1c2: {  	[sflag:s6] =	ssyncadd.s32 $0xFFFFFF80  }
0x1c3: {  	_ =	swait.ge [sflag:s6], $0x80  }
0x1c4: {  	[sflag:s6] =	ssyncset.done $0x0  }
0x1c5: {  	[sflag:s6] =	ssyncadd.s32 $0xFFFFFF80  }
0x1c6: {  	_ =	swait.ge [sflag:s6], $0x80  }
0x1c7: {  	[sflag:s6] =	ssyncset.done $0x0  }
0x1c8: {  	[sflag:s6] =	ssyncadd.s32 $0xFFFFFF80  }
0x1c9: {  	_ =	swait.ge [sflag:s6], $0x80  }
0x1ca: {  	[sflag:s6] =	ssyncset.done $0x0  }
0x1cb: {  	[sflag:s6] =	ssyncadd.s32 $0xFFFFFF80  }
0x1cc: {  	_ =	swait.ge [sflag:s6], $0x80  }
0x1cd: {  	[sflag:s6] =	ssyncset.done $0x0  }
0x1ce: {  	[sflag:s6] =	ssyncadd.s32 $0xFFFFFF80  }
0x1cf: {  	_ =	swait.ge [sflag:s6], $0x80  }
0x1d0: {  	[sflag:s6] =	ssyncset.done $0x0  }
0x1d1: {  	[sflag:s6] =	ssyncadd.s32 $0xFFFFFF80  }
0x1d2: {  	_ =	swait.ge [sflag:s6], $0x80  }
0x1d3: {  	[sflag:s6] =	ssyncset.done $0x0  }
0x1d4: {  	[sflag:s6] =	ssyncadd.s32 $0xFFFFFF80  }
0x1d5: {  	_ =	swait.ge [sflag:s6], $0x80  }
0x1d6: {  	[sflag:s6] =	ssyncset.done $0x0  }
0x1d7: {  	[sflag:s6] =	ssyncadd.s32 $0xFFFFFF80  }
0x1d8: {  	_ =	swait.ge [sflag:s6], $0x80  }
0x1d9: {  	[sflag:s6] =	ssyncset.done $0x0  }
0x1da: {  	[sflag:s6] =	ssyncadd.s32 $0xFFFFFF80  }
0x1db: {  	_ =	swait.ge [sflag:s6], $0x80  }
0x1dc: {  	[sflag:s6] =	ssyncset.done $0x0  }
0x1dd: {  	[sflag:s6] =	ssyncadd.s32 $0xFFFFFF80  }
0x1de: {  	_ =	swait.ge [sflag:s6], $0x80  }
0x1df: {  	[sflag:s6] =	ssyncset.done $0x0  }
0x1e0: {  	[sflag:s6] =	ssyncadd.s32 $0xFFFFFF80  }
0x1e1: {  	_ =	swait.ge [sflag:s6], $0x80  }
0x1e2: {  	[sflag:s6] =	ssyncset.done $0x0  }
0x1e3: {  	[sflag:s6] =	ssyncadd.s32 $0xFFFFFF80  }
0x1e4: {  	_ =	swait.ge [sflag:s6], $0x80  }
0x1e5: {  	[sflag:s6] =	ssyncset.done $0x0  }
0x1e6: {  	[sflag:s6] =	ssyncadd.s32 $0xFFFFFF80  }
0x1e7: {  	_ =	swait.ge [sflag:s6], $0x80  }
0x1e8: {  	[sflag:s6] =	ssyncset.done $0x0  }
0x1e9: {  	[sflag:s6] =	ssyncadd.s32 $0xFFFFFF80  }
0x1ea: {  	_ =	swait.ge [sflag:s6], $0x80  }
0x1eb: {  	[sflag:s6] =	ssyncset.done $0x0  }
0x1ec: {  	[sflag:s6] =	ssyncadd.s32 $0xFFFFFF80  }
0x1ed: {  	_ =	swait.ge [sflag:s6], $0x80  }
0x1ee: {  	[sflag:s6] =	ssyncset.done $0x0  }
0x1ef: {  	[sflag:s6] =	ssyncadd.s32 $0xFFFFFF80  }
0x1f0: {  	_ =	swait.ge [sflag:s6], $0x80  }
0x1f1: {  	[sflag:s6] =	ssyncset.done $0x0  }
0x1f2: {  	[sflag:s6] =	ssyncadd.s32 $0xFFFFFF80  }
0x1f3: {  	_ =	swait.ge [sflag:s6], $0x80  }
0x1f4: {  	[sflag:s6] =	ssyncset.done $0x0  }
0x1f5: {  	[sflag:s6] =	ssyncadd.s32 $0xFFFFFF80  }
0x1f6: {  	_ =	swait.ge [sflag:s6], $0x80  }
0x1f7: {  	[sflag:s6] =	ssyncset.done $0x0  }
0x1f8: {  	[sflag:s6] =	ssyncadd.s32 $0xFFFFFF80  }
0x1f9: {  	_ =	swait.ge [sflag:s6], $0x80  }
0x1fa: {  	[sflag:s6] =	ssyncset.done $0x0  }
0x1fb: {  	[sflag:s6] =	ssyncadd.s32 $0xFFFFFF80  }
0x1fc: {  	_ =	swait.ge [sflag:s6], $0x80  }
0x1fd: {  	[sflag:s6] =	ssyncset.done $0x0  }
0x1fe: {  	[sflag:s6] =	ssyncadd.s32 $0xFFFFFF80  }
0x1ff: {  	_ =	swait.ge [sflag:s6], $0x80  }
0x200: {  	[sflag:s6] =	ssyncset.done $0x0  }
0x201: {  	[sflag:s6] =	ssyncadd.s32 $0xFFFFFF80  }
0x202: {  	_ =	swait.ge [sflag:s6], $0x80  }
0x203: {  	[sflag:s6] =	ssyncset.done $0x0  }
0x204: {  	[sflag:s6] =	ssyncadd.s32 $0xFFFFFF80  }
0x205: {  	_ =	swait.ge [sflag:s6], $0x80  }
0x206: {  	[sflag:s6] =	ssyncset.done $0x0  }
0x207: {  	[sflag:s6] =	ssyncadd.s32 $0xFFFFFF80  }
0x208: {  	_ =	swait.ge [sflag:s6], $0x80  }
0x209: {  	[sflag:s6] =	ssyncset.done $0x0  }
0x20a: {  	[sflag:s6] =	ssyncadd.s32 $0xFFFFFF80  }
0x20b: {  	_ =	swait.ge [sflag:s6], $0x80  }
0x20c: {  	[sflag:s6] =	ssyncset.done $0x0  }
0x20d: {  	[sflag:s6] =	ssyncadd.s32 $0xFFFFFF80  }
0x20e: {  	_ =	swait.ge [sflag:s6], $0x80  }
0x20f: {  	[sflag:s6] =	ssyncset.done $0x0  }
0x210: {  	[sflag:s6] =	ssyncadd.s32 $0xFFFFFF80  }
0x211: {  	_ =	swait.ge [sflag:s6], $0x80  }
0x212: {  	[sflag:s6] =	ssyncset.done $0x0  }
0x213: {  	[sflag:s6] =	ssyncadd.s32 $0xFFFFFF80  }
0x214: {  	_ =	swait.ge [sflag:s6], $0x80  }
0x215: {  	[sflag:s6] =	ssyncset.done $0x0  }
0x216: {  	[sflag:s6] =	ssyncadd.s32 $0xFFFFFF80  }
0x217: {  	_ =	swait.ge [sflag:s6], $0x80  }
0x218: {  	[sflag:s6] =	ssyncset.done $0x0  }
0x219: {  	[sflag:s6] =	ssyncadd.s32 $0xFFFFFF80  }
0x21a: {  	_ =	swait.ge [sflag:s6], $0x80  }
0x21b: {  	[sflag:s6] =	ssyncset.done $0x0  }
0x21c: {  	[sflag:s6] =	ssyncadd.s32 $0xFFFFFF80  }
0x21d: {  	_ =	swait.ge [sflag:s6], $0x80  }
0x21e: {  	[sflag:s6] =	ssyncset.done $0x0  }
0x21f: {  	[sflag:s6] =	ssyncadd.s32 $0xFFFFFF80  }
0x220: {  	_ =	swait.ge [sflag:s6], $0x80  }
0x221: {  	[sflag:s6] =	ssyncset.done $0x0  }
0x222: {  	[sflag:s6] =	ssyncadd.s32 $0xFFFFFF80  }
0x223: {  	_ =	swait.ge [sflag:s6], $0x80  }
0x224: {  	[sflag:s6] =	ssyncset.done $0x0  }
0x225: {  	[sflag:s6] =	ssyncadd.s32 $0xFFFFFF80  }
0x226: {  	_ =	swait.ge [sflag:s6], $0x80  }
0x227: {  	[sflag:s6] =	ssyncset.done $0x0  }
0x228: {  	[sflag:s6] =	ssyncadd.s32 $0xFFFFFF80  }
0x229: {  	_ =	swait.ge [sflag:s6], $0x80  }
0x22a: {  	[sflag:s6] =	ssyncset.done $0x0  }
0x22b: {  	[sflag:s6] =	ssyncadd.s32 $0xFFFFFF80  }
0x22c: {  	_ =	swait.ge [sflag:s6], $0x80  }
0x22d: {  	[sflag:s6] =	ssyncset.done $0x0  }
0x22e: {  	[sflag:s6] =	ssyncadd.s32 $0xFFFFFF80  }
0x22f: {  	_ =	swait.ge [sflag:s6], $0x80  }
0x230: {  	[sflag:s6] =	ssyncset.done $0x0  }
0x231: {  	[sflag:s6] =	ssyncadd.s32 $0xFFFFFF80  }
0x232: {  	_ =	swait.ge [sflag:s6], $0x80  }
0x233: {  	[sflag:s6] =	ssyncset.done $0x0  }
0x234: {  	[sflag:s6] =	ssyncadd.s32 $0xFFFFFF80  }
0x235: {  	_ =	swait.ge [sflag:s6], $0x80  }
0x236: {  	[sflag:s6] =	ssyncset.done $0x0  }
0x237: {  	[sflag:s6] =	ssyncadd.s32 $0xFFFFFF80  }
0x238: {  	_ =	swait.ge [sflag:s6], $0x80  }
0x239: {  	[sflag:s6] =	ssyncset.done $0x0  }
0x23a: {  	[sflag:s6] =	ssyncadd.s32 $0xFFFFFF80  }
0x23b: {  	_ =	swait.ge [sflag:s6], $0x80  }
0x23c: {  	[sflag:s6] =	ssyncset.done $0x0  }
0x23d: {  	[sflag:s6] =	ssyncadd.s32 $0xFFFFFF80  }
0x23e: {  	_ =	swait.ge [sflag:s6], $0x80  }
0x23f: {  	[sflag:s6] =	ssyncset.done $0x0  }
0x240: {  	[sflag:s6] =	ssyncadd.s32 $0xFFFFFF80  }
0x241: {  	_ =	swait.ge [sflag:s6], $0x80  }
0x242: {  	[sflag:s6] =	ssyncset.done $0x0  }
0x243: {  	[sflag:s6] =	ssyncadd.s32 $0xFFFFFF80  }
0x244: {  	_ =	swait.ge [sflag:s6], $0x80  }
0x245: {  	[sflag:s6] =	ssyncset.done $0x0  }
0x246: {  	[sflag:s6] =	ssyncadd.s32 $0xFFFFFF80  }
0x247: {  	[bflag:$0x0] =	sbarrier.arrive $0xFFFF  }
0x248: {  	s3 =	sld [smem:$0x7F9];
	_ =	sdelay $0x1  }
0x249: {  	s0 =	simm.s32 @!p0 $0x2;
	s1 =	simm.s32 @!p0 $0x1C02;
	s4 =	rddreg [dreg:$0xd]  }
0x24a: {  	[hbm:s4], [sflag:s1] =	dma.local @!p0 [spmem:s3], $0x300  }
0x24b: {  	_ =	swait.ge @!p0 [sflag:s0], $0x300  }
0x24c: {  	s3 =	sld [smem:$0x7FA]  }
0x24d: {  	[sflag:s0] =	ssyncset.done @!p0 $0x0  }
0x24e: {  	s4 =	rddreg [dreg:$0xe];
	[sflag:s0] =	ssyncadd.s32 @!p0 $0xFFFFFD00  }
0x24f: {  	[hbm:s4], [sflag:s1] =	dma.local @!p0 [spmem:s3], $0x300  }
0x250: {  	_ =	swait.ge @!p0 [sflag:s0], $0x300  }
0x251: {  	s3 =	sld [smem:$0x7FB]  }
0x252: {  	[sflag:s0] =	ssyncset.done @!p0 $0x0  }
0x253: {  	s4 =	rddreg [dreg:$0xf];
	[sflag:s0] =	ssyncadd.s32 @!p0 $0xFFFFFD00  }
0x254: {  	[hbm:s4], [sflag:s1] =	dma.local @!p0 [spmem:s3], $0x300  }
0x255: {  	_ =	swait.ge @!p0 [sflag:s0], $0x300  }
0x256: {  	s3 =	sld [smem:$0x7FC]  }
0x257: {  	[sflag:s0] =	ssyncset.done @!p0 $0x0  }
0x258: {  	s4 =	rddreg [dreg:$0x10];
	[sflag:s0] =	ssyncadd.s32 @!p0 $0xFFFFFD00  }
0x259: {  	[hbm:s4], [sflag:s1] =	dma.local @!p0 [spmem:s3], $0x300  }
0x25a: {  	s2 =	sadd.s32 $0xFFFFFFFF, s2;
	_ =	swait.ge @!p0 [sflag:s0], $0x300  }
0x25b: {  	p2 =	sne.s32 s2, $0x0;
	s3 =	sld [smem:$0x7FD]  }
.Ltmp1:
0x25c: {  	[sflag:s0] =	ssyncset.done @!p0 $0x0;
	(pc) =	sbr.rel @!p2 .LBB2_7-.Ltmp1, $4  }
0x25d: {  	s4 =	rddreg [dreg:$0x11];
	[sflag:s0] =	ssyncadd.s32 @!p0 $0xFFFFFD00  }
0x25e: {  	[hbm:s4], [sflag:s1] =	dma.local @!p0 [spmem:s3], $0x300  }
0x25f: {  	_ =	swait.ge @!p0 [sflag:s0], $0x300  }
0x260: {  	p1 =	por $0x1, $0x1;
	s4 =	rddreg [dreg:$0x7];
	[sflag:s0] =	ssyncset.done @!p0 $0x0  }
0x261: {  	s30 =	simm.s32 $0x2400;
	s29 =	simm.s32 $0x3000  }
.LBB2_4:
0x262: {  	[sflag:s0] =	ssyncadd.s32 @!p0 $0xFFFFFD00  }
0x263: {  	[tilespmem:s12], [sflag:$0x2] =	stream.linear.gather [hbm4b:s4+s12], $0x900, $0x38;
	[tilespmem:$0x4F80] =	vst v63  }
0x264: {  	_ =	swait.ge [sflag:s31], $0x900  }
0x265: {  	[sflag:s31] =	ssyncset.done $0x0  }
0x266: {  	s14 =	simm.s32 $0xC00;
	s3 =	rddreg [dreg:$0x8];
	[sflag:s31] =	ssyncadd.s32 $0xFFFFF700  }
0x267: {  	[tilespmem:s14], [sflag:$0x2] =	stream.linear.gather [hbm4b:s3+s12], $0x900, $0x38;
	[tilespmem:$0x4F80] =	vst v63  }
0x268: {  	_ =	swait.ge [sflag:s31], $0x900  }
0x269: {  	[sflag:s31] =	ssyncset.done $0x0  }
0x26a: {  	s3 =	simm.s32 $0x1800;
	s4 =	rddreg [dreg:$0x9];
	[sflag:s31] =	ssyncadd.s32 $0xFFFFF700  }
0x26b: {  	[tilespmem:s3], [sflag:$0x2] =	stream.linear.gather [hbm4b:s4+s12], $0x900, $0x38;
	[tilespmem:$0x4F80] =	vst v63  }
0x26c: {  	_ =	swait.ge [sflag:s31], $0x900  }
0x26d: {  	[sflag:s31] =	ssyncset.done $0x0  }
0x26e: {  	s4 =	rddreg [dreg:$0xa];
	[sflag:s31] =	ssyncadd.s32 $0xFFFFF700  }
0x26f: {  	[tilespmem:s30], [sflag:$0x2] =	stream.linear.gather [hbm4b:s4+s12], $0x900, $0x38;
	[tilespmem:$0x4F80] =	vst v63  }
0x270: {  	_ =	swait.ge [sflag:s31], $0x900  }
0x271: {  	[sflag:s31] =	ssyncset.done $0x0  }
0x272: {  	s4 =	rddreg [dreg:$0xb];
	[sflag:s31] =	ssyncadd.s32 $0xFFFFF700  }
0x273: {  	[tilespmem:s29], [sflag:$0x2] =	stream.linear.gather [hbm4b:s4+s12], $0x900, $0x38;
	[tilespmem:$0x4F80] =	vst v63  }
0x274: {  	_ =	swait.ge [sflag:s31], $0x900  }
0x275: {  	[sflag:s31] =	ssyncset.done $0x0  }
0x276: {  	s4 =	rddreg [dreg:$0xc];
	[sflag:s31] =	ssyncadd.s32 $0xFFFFF700  }
0x277: {  	[tilespmem:s5], [sflag:$0x2] =	stream.linear.gather [hbm4b:s4+s12], $0x900, $0x38;
	[tilespmem:$0x4F80] =	vst v63  }
0x278: {  	_ =	swait.ge [sflag:s31], $0x900  }
0x279: {  	[sflag:s31] =	ssyncset.done $0x0  }
0x27a: {  	[sflag:s31] =	ssyncadd.s32 $0xFFFFF700  }
0x27b: {  	[spmem:s7] =	stream.indirect.scatter [tilespmem:s12], [sflag:$0x1], $0x1, s5, s13, $0xb8;
	[tilespmem:$0x4F80] =	vst v63  }
0x27c: {  	_ = 	snop  }
0x27d: {  	[spmem:s8] =	stream.indirect.scatter [tilespmem:s14], [sflag:$0x1], $0x1, s5, s13, $0xb8;
	[tilespmem:$0x4F80] =	vst v63  }
0x27e: {  	_ = 	snop  }
0x27f: {  	[spmem:s9] =	stream.indirect.scatter [tilespmem:s3], [sflag:$0x1], $0x1, s5, s13, $0xb8;
	[tilespmem:$0x4F80] =	vst v63  }
0x280: {  	_ = 	snop  }
0x281: {  	[spmem:s10] =	stream.indirect.scatter [tilespmem:s30], [sflag:$0x1], $0x1, s5, s13, $0xb8;
	[tilespmem:$0x4F80] =	vst v63  }
0x282: {  	_ = 	snop  }
0x283: {  	[spmem:s11] =	stream.indirect.scatter [tilespmem:s29], [sflag:$0x1], $0x1, s5, s13, $0xb8;
	[tilespmem:$0x4F80] =	vst v63  }
0x284: {  	s4 =	rddreg [dreg:$0x12];
	s3 =	simm.s32 $0x3C80  }
0x285: {  	[spmem:s7] =	stream.indirect.scatter [tilespmem:s13], [sflag:$0x1], $0x1, s3, s13, $0xb8;
	[tilespmem:$0x4F80] =	vst v63  }
0x286: {  	s14 =	rddreg [dreg:$0x13]  }
0x287: {  	[spmem:s8] =	stream.indirect.scatter [tilespmem:s4], [sflag:$0x1], $0x1, s3, s13, $0xb8;
	[tilespmem:$0x4F80] =	vst v63  }
0x288: {  	s4 =	rddreg [dreg:$0x14]  }
0x289: {  	[spmem:s9] =	stream.indirect.scatter [tilespmem:s14], [sflag:$0x1], $0x1, s3, s13, $0xb8;
	[tilespmem:$0x4F80] =	vst v63  }
0x28a: {  	s14 =	rddreg [dreg:$0x15]  }
0x28b: {  	[spmem:s10] =	stream.indirect.scatter [tilespmem:s4], [sflag:$0x1], $0x1, s3, s13, $0xb8;
	[tilespmem:$0x4F80] =	vst v63  }
0x28c: {  	s4 =	rddreg [dreg:$0x16]  }
0x28d: {  	[spmem:s11] =	stream.indirect.scatter [tilespmem:s14], [sflag:$0x1], $0x1, s3, s13, $0xb8;
	[tilespmem:$0x4F80] =	vst v63  }
0x28e: {  	s14 =	rddreg [dreg:$0x17];
	s3 =	simm.s32 $0x3D00  }
0x28f: {  	[spmem:s7] =	stream.indirect.scatter [tilespmem:s4], [sflag:$0x1], $0x1, s3, s13, $0xb8;
	[tilespmem:$0x4F80] =	vst v63  }
0x290: {  	s4 =	rddreg [dreg:$0x18]  }
0x291: {  	[spmem:s8] =	stream.indirect.scatter [tilespmem:s14], [sflag:$0x1], $0x1, s3, s13, $0xb8;
	[tilespmem:$0x4F80] =	vst v63  }
0x292: {  	s14 =	rddreg [dreg:$0x19]  }
0x293: {  	[spmem:s9] =	stream.indirect.scatter [tilespmem:s4], [sflag:$0x1], $0x1, s3, s13, $0xb8;
	[tilespmem:$0x4F80] =	vst v63  }
0x294: {  	s4 =	rddreg [dreg:$0x1a]  }
0x295: {  	[spmem:s10] =	stream.indirect.scatter [tilespmem:s14], [sflag:$0x1], $0x1, s3, s13, $0xb8;
	[tilespmem:$0x4F80] =	vst v63  }
0x296: {  	s14 =	rddreg [dreg:$0x1b]  }
0x297: {  	[spmem:s11] =	stream.indirect.scatter [tilespmem:s4], [sflag:$0x1], $0x1, s3, s13, $0xb8;
	[tilespmem:$0x4F80] =	vst v63  }
0x298: {  	s4 =	rddreg [dreg:$0x1c];
	s3 =	simm.s32 $0x3D80  }
0x299: {  	[spmem:s7] =	stream.indirect.scatter [tilespmem:s14], [sflag:$0x1], $0x1, s3, s13, $0xb8;
	[tilespmem:$0x4F80] =	vst v63  }
0x29a: {  	s14 =	rddreg [dreg:$0x1d]  }
0x29b: {  	[spmem:s8] =	stream.indirect.scatter [tilespmem:s4], [sflag:$0x1], $0x1, s3, s13, $0xb8;
	[tilespmem:$0x4F80] =	vst v63  }
0x29c: {  	s4 =	rddreg [dreg:$0x1e]  }
0x29d: {  	[spmem:s9] =	stream.indirect.scatter [tilespmem:s14], [sflag:$0x1], $0x1, s3, s13, $0xb8;
	[tilespmem:$0x4F80] =	vst v63  }
0x29e: {  	s14 =	rddreg [dreg:$0x1f]  }
0x29f: {  	[spmem:s10] =	stream.indirect.scatter [tilespmem:s4], [sflag:$0x1], $0x1, s3, s13, $0xb8;
	[tilespmem:$0x4F80] =	vst v63  }
0x2a0: {  	s4 =	sld [smem:$0x7B3]  }
0x2a1: {  	[spmem:s11] =	stream.indirect.scatter [tilespmem:s14], [sflag:$0x1], $0x1, s3, s13, $0xb8;
	[tilespmem:$0x4F80] =	vst v63  }
0x2a2: {  	s14 =	sld [smem:$0x7B4];
	s3 =	simm.s32 $0x3E00  }
0x2a3: {  	[spmem:s7] =	stream.indirect.scatter [tilespmem:s4], [sflag:$0x1], $0x1, s3, s13, $0xb8;
	[tilespmem:$0x4F80] =	vst v63  }
0x2a4: {  	s4 =	sld [smem:$0x7B5]  }
0x2a5: {  	[spmem:s8] =	stream.indirect.scatter [tilespmem:s14], [sflag:$0x1], $0x1, s3, s13, $0xb8;
	[tilespmem:$0x4F80] =	vst v63  }
0x2a6: {  	s14 =	sld [smem:$0x7B6]  }
0x2a7: {  	[spmem:s9] =	stream.indirect.scatter [tilespmem:s4], [sflag:$0x1], $0x1, s3, s13, $0xb8;
	[tilespmem:$0x4F80] =	vst v63  }
0x2a8: {  	s4 =	sld [smem:$0x7B7]  }
0x2a9: {  	[spmem:s10] =	stream.indirect.scatter [tilespmem:s14], [sflag:$0x1], $0x1, s3, s13, $0xb8;
	[tilespmem:$0x4F80] =	vst v63  }
0x2aa: {  	s14 =	sld [smem:$0x7B8]  }
0x2ab: {  	[spmem:s11] =	stream.indirect.scatter [tilespmem:s4], [sflag:$0x1], $0x1, s3, s13, $0xb8;
	[tilespmem:$0x4F80] =	vst v63  }
0x2ac: {  	s4 =	sld [smem:$0x7B9]  }
0x2ad: {  	[spmem:s7] =	stream.indirect.scatter [tilespmem:s14], [sflag:$0x1], $0x1, s28, s13, $0xb8;
	[tilespmem:$0x4F80] =	vst v63  }
0x2ae: {  	s3 =	sld [smem:$0x7BA]  }
0x2af: {  	[spmem:s8] =	stream.indirect.scatter [tilespmem:s4], [sflag:$0x1], $0x1, s28, s13, $0xb8;
	[tilespmem:$0x4F80] =	vst v63  }
0x2b0: {  	s4 =	sld [smem:$0x7BB]  }
0x2b1: {  	[spmem:s9] =	stream.indirect.scatter [tilespmem:s3], [sflag:$0x1], $0x1, s28, s13, $0xb8;
	[tilespmem:$0x4F80] =	vst v63  }
0x2b2: {  	s3 =	sld [smem:$0x7BC]  }
0x2b3: {  	[spmem:s10] =	stream.indirect.scatter [tilespmem:s4], [sflag:$0x1], $0x1, s28, s13, $0xb8;
	[tilespmem:$0x4F80] =	vst v63  }
0x2b4: {  	s4 =	sld [smem:$0x7BD]  }
0x2b5: {  	[spmem:s11] =	stream.indirect.scatter [tilespmem:s3], [sflag:$0x1], $0x1, s28, s13, $0xb8;
	[tilespmem:$0x4F80] =	vst v63  }
0x2b6: {  	s3 =	sld [smem:$0x7BE]  }
0x2b7: {  	[spmem:s7] =	stream.indirect.scatter [tilespmem:s4], [sflag:$0x1], $0x1, s26, s13, $0xb8;
	[tilespmem:$0x4F80] =	vst v63  }
0x2b8: {  	s4 =	sld [smem:$0x7BF]  }
0x2b9: {  	[spmem:s8] =	stream.indirect.scatter [tilespmem:s3], [sflag:$0x1], $0x1, s26, s13, $0xb8;
	[tilespmem:$0x4F80] =	vst v63  }
0x2ba: {  	s3 =	sld [smem:$0x7C0]  }
0x2bb: {  	[spmem:s9] =	stream.indirect.scatter [tilespmem:s4], [sflag:$0x1], $0x1, s26, s13, $0xb8;
	[tilespmem:$0x4F80] =	vst v63  }
0x2bc: {  	s4 =	sld [smem:$0x7C1]  }
0x2bd: {  	[spmem:s10] =	stream.indirect.scatter [tilespmem:s3], [sflag:$0x1], $0x1, s26, s13, $0xb8;
	[tilespmem:$0x4F80] =	vst v63  }
0x2be: {  	s3 =	sld [smem:$0x7C2]  }
0x2bf: {  	[spmem:s11] =	stream.indirect.scatter [tilespmem:s4], [sflag:$0x1], $0x1, s26, s13, $0xb8;
	[tilespmem:$0x4F80] =	vst v63  }
0x2c0: {  	s4 =	sld [smem:$0x7C3]  }
0x2c1: {  	[spmem:s7] =	stream.indirect.scatter [tilespmem:s3], [sflag:$0x1], $0x1, s25, s13, $0xb8;
	[tilespmem:$0x4F80] =	vst v63  }
0x2c2: {  	s3 =	sld [smem:$0x7C4]  }
0x2c3: {  	[spmem:s8] =	stream.indirect.scatter [tilespmem:s4], [sflag:$0x1], $0x1, s25, s13, $0xb8;
	[tilespmem:$0x4F80] =	vst v63  }
0x2c4: {  	s4 =	sld [smem:$0x7C5]  }
0x2c5: {  	[spmem:s9] =	stream.indirect.scatter [tilespmem:s3], [sflag:$0x1], $0x1, s25, s13, $0xb8;
	[tilespmem:$0x4F80] =	vst v63  }
0x2c6: {  	s3 =	sld [smem:$0x7C6]  }
0x2c7: {  	[spmem:s10] =	stream.indirect.scatter [tilespmem:s4], [sflag:$0x1], $0x1, s25, s13, $0xb8;
	[tilespmem:$0x4F80] =	vst v63  }
0x2c8: {  	s4 =	sld [smem:$0x7C7]  }
0x2c9: {  	[spmem:s11] =	stream.indirect.scatter [tilespmem:s3], [sflag:$0x1], $0x1, s25, s13, $0xb8;
	[tilespmem:$0x4F80] =	vst v63  }
0x2ca: {  	s3 =	sld [smem:$0x7C8]  }
0x2cb: {  	[spmem:s7] =	stream.indirect.scatter [tilespmem:s4], [sflag:$0x1], $0x1, s24, s13, $0xb8;
	[tilespmem:$0x4F80] =	vst v63  }
0x2cc: {  	s4 =	sld [smem:$0x7C9]  }
0x2cd: {  	[spmem:s8] =	stream.indirect.scatter [tilespmem:s3], [sflag:$0x1], $0x1, s24, s13, $0xb8;
	[tilespmem:$0x4F80] =	vst v63  }
0x2ce: {  	s3 =	sld [smem:$0x7CA]  }
0x2cf: {  	[spmem:s9] =	stream.indirect.scatter [tilespmem:s4], [sflag:$0x1], $0x1, s24, s13, $0xb8;
	[tilespmem:$0x4F80] =	vst v63  }
0x2d0: {  	s4 =	sld [smem:$0x7CB]  }
0x2d1: {  	[spmem:s10] =	stream.indirect.scatter [tilespmem:s3], [sflag:$0x1], $0x1, s24, s13, $0xb8;
	[tilespmem:$0x4F80] =	vst v63  }
0x2d2: {  	s3 =	sld [smem:$0x7CC]  }
0x2d3: {  	[spmem:s11] =	stream.indirect.scatter [tilespmem:s4], [sflag:$0x1], $0x1, s24, s13, $0xb8;
	[tilespmem:$0x4F80] =	vst v63  }
0x2d4: {  	s4 =	sld [smem:$0x7CD]  }
0x2d5: {  	[spmem:s7] =	stream.indirect.scatter [tilespmem:s3], [sflag:$0x1], $0x1, s23, s13, $0xb8;
	[tilespmem:$0x4F80] =	vst v63  }
0x2d6: {  	s3 =	sld [smem:$0x7CE]  }
0x2d7: {  	[spmem:s8] =	stream.indirect.scatter [tilespmem:s4], [sflag:$0x1], $0x1, s23, s13, $0xb8;
	[tilespmem:$0x4F80] =	vst v63  }
0x2d8: {  	s4 =	sld [smem:$0x7CF]  }
0x2d9: {  	[spmem:s9] =	stream.indirect.scatter [tilespmem:s3], [sflag:$0x1], $0x1, s23, s13, $0xb8;
	[tilespmem:$0x4F80] =	vst v63  }
0x2da: {  	s3 =	sld [smem:$0x7D0]  }
0x2db: {  	[spmem:s10] =	stream.indirect.scatter [tilespmem:s4], [sflag:$0x1], $0x1, s23, s13, $0xb8;
	[tilespmem:$0x4F80] =	vst v63  }
0x2dc: {  	s4 =	sld [smem:$0x7D1]  }
0x2dd: {  	[spmem:s11] =	stream.indirect.scatter [tilespmem:s3], [sflag:$0x1], $0x1, s23, s13, $0xb8;
	[tilespmem:$0x4F80] =	vst v63  }
0x2de: {  	s3 =	sld [smem:$0x7D2]  }
0x2df: {  	[spmem:s7] =	stream.indirect.scatter [tilespmem:s4], [sflag:$0x1], $0x1, s22, s13, $0xb8;
	[tilespmem:$0x4F80] =	vst v63  }
0x2e0: {  	s4 =	sld [smem:$0x7D3]  }
0x2e1: {  	[spmem:s8] =	stream.indirect.scatter [tilespmem:s3], [sflag:$0x1], $0x1, s22, s13, $0xb8;
	[tilespmem:$0x4F80] =	vst v63  }
0x2e2: {  	s3 =	sld [smem:$0x7D4]  }
0x2e3: {  	[spmem:s9] =	stream.indirect.scatter [tilespmem:s4], [sflag:$0x1], $0x1, s22, s13, $0xb8;
	[tilespmem:$0x4F80] =	vst v63  }
0x2e4: {  	s4 =	sld [smem:$0x7D5]  }
0x2e5: {  	[spmem:s10] =	stream.indirect.scatter [tilespmem:s3], [sflag:$0x1], $0x1, s22, s13, $0xb8;
	[tilespmem:$0x4F80] =	vst v63  }
0x2e6: {  	s3 =	sld [smem:$0x7D6]  }
0x2e7: {  	[spmem:s11] =	stream.indirect.scatter [tilespmem:s4], [sflag:$0x1], $0x1, s22, s13, $0xb8;
	[tilespmem:$0x4F80] =	vst v63  }
0x2e8: {  	s4 =	sld [smem:$0x7D7]  }
0x2e9: {  	[spmem:s7] =	stream.indirect.scatter [tilespmem:s3], [sflag:$0x1], $0x1, s21, s13, $0xb8;
	[tilespmem:$0x4F80] =	vst v63  }
0x2ea: {  	s3 =	sld [smem:$0x7D8]  }
0x2eb: {  	[spmem:s8] =	stream.indirect.scatter [tilespmem:s4], [sflag:$0x1], $0x1, s21, s13, $0xb8;
	[tilespmem:$0x4F80] =	vst v63  }
0x2ec: {  	s4 =	sld [smem:$0x7D9]  }
0x2ed: {  	[spmem:s9] =	stream.indirect.scatter [tilespmem:s3], [sflag:$0x1], $0x1, s21, s13, $0xb8;
	[tilespmem:$0x4F80] =	vst v63  }
0x2ee: {  	s3 =	sld [smem:$0x7DA]  }
0x2ef: {  	[spmem:s10] =	stream.indirect.scatter [tilespmem:s4], [sflag:$0x1], $0x1, s21, s13, $0xb8;
	[tilespmem:$0x4F80] =	vst v63  }
0x2f0: {  	s4 =	sld [smem:$0x7DB]  }
0x2f1: {  	[spmem:s11] =	stream.indirect.scatter [tilespmem:s3], [sflag:$0x1], $0x1, s21, s13, $0xb8;
	[tilespmem:$0x4F80] =	vst v63  }
0x2f2: {  	s3 =	sld [smem:$0x7DC]  }
0x2f3: {  	[spmem:s7] =	stream.indirect.scatter [tilespmem:s4], [sflag:$0x1], $0x1, s20, s13, $0xb8;
	[tilespmem:$0x4F80] =	vst v63  }
0x2f4: {  	s4 =	sld [smem:$0x7DD]  }
0x2f5: {  	[spmem:s8] =	stream.indirect.scatter [tilespmem:s3], [sflag:$0x1], $0x1, s20, s13, $0xb8;
	[tilespmem:$0x4F80] =	vst v63  }
0x2f6: {  	s3 =	sld [smem:$0x7DE]  }
0x2f7: {  	[spmem:s9] =	stream.indirect.scatter [tilespmem:s4], [sflag:$0x1], $0x1, s20, s13, $0xb8;
	[tilespmem:$0x4F80] =	vst v63  }
0x2f8: {  	s4 =	sld [smem:$0x7DF]  }
0x2f9: {  	[spmem:s10] =	stream.indirect.scatter [tilespmem:s3], [sflag:$0x1], $0x1, s20, s13, $0xb8;
	[tilespmem:$0x4F80] =	vst v63  }
0x2fa: {  	s3 =	sld [smem:$0x7E0]  }
0x2fb: {  	[spmem:s11] =	stream.indirect.scatter [tilespmem:s4], [sflag:$0x1], $0x1, s20, s13, $0xb8;
	[tilespmem:$0x4F80] =	vst v63  }
0x2fc: {  	s4 =	sld [smem:$0x7E1]  }
0x2fd: {  	[spmem:s7] =	stream.indirect.scatter [tilespmem:s3], [sflag:$0x1], $0x1, s19, s13, $0xb8;
	[tilespmem:$0x4F80] =	vst v63  }
0x2fe: {  	s3 =	sld [smem:$0x7E2]  }
0x2ff: {  	[spmem:s8] =	stream.indirect.scatter [tilespmem:s4], [sflag:$0x1], $0x1, s19, s13, $0xb8;
	[tilespmem:$0x4F80] =	vst v63  }
0x300: {  	s4 =	sld [smem:$0x7E3]  }
0x301: {  	[spmem:s9] =	stream.indirect.scatter [tilespmem:s3], [sflag:$0x1], $0x1, s19, s13, $0xb8;
	[tilespmem:$0x4F80] =	vst v63  }
0x302: {  	s3 =	sld [smem:$0x7E4]  }
0x303: {  	[spmem:s10] =	stream.indirect.scatter [tilespmem:s4], [sflag:$0x1], $0x1, s19, s13, $0xb8;
	[tilespmem:$0x4F80] =	vst v63  }
0x304: {  	s4 =	sld [smem:$0x7E5]  }
0x305: {  	[spmem:s11] =	stream.indirect.scatter [tilespmem:s3], [sflag:$0x1], $0x1, s19, s13, $0xb8;
	[tilespmem:$0x4F80] =	vst v63  }
0x306: {  	s3 =	sld [smem:$0x7E6]  }
0x307: {  	[spmem:s7] =	stream.indirect.scatter [tilespmem:s4], [sflag:$0x1], $0x1, s18, s13, $0xb8;
	[tilespmem:$0x4F80] =	vst v63  }
0x308: {  	s4 =	sld [smem:$0x7E7]  }
0x309: {  	[spmem:s8] =	stream.indirect.scatter [tilespmem:s3], [sflag:$0x1], $0x1, s18, s13, $0xb8;
	[tilespmem:$0x4F80] =	vst v63  }
0x30a: {  	s3 =	sld [smem:$0x7E8]  }
0x30b: {  	[spmem:s9] =	stream.indirect.scatter [tilespmem:s4], [sflag:$0x1], $0x1, s18, s13, $0xb8;
	[tilespmem:$0x4F80] =	vst v63  }
0x30c: {  	s4 =	sld [smem:$0x7E9]  }
0x30d: {  	[spmem:s10] =	stream.indirect.scatter [tilespmem:s3], [sflag:$0x1], $0x1, s18, s13, $0xb8;
	[tilespmem:$0x4F80] =	vst v63  }
0x30e: {  	s3 =	sld [smem:$0x7EA]  }
0x30f: {  	[spmem:s11] =	stream.indirect.scatter [tilespmem:s4], [sflag:$0x1], $0x1, s18, s13, $0xb8;
	[tilespmem:$0x4F80] =	vst v63  }
0x310: {  	s4 =	sld [smem:$0x7EB]  }
0x311: {  	[spmem:s7] =	stream.indirect.scatter [tilespmem:s3], [sflag:$0x1], $0x1, s17, s13, $0xb8;
	[tilespmem:$0x4F80] =	vst v63  }
0x312: {  	s3 =	sld [smem:$0x7EC]  }
0x313: {  	[spmem:s8] =	stream.indirect.scatter [tilespmem:s4], [sflag:$0x1], $0x1, s17, s13, $0xb8;
	[tilespmem:$0x4F80] =	vst v63  }
0x314: {  	s4 =	sld [smem:$0x7ED]  }
0x315: {  	[spmem:s9] =	stream.indirect.scatter [tilespmem:s3], [sflag:$0x1], $0x1, s17, s13, $0xb8;
	[tilespmem:$0x4F80] =	vst v63  }
0x316: {  	s3 =	sld [smem:$0x7EE]  }
0x317: {  	[spmem:s10] =	stream.indirect.scatter [tilespmem:s4], [sflag:$0x1], $0x1, s17, s13, $0xb8;
	[tilespmem:$0x4F80] =	vst v63  }
0x318: {  	s4 =	sld [smem:$0x7EF]  }
0x319: {  	[spmem:s11] =	stream.indirect.scatter [tilespmem:s3], [sflag:$0x1], $0x1, s17, s13, $0xb8;
	[tilespmem:$0x4F80] =	vst v63  }
0x31a: {  	s3 =	sld [smem:$0x7F0]  }
0x31b: {  	[spmem:s7] =	stream.indirect.scatter [tilespmem:s4], [sflag:$0x1], $0x1, s16, s13, $0xb8;
	[tilespmem:$0x4F80] =	vst v63  }
0x31c: {  	s4 =	sld [smem:$0x7F1]  }
0x31d: {  	[spmem:s8] =	stream.indirect.scatter [tilespmem:s3], [sflag:$0x1], $0x1, s16, s13, $0xb8;
	[tilespmem:$0x4F80] =	vst v63  }
0x31e: {  	s3 =	sld [smem:$0x7F2]  }
0x31f: {  	[spmem:s9] =	stream.indirect.scatter [tilespmem:s4], [sflag:$0x1], $0x1, s16, s13, $0xb8;
	[tilespmem:$0x4F80] =	vst v63  }
0x320: {  	s4 =	sld [smem:$0x7F3]  }
0x321: {  	[spmem:s10] =	stream.indirect.scatter [tilespmem:s3], [sflag:$0x1], $0x1, s16, s13, $0xb8;
	[tilespmem:$0x4F80] =	vst v63  }
0x322: {  	s3 =	sld [smem:$0x7F4]  }
0x323: {  	[spmem:s11] =	stream.indirect.scatter [tilespmem:s4], [sflag:$0x1], $0x1, s16, s13, $0xb8;
	[tilespmem:$0x4F80] =	vst v63  }
0x324: {  	s4 =	sld [smem:$0x7F5]  }
0x325: {  	[spmem:s7] =	stream.indirect.scatter [tilespmem:s3], [sflag:$0x1], $0x1, s15, s13, $0xb8;
	[tilespmem:$0x4F80] =	vst v63  }
0x326: {  	s3 =	sld [smem:$0x7F6]  }
0x327: {  	[spmem:s8] =	stream.indirect.scatter [tilespmem:s4], [sflag:$0x1], $0x1, s15, s13, $0xb8;
	[tilespmem:$0x4F80] =	vst v63  }
0x328: {  	s4 =	sld [smem:$0x7F7]  }
0x329: {  	[spmem:s9] =	stream.indirect.scatter [tilespmem:s3], [sflag:$0x1], $0x1, s15, s13, $0xb8;
	[tilespmem:$0x4F80] =	vst v63  }
0x32a: {  	s3 =	sld [smem:$0x7F8]  }
0x32b: {  	[spmem:s10] =	stream.indirect.scatter [tilespmem:s4], [sflag:$0x1], $0x1, s15, s13, $0xb8;
	[tilespmem:$0x4F80] =	vst v63  }
0x32c: {  	_ = 	snop  }
0x32d: {  	[spmem:s11] =	stream.indirect.scatter [tilespmem:s3], [sflag:$0x1], $0x1, s15, s13, $0xb8;
	[tilespmem:$0x4F80] =	vst v63  }
0x32e: {  	_ =	swait.ge [sflag:s6], $0x80  }
0x32f: {  	[sflag:s6] =	ssyncset.done $0x0  }
0x330: {  	[sflag:s6] =	ssyncadd.s32 $0xFFFFFF80  }
0x331: {  	_ =	swait.ge [sflag:s6], $0x80  }
0x332: {  	[sflag:s6] =	ssyncset.done $0x0  }
0x333: {  	[sflag:s6] =	ssyncadd.s32 $0xFFFFFF80  }
0x334: {  	_ =	swait.ge [sflag:s6], $0x80  }
0x335: {  	[sflag:s6] =	ssyncset.done $0x0  }
0x336: {  	[sflag:s6] =	ssyncadd.s32 $0xFFFFFF80  }
0x337: {  	_ =	swait.ge [sflag:s6], $0x80  }
0x338: {  	[sflag:s6] =	ssyncset.done $0x0  }
0x339: {  	[sflag:s6] =	ssyncadd.s32 $0xFFFFFF80  }
0x33a: {  	_ =	swait.ge [sflag:s6], $0x80  }
0x33b: {  	[sflag:s6] =	ssyncset.done $0x0  }
0x33c: {  	[sflag:s6] =	ssyncadd.s32 $0xFFFFFF80  }
0x33d: {  	_ =	swait.ge [sflag:s6], $0x80  }
0x33e: {  	[sflag:s6] =	ssyncset.done $0x0  }
0x33f: {  	[sflag:s6] =	ssyncadd.s32 $0xFFFFFF80  }
0x340: {  	_ =	swait.ge [sflag:s6], $0x80  }
0x341: {  	[sflag:s6] =	ssyncset.done $0x0  }
0x342: {  	[sflag:s6] =	ssyncadd.s32 $0xFFFFFF80  }
0x343: {  	_ =	swait.ge [sflag:s6], $0x80  }
0x344: {  	[sflag:s6] =	ssyncset.done $0x0  }
0x345: {  	[sflag:s6] =	ssyncadd.s32 $0xFFFFFF80  }
0x346: {  	_ =	swait.ge [sflag:s6], $0x80  }
0x347: {  	[sflag:s6] =	ssyncset.done $0x0  }
0x348: {  	[sflag:s6] =	ssyncadd.s32 $0xFFFFFF80  }
0x349: {  	_ =	swait.ge [sflag:s6], $0x80  }
0x34a: {  	[sflag:s6] =	ssyncset.done $0x0  }
0x34b: {  	[sflag:s6] =	ssyncadd.s32 $0xFFFFFF80  }
0x34c: {  	_ =	swait.ge [sflag:s6], $0x80  }
0x34d: {  	[sflag:s6] =	ssyncset.done $0x0  }
0x34e: {  	[sflag:s6] =	ssyncadd.s32 $0xFFFFFF80  }
0x34f: {  	_ =	swait.ge [sflag:s6], $0x80  }
0x350: {  	[sflag:s6] =	ssyncset.done $0x0  }
0x351: {  	[sflag:s6] =	ssyncadd.s32 $0xFFFFFF80  }
0x352: {  	_ =	swait.ge [sflag:s6], $0x80  }
0x353: {  	[sflag:s6] =	ssyncset.done $0x0  }
0x354: {  	[sflag:s6] =	ssyncadd.s32 $0xFFFFFF80  }
0x355: {  	_ =	swait.ge [sflag:s6], $0x80  }
0x356: {  	[sflag:s6] =	ssyncset.done $0x0  }
0x357: {  	[sflag:s6] =	ssyncadd.s32 $0xFFFFFF80  }
0x358: {  	_ =	swait.ge [sflag:s6], $0x80  }
0x359: {  	[sflag:s6] =	ssyncset.done $0x0  }
0x35a: {  	[sflag:s6] =	ssyncadd.s32 $0xFFFFFF80  }
0x35b: {  	_ =	swait.ge [sflag:s6], $0x80  }
0x35c: {  	[sflag:s6] =	ssyncset.done $0x0  }
0x35d: {  	[sflag:s6] =	ssyncadd.s32 $0xFFFFFF80  }
0x35e: {  	_ =	swait.ge [sflag:s6], $0x80  }
0x35f: {  	[sflag:s6] =	ssyncset.done $0x0  }
0x360: {  	[sflag:s6] =	ssyncadd.s32 $0xFFFFFF80  }
0x361: {  	_ =	swait.ge [sflag:s6], $0x80  }
0x362: {  	[sflag:s6] =	ssyncset.done $0x0  }
0x363: {  	[sflag:s6] =	ssyncadd.s32 $0xFFFFFF80  }
0x364: {  	_ =	swait.ge [sflag:s6], $0x80  }
0x365: {  	[sflag:s6] =	ssyncset.done $0x0  }
0x366: {  	[sflag:s6] =	ssyncadd.s32 $0xFFFFFF80  }
0x367: {  	_ =	swait.ge [sflag:s6], $0x80  }
0x368: {  	[sflag:s6] =	ssyncset.done $0x0  }
0x369: {  	[sflag:s6] =	ssyncadd.s32 $0xFFFFFF80  }
0x36a: {  	_ =	swait.ge [sflag:s6], $0x80  }
0x36b: {  	[sflag:s6] =	ssyncset.done $0x0  }
0x36c: {  	[sflag:s6] =	ssyncadd.s32 $0xFFFFFF80  }
0x36d: {  	_ =	swait.ge [sflag:s6], $0x80  }
0x36e: {  	[sflag:s6] =	ssyncset.done $0x0  }
0x36f: {  	[sflag:s6] =	ssyncadd.s32 $0xFFFFFF80  }
0x370: {  	_ =	swait.ge [sflag:s6], $0x80  }
0x371: {  	[sflag:s6] =	ssyncset.done $0x0  }
0x372: {  	[sflag:s6] =	ssyncadd.s32 $0xFFFFFF80  }
0x373: {  	_ =	swait.ge [sflag:s6], $0x80  }
0x374: {  	[sflag:s6] =	ssyncset.done $0x0  }
0x375: {  	[sflag:s6] =	ssyncadd.s32 $0xFFFFFF80  }
0x376: {  	_ =	swait.ge [sflag:s6], $0x80  }
0x377: {  	[sflag:s6] =	ssyncset.done $0x0  }
0x378: {  	[sflag:s6] =	ssyncadd.s32 $0xFFFFFF80  }
0x379: {  	_ =	swait.ge [sflag:s6], $0x80  }
0x37a: {  	[sflag:s6] =	ssyncset.done $0x0  }
0x37b: {  	[sflag:s6] =	ssyncadd.s32 $0xFFFFFF80  }
0x37c: {  	_ =	swait.ge [sflag:s6], $0x80  }
0x37d: {  	[sflag:s6] =	ssyncset.done $0x0  }
0x37e: {  	[sflag:s6] =	ssyncadd.s32 $0xFFFFFF80  }
0x37f: {  	_ =	swait.ge [sflag:s6], $0x80  }
0x380: {  	[sflag:s6] =	ssyncset.done $0x0  }
0x381: {  	[sflag:s6] =	ssyncadd.s32 $0xFFFFFF80  }
0x382: {  	_ =	swait.ge [sflag:s6], $0x80  }
0x383: {  	[sflag:s6] =	ssyncset.done $0x0  }
0x384: {  	[sflag:s6] =	ssyncadd.s32 $0xFFFFFF80  }
0x385: {  	_ =	swait.ge [sflag:s6], $0x80  }
0x386: {  	[sflag:s6] =	ssyncset.done $0x0  }
0x387: {  	[sflag:s6] =	ssyncadd.s32 $0xFFFFFF80  }
0x388: {  	_ =	swait.ge [sflag:s6], $0x80  }
0x389: {  	[sflag:s6] =	ssyncset.done $0x0  }
0x38a: {  	[sflag:s6] =	ssyncadd.s32 $0xFFFFFF80  }
0x38b: {  	_ =	swait.ge [sflag:s6], $0x80  }
0x38c: {  	[sflag:s6] =	ssyncset.done $0x0  }
0x38d: {  	[sflag:s6] =	ssyncadd.s32 $0xFFFFFF80  }
0x38e: {  	_ =	swait.ge [sflag:s6], $0x80  }
0x38f: {  	[sflag:s6] =	ssyncset.done $0x0  }
0x390: {  	[sflag:s6] =	ssyncadd.s32 $0xFFFFFF80  }
0x391: {  	_ =	swait.ge [sflag:s6], $0x80  }
0x392: {  	[sflag:s6] =	ssyncset.done $0x0  }
0x393: {  	[sflag:s6] =	ssyncadd.s32 $0xFFFFFF80  }
0x394: {  	_ =	swait.ge [sflag:s6], $0x80  }
0x395: {  	[sflag:s6] =	ssyncset.done $0x0  }
0x396: {  	[sflag:s6] =	ssyncadd.s32 $0xFFFFFF80  }
0x397: {  	_ =	swait.ge [sflag:s6], $0x80  }
0x398: {  	[sflag:s6] =	ssyncset.done $0x0  }
0x399: {  	[sflag:s6] =	ssyncadd.s32 $0xFFFFFF80  }
0x39a: {  	_ =	swait.ge [sflag:s6], $0x80  }
0x39b: {  	[sflag:s6] =	ssyncset.done $0x0  }
0x39c: {  	[sflag:s6] =	ssyncadd.s32 $0xFFFFFF80  }
0x39d: {  	_ =	swait.ge [sflag:s6], $0x80  }
0x39e: {  	[sflag:s6] =	ssyncset.done $0x0  }
0x39f: {  	[sflag:s6] =	ssyncadd.s32 $0xFFFFFF80  }
0x3a0: {  	_ =	swait.ge [sflag:s6], $0x80  }
0x3a1: {  	[sflag:s6] =	ssyncset.done $0x0  }
0x3a2: {  	[sflag:s6] =	ssyncadd.s32 $0xFFFFFF80  }
0x3a3: {  	_ =	swait.ge [sflag:s6], $0x80  }
0x3a4: {  	[sflag:s6] =	ssyncset.done $0x0  }
0x3a5: {  	[sflag:s6] =	ssyncadd.s32 $0xFFFFFF80  }
0x3a6: {  	_ =	swait.ge [sflag:s6], $0x80  }
0x3a7: {  	[sflag:s6] =	ssyncset.done $0x0  }
0x3a8: {  	[sflag:s6] =	ssyncadd.s32 $0xFFFFFF80  }
0x3a9: {  	_ =	swait.ge [sflag:s6], $0x80  }
0x3aa: {  	[sflag:s6] =	ssyncset.done $0x0  }
0x3ab: {  	[sflag:s6] =	ssyncadd.s32 $0xFFFFFF80  }
0x3ac: {  	_ =	swait.ge [sflag:s6], $0x80  }
0x3ad: {  	[sflag:s6] =	ssyncset.done $0x0  }
0x3ae: {  	[sflag:s6] =	ssyncadd.s32 $0xFFFFFF80  }
0x3af: {  	_ =	swait.ge [sflag:s6], $0x80  }
0x3b0: {  	[sflag:s6] =	ssyncset.done $0x0  }
0x3b1: {  	[sflag:s6] =	ssyncadd.s32 $0xFFFFFF80  }
0x3b2: {  	_ =	swait.ge [sflag:s6], $0x80  }
0x3b3: {  	[sflag:s6] =	ssyncset.done $0x0  }
0x3b4: {  	[sflag:s6] =	ssyncadd.s32 $0xFFFFFF80  }
0x3b5: {  	_ =	swait.ge [sflag:s6], $0x80  }
0x3b6: {  	[sflag:s6] =	ssyncset.done $0x0  }
0x3b7: {  	[sflag:s6] =	ssyncadd.s32 $0xFFFFFF80  }
0x3b8: {  	_ =	swait.ge [sflag:s6], $0x80  }
0x3b9: {  	[sflag:s6] =	ssyncset.done $0x0  }
0x3ba: {  	[sflag:s6] =	ssyncadd.s32 $0xFFFFFF80  }
0x3bb: {  	_ =	swait.ge [sflag:s6], $0x80  }
0x3bc: {  	[sflag:s6] =	ssyncset.done $0x0  }
0x3bd: {  	[sflag:s6] =	ssyncadd.s32 $0xFFFFFF80  }
0x3be: {  	_ =	swait.ge [sflag:s6], $0x80  }
0x3bf: {  	[sflag:s6] =	ssyncset.done $0x0  }
0x3c0: {  	[sflag:s6] =	ssyncadd.s32 $0xFFFFFF80  }
0x3c1: {  	_ =	swait.ge [sflag:s6], $0x80  }
0x3c2: {  	[sflag:s6] =	ssyncset.done $0x0  }
0x3c3: {  	[sflag:s6] =	ssyncadd.s32 $0xFFFFFF80  }
0x3c4: {  	_ =	swait.ge [sflag:s6], $0x80  }
0x3c5: {  	[sflag:s6] =	ssyncset.done $0x0  }
0x3c6: {  	[sflag:s6] =	ssyncadd.s32 $0xFFFFFF80  }
0x3c7: {  	_ =	swait.ge [sflag:s6], $0x80  }
0x3c8: {  	[sflag:s6] =	ssyncset.done $0x0  }
0x3c9: {  	[sflag:s6] =	ssyncadd.s32 $0xFFFFFF80  }
0x3ca: {  	_ =	swait.ge [sflag:s6], $0x80  }
0x3cb: {  	[sflag:s6] =	ssyncset.done $0x0  }
0x3cc: {  	[sflag:s6] =	ssyncadd.s32 $0xFFFFFF80  }
0x3cd: {  	_ =	swait.ge [sflag:s6], $0x80  }
0x3ce: {  	[sflag:s6] =	ssyncset.done $0x0  }
0x3cf: {  	[sflag:s6] =	ssyncadd.s32 $0xFFFFFF80  }
0x3d0: {  	_ =	swait.ge [sflag:s6], $0x80  }
0x3d1: {  	[sflag:s6] =	ssyncset.done $0x0  }
0x3d2: {  	[sflag:s6] =	ssyncadd.s32 $0xFFFFFF80  }
0x3d3: {  	_ =	swait.ge [sflag:s6], $0x80  }
0x3d4: {  	[sflag:s6] =	ssyncset.done $0x0  }
0x3d5: {  	[sflag:s6] =	ssyncadd.s32 $0xFFFFFF80  }
0x3d6: {  	_ =	swait.ge [sflag:s6], $0x80  }
0x3d7: {  	[sflag:s6] =	ssyncset.done $0x0  }
0x3d8: {  	[sflag:s6] =	ssyncadd.s32 $0xFFFFFF80  }
0x3d9: {  	_ =	swait.ge [sflag:s6], $0x80  }
0x3da: {  	[sflag:s6] =	ssyncset.done $0x0  }
0x3db: {  	[sflag:s6] =	ssyncadd.s32 $0xFFFFFF80  }
0x3dc: {  	_ =	swait.ge [sflag:s6], $0x80  }
0x3dd: {  	[sflag:s6] =	ssyncset.done $0x0  }
0x3de: {  	[sflag:s6] =	ssyncadd.s32 $0xFFFFFF80  }
0x3df: {  	_ =	swait.ge [sflag:s6], $0x80  }
0x3e0: {  	[sflag:s6] =	ssyncset.done $0x0  }
0x3e1: {  	[sflag:s6] =	ssyncadd.s32 $0xFFFFFF80  }
0x3e2: {  	_ =	swait.ge [sflag:s6], $0x80  }
0x3e3: {  	[sflag:s6] =	ssyncset.done $0x0  }
0x3e4: {  	[sflag:s6] =	ssyncadd.s32 $0xFFFFFF80  }
0x3e5: {  	_ =	swait.ge [sflag:s6], $0x80  }
0x3e6: {  	[sflag:s6] =	ssyncset.done $0x0  }
0x3e7: {  	[sflag:s6] =	ssyncadd.s32 $0xFFFFFF80  }
0x3e8: {  	_ =	swait.ge [sflag:s6], $0x80  }
0x3e9: {  	[sflag:s6] =	ssyncset.done $0x0  }
0x3ea: {  	[sflag:s6] =	ssyncadd.s32 $0xFFFFFF80  }
0x3eb: {  	_ =	swait.ge [sflag:s6], $0x80  }
0x3ec: {  	[sflag:s6] =	ssyncset.done $0x0  }
0x3ed: {  	[sflag:s6] =	ssyncadd.s32 $0xFFFFFF80  }
0x3ee: {  	_ =	swait.ge [sflag:s6], $0x80  }
0x3ef: {  	[sflag:s6] =	ssyncset.done $0x0  }
0x3f0: {  	[sflag:s6] =	ssyncadd.s32 $0xFFFFFF80  }
0x3f1: {  	_ =	swait.ge [sflag:s6], $0x80  }
0x3f2: {  	[sflag:s6] =	ssyncset.done $0x0  }
0x3f3: {  	[sflag:s6] =	ssyncadd.s32 $0xFFFFFF80  }
0x3f4: {  	_ =	swait.ge [sflag:s6], $0x80  }
0x3f5: {  	[sflag:s6] =	ssyncset.done $0x0  }
0x3f6: {  	[sflag:s6] =	ssyncadd.s32 $0xFFFFFF80  }
0x3f7: {  	_ =	swait.ge [sflag:s6], $0x80  }
0x3f8: {  	[sflag:s6] =	ssyncset.done $0x0  }
0x3f9: {  	[sflag:s6] =	ssyncadd.s32 $0xFFFFFF80  }
0x3fa: {  	_ =	swait.ge [sflag:s6], $0x80  }
0x3fb: {  	[sflag:s6] =	ssyncset.done $0x0  }
0x3fc: {  	[sflag:s6] =	ssyncadd.s32 $0xFFFFFF80  }
0x3fd: {  	_ =	swait.ge [sflag:s6], $0x80  }
0x3fe: {  	[sflag:s6] =	ssyncset.done $0x0  }
0x3ff: {  	[sflag:s6] =	ssyncadd.s32 $0xFFFFFF80  }
0x400: {  	_ =	swait.ge [sflag:s6], $0x80  }
0x401: {  	[sflag:s6] =	ssyncset.done $0x0  }
0x402: {  	[sflag:s6] =	ssyncadd.s32 $0xFFFFFF80  }
0x403: {  	_ =	swait.ge [sflag:s6], $0x80  }
0x404: {  	[sflag:s6] =	ssyncset.done $0x0  }
0x405: {  	[sflag:s6] =	ssyncadd.s32 $0xFFFFFF80  }
0x406: {  	_ =	swait.ge [sflag:s6], $0x80  }
0x407: {  	[sflag:s6] =	ssyncset.done $0x0  }
0x408: {  	[sflag:s6] =	ssyncadd.s32 $0xFFFFFF80  }
0x409: {  	_ =	swait.ge [sflag:s6], $0x80  }
0x40a: {  	[sflag:s6] =	ssyncset.done $0x0  }
0x40b: {  	[sflag:s6] =	ssyncadd.s32 $0xFFFFFF80  }
0x40c: {  	_ =	swait.ge [sflag:s6], $0x80  }
0x40d: {  	[sflag:s6] =	ssyncset.done $0x0  }
0x40e: {  	[sflag:s6] =	ssyncadd.s32 $0xFFFFFF80  }
0x40f: {  	_ =	swait.ge [sflag:s6], $0x80  }
0x410: {  	[sflag:s6] =	ssyncset.done $0x0  }
0x411: {  	[sflag:s6] =	ssyncadd.s32 $0xFFFFFF80  }
0x412: {  	_ =	swait.ge [sflag:s6], $0x80  }
0x413: {  	[sflag:s6] =	ssyncset.done $0x0  }
0x414: {  	[sflag:s6] =	ssyncadd.s32 $0xFFFFFF80  }
0x415: {  	_ =	swait.ge [sflag:s6], $0x80  }
0x416: {  	[sflag:s6] =	ssyncset.done $0x0  }
0x417: {  	[sflag:s6] =	ssyncadd.s32 $0xFFFFFF80  }
0x418: {  	_ =	swait.ge [sflag:s6], $0x80  }
0x419: {  	[sflag:s6] =	ssyncset.done $0x0  }
0x41a: {  	[sflag:s6] =	ssyncadd.s32 $0xFFFFFF80  }
0x41b: {  	_ =	swait.ge [sflag:s6], $0x80  }
0x41c: {  	[sflag:s6] =	ssyncset.done $0x0  }
0x41d: {  	[sflag:s6] =	ssyncadd.s32 $0xFFFFFF80  }
0x41e: {  	_ =	swait.ge [sflag:s6], $0x80  }
0x41f: {  	[sflag:s6] =	ssyncset.done $0x0  }
0x420: {  	[sflag:s6] =	ssyncadd.s32 $0xFFFFFF80  }
0x421: {  	_ =	swait.ge [sflag:s6], $0x80  }
0x422: {  	[sflag:s6] =	ssyncset.done $0x0  }
0x423: {  	[sflag:s6] =	ssyncadd.s32 $0xFFFFFF80  }
0x424: {  	_ =	swait.ge [sflag:s6], $0x80  }
0x425: {  	[sflag:s6] =	ssyncset.done $0x0  }
0x426: {  	[sflag:s6] =	ssyncadd.s32 $0xFFFFFF80  }
0x427: {  	_ =	swait.ge [sflag:s6], $0x80  }
0x428: {  	[sflag:s6] =	ssyncset.done $0x0  }
0x429: {  	[sflag:s6] =	ssyncadd.s32 $0xFFFFFF80  }
0x42a: {  	_ =	swait.ge [sflag:s6], $0x80  }
0x42b: {  	[sflag:s6] =	ssyncset.done $0x0  }
0x42c: {  	[sflag:s6] =	ssyncadd.s32 $0xFFFFFF80  }
0x42d: {  	_ =	swait.ge [sflag:s6], $0x80  }
0x42e: {  	[sflag:s6] =	ssyncset.done $0x0  }
0x42f: {  	[sflag:s6] =	ssyncadd.s32 $0xFFFFFF80  }
0x430: {  	_ =	swait.ge [sflag:s6], $0x80  }
0x431: {  	[sflag:s6] =	ssyncset.done $0x0  }
0x432: {  	[sflag:s6] =	ssyncadd.s32 $0xFFFFFF80  }
0x433: {  	_ =	swait.ge [sflag:s6], $0x80  }
0x434: {  	[sflag:s6] =	ssyncset.done $0x0  }
0x435: {  	[sflag:s6] =	ssyncadd.s32 $0xFFFFFF80  }
0x436: {  	_ =	swait.ge [sflag:s6], $0x80  }
0x437: {  	[sflag:s6] =	ssyncset.done $0x0  }
0x438: {  	[sflag:s6] =	ssyncadd.s32 $0xFFFFFF80  }
0x439: {  	_ =	swait.ge [sflag:s6], $0x80  }
0x43a: {  	[sflag:s6] =	ssyncset.done $0x0  }
0x43b: {  	[sflag:s6] =	ssyncadd.s32 $0xFFFFFF80  }
0x43c: {  	[bflag:$0x0] =	sbarrier.arrive $0xFFFF  }
0x43d: {  	s3 =	sld [smem:$0x7F9];
	_ =	sdelay $0x1  }
0x43e: {  	s4 =	rddreg [dreg:$0xd]  }
0x43f: {  	[hbm:s4], [sflag:s1] =	dma.local @!p0 [spmem:s3], $0x300  }
0x440: {  	_ =	swait.ge @!p0 [sflag:s0], $0x300  }
0x441: {  	s3 =	sld [smem:$0x7FA]  }
0x442: {  	[sflag:s0] =	ssyncset.done @!p0 $0x0  }
0x443: {  	s4 =	rddreg [dreg:$0xe];
	[sflag:s0] =	ssyncadd.s32 @!p0 $0xFFFFFD00  }
0x444: {  	[hbm:s4], [sflag:s1] =	dma.local @!p0 [spmem:s3], $0x300  }
0x445: {  	_ =	swait.ge @!p0 [sflag:s0], $0x300  }
0x446: {  	s3 =	sld [smem:$0x7FB]  }
0x447: {  	[sflag:s0] =	ssyncset.done @!p0 $0x0  }
0x448: {  	s4 =	rddreg [dreg:$0xf];
	[sflag:s0] =	ssyncadd.s32 @!p0 $0xFFFFFD00  }
0x449: {  	[hbm:s4], [sflag:s1] =	dma.local @!p0 [spmem:s3], $0x300  }
0x44a: {  	_ =	swait.ge @!p0 [sflag:s0], $0x300  }
0x44b: {  	s3 =	sld [smem:$0x7FC]  }
0x44c: {  	[sflag:s0] =	ssyncset.done @!p0 $0x0  }
0x44d: {  	s4 =	rddreg [dreg:$0x10];
	[sflag:s0] =	ssyncadd.s32 @!p0 $0xFFFFFD00  }
0x44e: {  	[hbm:s4], [sflag:s1] =	dma.local @!p0 [spmem:s3], $0x300  }
0x44f: {  	s2 =	sadd.s32 $0xFFFFFFFF, s2;
	_ =	swait.ge @!p0 [sflag:s0], $0x300  }
0x450: {  	p2 =	sne.s32 s2, $0x0;
	s3 =	sld [smem:$0x7FD]  }
.Ltmp2:
0x451: {  	[sflag:s0] =	ssyncset.done @!p0 $0x0;
	(pc) =	sbr.rel @p2 .LBB2_4-.Ltmp2, $4  }
0x452: {  	s4 =	rddreg [dreg:$0x11];
	[sflag:s0] =	ssyncadd.s32 @!p0 $0xFFFFFD00  }
0x453: {  	[hbm:s4], [sflag:s1] =	dma.local @!p0 [spmem:s3], $0x300  }
0x454: {  	_ =	swait.ge @!p0 [sflag:s0], $0x300  }
0x455: {  	s4 =	rddreg [dreg:$0x7];
	[sflag:s0] =	ssyncset.done @!p0 $0x0  }
0x456: {  	s2 =	sld [smem:$0x7F9]  }
0x457: {  	s14 =	rddreg [dreg:$0x6]  }
.LBB2_6:
0x458: {  	p1 =	por p0, !p1  }
0x459: {  	[sflag:s0] =	ssyncadd.s32 @!p1 $0xFFFFFD00  }
0x45a: {  	[tilespmem:s12], [sflag:$0x2] =	stream.linear.gather [hbm4b:s4+s12], $0x900, $0x38;
	[tilespmem:$0x4F80] =	vst v63  }
0x45b: {  	_ =	swait.ge [sflag:s31], $0x900  }
0x45c: {  	[sflag:s31] =	ssyncset.done $0x0  }
0x45d: {  	s1 =	simm.s32 $0xC00;
	s20 =	rddreg [dreg:$0x8];
	[sflag:s31] =	ssyncadd.s32 $0xFFFFF700  }
0x45e: {  	[tilespmem:s1], [sflag:$0x2] =	stream.linear.gather [hbm4b:s20+s12], $0x900, $0x38;
	[tilespmem:$0x4F80] =	vst v63  }
0x45f: {  	_ =	swait.ge [sflag:s31], $0x900  }
0x460: {  	[sflag:s31] =	ssyncset.done $0x0  }
0x461: {  	s3 =	simm.s32 $0x1800;
	s21 =	rddreg [dreg:$0x9];
	[sflag:s31] =	ssyncadd.s32 $0xFFFFF700  }
0x462: {  	[tilespmem:s3], [sflag:$0x2] =	stream.linear.gather [hbm4b:s21+s12], $0x900, $0x38;
	[tilespmem:$0x4F80] =	vst v63  }
0x463: {  	_ =	swait.ge [sflag:s31], $0x900  }
0x464: {  	[sflag:s31] =	ssyncset.done $0x0  }
0x465: {  	s23 =	simm.s32 $0x2400;
	s22 =	rddreg [dreg:$0xa];
	[sflag:s31] =	ssyncadd.s32 $0xFFFFF700  }
0x466: {  	[tilespmem:s23], [sflag:$0x2] =	stream.linear.gather [hbm4b:s22+s12], $0x900, $0x38;
	[tilespmem:$0x4F80] =	vst v63  }
0x467: {  	_ =	swait.ge [sflag:s31], $0x900  }
0x468: {  	[sflag:s31] =	ssyncset.done $0x0  }
0x469: {  	s15 =	simm.s32 $0x3000;
	s24 =	rddreg [dreg:$0xb];
	[sflag:s31] =	ssyncadd.s32 $0xFFFFF700  }
0x46a: {  	[tilespmem:s15], [sflag:$0x2] =	stream.linear.gather [hbm4b:s24+s12], $0x900, $0x38;
	[tilespmem:$0x4F80] =	vst v63  }
0x46b: {  	_ =	swait.ge [sflag:s31], $0x900  }
0x46c: {  	[sflag:s31] =	ssyncset.done $0x0  }
0x46d: {  	s25 =	rddreg [dreg:$0xc];
	[sflag:s31] =	ssyncadd.s32 $0xFFFFF700  }
0x46e: {  	[tilespmem:s5], [sflag:$0x2] =	stream.linear.gather [hbm4b:s25+s12], $0x900, $0x38;
	[tilespmem:$0x4F80] =	vst v63  }
0x46f: {  	_ =	swait.ge [sflag:s31], $0x900  }
0x470: {  	[sflag:s31] =	ssyncset.done $0x0  }
0x471: {  	[sflag:s31] =	ssyncadd.s32 $0xFFFFF700  }
0x472: {  	[spmem:s7] =	stream.indirect.scatter [tilespmem:s12], [sflag:$0x1], $0x1, s5, s13, $0xb8;
	[tilespmem:$0x4F80] =	vst v63  }
0x473: {  	_ = 	snop  }
0x474: {  	[spmem:s8] =	stream.indirect.scatter [tilespmem:s1], [sflag:$0x1], $0x1, s5, s13, $0xb8;
	[tilespmem:$0x4F80] =	vst v63  }
0x475: {  	_ = 	snop  }
0x476: {  	[spmem:s9] =	stream.indirect.scatter [tilespmem:s3], [sflag:$0x1], $0x1, s5, s13, $0xb8;
	[tilespmem:$0x4F80] =	vst v63  }
0x477: {  	_ = 	snop  }
0x478: {  	[spmem:s10] =	stream.indirect.scatter [tilespmem:s23], [sflag:$0x1], $0x1, s5, s13, $0xb8;
	[tilespmem:$0x4F80] =	vst v63  }
0x479: {  	_ = 	snop  }
0x47a: {  	[spmem:s11] =	stream.indirect.scatter [tilespmem:s15], [sflag:$0x1], $0x1, s5, s13, $0xb8;
	[tilespmem:$0x4F80] =	vst v63  }
0x47b: {  	s28 =	simm.s32 $0x3C80;
	s26 =	rddreg [dreg:$0x12]  }
0x47c: {  	[spmem:s7] =	stream.indirect.scatter [tilespmem:s13], [sflag:$0x1], $0x1, s28, s13, $0xb8;
	[tilespmem:$0x4F80] =	vst v63  }
0x47d: {  	s29 =	rddreg [dreg:$0x13]  }
0x47e: {  	[spmem:s8] =	stream.indirect.scatter [tilespmem:s26], [sflag:$0x1], $0x1, s28, s13, $0xb8;
	[tilespmem:$0x4F80] =	vst v63  }
0x47f: {  	s30 =	rddreg [dreg:$0x14]  }
0x480: {  	[spmem:s9] =	stream.indirect.scatter [tilespmem:s29], [sflag:$0x1], $0x1, s28, s13, $0xb8;
	[tilespmem:$0x4F80] =	vst v63  }
0x481: {  	s4 =	rddreg [dreg:$0x16]  }
0x482: {  	[spmem:s10] =	stream.indirect.scatter [tilespmem:s30], [sflag:$0x1], $0x1, s28, s13, $0xb8;
	[tilespmem:$0x4F80] =	vst v63  }
0x483: {  	s31 =	rddreg [dreg:$0x15]  }
0x484: {  	[spmem:s11] =	stream.indirect.scatter [tilespmem:s31], [sflag:$0x1], $0x1, s28, s13, $0xb8;
	[tilespmem:$0x4F80] =	vst v63  }
0x485: {  	s16 =	rddreg [dreg:$0x19];
	s12 =	simm.s32 $0x3D00  }
0x486: {  	[spmem:s7] =	stream.indirect.scatter [tilespmem:s4], [sflag:$0x1], $0x1, s12, s13, $0xb8;
	[tilespmem:$0x4F80] =	vst v63  }
0x487: {  	s5 =	rddreg [dreg:$0x17]  }
0x488: {  	[spmem:s8] =	stream.indirect.scatter [tilespmem:s5], [sflag:$0x1], $0x1, s12, s13, $0xb8;
	[tilespmem:$0x4F80] =	vst v63  }
0x489: {  	s15 =	rddreg [dreg:$0x18]  }
0x48a: {  	[spmem:s9] =	stream.indirect.scatter [tilespmem:s15], [sflag:$0x1], $0x1, s12, s13, $0xb8;
	[tilespmem:$0x4F80] =	vst v63  }
0x48b: {  	s17 =	rddreg [dreg:$0x1a]  }
0x48c: {  	[spmem:s10] =	stream.indirect.scatter [tilespmem:s16], [sflag:$0x1], $0x1, s12, s13, $0xb8;
	[tilespmem:$0x4F80] =	vst v63  }
0x48d: {  	s18 =	rddreg [dreg:$0x1b]  }
0x48e: {  	[spmem:s11] =	stream.indirect.scatter [tilespmem:s17], [sflag:$0x1], $0x1, s12, s13, $0xb8;
	[tilespmem:$0x4F80] =	vst v63  }
0x48f: {  	s20 =	simm.s32 $0x3D80;
	s19 =	rddreg [dreg:$0x1c]  }
0x490: {  	[spmem:s7] =	stream.indirect.scatter [tilespmem:s18], [sflag:$0x1], $0x1, s20, s13, $0xb8;
	[tilespmem:$0x4F80] =	vst v63  }
0x491: {  	s21 =	rddreg [dreg:$0x1d]  }
0x492: {  	[spmem:s8] =	stream.indirect.scatter [tilespmem:s19], [sflag:$0x1], $0x1, s20, s13, $0xb8;
	[tilespmem:$0x4F80] =	vst v63  }
0x493: {  	s22 =	rddreg [dreg:$0x1e]  }
0x494: {  	[spmem:s9] =	stream.indirect.scatter [tilespmem:s21], [sflag:$0x1], $0x1, s20, s13, $0xb8;
	[tilespmem:$0x4F80] =	vst v63  }
0x495: {  	s24 =	sld [smem:$0x7B3]  }
0x496: {  	[spmem:s10] =	stream.indirect.scatter [tilespmem:s22], [sflag:$0x1], $0x1, s20, s13, $0xb8;
	[tilespmem:$0x4F80] =	vst v63  }
0x497: {  	s23 =	rddreg [dreg:$0x1f]  }
0x498: {  	[spmem:s11] =	stream.indirect.scatter [tilespmem:s23], [sflag:$0x1], $0x1, s20, s13, $0xb8;
	[tilespmem:$0x4F80] =	vst v63  }
0x499: {  	s25 =	sld [smem:$0x7B4];
	s26 =	simm.s32 $0x3E00  }
0x49a: {  	[spmem:s7] =	stream.indirect.scatter [tilespmem:s24], [sflag:$0x1], $0x1, s26, s13, $0xb8;
	[tilespmem:$0x4F80] =	vst v63  }
0x49b: {  	s28 =	sld [smem:$0x7B5]  }
0x49c: {  	[spmem:s8] =	stream.indirect.scatter [tilespmem:s25], [sflag:$0x1], $0x1, s26, s13, $0xb8;
	[tilespmem:$0x4F80] =	vst v63  }
0x49d: {  	s29 =	sld [smem:$0x7B6]  }
0x49e: {  	[spmem:s9] =	stream.indirect.scatter [tilespmem:s28], [sflag:$0x1], $0x1, s26, s13, $0xb8;
	[tilespmem:$0x4F80] =	vst v63  }
0x49f: {  	s30 =	sld [smem:$0x7B7]  }
0x4a0: {  	[spmem:s10] =	stream.indirect.scatter [tilespmem:s29], [sflag:$0x1], $0x1, s26, s13, $0xb8;
	[tilespmem:$0x4F80] =	vst v63  }
0x4a1: {  	s31 =	sld [smem:$0x7B8]  }
0x4a2: {  	[spmem:s11] =	stream.indirect.scatter [tilespmem:s30], [sflag:$0x1], $0x1, s26, s13, $0xb8;
	[tilespmem:$0x4F80] =	vst v63  }
0x4a3: {  	s3 =	sld [smem:$0x7B9];
	s4 =	simm.s32 $0x3E80  }
0x4a4: {  	[spmem:s7] =	stream.indirect.scatter [tilespmem:s31], [sflag:$0x1], $0x1, s4, s13, $0xb8;
	[tilespmem:$0x4F80] =	vst v63  }
0x4a5: {  	s5 =	sld [smem:$0x7BA]  }
0x4a6: {  	[spmem:s8] =	stream.indirect.scatter [tilespmem:s3], [sflag:$0x1], $0x1, s4, s13, $0xb8;
	[tilespmem:$0x4F80] =	vst v63  }
0x4a7: {  	s12 =	sld [smem:$0x7BB]  }
0x4a8: {  	[spmem:s9] =	stream.indirect.scatter [tilespmem:s5], [sflag:$0x1], $0x1, s4, s13, $0xb8;
	[tilespmem:$0x4F80] =	vst v63  }
0x4a9: {  	s15 =	sld [smem:$0x7BC]  }
0x4aa: {  	[spmem:s10] =	stream.indirect.scatter [tilespmem:s12], [sflag:$0x1], $0x1, s4, s13, $0xb8;
	[tilespmem:$0x4F80] =	vst v63  }
0x4ab: {  	s16 =	sld [smem:$0x7BD]  }
0x4ac: {  	[spmem:s11] =	stream.indirect.scatter [tilespmem:s15], [sflag:$0x1], $0x1, s4, s13, $0xb8;
	[tilespmem:$0x4F80] =	vst v63  }
0x4ad: {  	s17 =	sld [smem:$0x7BE];
	s18 =	simm.s32 $0x3F00  }
0x4ae: {  	[spmem:s7] =	stream.indirect.scatter [tilespmem:s16], [sflag:$0x1], $0x1, s18, s13, $0xb8;
	[tilespmem:$0x4F80] =	vst v63  }
0x4af: {  	s19 =	sld [smem:$0x7BF]  }
0x4b0: {  	[spmem:s8] =	stream.indirect.scatter [tilespmem:s17], [sflag:$0x1], $0x1, s18, s13, $0xb8;
	[tilespmem:$0x4F80] =	vst v63  }
0x4b1: {  	s20 =	sld [smem:$0x7C0]  }
0x4b2: {  	[spmem:s9] =	stream.indirect.scatter [tilespmem:s19], [sflag:$0x1], $0x1, s18, s13, $0xb8;
	[tilespmem:$0x4F80] =	vst v63  }
0x4b3: {  	s21 =	sld [smem:$0x7C1]  }
0x4b4: {  	[spmem:s10] =	stream.indirect.scatter [tilespmem:s20], [sflag:$0x1], $0x1, s18, s13, $0xb8;
	[tilespmem:$0x4F80] =	vst v63  }
0x4b5: {  	s22 =	sld [smem:$0x7C2]  }
0x4b6: {  	[spmem:s11] =	stream.indirect.scatter [tilespmem:s21], [sflag:$0x1], $0x1, s18, s13, $0xb8;
	[tilespmem:$0x4F80] =	vst v63  }
0x4b7: {  	s23 =	sld [smem:$0x7C3];
	s24 =	simm.s32 $0x3F80  }
0x4b8: {  	[spmem:s7] =	stream.indirect.scatter [tilespmem:s22], [sflag:$0x1], $0x1, s24, s13, $0xb8;
	[tilespmem:$0x4F80] =	vst v63  }
0x4b9: {  	s25 =	sld [smem:$0x7C4]  }
0x4ba: {  	[spmem:s8] =	stream.indirect.scatter [tilespmem:s23], [sflag:$0x1], $0x1, s24, s13, $0xb8;
	[tilespmem:$0x4F80] =	vst v63  }
0x4bb: {  	s26 =	sld [smem:$0x7C5]  }
0x4bc: {  	[spmem:s9] =	stream.indirect.scatter [tilespmem:s25], [sflag:$0x1], $0x1, s24, s13, $0xb8;
	[tilespmem:$0x4F80] =	vst v63  }
0x4bd: {  	s28 =	sld [smem:$0x7C6]  }
0x4be: {  	[spmem:s10] =	stream.indirect.scatter [tilespmem:s26], [sflag:$0x1], $0x1, s24, s13, $0xb8;
	[tilespmem:$0x4F80] =	vst v63  }
0x4bf: {  	s29 =	sld [smem:$0x7C7]  }
0x4c0: {  	[spmem:s11] =	stream.indirect.scatter [tilespmem:s28], [sflag:$0x1], $0x1, s24, s13, $0xb8;
	[tilespmem:$0x4F80] =	vst v63  }
0x4c1: {  	s30 =	sld [smem:$0x7C8];
	s31 =	simm.s32 $0x4000  }
0x4c2: {  	[spmem:s7] =	stream.indirect.scatter [tilespmem:s29], [sflag:$0x1], $0x1, s31, s13, $0xb8;
	[tilespmem:$0x4F80] =	vst v63  }
0x4c3: {  	s4 =	sld [smem:$0x7C9]  }
0x4c4: {  	[spmem:s8] =	stream.indirect.scatter [tilespmem:s30], [sflag:$0x1], $0x1, s31, s13, $0xb8;
	[tilespmem:$0x4F80] =	vst v63  }
0x4c5: {  	s5 =	sld [smem:$0x7CA]  }
0x4c6: {  	[spmem:s9] =	stream.indirect.scatter [tilespmem:s4], [sflag:$0x1], $0x1, s31, s13, $0xb8;
	[tilespmem:$0x4F80] =	vst v63  }
0x4c7: {  	s12 =	sld [smem:$0x7CB]  }
0x4c8: {  	[spmem:s10] =	stream.indirect.scatter [tilespmem:s5], [sflag:$0x1], $0x1, s31, s13, $0xb8;
	[tilespmem:$0x4F80] =	vst v63  }
0x4c9: {  	s15 =	sld [smem:$0x7CC]  }
0x4ca: {  	[spmem:s11] =	stream.indirect.scatter [tilespmem:s12], [sflag:$0x1], $0x1, s31, s13, $0xb8;
	[tilespmem:$0x4F80] =	vst v63  }
0x4cb: {  	s16 =	sld [smem:$0x7CD];
	s17 =	simm.s32 $0x4080  }
0x4cc: {  	[spmem:s7] =	stream.indirect.scatter [tilespmem:s15], [sflag:$0x1], $0x1, s17, s13, $0xb8;
	[tilespmem:$0x4F80] =	vst v63  }
0x4cd: {  	s18 =	sld [smem:$0x7CE]  }
0x4ce: {  	[spmem:s8] =	stream.indirect.scatter [tilespmem:s16], [sflag:$0x1], $0x1, s17, s13, $0xb8;
	[tilespmem:$0x4F80] =	vst v63  }
0x4cf: {  	s19 =	sld [smem:$0x7CF]  }
0x4d0: {  	[spmem:s9] =	stream.indirect.scatter [tilespmem:s18], [sflag:$0x1], $0x1, s17, s13, $0xb8;
	[tilespmem:$0x4F80] =	vst v63  }
0x4d1: {  	s20 =	sld [smem:$0x7D0]  }
0x4d2: {  	[spmem:s10] =	stream.indirect.scatter [tilespmem:s19], [sflag:$0x1], $0x1, s17, s13, $0xb8;
	[tilespmem:$0x4F80] =	vst v63  }
0x4d3: {  	s21 =	sld [smem:$0x7D1]  }
0x4d4: {  	[spmem:s11] =	stream.indirect.scatter [tilespmem:s20], [sflag:$0x1], $0x1, s17, s13, $0xb8;
	[tilespmem:$0x4F80] =	vst v63  }
0x4d5: {  	s22 =	sld [smem:$0x7D2];
	s23 =	simm.s32 $0x4100  }
0x4d6: {  	[spmem:s7] =	stream.indirect.scatter [tilespmem:s21], [sflag:$0x1], $0x1, s23, s13, $0xb8;
	[tilespmem:$0x4F80] =	vst v63  }
0x4d7: {  	s24 =	sld [smem:$0x7D3]  }
0x4d8: {  	[spmem:s8] =	stream.indirect.scatter [tilespmem:s22], [sflag:$0x1], $0x1, s23, s13, $0xb8;
	[tilespmem:$0x4F80] =	vst v63  }
0x4d9: {  	s25 =	sld [smem:$0x7D4]  }
0x4da: {  	[spmem:s9] =	stream.indirect.scatter [tilespmem:s24], [sflag:$0x1], $0x1, s23, s13, $0xb8;
	[tilespmem:$0x4F80] =	vst v63  }
0x4db: {  	s26 =	sld [smem:$0x7D5]  }
0x4dc: {  	[spmem:s10] =	stream.indirect.scatter [tilespmem:s25], [sflag:$0x1], $0x1, s23, s13, $0xb8;
	[tilespmem:$0x4F80] =	vst v63  }
0x4dd: {  	s28 =	sld [smem:$0x7D6]  }
0x4de: {  	[spmem:s11] =	stream.indirect.scatter [tilespmem:s26], [sflag:$0x1], $0x1, s23, s13, $0xb8;
	[tilespmem:$0x4F80] =	vst v63  }
0x4df: {  	s29 =	sld [smem:$0x7D7];
	s30 =	simm.s32 $0x4180  }
0x4e0: {  	[spmem:s7] =	stream.indirect.scatter [tilespmem:s28], [sflag:$0x1], $0x1, s30, s13, $0xb8;
	[tilespmem:$0x4F80] =	vst v63  }
0x4e1: {  	s31 =	sld [smem:$0x7D8]  }
0x4e2: {  	[spmem:s8] =	stream.indirect.scatter [tilespmem:s29], [sflag:$0x1], $0x1, s30, s13, $0xb8;
	[tilespmem:$0x4F80] =	vst v63  }
0x4e3: {  	s4 =	sld [smem:$0x7D9]  }
0x4e4: {  	[spmem:s9] =	stream.indirect.scatter [tilespmem:s31], [sflag:$0x1], $0x1, s30, s13, $0xb8;
	[tilespmem:$0x4F80] =	vst v63  }
0x4e5: {  	s5 =	sld [smem:$0x7DA]  }
0x4e6: {  	[spmem:s10] =	stream.indirect.scatter [tilespmem:s4], [sflag:$0x1], $0x1, s30, s13, $0xb8;
	[tilespmem:$0x4F80] =	vst v63  }
0x4e7: {  	s12 =	sld [smem:$0x7DB]  }
0x4e8: {  	[spmem:s11] =	stream.indirect.scatter [tilespmem:s5], [sflag:$0x1], $0x1, s30, s13, $0xb8;
	[tilespmem:$0x4F80] =	vst v63  }
0x4e9: {  	s15 =	sld [smem:$0x7DC];
	s16 =	simm.s32 $0x4200  }
0x4ea: {  	[spmem:s7] =	stream.indirect.scatter [tilespmem:s12], [sflag:$0x1], $0x1, s16, s13, $0xb8;
	[tilespmem:$0x4F80] =	vst v63  }
0x4eb: {  	s17 =	sld [smem:$0x7DD]  }
0x4ec: {  	[spmem:s8] =	stream.indirect.scatter [tilespmem:s15], [sflag:$0x1], $0x1, s16, s13, $0xb8;
	[tilespmem:$0x4F80] =	vst v63  }
0x4ed: {  	s18 =	sld [smem:$0x7DE]  }
0x4ee: {  	[spmem:s9] =	stream.indirect.scatter [tilespmem:s17], [sflag:$0x1], $0x1, s16, s13, $0xb8;
	[tilespmem:$0x4F80] =	vst v63  }
0x4ef: {  	s19 =	sld [smem:$0x7DF]  }
0x4f0: {  	[spmem:s10] =	stream.indirect.scatter [tilespmem:s18], [sflag:$0x1], $0x1, s16, s13, $0xb8;
	[tilespmem:$0x4F80] =	vst v63  }
0x4f1: {  	s20 =	sld [smem:$0x7E0]  }
0x4f2: {  	[spmem:s11] =	stream.indirect.scatter [tilespmem:s19], [sflag:$0x1], $0x1, s16, s13, $0xb8;
	[tilespmem:$0x4F80] =	vst v63  }
0x4f3: {  	s21 =	sld [smem:$0x7E1];
	s22 =	simm.s32 $0x4280  }
0x4f4: {  	[spmem:s7] =	stream.indirect.scatter [tilespmem:s20], [sflag:$0x1], $0x1, s22, s13, $0xb8;
	[tilespmem:$0x4F80] =	vst v63  }
0x4f5: {  	s23 =	sld [smem:$0x7E2]  }
0x4f6: {  	[spmem:s8] =	stream.indirect.scatter [tilespmem:s21], [sflag:$0x1], $0x1, s22, s13, $0xb8;
	[tilespmem:$0x4F80] =	vst v63  }
0x4f7: {  	s24 =	sld [smem:$0x7E3]  }
0x4f8: {  	[spmem:s9] =	stream.indirect.scatter [tilespmem:s23], [sflag:$0x1], $0x1, s22, s13, $0xb8;
	[tilespmem:$0x4F80] =	vst v63  }
0x4f9: {  	s25 =	sld [smem:$0x7E4]  }
0x4fa: {  	[spmem:s10] =	stream.indirect.scatter [tilespmem:s24], [sflag:$0x1], $0x1, s22, s13, $0xb8;
	[tilespmem:$0x4F80] =	vst v63  }
0x4fb: {  	s26 =	sld [smem:$0x7E5]  }
0x4fc: {  	[spmem:s11] =	stream.indirect.scatter [tilespmem:s25], [sflag:$0x1], $0x1, s22, s13, $0xb8;
	[tilespmem:$0x4F80] =	vst v63  }
0x4fd: {  	s28 =	sld [smem:$0x7E6];
	s29 =	simm.s32 $0x4300  }
0x4fe: {  	[spmem:s7] =	stream.indirect.scatter [tilespmem:s26], [sflag:$0x1], $0x1, s29, s13, $0xb8;
	[tilespmem:$0x4F80] =	vst v63  }
0x4ff: {  	s30 =	sld [smem:$0x7E7]  }
0x500: {  	[spmem:s8] =	stream.indirect.scatter [tilespmem:s28], [sflag:$0x1], $0x1, s29, s13, $0xb8;
	[tilespmem:$0x4F80] =	vst v63  }
0x501: {  	s31 =	sld [smem:$0x7E8]  }
0x502: {  	[spmem:s9] =	stream.indirect.scatter [tilespmem:s30], [sflag:$0x1], $0x1, s29, s13, $0xb8;
	[tilespmem:$0x4F80] =	vst v63  }
0x503: {  	s4 =	sld [smem:$0x7E9]  }
0x504: {  	[spmem:s10] =	stream.indirect.scatter [tilespmem:s31], [sflag:$0x1], $0x1, s29, s13, $0xb8;
	[tilespmem:$0x4F80] =	vst v63  }
0x505: {  	s5 =	sld [smem:$0x7EA]  }
0x506: {  	[spmem:s11] =	stream.indirect.scatter [tilespmem:s4], [sflag:$0x1], $0x1, s29, s13, $0xb8;
	[tilespmem:$0x4F80] =	vst v63  }
0x507: {  	s12 =	sld [smem:$0x7EB];
	s15 =	simm.s32 $0x4380  }
0x508: {  	[spmem:s7] =	stream.indirect.scatter [tilespmem:s5], [sflag:$0x1], $0x1, s15, s13, $0xb8;
	[tilespmem:$0x4F80] =	vst v63  }
0x509: {  	s16 =	sld [smem:$0x7EC]  }
0x50a: {  	[spmem:s8] =	stream.indirect.scatter [tilespmem:s12], [sflag:$0x1], $0x1, s15, s13, $0xb8;
	[tilespmem:$0x4F80] =	vst v63  }
0x50b: {  	s17 =	sld [smem:$0x7ED]  }
0x50c: {  	[spmem:s9] =	stream.indirect.scatter [tilespmem:s16], [sflag:$0x1], $0x1, s15, s13, $0xb8;
	[tilespmem:$0x4F80] =	vst v63  }
0x50d: {  	s18 =	sld [smem:$0x7EE]  }
0x50e: {  	[spmem:s10] =	stream.indirect.scatter [tilespmem:s17], [sflag:$0x1], $0x1, s15, s13, $0xb8;
	[tilespmem:$0x4F80] =	vst v63  }
0x50f: {  	s19 =	sld [smem:$0x7EF]  }
0x510: {  	[spmem:s11] =	stream.indirect.scatter [tilespmem:s18], [sflag:$0x1], $0x1, s15, s13, $0xb8;
	[tilespmem:$0x4F80] =	vst v63  }
0x511: {  	s20 =	sld [smem:$0x7F0];
	s21 =	simm.s32 $0x4400  }
0x512: {  	[spmem:s7] =	stream.indirect.scatter [tilespmem:s19], [sflag:$0x1], $0x1, s21, s13, $0xb8;
	[tilespmem:$0x4F80] =	vst v63  }
0x513: {  	s22 =	sld [smem:$0x7F1]  }
0x514: {  	[spmem:s8] =	stream.indirect.scatter [tilespmem:s20], [sflag:$0x1], $0x1, s21, s13, $0xb8;
	[tilespmem:$0x4F80] =	vst v63  }
0x515: {  	s23 =	sld [smem:$0x7F2]  }
0x516: {  	[spmem:s9] =	stream.indirect.scatter [tilespmem:s22], [sflag:$0x1], $0x1, s21, s13, $0xb8;
	[tilespmem:$0x4F80] =	vst v63  }
0x517: {  	s24 =	sld [smem:$0x7F3]  }
0x518: {  	[spmem:s10] =	stream.indirect.scatter [tilespmem:s23], [sflag:$0x1], $0x1, s21, s13, $0xb8;
	[tilespmem:$0x4F80] =	vst v63  }
0x519: {  	s25 =	sld [smem:$0x7F4]  }
0x51a: {  	[spmem:s11] =	stream.indirect.scatter [tilespmem:s24], [sflag:$0x1], $0x1, s21, s13, $0xb8;
	[tilespmem:$0x4F80] =	vst v63  }
0x51b: {  	s26 =	sld [smem:$0x7F5];
	s28 =	simm.s32 $0x4480  }
0x51c: {  	[spmem:s7] =	stream.indirect.scatter [tilespmem:s25], [sflag:$0x1], $0x1, s28, s13, $0xb8;
	[tilespmem:$0x4F80] =	vst v63  }
0x51d: {  	s29 =	sld [smem:$0x7F6]  }
0x51e: {  	[spmem:s8] =	stream.indirect.scatter [tilespmem:s26], [sflag:$0x1], $0x1, s28, s13, $0xb8;
	[tilespmem:$0x4F80] =	vst v63  }
0x51f: {  	s30 =	sld [smem:$0x7F7]  }
0x520: {  	[spmem:s9] =	stream.indirect.scatter [tilespmem:s29], [sflag:$0x1], $0x1, s28, s13, $0xb8;
	[tilespmem:$0x4F80] =	vst v63  }
0x521: {  	s31 =	sld [smem:$0x7F8]  }
0x522: {  	[spmem:s10] =	stream.indirect.scatter [tilespmem:s30], [sflag:$0x1], $0x1, s28, s13, $0xb8;
	[tilespmem:$0x4F80] =	vst v63  }
0x523: {  	_ = 	snop  }
0x524: {  	[spmem:s11] =	stream.indirect.scatter [tilespmem:s31], [sflag:$0x1], $0x1, s28, s13, $0xb8;
	[tilespmem:$0x4F80] =	vst v63  }
0x525: {  	_ =	swait.ge [sflag:s6], $0x80  }
0x526: {  	[sflag:s6] =	ssyncset.done $0x0  }
0x527: {  	[sflag:s6] =	ssyncadd.s32 $0xFFFFFF80  }
0x528: {  	_ =	swait.ge [sflag:s6], $0x80  }
0x529: {  	[sflag:s6] =	ssyncset.done $0x0  }
0x52a: {  	[sflag:s6] =	ssyncadd.s32 $0xFFFFFF80  }
0x52b: {  	_ =	swait.ge [sflag:s6], $0x80  }
0x52c: {  	[sflag:s6] =	ssyncset.done $0x0  }
0x52d: {  	[sflag:s6] =	ssyncadd.s32 $0xFFFFFF80  }
0x52e: {  	_ =	swait.ge [sflag:s6], $0x80  }
0x52f: {  	[sflag:s6] =	ssyncset.done $0x0  }
0x530: {  	[sflag:s6] =	ssyncadd.s32 $0xFFFFFF80  }
0x531: {  	_ =	swait.ge [sflag:s6], $0x80  }
0x532: {  	[sflag:s6] =	ssyncset.done $0x0  }
0x533: {  	[sflag:s6] =	ssyncadd.s32 $0xFFFFFF80  }
0x534: {  	_ =	swait.ge [sflag:s6], $0x80  }
0x535: {  	[sflag:s6] =	ssyncset.done $0x0  }
0x536: {  	[sflag:s6] =	ssyncadd.s32 $0xFFFFFF80  }
0x537: {  	_ =	swait.ge [sflag:s6], $0x80  }
0x538: {  	[sflag:s6] =	ssyncset.done $0x0  }
0x539: {  	[sflag:s6] =	ssyncadd.s32 $0xFFFFFF80  }
0x53a: {  	_ =	swait.ge [sflag:s6], $0x80  }
0x53b: {  	[sflag:s6] =	ssyncset.done $0x0  }
0x53c: {  	[sflag:s6] =	ssyncadd.s32 $0xFFFFFF80  }
0x53d: {  	_ =	swait.ge [sflag:s6], $0x80  }
0x53e: {  	[sflag:s6] =	ssyncset.done $0x0  }
0x53f: {  	[sflag:s6] =	ssyncadd.s32 $0xFFFFFF80  }
0x540: {  	_ =	swait.ge [sflag:s6], $0x80  }
0x541: {  	[sflag:s6] =	ssyncset.done $0x0  }
0x542: {  	[sflag:s6] =	ssyncadd.s32 $0xFFFFFF80  }
0x543: {  	_ =	swait.ge [sflag:s6], $0x80  }
0x544: {  	[sflag:s6] =	ssyncset.done $0x0  }
0x545: {  	[sflag:s6] =	ssyncadd.s32 $0xFFFFFF80  }
0x546: {  	_ =	swait.ge [sflag:s6], $0x80  }
0x547: {  	[sflag:s6] =	ssyncset.done $0x0  }
0x548: {  	[sflag:s6] =	ssyncadd.s32 $0xFFFFFF80  }
0x549: {  	_ =	swait.ge [sflag:s6], $0x80  }
0x54a: {  	[sflag:s6] =	ssyncset.done $0x0  }
0x54b: {  	[sflag:s6] =	ssyncadd.s32 $0xFFFFFF80  }
0x54c: {  	_ =	swait.ge [sflag:s6], $0x80  }
0x54d: {  	[sflag:s6] =	ssyncset.done $0x0  }
0x54e: {  	[sflag:s6] =	ssyncadd.s32 $0xFFFFFF80  }
0x54f: {  	_ =	swait.ge [sflag:s6], $0x80  }
0x550: {  	[sflag:s6] =	ssyncset.done $0x0  }
0x551: {  	[sflag:s6] =	ssyncadd.s32 $0xFFFFFF80  }
0x552: {  	_ =	swait.ge [sflag:s6], $0x80  }
0x553: {  	[sflag:s6] =	ssyncset.done $0x0  }
0x554: {  	[sflag:s6] =	ssyncadd.s32 $0xFFFFFF80  }
0x555: {  	_ =	swait.ge [sflag:s6], $0x80  }
0x556: {  	[sflag:s6] =	ssyncset.done $0x0  }
0x557: {  	[sflag:s6] =	ssyncadd.s32 $0xFFFFFF80  }
0x558: {  	_ =	swait.ge [sflag:s6], $0x80  }
0x559: {  	[sflag:s6] =	ssyncset.done $0x0  }
0x55a: {  	[sflag:s6] =	ssyncadd.s32 $0xFFFFFF80  }
0x55b: {  	_ =	swait.ge [sflag:s6], $0x80  }
0x55c: {  	[sflag:s6] =	ssyncset.done $0x0  }
0x55d: {  	[sflag:s6] =	ssyncadd.s32 $0xFFFFFF80  }
0x55e: {  	_ =	swait.ge [sflag:s6], $0x80  }
0x55f: {  	[sflag:s6] =	ssyncset.done $0x0  }
0x560: {  	[sflag:s6] =	ssyncadd.s32 $0xFFFFFF80  }
0x561: {  	_ =	swait.ge [sflag:s6], $0x80  }
0x562: {  	[sflag:s6] =	ssyncset.done $0x0  }
0x563: {  	[sflag:s6] =	ssyncadd.s32 $0xFFFFFF80  }
0x564: {  	_ =	swait.ge [sflag:s6], $0x80  }
0x565: {  	[sflag:s6] =	ssyncset.done $0x0  }
0x566: {  	[sflag:s6] =	ssyncadd.s32 $0xFFFFFF80  }
0x567: {  	_ =	swait.ge [sflag:s6], $0x80  }
0x568: {  	[sflag:s6] =	ssyncset.done $0x0  }
0x569: {  	[sflag:s6] =	ssyncadd.s32 $0xFFFFFF80  }
0x56a: {  	_ =	swait.ge [sflag:s6], $0x80  }
0x56b: {  	[sflag:s6] =	ssyncset.done $0x0  }
0x56c: {  	[sflag:s6] =	ssyncadd.s32 $0xFFFFFF80  }
0x56d: {  	_ =	swait.ge [sflag:s6], $0x80  }
0x56e: {  	[sflag:s6] =	ssyncset.done $0x0  }
0x56f: {  	[sflag:s6] =	ssyncadd.s32 $0xFFFFFF80  }
0x570: {  	_ =	swait.ge [sflag:s6], $0x80  }
0x571: {  	[sflag:s6] =	ssyncset.done $0x0  }
0x572: {  	[sflag:s6] =	ssyncadd.s32 $0xFFFFFF80  }
0x573: {  	_ =	swait.ge [sflag:s6], $0x80  }
0x574: {  	[sflag:s6] =	ssyncset.done $0x0  }
0x575: {  	[sflag:s6] =	ssyncadd.s32 $0xFFFFFF80  }
0x576: {  	_ =	swait.ge [sflag:s6], $0x80  }
0x577: {  	[sflag:s6] =	ssyncset.done $0x0  }
0x578: {  	[sflag:s6] =	ssyncadd.s32 $0xFFFFFF80  }
0x579: {  	_ =	swait.ge [sflag:s6], $0x80  }
0x57a: {  	[sflag:s6] =	ssyncset.done $0x0  }
0x57b: {  	[sflag:s6] =	ssyncadd.s32 $0xFFFFFF80  }
0x57c: {  	_ =	swait.ge [sflag:s6], $0x80  }
0x57d: {  	[sflag:s6] =	ssyncset.done $0x0  }
0x57e: {  	[sflag:s6] =	ssyncadd.s32 $0xFFFFFF80  }
0x57f: {  	_ =	swait.ge [sflag:s6], $0x80  }
0x580: {  	[sflag:s6] =	ssyncset.done $0x0  }
0x581: {  	[sflag:s6] =	ssyncadd.s32 $0xFFFFFF80  }
0x582: {  	_ =	swait.ge [sflag:s6], $0x80  }
0x583: {  	[sflag:s6] =	ssyncset.done $0x0  }
0x584: {  	[sflag:s6] =	ssyncadd.s32 $0xFFFFFF80  }
0x585: {  	_ =	swait.ge [sflag:s6], $0x80  }
0x586: {  	[sflag:s6] =	ssyncset.done $0x0  }
0x587: {  	[sflag:s6] =	ssyncadd.s32 $0xFFFFFF80  }
0x588: {  	_ =	swait.ge [sflag:s6], $0x80  }
0x589: {  	[sflag:s6] =	ssyncset.done $0x0  }
0x58a: {  	[sflag:s6] =	ssyncadd.s32 $0xFFFFFF80  }
0x58b: {  	_ =	swait.ge [sflag:s6], $0x80  }
0x58c: {  	[sflag:s6] =	ssyncset.done $0x0  }
0x58d: {  	[sflag:s6] =	ssyncadd.s32 $0xFFFFFF80  }
0x58e: {  	_ =	swait.ge [sflag:s6], $0x80  }
0x58f: {  	[sflag:s6] =	ssyncset.done $0x0  }
0x590: {  	[sflag:s6] =	ssyncadd.s32 $0xFFFFFF80  }
0x591: {  	_ =	swait.ge [sflag:s6], $0x80  }
0x592: {  	[sflag:s6] =	ssyncset.done $0x0  }
0x593: {  	[sflag:s6] =	ssyncadd.s32 $0xFFFFFF80  }
0x594: {  	_ =	swait.ge [sflag:s6], $0x80  }
0x595: {  	[sflag:s6] =	ssyncset.done $0x0  }
0x596: {  	[sflag:s6] =	ssyncadd.s32 $0xFFFFFF80  }
0x597: {  	_ =	swait.ge [sflag:s6], $0x80  }
0x598: {  	[sflag:s6] =	ssyncset.done $0x0  }
0x599: {  	[sflag:s6] =	ssyncadd.s32 $0xFFFFFF80  }
0x59a: {  	_ =	swait.ge [sflag:s6], $0x80  }
0x59b: {  	[sflag:s6] =	ssyncset.done $0x0  }
0x59c: {  	[sflag:s6] =	ssyncadd.s32 $0xFFFFFF80  }
0x59d: {  	_ =	swait.ge [sflag:s6], $0x80  }
0x59e: {  	[sflag:s6] =	ssyncset.done $0x0  }
0x59f: {  	[sflag:s6] =	ssyncadd.s32 $0xFFFFFF80  }
0x5a0: {  	_ =	swait.ge [sflag:s6], $0x80  }
0x5a1: {  	[sflag:s6] =	ssyncset.done $0x0  }
0x5a2: {  	[sflag:s6] =	ssyncadd.s32 $0xFFFFFF80  }
0x5a3: {  	_ =	swait.ge [sflag:s6], $0x80  }
0x5a4: {  	[sflag:s6] =	ssyncset.done $0x0  }
0x5a5: {  	[sflag:s6] =	ssyncadd.s32 $0xFFFFFF80  }
0x5a6: {  	_ =	swait.ge [sflag:s6], $0x80  }
0x5a7: {  	[sflag:s6] =	ssyncset.done $0x0  }
0x5a8: {  	[sflag:s6] =	ssyncadd.s32 $0xFFFFFF80  }
0x5a9: {  	_ =	swait.ge [sflag:s6], $0x80  }
0x5aa: {  	[sflag:s6] =	ssyncset.done $0x0  }
0x5ab: {  	[sflag:s6] =	ssyncadd.s32 $0xFFFFFF80  }
0x5ac: {  	_ =	swait.ge [sflag:s6], $0x80  }
0x5ad: {  	[sflag:s6] =	ssyncset.done $0x0  }
0x5ae: {  	[sflag:s6] =	ssyncadd.s32 $0xFFFFFF80  }
0x5af: {  	_ =	swait.ge [sflag:s6], $0x80  }
0x5b0: {  	[sflag:s6] =	ssyncset.done $0x0  }
0x5b1: {  	[sflag:s6] =	ssyncadd.s32 $0xFFFFFF80  }
0x5b2: {  	_ =	swait.ge [sflag:s6], $0x80  }
0x5b3: {  	[sflag:s6] =	ssyncset.done $0x0  }
0x5b4: {  	[sflag:s6] =	ssyncadd.s32 $0xFFFFFF80  }
0x5b5: {  	_ =	swait.ge [sflag:s6], $0x80  }
0x5b6: {  	[sflag:s6] =	ssyncset.done $0x0  }
0x5b7: {  	[sflag:s6] =	ssyncadd.s32 $0xFFFFFF80  }
0x5b8: {  	_ =	swait.ge [sflag:s6], $0x80  }
0x5b9: {  	[sflag:s6] =	ssyncset.done $0x0  }
0x5ba: {  	[sflag:s6] =	ssyncadd.s32 $0xFFFFFF80  }
0x5bb: {  	_ =	swait.ge [sflag:s6], $0x80  }
0x5bc: {  	[sflag:s6] =	ssyncset.done $0x0  }
0x5bd: {  	[sflag:s6] =	ssyncadd.s32 $0xFFFFFF80  }
0x5be: {  	_ =	swait.ge [sflag:s6], $0x80  }
0x5bf: {  	[sflag:s6] =	ssyncset.done $0x0  }
0x5c0: {  	[sflag:s6] =	ssyncadd.s32 $0xFFFFFF80  }
0x5c1: {  	_ =	swait.ge [sflag:s6], $0x80  }
0x5c2: {  	[sflag:s6] =	ssyncset.done $0x0  }
0x5c3: {  	[sflag:s6] =	ssyncadd.s32 $0xFFFFFF80  }
0x5c4: {  	_ =	swait.ge [sflag:s6], $0x80  }
0x5c5: {  	[sflag:s6] =	ssyncset.done $0x0  }
0x5c6: {  	[sflag:s6] =	ssyncadd.s32 $0xFFFFFF80  }
0x5c7: {  	_ =	swait.ge [sflag:s6], $0x80  }
0x5c8: {  	[sflag:s6] =	ssyncset.done $0x0  }
0x5c9: {  	[sflag:s6] =	ssyncadd.s32 $0xFFFFFF80  }
0x5ca: {  	_ =	swait.ge [sflag:s6], $0x80  }
0x5cb: {  	[sflag:s6] =	ssyncset.done $0x0  }
0x5cc: {  	[sflag:s6] =	ssyncadd.s32 $0xFFFFFF80  }
0x5cd: {  	_ =	swait.ge [sflag:s6], $0x80  }
0x5ce: {  	[sflag:s6] =	ssyncset.done $0x0  }
0x5cf: {  	[sflag:s6] =	ssyncadd.s32 $0xFFFFFF80  }
0x5d0: {  	_ =	swait.ge [sflag:s6], $0x80  }
0x5d1: {  	[sflag:s6] =	ssyncset.done $0x0  }
0x5d2: {  	[sflag:s6] =	ssyncadd.s32 $0xFFFFFF80  }
0x5d3: {  	_ =	swait.ge [sflag:s6], $0x80  }
0x5d4: {  	[sflag:s6] =	ssyncset.done $0x0  }
0x5d5: {  	[sflag:s6] =	ssyncadd.s32 $0xFFFFFF80  }
0x5d6: {  	_ =	swait.ge [sflag:s6], $0x80  }
0x5d7: {  	[sflag:s6] =	ssyncset.done $0x0  }
0x5d8: {  	[sflag:s6] =	ssyncadd.s32 $0xFFFFFF80  }
0x5d9: {  	_ =	swait.ge [sflag:s6], $0x80  }
0x5da: {  	[sflag:s6] =	ssyncset.done $0x0  }
0x5db: {  	[sflag:s6] =	ssyncadd.s32 $0xFFFFFF80  }
0x5dc: {  	_ =	swait.ge [sflag:s6], $0x80  }
0x5dd: {  	[sflag:s6] =	ssyncset.done $0x0  }
0x5de: {  	[sflag:s6] =	ssyncadd.s32 $0xFFFFFF80  }
0x5df: {  	_ =	swait.ge [sflag:s6], $0x80  }
0x5e0: {  	[sflag:s6] =	ssyncset.done $0x0  }
0x5e1: {  	[sflag:s6] =	ssyncadd.s32 $0xFFFFFF80  }
0x5e2: {  	_ =	swait.ge [sflag:s6], $0x80  }
0x5e3: {  	[sflag:s6] =	ssyncset.done $0x0  }
0x5e4: {  	[sflag:s6] =	ssyncadd.s32 $0xFFFFFF80  }
0x5e5: {  	_ =	swait.ge [sflag:s6], $0x80  }
0x5e6: {  	[sflag:s6] =	ssyncset.done $0x0  }
0x5e7: {  	[sflag:s6] =	ssyncadd.s32 $0xFFFFFF80  }
0x5e8: {  	_ =	swait.ge [sflag:s6], $0x80  }
0x5e9: {  	[sflag:s6] =	ssyncset.done $0x0  }
0x5ea: {  	[sflag:s6] =	ssyncadd.s32 $0xFFFFFF80  }
0x5eb: {  	_ =	swait.ge [sflag:s6], $0x80  }
0x5ec: {  	[sflag:s6] =	ssyncset.done $0x0  }
0x5ed: {  	[sflag:s6] =	ssyncadd.s32 $0xFFFFFF80  }
0x5ee: {  	_ =	swait.ge [sflag:s6], $0x80  }
0x5ef: {  	[sflag:s6] =	ssyncset.done $0x0  }
0x5f0: {  	[sflag:s6] =	ssyncadd.s32 $0xFFFFFF80  }
0x5f1: {  	_ =	swait.ge [sflag:s6], $0x80  }
0x5f2: {  	[sflag:s6] =	ssyncset.done $0x0  }
0x5f3: {  	[sflag:s6] =	ssyncadd.s32 $0xFFFFFF80  }
0x5f4: {  	_ =	swait.ge [sflag:s6], $0x80  }
0x5f5: {  	[sflag:s6] =	ssyncset.done $0x0  }
0x5f6: {  	[sflag:s6] =	ssyncadd.s32 $0xFFFFFF80  }
0x5f7: {  	_ =	swait.ge [sflag:s6], $0x80  }
0x5f8: {  	[sflag:s6] =	ssyncset.done $0x0  }
0x5f9: {  	[sflag:s6] =	ssyncadd.s32 $0xFFFFFF80  }
0x5fa: {  	_ =	swait.ge [sflag:s6], $0x80  }
0x5fb: {  	[sflag:s6] =	ssyncset.done $0x0  }
0x5fc: {  	[sflag:s6] =	ssyncadd.s32 $0xFFFFFF80  }
0x5fd: {  	_ =	swait.ge [sflag:s6], $0x80  }
0x5fe: {  	[sflag:s6] =	ssyncset.done $0x0  }
0x5ff: {  	[sflag:s6] =	ssyncadd.s32 $0xFFFFFF80  }
0x600: {  	_ =	swait.ge [sflag:s6], $0x80  }
0x601: {  	[sflag:s6] =	ssyncset.done $0x0  }
0x602: {  	[sflag:s6] =	ssyncadd.s32 $0xFFFFFF80  }
0x603: {  	_ =	swait.ge [sflag:s6], $0x80  }
0x604: {  	[sflag:s6] =	ssyncset.done $0x0  }
0x605: {  	[sflag:s6] =	ssyncadd.s32 $0xFFFFFF80  }
0x606: {  	_ =	swait.ge [sflag:s6], $0x80  }
0x607: {  	[sflag:s6] =	ssyncset.done $0x0  }
0x608: {  	[sflag:s6] =	ssyncadd.s32 $0xFFFFFF80  }
0x609: {  	_ =	swait.ge [sflag:s6], $0x80  }
0x60a: {  	[sflag:s6] =	ssyncset.done $0x0  }
0x60b: {  	[sflag:s6] =	ssyncadd.s32 $0xFFFFFF80  }
0x60c: {  	_ =	swait.ge [sflag:s6], $0x80  }
0x60d: {  	[sflag:s6] =	ssyncset.done $0x0  }
0x60e: {  	[sflag:s6] =	ssyncadd.s32 $0xFFFFFF80  }
0x60f: {  	_ =	swait.ge [sflag:s6], $0x80  }
0x610: {  	[sflag:s6] =	ssyncset.done $0x0  }
0x611: {  	[sflag:s6] =	ssyncadd.s32 $0xFFFFFF80  }
0x612: {  	_ =	swait.ge [sflag:s6], $0x80  }
0x613: {  	[sflag:s6] =	ssyncset.done $0x0  }
0x614: {  	[sflag:s6] =	ssyncadd.s32 $0xFFFFFF80  }
0x615: {  	_ =	swait.ge [sflag:s6], $0x80  }
0x616: {  	[sflag:s6] =	ssyncset.done $0x0  }
0x617: {  	[sflag:s6] =	ssyncadd.s32 $0xFFFFFF80  }
0x618: {  	_ =	swait.ge [sflag:s6], $0x80  }
0x619: {  	[sflag:s6] =	ssyncset.done $0x0  }
0x61a: {  	[sflag:s6] =	ssyncadd.s32 $0xFFFFFF80  }
0x61b: {  	_ =	swait.ge [sflag:s6], $0x80  }
0x61c: {  	[sflag:s6] =	ssyncset.done $0x0  }
0x61d: {  	[sflag:s6] =	ssyncadd.s32 $0xFFFFFF80  }
0x61e: {  	_ =	swait.ge [sflag:s6], $0x80  }
0x61f: {  	[sflag:s6] =	ssyncset.done $0x0  }
0x620: {  	[sflag:s6] =	ssyncadd.s32 $0xFFFFFF80  }
0x621: {  	_ =	swait.ge [sflag:s6], $0x80  }
0x622: {  	[sflag:s6] =	ssyncset.done $0x0  }
0x623: {  	[sflag:s6] =	ssyncadd.s32 $0xFFFFFF80  }
0x624: {  	_ =	swait.ge [sflag:s6], $0x80  }
0x625: {  	[sflag:s6] =	ssyncset.done $0x0  }
0x626: {  	[sflag:s6] =	ssyncadd.s32 $0xFFFFFF80  }
0x627: {  	_ =	swait.ge [sflag:s6], $0x80  }
0x628: {  	[sflag:s6] =	ssyncset.done $0x0  }
0x629: {  	[sflag:s6] =	ssyncadd.s32 $0xFFFFFF80  }
0x62a: {  	_ =	swait.ge [sflag:s6], $0x80  }
0x62b: {  	[sflag:s6] =	ssyncset.done $0x0  }
0x62c: {  	[sflag:s6] =	ssyncadd.s32 $0xFFFFFF80  }
0x62d: {  	_ =	swait.ge [sflag:s6], $0x80  }
0x62e: {  	[sflag:s6] =	ssyncset.done $0x0  }
0x62f: {  	[sflag:s6] =	ssyncadd.s32 $0xFFFFFF80  }
0x630: {  	_ =	swait.ge [sflag:s6], $0x80  }
0x631: {  	[sflag:s6] =	ssyncset.done $0x0  }
0x632: {  	[sflag:s6] =	ssyncadd.s32 $0xFFFFFF80  }
0x633: {  	[bflag:$0x0] =	sbarrier.arrive $0xFFFF  }
0x634: {  	s1 =	simm.s32 @!p0 $0x1C02;
	s0 =	rddreg [dreg:$0xd]  }
0x635: {  	[hbm:s0], [sflag:s1] =	dma.local @!p0 [spmem:s2], $0x300  }
0x636: {  	s0 =	simm.s32 @!p0 $0x2  }
0x637: {  	_ =	swait.ge @!p0 [sflag:s0], $0x300  }
0x638: {  	s3 =	sld [smem:$0x7FA]  }
0x639: {  	[sflag:s0] =	ssyncset.done @!p0 $0x0  }
0x63a: {  	s2 =	rddreg [dreg:$0xe];
	[sflag:s0] =	ssyncadd.s32 @!p0 $0xFFFFFD00  }
0x63b: {  	[hbm:s2], [sflag:s1] =	dma.local @!p0 [spmem:s3], $0x300  }
0x63c: {  	_ =	swait.ge @!p0 [sflag:s0], $0x300  }
0x63d: {  	s3 =	sld [smem:$0x7FB]  }
0x63e: {  	[sflag:s0] =	ssyncset.done @!p0 $0x0  }
0x63f: {  	s2 =	rddreg [dreg:$0xf];
	[sflag:s0] =	ssyncadd.s32 @!p0 $0xFFFFFD00  }
0x640: {  	[hbm:s2], [sflag:s1] =	dma.local @!p0 [spmem:s3], $0x300  }
0x641: {  	_ =	swait.ge @!p0 [sflag:s0], $0x300  }
0x642: {  	s3 =	sld [smem:$0x7FC]  }
0x643: {  	[sflag:s0] =	ssyncset.done @!p0 $0x0  }
0x644: {  	s2 =	rddreg [dreg:$0x10];
	[sflag:s0] =	ssyncadd.s32 @!p0 $0xFFFFFD00  }
0x645: {  	[hbm:s2], [sflag:s1] =	dma.local @!p0 [spmem:s3], $0x300  }
0x646: {  	_ =	swait.ge @!p0 [sflag:s0], $0x300  }
0x647: {  	s3 =	sld [smem:$0x7FD]  }
0x648: {  	[sflag:s0] =	ssyncset.done @!p0 $0x0  }
0x649: {  	s2 =	rddreg [dreg:$0x11];
	[sflag:s0] =	ssyncadd.s32 @!p0 $0xFFFFFD00  }
0x64a: {  	[hbm:s2], [sflag:s1] =	dma.local @!p0 [spmem:s3], $0x300  }
0x64b: {  	_ =	swait.ge @!p0 [sflag:s0], $0x300  }
0x64c: {  	[sflag:s0] =	ssyncset.done @!p0 $0x0  }
0x64d: {  	[sflag:s0] =	ssyncadd.s32 @!p0 $0xFFFFFD00  }
0x64e: {  	_ =	sfence.sel $0x180000  }
0x64f: {  	[bflag:$0x0] =	sbarrier.arrive $0xFFFF  }
0x650: {  	_ =	strace $0x90000047  }
0x651: {  	s0 =	sadd.s32 @!p0 $0x100000, s14;
	[bflag:$0x2] =	sbarrier.arrive $0xFFFF  }
0x652: {  	[sflag:s0] =	ssyncadd.tile.s32 @!p0 $0x1;
	_ =	shalt  }
.LBB2_1:
.Ltmp3:
0x653: {  	(pc) =	sbr.rel .LBB2_6-.Ltmp3, $2  }
0x654: {  	_ =	sdelay $0x2  }
0x655: {  	s2 =	sld [smem:$0x7F9]  }
.LBB2_7:
.Ltmp4:
0x656: {  	(pc) =	sbr.rel .LBB2_6-.Ltmp4, $3  }
0x657: {  	_ =	sdelay $0x1  }
0x658: {  	s2 =	sld [smem:$0x7F9]  }
0x659: {  	s14 =	rddreg [dreg:$0x6]  }
.Lfunc_end2:
_tile_overlayer_lowered:
.L_overlay_start_2:
0x65a: {  	(tag) =	ssettag $0x2  }
0x65b: {  	s0 =	rddreg [dreg:$0x0];
	s2 =	stileid.u32  }
0x65c: {  	s1 =	rddreg [dreg:$0x1];
	p0 =	sne.s32 s2, $0x0  }
0x65d: {  	s3 =	rddreg [dreg:$0x2];
	[bflag:$0x3] =	sbarrier.arrive $0xFFFF;
	s2 =	simm.s32 @!p0 $0x1C02  }
0x65e: {  	[timem:s3], [sflag:s2] =	dma.local @!p0 [hbm:s0], s1  }
0x65f: {  	s0 =	simm.s32 @!p0 $0x2  }
0x660: {  	_ =	swait.ge @!p0 [sflag:s0], s1  }
0x661: {  	s1 =	ssub.s32 @!p0 $0x0, s1;
	[sflag:s0] =	ssyncset.done @!p0 $0x0  }
0x662: {  	[sflag:s0] =	ssyncadd.s32 @!p0 s1  }
0x663: {  	[bflag:$0x3] =	sbarrier.arrive $0xFFFF  }
0x664: {  	_ =	shalt  }

</sc_bundles>
